<compile_context>
chip_gen: v7x
topology: tpu7x:2x2x1
jax: 0.10.2.dev20260603
libtpu: 0.0.44.dev20260713+nightly
codegen_flags: <defaults>
</compile_context>

<pallas_src>
import functools

import jax
import jax.numpy as jnp
from jax import lax
from jax.experimental import pallas as pl
from jax.experimental.pallas import tpu as pltpu
from jax.experimental.pallas import tpu_sc as plsc

N = 10000
H = 256
HH = 128
E = 80000
CHUNK = 40
NSLOT = 2
PER_SUB = E // 16 // CHUNK

_DOT = functools.partial(
    jnp.dot, precision=lax.Precision.DEFAULT, preferred_element_type=jnp.float32
)


def _pre_body(h_ref, f_ref, w_ref, b_ref, wr_ref, *out_refs):
    x = _DOT(h_ref[...], w_ref[...]) + b_ref[...]
    x = x + f_ref[...] * wr_ref[...]
    for j in range(8):
        out_refs[j][...] = x[:, j * HH:(j + 1) * HH]


def _pre_projection(h, fcol2d, w_cat, b_cat, wr_cat):
    bn = 1000
    grid = N // bn
    return pl.pallas_call(
        _pre_body,
        grid=(grid,),
        in_specs=[
            pl.BlockSpec((bn, H), lambda i: (i, 0)),
            pl.BlockSpec((bn, 1), lambda i: (i, 0)),
            pl.BlockSpec((H, 4 * H), lambda i: (0, 0)),
            pl.BlockSpec((1, 4 * H), lambda i: (0, 0)),
            pl.BlockSpec((1, 4 * H), lambda i: (0, 0)),
        ],
        out_specs=[pl.BlockSpec((bn, HH), lambda i: (i, 0))] * 8,
        out_shape=[jax.ShapeDtypeStruct((N, HH), jnp.float32)] * 8,
    )(h, fcol2d, w_cat, b_cat, wr_cat)


def _sc_body(
    a_u0, a_u1, b_u0, b_u1, a_d0, a_d1, b_d0, b_d1,
    up_src, up_tgt, dn_src, dn_tgt,
    z2d,
    s_u0, s_u1, s_d0, s_d1, deg_part,
    idx_s, idx_t, a_buf, b_buf, deg_loc, s_sh,
    gs0, gs1, ss0, ss1,
):
    c = lax.axis_index("c")
    s = lax.axis_index("s")

    planes = ((a_u0, a_u1), (b_u0, b_u1)), ((a_d0, a_d1), (b_d0, b_d1))
    s_outs = ((s_u0, s_u1), (s_d0, s_d1))
    srcs = (up_src, dn_src)
    tgts = (up_tgt, dn_tgt)
    gsem = (gs0, gs1)
    ssem = (ss0, ss1)

    zeros16 = jnp.zeros((16,), jnp.float32)
    ones16 = jnp.ones((16,), jnp.float32)
    lane = lax.iota(jnp.int32, 16)

    for t in range(2):
        for ci in range(2):
            @pl.when(c == ci)
            def _(t=t, ci=ci):
                aplane = planes[t][0][ci]
                bplane = planes[t][1][ci]

                pltpu.sync_copy(z2d, s_sh.at[pl.ds(s * 624, 624)])

                @pl.when(s == 15)
                def _():
                    pltpu.sync_copy(
                        z2d.at[pl.ds(0, 16)], s_sh.at[pl.ds(9984, 16)]
                    )
                if ci == 0:
                    def zero_body(i, carry):
                        deg_loc[pl.ds(i * 16, 16)] = zeros16
                        return carry

                    lax.fori_loop(0, N // 16, zero_body, 0, unroll=False)
                plsc.subcore_barrier()

                base = s * (E // 16)
                base = pl.multiple_of(base, 8)
                pltpu.sync_copy(srcs[t].at[pl.ds(base, E // 16)], idx_s)
                pltpu.sync_copy(tgts[t].at[pl.ds(base, E // 16)], idx_t)

                def wait_scatter(slot):
                    pltpu.make_async_copy(
                        a_buf.at[pl.ds(slot * CHUNK, CHUNK)],
                        s_sh.at[idx_t.at[pl.ds(0, CHUNK)]],
                        ssem[slot],
                    ).wait()

                def stage_a(q, slot, guard_wait):
                    if guard_wait:
                        @pl.when(q >= NSLOT)
                        def _():
                            wait_scatter(slot)
                    sl = pl.ds(slot * CHUNK, CHUNK)
                    off = q * CHUNK
                    pltpu.async_copy(
                        aplane.at[idx_s.at[pl.ds(off, CHUNK)]],
                        a_buf.at[sl], gsem[slot],
                    )
                    pltpu.async_copy(
                        bplane.at[idx_t.at[pl.ds(off, CHUNK)]],
                        b_buf.at[sl], gsem[slot],
                    )

                def stage_b(q, slot):
                    sl = pl.ds(slot * CHUNK, CHUNK)
                    off = q * CHUNK
                    pltpu.make_async_copy(
                        aplane.at[idx_s.at[pl.ds(off, CHUNK)]],
                        a_buf.at[sl], gsem[slot],
                    ).wait()
                    pltpu.make_async_copy(
                        bplane.at[idx_t.at[pl.ds(off, CHUNK)]],
                        b_buf.at[sl], gsem[slot],
                    ).wait()

                    def edge_body(e, carry2):
                        row = slot * CHUNK + e
                        for i in range(8):
                            g = pl.ds(i * 16, 16)
                            p = a_buf[row, g] + b_buf[row, g]
                            a_buf[row, g] = p / (1.0 + jnp.exp(-p))
                        return carry2

                    lax.fori_loop(0, CHUNK, edge_body, 0, unroll=False)
                    off = q * CHUNK
                    if ci == 0:
                        plsc.addupdate_scatter(
                            deg_loc, [idx_t[pl.ds(off, 16)]], ones16
                        )
                        plsc.addupdate_scatter(
                            deg_loc, [idx_t[pl.ds(off + 16, 16)]], ones16
                        )
                        plsc.addupdate_scatter(
                            deg_loc, [idx_t[pl.ds(off + 24, 16)]], ones16,
                            mask=lane >= 8,
                        )
                    pltpu.async_copy(
                        a_buf.at[sl],
                        s_sh.at[idx_t.at[pl.ds(off, CHUNK)]],
                        ssem[slot], add=True,
                    )

                stage_a(0, 0, False)

                def pipe_body(i, carry):
                    q0 = i * 2
                    stage_a(q0 + 1, 1, True)
                    stage_b(q0, 0)
                    stage_a(q0 + 2, 0, True)
                    stage_b(q0 + 1, 1)
                    return carry

                lax.fori_loop(0, (PER_SUB - 1) // 2, pipe_body, 0,
                              unroll=False)
                stage_b(PER_SUB - 1, (PER_SUB - 1) % 2)
                for slot in range(NSLOT):
                    wait_scatter(slot)
                plsc.subcore_barrier()

                pltpu.sync_copy(
                    s_sh.at[pl.ds(s * 624, 624)],
                    s_outs[t][ci].at[pl.ds(s * 624, 624)],
                )

                @pl.when(s == 15)
                def _(t=t, ci=ci):
                    pltpu.sync_copy(
                        s_sh.at[pl.ds(9984, 16)],
                        s_outs[t][ci].at[pl.ds(9984, 16)],
                    )
                if ci == 0:
                    pltpu.sync_copy(
                        deg_loc.at[pl.ds(0, N)],
                        deg_part.at[pl.ds((t * 16 + s) * 10240, N)],
                    )
                plsc.subcore_barrier()


def _sc_edges(planes8, up_src, up_tgt, dn_src, dn_tgt):
    z2d = jnp.zeros((624, HH), jnp.float32)
    mesh = plsc.VectorSubcoreMesh(
        core_axis_name="c", subcore_axis_name="s", num_cores=2, num_subcores=16
    )
    fn = pl.kernel(
        _sc_body,
        out_type=(
            [jax.ShapeDtypeStruct((N, HH), jnp.float32)] * 4
            + [jax.ShapeDtypeStruct((2 * 16 * 10240,), jnp.float32)]
        ),
        mesh=mesh,
        compiler_params=pltpu.CompilerParams(needs_layout_passes=False),
        scratch_types=[
            pltpu.VMEM((E // 16,), jnp.int32),
            pltpu.VMEM((E // 16,), jnp.int32),
            pltpu.VMEM((NSLOT * CHUNK, HH), jnp.float32),
            pltpu.VMEM((NSLOT * CHUNK, HH), jnp.float32),
            pltpu.VMEM((N,), jnp.float32),
            pltpu.VMEM_SHARED((N, HH), jnp.float32),
            pltpu.SemaphoreType.DMA,
            pltpu.SemaphoreType.DMA,
            pltpu.SemaphoreType.DMA,
            pltpu.SemaphoreType.DMA,
        ],
    )
    return fn(
        planes8[0], planes8[1], planes8[2], planes8[3],
        planes8[4], planes8[5], planes8[6], planes8[7],
        up_src, up_tgt, dn_src, dn_tgt,
        z2d,
    )


def _post_body(su0, su1, sd0, sd1, dpart, b2u, b2d, h_ref,
               w2ua, w2ub, w2da, w2db, wih, whh, bih, bhh, out_ref):
    dp = dpart[...]
    degu = jnp.sum(dp[0], axis=1)
    degd = jnp.sum(dp[1], axis=1)
    tot = (
        _DOT(su0[...], w2ua[...]) + _DOT(su1[...], w2ub[...])
        + _DOT(sd0[...], w2da[...]) + _DOT(sd1[...], w2db[...])
        + degu[:, None] * b2u[...] + degd[:, None] * b2d[...]
    )
    gx = _DOT(tot, wih[...]) + bih[...]
    h = h_ref[...]
    gh = _DOT(h, whh[...]) + bhh[...]
    r = jax.nn.sigmoid(gx[:, :H] + gh[:, :H])
    z = jax.nn.sigmoid(gx[:, H:2 * H] + gh[:, H:2 * H])
    n = jnp.tanh(gx[:, 2 * H:] + r * gh[:, 2 * H:])
    out_ref[...] = (1.0 - z) * n + z * h


def _post_gru(su0, su1, sd0, sd1, dpart, b2u, b2d, h, w2ua, w2ub, w2da, w2db,
              wih, whh, bih, bhh):
    bn = 1000
    grid = N // bn
    full = lambda shp: pl.BlockSpec(shp, lambda i: tuple(0 for _ in shp))
    row = lambda shp: pl.BlockSpec(shp, lambda i: (i, 0))
    return pl.pallas_call(
        _post_body,
        grid=(grid,),
        in_specs=[
            row((bn, HH)), row((bn, HH)), row((bn, HH)), row((bn, HH)),
            pl.BlockSpec((2, bn, 16), lambda i: (0, i, 0)),
            full((1, H)), full((1, H)),
            row((bn, H)),
            full((HH, H)), full((HH, H)), full((HH, H)), full((HH, H)),
            full((H, 3 * H)), full((H, 3 * H)),
            full((1, 3 * H)), full((1, 3 * H)),
        ],
        out_specs=row((bn, H)),
        out_shape=jax.ShapeDtypeStruct((N, H), jnp.float32),
    )(su0, su1, sd0, sd1, dpart, b2u, b2d, h,
      w2ua, w2ub, w2da, w2db, wih, whh, bih, bhh)


@jax.jit
def _impl(h, features, up_edge_index, down_edge_index,
          up_W1, up_b1, up_W2, up_b2,
          down_W1, down_b1, down_W2, down_b2,
          gru_Wih, gru_Whh, gru_bih, gru_bhh):
    w_cat = jnp.concatenate(
        [up_W1[:H], up_W1[H:2 * H], down_W1[:H], down_W1[H:2 * H]], axis=1
    )
    b_cat = jnp.concatenate(
        [up_b1, jnp.zeros((H,), jnp.float32),
         down_b1, jnp.zeros((H,), jnp.float32)]
    ).reshape(1, 4 * H)
    wr_cat = jnp.concatenate(
        [up_W1[2 * H], -up_W1[2 * H], down_W1[2 * H], -down_W1[2 * H]]
    ).reshape(1, 4 * H)
    fcol2d = features[:, 0:1]

    planes8 = _pre_projection(h, fcol2d, w_cat, b_cat, wr_cat)

    s_u0, s_u1, s_d0, s_d1, deg_part = _sc_edges(
        planes8,
        up_edge_index[0], up_edge_index[1],
        down_edge_index[0], down_edge_index[1],
    )

    dpart = deg_part.reshape(2, 16, 10240).transpose(0, 2, 1)[:, :N, :]

    return _post_gru(
        s_u0, s_u1, s_d0, s_d1, dpart,
        up_b2.reshape(1, H), down_b2.reshape(1, H), h,
        up_W2[:HH], up_W2[HH:], down_W2[:HH], down_W2[HH:],
        gru_Wih, gru_Whh,
        gru_bih.reshape(1, 3 * H), gru_bhh.reshape(1, 3 * H),
    )


def kernel(h, features, up_edge_index, down_edge_index,
           up_W1, up_b1, up_W2, up_b2,
           down_W1, down_b1, down_W2, down_b2,
           gru_Wih, gru_Whh, gru_bih, gru_bhh):
    return _impl(h, features, up_edge_index, down_edge_index,
                 up_W1, up_b1, up_W2, up_b2,
                 down_W1, down_b1, down_W2, down_b2,
                 gru_Wih, gru_Whh, gru_bih, gru_bhh)

# --- scband reference (transcript-rebuilt; emitter-appended) ---
"""Pipeline reference for scband-enhanced-ccmpnlayer-43533788512582 (READ-ONLY COPY).

The authoritative reference and input builder live on the scoring server;
editing this copy changes nothing except your own understanding.
"""

import jax, jax.numpy as jnp
import numpy as np

N, H, F, E = 10000, 256, 8, 80000

def silu(x):
    return x * jax.nn.sigmoid(x)

def setup_inputs(seed: int = 0) -> dict:
    key = jax.random.key(seed)
    ks = jax.random.split(key, 12)
    s = 0.05
    h = jax.random.normal(ks[0], (N, H), dtype=jnp.float32)
    features = jax.random.normal(ks[1], (N, F), dtype=jnp.float32)
    up_edge_index = jax.random.randint(ks[2], (2, E), 0, N, dtype=jnp.int32)
    down_edge_index = jax.random.randint(ks[3], (2, E), 0, N, dtype=jnp.int32)
    up_W1 = jax.random.normal(ks[4], (2 * H + 1, H), dtype=jnp.float32) * s
    up_b1 = jnp.zeros((H,), dtype=jnp.float32)
    up_W2 = jax.random.normal(ks[5], (H, H), dtype=jnp.float32) * s
    up_b2 = jnp.zeros((H,), dtype=jnp.float32)
    down_W1 = jax.random.normal(ks[6], (2 * H + 1, H), dtype=jnp.float32) * s
    down_b1 = jnp.zeros((H,), dtype=jnp.float32)
    down_W2 = jax.random.normal(ks[7], (H, H), dtype=jnp.float32) * s
    down_b2 = jnp.zeros((H,), dtype=jnp.float32)
    gru_Wih = jax.random.normal(ks[8], (H, 3 * H), dtype=jnp.float32) * s
    gru_Whh = jax.random.normal(ks[9], (H, 3 * H), dtype=jnp.float32) * s
    gru_bih = jnp.zeros((3 * H,), dtype=jnp.float32)
    gru_bhh = jnp.zeros((3 * H,), dtype=jnp.float32)
    return {
        'h': h, 'features': features,
        'up_edge_index': up_edge_index, 'down_edge_index': down_edge_index,
        'up_W1': up_W1, 'up_b1': up_b1, 'up_W2': up_W2, 'up_b2': up_b2,
        'down_W1': down_W1, 'down_b1': down_b1, 'down_W2': down_W2, 'down_b2': down_b2,
        'gru_Wih': gru_Wih, 'gru_Whh': gru_Whh, 'gru_bih': gru_bih, 'gru_bhh': gru_bhh,
    }

def reference(h, features, up_edge_index, down_edge_index,
              up_W1, up_b1, up_W2, up_b2,
              down_W1, down_b1, down_W2, down_b2,
              gru_Wih, gru_Whh, gru_bih, gru_bhh):
    def neigh(edge_index, W1, b1, W2, b2):
        src = edge_index[0]
        tgt = edge_index[1]
        rel = (features[src, 0] - features[tgt, 0])[:, None]
        m_in = jnp.concatenate([h[src], h[tgt], rel], axis=1)
        m = silu(m_in @ W1 + b1) @ W2 + b2
        return jnp.zeros_like(h).at[tgt].add(m)

    total = neigh(up_edge_index, up_W1, up_b1, up_W2, up_b2) \
          + neigh(down_edge_index, down_W1, down_b1, down_W2, down_b2)

    gx = total @ gru_Wih + gru_bih
    gh = h @ gru_Whh + gru_bhh
    r = jax.nn.sigmoid(gx[:, :H] + gh[:, :H])
    z = jax.nn.sigmoid(gx[:, H:2 * H] + gh[:, H:2 * H])
    n = jnp.tanh(gx[:, 2 * H:] + r * gh[:, 2 * H:])
    h_new = (1.0 - z) * n + z * h
    return h_new

if __name__ == "__main__":
    import jax
    _d = setup_inputs()
    print(jax.jit(kernel)(*tuple(_d.values())))

</pallas_src>

<mosaic_0001>
#map = affine_map<(d0, d1) -> (0, 0)>
#map1 = affine_map<(d0, d1) -> (0)>
module attributes {stable_mosaic.version = 14 : i64} {
  func.func @_sc_body(%arg0: i32, %arg1: i32, %arg2: memref<10000x128xf32, #tpu.memory_space<hbm>>, %arg3: memref<10000x128xf32, #tpu.memory_space<hbm>>, %arg4: memref<10000x128xf32, #tpu.memory_space<hbm>>, %arg5: memref<10000x128xf32, #tpu.memory_space<hbm>>, %arg6: memref<10000x128xf32, #tpu.memory_space<hbm>>, %arg7: memref<10000x128xf32, #tpu.memory_space<hbm>>, %arg8: memref<10000x128xf32, #tpu.memory_space<hbm>>, %arg9: memref<10000x128xf32, #tpu.memory_space<hbm>>, %arg10: memref<80000xi32, #tpu.memory_space<hbm>>, %arg11: memref<80000xi32, #tpu.memory_space<hbm>>, %arg12: memref<80000xi32, #tpu.memory_space<hbm>>, %arg13: memref<80000xi32, #tpu.memory_space<hbm>>, %arg14: memref<624x128xf32, #tpu.memory_space<hbm>>, %arg15: memref<10000x128xf32, #tpu.memory_space<hbm>>, %arg16: memref<10000x128xf32, #tpu.memory_space<hbm>>, %arg17: memref<10000x128xf32, #tpu.memory_space<hbm>>, %arg18: memref<10000x128xf32, #tpu.memory_space<hbm>>, %arg19: memref<327680xf32, #tpu.memory_space<hbm>>, %arg20: memref<5000xi32, #tpu.memory_space<vmem>>, %arg21: memref<5000xi32, #tpu.memory_space<vmem>>, %arg22: memref<80x128xf32, #tpu.memory_space<vmem>>, %arg23: memref<80x128xf32, #tpu.memory_space<vmem>>, %arg24: memref<10000xf32, #tpu.memory_space<vmem>>, %arg25: memref<10000x128xf32, #tpu.memory_space<vmem_shared>>, %arg26: memref<!tpu.dma_semaphore, #tpu.memory_space<semaphore_mem>>, %arg27: memref<!tpu.dma_semaphore, #tpu.memory_space<semaphore_mem>>, %arg28: memref<!tpu.dma_semaphore, #tpu.memory_space<semaphore_mem>>, %arg29: memref<!tpu.dma_semaphore, #tpu.memory_space<semaphore_mem>>) attributes {dimension_semantics = [#tpu.dimension_semantics<core_parallel>, #tpu.dimension_semantics<subcore_parallel>], iteration_bounds = array<i64: 2, 16>, scalar_prefetch = 0 : i64, scratch_operands = 10 : i64, tpu.core_type = #tpu.core_type<sc_vector_subcore>, window_params = [{transform_indices = #map}, {transform_indices = #map}, {transform_indices = #map}, {transform_indices = #map}, {transform_indices = #map}, {transform_indices = #map}, {transform_indices = #map}, {transform_indices = #map}, {transform_indices = #map1}, {transform_indices = #map1}, {transform_indices = #map1}, {transform_indices = #map1}, {transform_indices = #map}, {transform_indices = #map}, {transform_indices = #map}, {transform_indices = #map}, {transform_indices = #map}, {transform_indices = #map1}]} {
    %broadcast_in_dim3A = arith.constant 0.000000e+00 : f32
    %broadcast_in_dim3A_0 = vector.broadcast %broadcast_in_dim3A : f32 to vector<16xf32>
    %broadcast_in_dim3A_1 = arith.constant 1.000000e+00 : f32
    %broadcast_in_dim3A_2 = vector.broadcast %broadcast_in_dim3A_1 : f32 to vector<16xf32>
    %iota3A = tpu.iota {dimensions = array<i32: 0>} : vector<16xi32>
    %eq3A = arith.constant 0 : i32
    %eq3A_3 = arith.cmpi eq, %arg0, %eq3A : i32
    %convert_element_type3A = arith.extui %eq3A_3 : i1 to i32
    %cond3A = arith.constant 0 : i32
    %cond3A_4 = arith.cmpi ne, %convert_element_type3A, %cond3A : i32
    scf.if %cond3A_4 {
      %mul3A = arith.constant 624 : i32
      %mul3A_20 = arith.muli %arg1, %mul3A : i32
      "tpu.region"() ({
        %run_scoped3A = tpu.sem_alloc : memref<!tpu.dma_semaphore, #tpu.memory_space<semaphore_mem>>
        %dma_start3A_120 = arith.constant 0 : i32
        %dma_start3A_121 = tpu.memref_slice %arg25[%mul3A_20, %dma_start3A_120] : memref<10000x128xf32, #tpu.memory_space<vmem_shared>> -> memref<624x128xf32, #tpu.memory_space<vmem_shared>>
        tpu.enqueue_dma source(%arg14 : memref<624x128xf32, #tpu.memory_space<hbm>>) target(%dma_start3A_121 : memref<624x128xf32, #tpu.memory_space<vmem_shared>>) target_semaphore(%run_scoped3A : memref<!tpu.dma_semaphore, #tpu.memory_space<semaphore_mem>>)
        %dma_wait3A_122 = arith.constant 0 : i32
        %dma_wait3A_123 = tpu.memref_slice %arg25[%mul3A_20, %dma_wait3A_122] : memref<10000x128xf32, #tpu.memory_space<vmem_shared>> -> memref<624x128xf32, #tpu.memory_space<vmem_shared>>
        tpu.wait_dma2 semaphore(%run_scoped3A : memref<!tpu.dma_semaphore, #tpu.memory_space<semaphore_mem>>) src(%arg14 : memref<624x128xf32, #tpu.memory_space<hbm>>) dst(%dma_wait3A_123 : memref<624x128xf32, #tpu.memory_space<vmem_shared>>)
        tpu.yield
      }) : () -> ()
      %eq3A_21 = arith.constant 15 : i32
      %eq3A_22 = arith.cmpi eq, %arg1, %eq3A_21 : i32
      %convert_element_type3A_23 = arith.extui %eq3A_22 : i1 to i32
      %cond3A_24 = arith.constant 0 : i32
      %cond3A_25 = arith.cmpi ne, %convert_element_type3A_23, %cond3A_24 : i32
      scf.if %cond3A_25 {
        "tpu.region"() ({
          %run_scoped3A = tpu.sem_alloc : memref<!tpu.dma_semaphore, #tpu.memory_space<semaphore_mem>>
          %dma_start3A_120 = arith.constant 9984 : i32
          %dma_start3A_121 = arith.constant 0 : i32
          %dma_start3A_122 = tpu.memref_slice %arg25[%dma_start3A_120, %dma_start3A_121] : memref<10000x128xf32, #tpu.memory_space<vmem_shared>> -> memref<16x128xf32, #tpu.memory_space<vmem_shared>>
          %dma_start3A_123 = arith.constant 0 : i32
          %dma_start3A_124 = arith.constant 0 : i32
          %dma_start3A_125 = tpu.memref_slice %arg14[%dma_start3A_123, %dma_start3A_124] : memref<624x128xf32, #tpu.memory_space<hbm>> -> memref<16x128xf32, #tpu.memory_space<hbm>>
          tpu.enqueue_dma source(%dma_start3A_125 : memref<16x128xf32, #tpu.memory_space<hbm>>) target(%dma_start3A_122 : memref<16x128xf32, #tpu.memory_space<vmem_shared>>) target_semaphore(%run_scoped3A : memref<!tpu.dma_semaphore, #tpu.memory_space<semaphore_mem>>)
          %dma_wait3A_126 = arith.constant 9984 : i32
          %dma_wait3A_127 = arith.constant 0 : i32
          %dma_wait3A_128 = tpu.memref_slice %arg25[%dma_wait3A_126, %dma_wait3A_127] : memref<10000x128xf32, #tpu.memory_space<vmem_shared>> -> memref<16x128xf32, #tpu.memory_space<vmem_shared>>
          %dma_wait3A_129 = arith.constant 0 : i32
          %dma_wait3A_130 = arith.constant 0 : i32
          %dma_wait3A_131 = tpu.memref_slice %arg14[%dma_wait3A_129, %dma_wait3A_130] : memref<624x128xf32, #tpu.memory_space<hbm>> -> memref<16x128xf32, #tpu.memory_space<hbm>>
          tpu.wait_dma2 semaphore(%run_scoped3A : memref<!tpu.dma_semaphore, #tpu.memory_space<semaphore_mem>>) src(%dma_wait3A_131 : memref<16x128xf32, #tpu.memory_space<hbm>>) dst(%dma_wait3A_128 : memref<16x128xf32, #tpu.memory_space<vmem_shared>>)
          tpu.yield
        }) : () -> ()
      } else {
      }
      %scan3A = arith.constant 0 : i32
      %scan3A_26 = arith.constant 0 : i32
      %scan3A_27 = arith.constant 625 : i32
      %scan3A_28 = arith.addi %scan3A_26, %scan3A_27 : i32
      %scan3A_29 = arith.constant 1 : i32
      scf.for %scan3A_120 = %scan3A_26 to %scan3A_28 step %scan3A_29  : i32 {
        %mul3A_121 = arith.constant 16 : i32
        %mul3A_122 = arith.muli %scan3A_120, %mul3A_121 : i32
        %swap3A = arith.index_cast %mul3A_122 : i32 to index
        %swap3A_123 = tpu.vector_load %arg24[%swap3A] {strides = array<i32>} : memref<10000xf32, #tpu.memory_space<vmem>>, vector<16xf32>,
        tpu.vector_store %arg24[%swap3A], %broadcast_in_dim3A_0 {strides = array<i32>} : memref<10000xf32, #tpu.memory_space<vmem>>, vector<16xf32>,
      }
      %scan3A_30 = arith.constant 625 : i32
      %barrier3A = arith.constant 0 : index
      tpu.barrier barrier_id(%barrier3A)
      %mul3A_31 = arith.constant 5000 : i32
      %mul3A_32 = arith.muli %arg1, %mul3A_31 : i32
      %multiple_of3A = tpu.assume_multiple %mul3A_32, 8 : i32
      "tpu.region"() ({
        %run_scoped3A = tpu.sem_alloc : memref<!tpu.dma_semaphore, #tpu.memory_space<semaphore_mem>>
        %dma_start3A_120 = tpu.memref_slice %arg10[%multiple_of3A] : memref<80000xi32, #tpu.memory_space<hbm>> -> memref<5000xi32, #tpu.memory_space<hbm>>
        %dma_start3A_121 = tpu.memref_slice %arg10[%multiple_of3A] : memref<80000xi32, #tpu.memory_space<hbm>> -> memref<5000xi32, #tpu.memory_space<hbm>>
        tpu.enqueue_dma source(%dma_start3A_121 : memref<5000xi32, #tpu.memory_space<hbm>>) target(%arg20 : memref<5000xi32, #tpu.memory_space<vmem>>) target_semaphore(%run_scoped3A : memref<!tpu.dma_semaphore, #tpu.memory_space<semaphore_mem>>)
        %dma_wait3A_122 = tpu.memref_slice %arg10[%multiple_of3A] : memref<80000xi32, #tpu.memory_space<hbm>> -> memref<5000xi32, #tpu.memory_space<hbm>>
        %dma_wait3A_123 = tpu.memref_slice %arg10[%multiple_of3A] : memref<80000xi32, #tpu.memory_space<hbm>> -> memref<5000xi32, #tpu.memory_space<hbm>>
        tpu.wait_dma2 semaphore(%run_scoped3A : memref<!tpu.dma_semaphore, #tpu.memory_space<semaphore_mem>>) src(%dma_wait3A_123 : memref<5000xi32, #tpu.memory_space<hbm>>) dst(%arg20 : memref<5000xi32, #tpu.memory_space<vmem>>)
        tpu.yield
      }) : () -> ()
      "tpu.region"() ({
        %run_scoped3A = tpu.sem_alloc : memref<!tpu.dma_semaphore, #tpu.memory_space<semaphore_mem>>
        %dma_start3A_120 = tpu.memref_slice %arg11[%multiple_of3A] : memref<80000xi32, #tpu.memory_space<hbm>> -> memref<5000xi32, #tpu.memory_space<hbm>>
        %dma_start3A_121 = tpu.memref_slice %arg11[%multiple_of3A] : memref<80000xi32, #tpu.memory_space<hbm>> -> memref<5000xi32, #tpu.memory_space<hbm>>
        tpu.enqueue_dma source(%dma_start3A_121 : memref<5000xi32, #tpu.memory_space<hbm>>) target(%arg21 : memref<5000xi32, #tpu.memory_space<vmem>>) target_semaphore(%run_scoped3A : memref<!tpu.dma_semaphore, #tpu.memory_space<semaphore_mem>>)
        %dma_wait3A_122 = tpu.memref_slice %arg11[%multiple_of3A] : memref<80000xi32, #tpu.memory_space<hbm>> -> memref<5000xi32, #tpu.memory_space<hbm>>
        %dma_wait3A_123 = tpu.memref_slice %arg11[%multiple_of3A] : memref<80000xi32, #tpu.memory_space<hbm>> -> memref<5000xi32, #tpu.memory_space<hbm>>
        tpu.wait_dma2 semaphore(%run_scoped3A : memref<!tpu.dma_semaphore, #tpu.memory_space<semaphore_mem>>) src(%dma_wait3A_123 : memref<5000xi32, #tpu.memory_space<hbm>>) dst(%arg21 : memref<5000xi32, #tpu.memory_space<vmem>>)
        tpu.yield
      }) : () -> ()
      %dma_start3A = arith.constant 0 : i32
      %dma_start3A_33 = arith.constant 0 : i32
      %dma_start3A_34 = tpu.memref_slice %arg22[%dma_start3A, %dma_start3A_33] : memref<80x128xf32, #tpu.memory_space<vmem>> -> memref<40x128xf32, #tpu.memory_space<vmem>>
      %dma_start3A_35 = arith.constant 0 : i32
      %dma_start3A_36 = tpu.memref_slice %arg20[%dma_start3A_35] : memref<5000xi32, #tpu.memory_space<vmem>> -> memref<40xi32, #tpu.memory_space<vmem>>
      %dma_start3A_37 = arith.constant 0 : i32
      %dma_start3A_38 = arith.constant 0 : i32
      %dma_start3A_39 = tpu.memref_slice %arg2[%dma_start3A_37, %dma_start3A_38] : memref<10000x128xf32, #tpu.memory_space<hbm>> -> memref<10000x128xf32, #tpu.memory_space<hbm>>
      tpu.enqueue_indirect_dma source(%dma_start3A_39 : memref<10000x128xf32, #tpu.memory_space<hbm>>) target(%dma_start3A_34 : memref<40x128xf32, #tpu.memory_space<vmem>>) offsets(%dma_start3A_36 : memref<40xi32, #tpu.memory_space<vmem>>) semaphore(%arg26 : memref<!tpu.dma_semaphore, #tpu.memory_space<semaphore_mem>>)
      %dma_start3A_40 = arith.constant 0 : i32
      %dma_start3A_41 = arith.constant 0 : i32
      %dma_start3A_42 = tpu.memref_slice %arg23[%dma_start3A_40, %dma_start3A_41] : memref<80x128xf32, #tpu.memory_space<vmem>> -> memref<40x128xf32, #tpu.memory_space<vmem>>
      %dma_start3A_43 = arith.constant 0 : i32
      %dma_start3A_44 = tpu.memref_slice %arg21[%dma_start3A_43] : memref<5000xi32, #tpu.memory_space<vmem>> -> memref<40xi32, #tpu.memory_space<vmem>>
      %dma_start3A_45 = arith.constant 0 : i32
      %dma_start3A_46 = arith.constant 0 : i32
      %dma_start3A_47 = tpu.memref_slice %arg4[%dma_start3A_45, %dma_start3A_46] : memref<10000x128xf32, #tpu.memory_space<hbm>> -> memref<10000x128xf32, #tpu.memory_space<hbm>>
      tpu.enqueue_indirect_dma source(%dma_start3A_47 : memref<10000x128xf32, #tpu.memory_space<hbm>>) target(%dma_start3A_42 : memref<40x128xf32, #tpu.memory_space<vmem>>) offsets(%dma_start3A_44 : memref<40xi32, #tpu.memory_space<vmem>>) semaphore(%arg26 : memref<!tpu.dma_semaphore, #tpu.memory_space<semaphore_mem>>)
      %scan3A_48 = arith.constant 0 : i32
      %scan3A_49 = arith.constant 0 : i32
      %scan3A_50 = arith.constant 62 : i32
      %scan3A_51 = arith.addi %scan3A_49, %scan3A_50 : i32
      %scan3A_52 = arith.constant 1 : i32
      scf.for %scan3A_120 = %scan3A_49 to %scan3A_51 step %scan3A_52  : i32 {
        %mul3A_121 = arith.constant 2 : i32
        %mul3A_122 = arith.muli %scan3A_120, %mul3A_121 : i32
        %add3A_123 = arith.constant 1 : i32
        %add3A_124 = arith.addi %mul3A_122, %add3A_123 : i32
        %ge3A_125 = arith.constant 2 : i32
        %ge3A_126 = arith.cmpi sge, %add3A_124, %ge3A_125 : i32
        %convert_element_type3A_127 = arith.extui %ge3A_126 : i1 to i32
        %cond3A_128 = arith.constant 0 : i32
        %cond3A_129 = arith.cmpi ne, %convert_element_type3A_127, %cond3A_128 : i32
        scf.if %cond3A_129 {
          %dma_wait3A_259 = arith.constant 40 : i32
          %dma_wait3A_260 = arith.constant 0 : i32
          %dma_wait3A_261 = tpu.memref_slice %arg22[%dma_wait3A_259, %dma_wait3A_260] : memref<80x128xf32, #tpu.memory_space<vmem>> -> memref<40x128xf32, #tpu.memory_space<vmem>>
          %dma_wait3A_262 = arith.constant 0 : i32
          %dma_wait3A_263 = tpu.memref_slice %arg21[%dma_wait3A_262] : memref<5000xi32, #tpu.memory_space<vmem>> -> memref<40xi32, #tpu.memory_space<vmem>>
          %dma_wait3A_264 = arith.constant 0 : i32
          %dma_wait3A_265 = arith.constant 0 : i32
          %dma_wait3A_266 = tpu.memref_slice %arg25[%dma_wait3A_264, %dma_wait3A_265] : memref<10000x128xf32, #tpu.memory_space<vmem_shared>> -> memref<10000x128xf32, #tpu.memory_space<vmem_shared>>
          tpu.wait_indirect_dma semaphore(%arg29 : memref<!tpu.dma_semaphore, #tpu.memory_space<semaphore_mem>>) src(%dma_wait3A_261 : memref<40x128xf32, #tpu.memory_space<vmem>>) dst(%dma_wait3A_266 : memref<10000x128xf32, #tpu.memory_space<vmem_shared>>)
        } else {
        }
        %mul3A_130 = arith.constant 40 : i32
        %mul3A_131 = arith.muli %add3A_124, %mul3A_130 : i32
        %dma_start3A_132 = arith.constant 40 : i32
        %dma_start3A_133 = arith.constant 0 : i32
        %dma_start3A_134 = tpu.memref_slice %arg22[%dma_start3A_132, %dma_start3A_133] : memref<80x128xf32, #tpu.memory_space<vmem>> -> memref<40x128xf32, #tpu.memory_space<vmem>>
        %dma_start3A_135 = tpu.memref_slice %arg20[%mul3A_131] : memref<5000xi32, #tpu.memory_space<vmem>> -> memref<40xi32, #tpu.memory_space<vmem>>
        %dma_start3A_136 = arith.constant 0 : i32
        %dma_start3A_137 = arith.constant 0 : i32
        %dma_start3A_138 = tpu.memref_slice %arg2[%dma_start3A_136, %dma_start3A_137] : memref<10000x128xf32, #tpu.memory_space<hbm>> -> memref<10000x128xf32, #tpu.memory_space<hbm>>
        tpu.enqueue_indirect_dma source(%dma_start3A_138 : memref<10000x128xf32, #tpu.memory_space<hbm>>) target(%dma_start3A_134 : memref<40x128xf32, #tpu.memory_space<vmem>>) offsets(%dma_start3A_135 : memref<40xi32, #tpu.memory_space<vmem>>) semaphore(%arg27 : memref<!tpu.dma_semaphore, #tpu.memory_space<semaphore_mem>>)
        %dma_start3A_139 = arith.constant 40 : i32
        %dma_start3A_140 = arith.constant 0 : i32
        %dma_start3A_141 = tpu.memref_slice %arg23[%dma_start3A_139, %dma_start3A_140] : memref<80x128xf32, #tpu.memory_space<vmem>> -> memref<40x128xf32, #tpu.memory_space<vmem>>
        %dma_start3A_142 = tpu.memref_slice %arg21[%mul3A_131] : memref<5000xi32, #tpu.memory_space<vmem>> -> memref<40xi32, #tpu.memory_space<vmem>>
        %dma_start3A_143 = arith.constant 0 : i32
        %dma_start3A_144 = arith.constant 0 : i32
        %dma_start3A_145 = tpu.memref_slice %arg4[%dma_start3A_143, %dma_start3A_144] : memref<10000x128xf32, #tpu.memory_space<hbm>> -> memref<10000x128xf32, #tpu.memory_space<hbm>>
        tpu.enqueue_indirect_dma source(%dma_start3A_145 : memref<10000x128xf32, #tpu.memory_space<hbm>>) target(%dma_start3A_141 : memref<40x128xf32, #tpu.memory_space<vmem>>) offsets(%dma_start3A_142 : memref<40xi32, #tpu.memory_space<vmem>>) semaphore(%arg27 : memref<!tpu.dma_semaphore, #tpu.memory_space<semaphore_mem>>)
        %mul3A_146 = arith.constant 40 : i32
        %mul3A_147 = arith.muli %mul3A_122, %mul3A_146 : i32
        %dma_wait3A_148 = arith.constant 0 : i32
        %dma_wait3A_149 = arith.constant 0 : i32
        %dma_wait3A_150 = tpu.memref_slice %arg22[%dma_wait3A_148, %dma_wait3A_149] : memref<80x128xf32, #tpu.memory_space<vmem>> -> memref<40x128xf32, #tpu.memory_space<vmem>>
        %dma_wait3A_151 = tpu.memref_slice %arg20[%mul3A_147] : memref<5000xi32, #tpu.memory_space<vmem>> -> memref<40xi32, #tpu.memory_space<vmem>>
        %dma_wait3A_152 = arith.constant 0 : i32
        %dma_wait3A_153 = arith.constant 0 : i32
        %dma_wait3A_154 = tpu.memref_slice %arg2[%dma_wait3A_152, %dma_wait3A_153] : memref<10000x128xf32, #tpu.memory_space<hbm>> -> memref<10000x128xf32, #tpu.memory_space<hbm>>
        tpu.wait_indirect_dma semaphore(%arg26 : memref<!tpu.dma_semaphore, #tpu.memory_space<semaphore_mem>>) src(%dma_wait3A_154 : memref<10000x128xf32, #tpu.memory_space<hbm>>) dst(%dma_wait3A_150 : memref<40x128xf32, #tpu.memory_space<vmem>>)
        %dma_wait3A_155 = arith.constant 0 : i32
        %dma_wait3A_156 = arith.constant 0 : i32
        %dma_wait3A_157 = tpu.memref_slice %arg23[%dma_wait3A_155, %dma_wait3A_156] : memref<80x128xf32, #tpu.memory_space<vmem>> -> memref<40x128xf32, #tpu.memory_space<vmem>>
        %dma_wait3A_158 = tpu.memref_slice %arg21[%mul3A_147] : memref<5000xi32, #tpu.memory_space<vmem>> -> memref<40xi32, #tpu.memory_space<vmem>>
        %dma_wait3A_159 = arith.constant 0 : i32
        %dma_wait3A_160 = arith.constant 0 : i32
        %dma_wait3A_161 = tpu.memref_slice %arg4[%dma_wait3A_159, %dma_wait3A_160] : memref<10000x128xf32, #tpu.memory_space<hbm>> -> memref<10000x128xf32, #tpu.memory_space<hbm>>
        tpu.wait_indirect_dma semaphore(%arg26 : memref<!tpu.dma_semaphore, #tpu.memory_space<semaphore_mem>>) src(%dma_wait3A_161 : memref<10000x128xf32, #tpu.memory_space<hbm>>) dst(%dma_wait3A_157 : memref<40x128xf32, #tpu.memory_space<vmem>>)
        %scan3A_162 = arith.constant 0 : i32
        %scan3A_163 = arith.constant 0 : i32
        %scan3A_164 = arith.constant 40 : i32
        %scan3A_165 = arith.addi %scan3A_163, %scan3A_164 : i32
        %scan3A_166 = arith.constant 1 : i32
        scf.for %scan3A_259 = %scan3A_163 to %scan3A_165 step %scan3A_166  : i32 {
          %add3A_260 = arith.constant 0 : i32
          %add3A_261 = arith.addi %add3A_260, %scan3A_259 : i32
          %get3A_262 = arith.index_cast %add3A_261 : i32 to index
          %get3A_263 = arith.constant 0 : index
          %get3A_264 = tpu.vector_load %arg22[%get3A_262, %get3A_263] {strides = array<i32>} : memref<80x128xf32, #tpu.memory_space<vmem>>, vector<16xf32>,
          %get3A_265 = arith.index_cast %add3A_261 : i32 to index
          %get3A_266 = arith.constant 0 : index
          %get3A_267 = tpu.vector_load %arg23[%get3A_265, %get3A_266] {strides = array<i32>} : memref<80x128xf32, #tpu.memory_space<vmem>>, vector<16xf32>,
          %add3A_268 = arith.addf %get3A_264, %get3A_267 : vector<16xf32>
          %neg3A = arith.constant 0.000000e+00 : f32
          %neg3A_269 = vector.broadcast %neg3A : f32 to vector<16xf32>
          %neg3A_270 = arith.subf %neg3A_269, %add3A_268 : vector<16xf32>
          %exp3A = math.exp %neg3A_270 : vector<16xf32>
          %add3A_271 = arith.constant 1.000000e+00 : f32
          %add3A_272 = vector.broadcast %add3A_271 : f32 to vector<16xf32>
          %add3A_273 = arith.addf %add3A_272, %exp3A : vector<16xf32>
          %div3A = arith.divf %add3A_268, %add3A_273 : vector<16xf32>
          %swap3A = arith.index_cast %add3A_261 : i32 to index
          %swap3A_274 = arith.constant 0 : index
          %swap3A_275 = tpu.vector_load %arg22[%swap3A, %swap3A_274] {strides = array<i32>} : memref<80x128xf32, #tpu.memory_space<vmem>>, vector<16xf32>,
          tpu.vector_store %arg22[%swap3A, %swap3A_274], %div3A {strides = array<i32>} : memref<80x128xf32, #tpu.memory_space<vmem>>, vector<16xf32>,
          %get3A_276 = arith.index_cast %add3A_261 : i32 to index
          %get3A_277 = arith.constant 16 : index
          %get3A_278 = tpu.vector_load %arg22[%get3A_276, %get3A_277] {strides = array<i32>} : memref<80x128xf32, #tpu.memory_space<vmem>>, vector<16xf32>,
          %get3A_279 = arith.index_cast %add3A_261 : i32 to index
          %get3A_280 = arith.constant 16 : index
          %get3A_281 = tpu.vector_load %arg23[%get3A_279, %get3A_280] {strides = array<i32>} : memref<80x128xf32, #tpu.memory_space<vmem>>, vector<16xf32>,
          %add3A_282 = arith.addf %get3A_278, %get3A_281 : vector<16xf32>
          %neg3A_283 = arith.constant 0.000000e+00 : f32
          %neg3A_284 = vector.broadcast %neg3A_283 : f32 to vector<16xf32>
          %neg3A_285 = arith.subf %neg3A_284, %add3A_282 : vector<16xf32>
          %exp3A_286 = math.exp %neg3A_285 : vector<16xf32>
          %add3A_287 = arith.constant 1.000000e+00 : f32
          %add3A_288 = vector.broadcast %add3A_287 : f32 to vector<16xf32>
          %add3A_289 = arith.addf %add3A_288, %exp3A_286 : vector<16xf32>
          %div3A_290 = arith.divf %add3A_282, %add3A_289 : vector<16xf32>
          %swap3A_291 = arith.index_cast %add3A_261 : i32 to index
          %swap3A_292 = arith.constant 16 : index
          %swap3A_293 = tpu.vector_load %arg22[%swap3A_291, %swap3A_292] {strides = array<i32>} : memref<80x128xf32, #tpu.memory_space<vmem>>, vector<16xf32>,
          tpu.vector_store %arg22[%swap3A_291, %swap3A_292], %div3A_290 {strides = array<i32>} : memref<80x128xf32, #tpu.memory_space<vmem>>, vector<16xf32>,
          %get3A_294 = arith.index_cast %add3A_261 : i32 to index
          %get3A_295 = arith.constant 32 : index
          %get3A_296 = tpu.vector_load %arg22[%get3A_294, %get3A_295] {strides = array<i32>} : memref<80x128xf32, #tpu.memory_space<vmem>>, vector<16xf32>,
          %get3A_297 = arith.index_cast %add3A_261 : i32 to index
          %get3A_298 = arith.constant 32 : index
          %get3A_299 = tpu.vector_load %arg23[%get3A_297, %get3A_298] {strides = array<i32>} : memref<80x128xf32, #tpu.memory_space<vmem>>, vector<16xf32>,
          %add3A_300 = arith.addf %get3A_296, %get3A_299 : vector<16xf32>
          %neg3A_301 = arith.constant 0.000000e+00 : f32
          %neg3A_302 = vector.broadcast %neg3A_301 : f32 to vector<16xf32>
          %neg3A_303 = arith.subf %neg3A_302, %add3A_300 : vector<16xf32>
          %exp3A_304 = math.exp %neg3A_303 : vector<16xf32>
          %add3A_305 = arith.constant 1.000000e+00 : f32
          %add3A_306 = vector.broadcast %add3A_305 : f32 to vector<16xf32>
          %add3A_307 = arith.addf %add3A_306, %exp3A_304 : vector<16xf32>
          %div3A_308 = arith.divf %add3A_300, %add3A_307 : vector<16xf32>
          %swap3A_309 = arith.index_cast %add3A_261 : i32 to index
          %swap3A_310 = arith.constant 32 : index
          %swap3A_311 = tpu.vector_load %arg22[%swap3A_309, %swap3A_310] {strides = array<i32>} : memref<80x128xf32, #tpu.memory_space<vmem>>, vector<16xf32>,
          tpu.vector_store %arg22[%swap3A_309, %swap3A_310], %div3A_308 {strides = array<i32>} : memref<80x128xf32, #tpu.memory_space<vmem>>, vector<16xf32>,
          %get3A_312 = arith.index_cast %add3A_261 : i32 to index
          %get3A_313 = arith.constant 48 : index
          %get3A_314 = tpu.vector_load %arg22[%get3A_312, %get3A_313] {strides = array<i32>} : memref<80x128xf32, #tpu.memory_space<vmem>>, vector<16xf32>,
          %get3A_315 = arith.index_cast %add3A_261 : i32 to index
          %get3A_316 = arith.constant 48 : index
          %get3A_317 = tpu.vector_load %arg23[%get3A_315, %get3A_316] {strides = array<i32>} : memref<80x128xf32, #tpu.memory_space<vmem>>, vector<16xf32>,
          %add3A_318 = arith.addf %get3A_314, %get3A_317 : vector<16xf32>
          %neg3A_319 = arith.constant 0.000000e+00 : f32
          %neg3A_320 = vector.broadcast %neg3A_319 : f32 to vector<16xf32>
          %neg3A_321 = arith.subf %neg3A_320, %add3A_318 : vector<16xf32>
          %exp3A_322 = math.exp %neg3A_321 : vector<16xf32>
          %add3A_323 = arith.constant 1.000000e+00 : f32
          %add3A_324 = vector.broadcast %add3A_323 : f32 to vector<16xf32>
          %add3A_325 = arith.addf %add3A_324, %exp3A_322 : vector<16xf32>
          %div3A_326 = arith.divf %add3A_318, %add3A_325 : vector<16xf32>
          %swap3A_327 = arith.index_cast %add3A_261 : i32 to index
          %swap3A_328 = arith.constant 48 : index
          %swap3A_329 = tpu.vector_load %arg22[%swap3A_327, %swap3A_328] {strides = array<i32>} : memref<80x128xf32, #tpu.memory_space<vmem>>, vector<16xf32>,
          tpu.vector_store %arg22[%swap3A_327, %swap3A_328], %div3A_326 {strides = array<i32>} : memref<80x128xf32, #tpu.memory_space<vmem>>, vector<16xf32>,
          %get3A_330 = arith.index_cast %add3A_261 : i32 to index
          %get3A_331 = arith.constant 64 : index
          %get3A_332 = tpu.vector_load %arg22[%get3A_330, %get3A_331] {strides = array<i32>} : memref<80x128xf32, #tpu.memory_space<vmem>>, vector<16xf32>,
          %get3A_333 = arith.index_cast %add3A_261 : i32 to index
          %get3A_334 = arith.constant 64 : index
          %get3A_335 = tpu.vector_load %arg23[%get3A_333, %get3A_334] {strides = array<i32>} : memref<80x128xf32, #tpu.memory_space<vmem>>, vector<16xf32>,
          %add3A_336 = arith.addf %get3A_332, %get3A_335 : vector<16xf32>
          %neg3A_337 = arith.constant 0.000000e+00 : f32
          %neg3A_338 = vector.broadcast %neg3A_337 : f32 to vector<16xf32>
          %neg3A_339 = arith.subf %neg3A_338, %add3A_336 : vector<16xf32>
          %exp3A_340 = math.exp %neg3A_339 : vector<16xf32>
          %add3A_341 = arith.constant 1.000000e+00 : f32
          %add3A_342 = vector.broadcast %add3A_341 : f32 to vector<16xf32>
          %add3A_343 = arith.addf %add3A_342, %exp3A_340 : vector<16xf32>
          %div3A_344 = arith.divf %add3A_336, %add3A_343 : vector<16xf32>
          %swap3A_345 = arith.index_cast %add3A_261 : i32 to index
          %swap3A_346 = arith.constant 64 : index
          %swap3A_347 = tpu.vector_load %arg22[%swap3A_345, %swap3A_346] {strides = array<i32>} : memref<80x128xf32, #tpu.memory_space<vmem>>, vector<16xf32>,
          tpu.vector_store %arg22[%swap3A_345, %swap3A_346], %div3A_344 {strides = array<i32>} : memref<80x128xf32, #tpu.memory_space<vmem>>, vector<16xf32>,
          %get3A_348 = arith.index_cast %add3A_261 : i32 to index
          %get3A_349 = arith.constant 80 : index
          %get3A_350 = tpu.vector_load %arg22[%get3A_348, %get3A_349] {strides = array<i32>} : memref<80x128xf32, #tpu.memory_space<vmem>>, vector<16xf32>,
          %get3A_351 = arith.index_cast %add3A_261 : i32 to index
          %get3A_352 = arith.constant 80 : index
          %get3A_353 = tpu.vector_load %arg23[%get3A_351, %get3A_352] {strides = array<i32>} : memref<80x128xf32, #tpu.memory_space<vmem>>, vector<16xf32>,
          %add3A_354 = arith.addf %get3A_350, %get3A_353 : vector<16xf32>
          %neg3A_355 = arith.constant 0.000000e+00 : f32
          %neg3A_356 = vector.broadcast %neg3A_355 : f32 to vector<16xf32>
          %neg3A_357 = arith.subf %neg3A_356, %add3A_354 : vector<16xf32>
          %exp3A_358 = math.exp %neg3A_357 : vector<16xf32>
          %add3A_359 = arith.constant 1.000000e+00 : f32
          %add3A_360 = vector.broadcast %add3A_359 : f32 to vector<16xf32>
          %add3A_361 = arith.addf %add3A_360, %exp3A_358 : vector<16xf32>
          %div3A_362 = arith.divf %add3A_354, %add3A_361 : vector<16xf32>
          %swap3A_363 = arith.index_cast %add3A_261 : i32 to index
          %swap3A_364 = arith.constant 80 : index
          %swap3A_365 = tpu.vector_load %arg22[%swap3A_363, %swap3A_364] {strides = array<i32>} : memref<80x128xf32, #tpu.memory_space<vmem>>, vector<16xf32>,
          tpu.vector_store %arg22[%swap3A_363, %swap3A_364], %div3A_362 {strides = array<i32>} : memref<80x128xf32, #tpu.memory_space<vmem>>, vector<16xf32>,
          %get3A_366 = arith.index_cast %add3A_261 : i32 to index
          %get3A_367 = arith.constant 96 : index
          %get3A_368 = tpu.vector_load %arg22[%get3A_366, %get3A_367] {strides = array<i32>} : memref<80x128xf32, #tpu.memory_space<vmem>>, vector<16xf32>,
          %get3A_369 = arith.index_cast %add3A_261 : i32 to index
          %get3A_370 = arith.constant 96 : index
          %get3A_371 = tpu.vector_load %arg23[%get3A_369, %get3A_370] {strides = array<i32>} : memref<80x128xf32, #tpu.memory_space<vmem>>, vector<16xf32>,
          %add3A_372 = arith.addf %get3A_368, %get3A_371 : vector<16xf32>
          %neg3A_373 = arith.constant 0.000000e+00 : f32
          %neg3A_374 = vector.broadcast %neg3A_373 : f32 to vector<16xf32>
          %neg3A_375 = arith.subf %neg3A_374, %add3A_372 : vector<16xf32>
          %exp3A_376 = math.exp %neg3A_375 : vector<16xf32>
          %add3A_377 = arith.constant 1.000000e+00 : f32
          %add3A_378 = vector.broadcast %add3A_377 : f32 to vector<16xf32>
          %add3A_379 = arith.addf %add3A_378, %exp3A_376 : vector<16xf32>
          %div3A_380 = arith.divf %add3A_372, %add3A_379 : vector<16xf32>
          %swap3A_381 = arith.index_cast %add3A_261 : i32 to index
          %swap3A_382 = arith.constant 96 : index
          %swap3A_383 = tpu.vector_load %arg22[%swap3A_381, %swap3A_382] {strides = array<i32>} : memref<80x128xf32, #tpu.memory_space<vmem>>, vector<16xf32>,
          tpu.vector_store %arg22[%swap3A_381, %swap3A_382], %div3A_380 {strides = array<i32>} : memref<80x128xf32, #tpu.memory_space<vmem>>, vector<16xf32>,
          %get3A_384 = arith.index_cast %add3A_261 : i32 to index
          %get3A_385 = arith.constant 112 : index
          %get3A_386 = tpu.vector_load %arg22[%get3A_384, %get3A_385] {strides = array<i32>} : memref<80x128xf32, #tpu.memory_space<vmem>>, vector<16xf32>,
          %get3A_387 = arith.index_cast %add3A_261 : i32 to index
          %get3A_388 = arith.constant 112 : index
          %get3A_389 = tpu.vector_load %arg23[%get3A_387, %get3A_388] {strides = array<i32>} : memref<80x128xf32, #tpu.memory_space<vmem>>, vector<16xf32>,
          %add3A_390 = arith.addf %get3A_386, %get3A_389 : vector<16xf32>
          %neg3A_391 = arith.constant 0.000000e+00 : f32
          %neg3A_392 = vector.broadcast %neg3A_391 : f32 to vector<16xf32>
          %neg3A_393 = arith.subf %neg3A_392, %add3A_390 : vector<16xf32>
          %exp3A_394 = math.exp %neg3A_393 : vector<16xf32>
          %add3A_395 = arith.constant 1.000000e+00 : f32
          %add3A_396 = vector.broadcast %add3A_395 : f32 to vector<16xf32>
          %add3A_397 = arith.addf %add3A_396, %exp3A_394 : vector<16xf32>
          %div3A_398 = arith.divf %add3A_390, %add3A_397 : vector<16xf32>
          %swap3A_399 = arith.index_cast %add3A_261 : i32 to index
          %swap3A_400 = arith.constant 112 : index
          %swap3A_401 = tpu.vector_load %arg22[%swap3A_399, %swap3A_400] {strides = array<i32>} : memref<80x128xf32, #tpu.memory_space<vmem>>, vector<16xf32>,
          tpu.vector_store %arg22[%swap3A_399, %swap3A_400], %div3A_398 {strides = array<i32>} : memref<80x128xf32, #tpu.memory_space<vmem>>, vector<16xf32>,
        }
        %scan3A_167 = arith.constant 40 : i32
        %mul3A_168 = arith.constant 40 : i32
        %mul3A_169 = arith.muli %mul3A_122, %mul3A_168 : i32
        %get3A_170 = arith.index_cast %mul3A_169 : i32 to index
        %get3A_171 = tpu.vector_load %arg21[%get3A_170] {strides = array<i32>} : memref<5000xi32, #tpu.memory_space<vmem>>, vector<16xi32>,
        tpu.vector_store_idx %arg24[%get3A_171], %broadcast_in_dim3A_2 {add = true} : memref<10000xf32, #tpu.memory_space<vmem>>[vector<16xi32>], vector<16xf32>,
        %add3A_172 = arith.constant 16 : i32
        %add3A_173 = arith.addi %mul3A_169, %add3A_172 : i32
        %get3A_174 = arith.index_cast %add3A_173 : i32 to index
        %get3A_175 = tpu.vector_load %arg21[%get3A_174] {strides = array<i32>} : memref<5000xi32, #tpu.memory_space<vmem>>, vector<16xi32>,
        tpu.vector_store_idx %arg24[%get3A_175], %broadcast_in_dim3A_2 {add = true} : memref<10000xf32, #tpu.memory_space<vmem>>[vector<16xi32>], vector<16xf32>,
        %add3A_176 = arith.constant 24 : i32
        %add3A_177 = arith.addi %mul3A_169, %add3A_176 : i32
        %get3A_178 = arith.index_cast %add3A_177 : i32 to index
        %get3A_179 = tpu.vector_load %arg21[%get3A_178] {strides = array<i32>} : memref<5000xi32, #tpu.memory_space<vmem>>, vector<16xi32>,
        %ge3A_180 = arith.constant 8 : i32
        %ge3A_181 = vector.broadcast %ge3A_180 : i32 to vector<16xi32>
        %ge3A_182 = arith.cmpi sge, %iota3A, %ge3A_181 : vector<16xi32>
        tpu.vector_store_idx %arg24[%get3A_179], %broadcast_in_dim3A_2 masked %ge3A_182 {add = true} : memref<10000xf32, #tpu.memory_space<vmem>>[vector<16xi32>], vector<16xf32>, vector<16xi1>
        %dma_start3A_183 = arith.constant 0 : i32
        %dma_start3A_184 = arith.constant 0 : i32
        %dma_start3A_185 = tpu.memref_slice %arg22[%dma_start3A_183, %dma_start3A_184] : memref<80x128xf32, #tpu.memory_space<vmem>> -> memref<40x128xf32, #tpu.memory_space<vmem>>
        %dma_start3A_186 = tpu.memref_slice %arg21[%mul3A_169] : memref<5000xi32, #tpu.memory_space<vmem>> -> memref<40xi32, #tpu.memory_space<vmem>>
        %dma_start3A_187 = arith.constant 0 : i32
        %dma_start3A_188 = arith.constant 0 : i32
        %dma_start3A_189 = tpu.memref_slice %arg25[%dma_start3A_187, %dma_start3A_188] : memref<10000x128xf32, #tpu.memory_space<vmem_shared>> -> memref<10000x128xf32, #tpu.memory_space<vmem_shared>>
        tpu.enqueue_indirect_dma source(%dma_start3A_185 : memref<40x128xf32, #tpu.memory_space<vmem>>) target(%dma_start3A_189 : memref<10000x128xf32, #tpu.memory_space<vmem_shared>>) offsets(%dma_start3A_186 : memref<40xi32, #tpu.memory_space<vmem>>) semaphore(%arg28 : memref<!tpu.dma_semaphore, #tpu.memory_space<semaphore_mem>>) {add = true}
        %add3A_190 = arith.constant 2 : i32
        %add3A_191 = arith.addi %mul3A_122, %add3A_190 : i32
        %ge3A_192 = arith.constant 2 : i32
        %ge3A_193 = arith.cmpi sge, %add3A_191, %ge3A_192 : i32
        %convert_element_type3A_194 = arith.extui %ge3A_193 : i1 to i32
        %cond3A_195 = arith.constant 0 : i32
        %cond3A_196 = arith.cmpi ne, %convert_element_type3A_194, %cond3A_195 : i32
        scf.if %cond3A_196 {
          %dma_wait3A_259 = arith.constant 0 : i32
          %dma_wait3A_260 = arith.constant 0 : i32
          %dma_wait3A_261 = tpu.memref_slice %arg22[%dma_wait3A_259, %dma_wait3A_260] : memref<80x128xf32, #tpu.memory_space<vmem>> -> memref<40x128xf32, #tpu.memory_space<vmem>>
          %dma_wait3A_262 = arith.constant 0 : i32
          %dma_wait3A_263 = tpu.memref_slice %arg21[%dma_wait3A_262] : memref<5000xi32, #tpu.memory_space<vmem>> -> memref<40xi32, #tpu.memory_space<vmem>>
          %dma_wait3A_264 = arith.constant 0 : i32
          %dma_wait3A_265 = arith.constant 0 : i32
          %dma_wait3A_266 = tpu.memref_slice %arg25[%dma_wait3A_264, %dma_wait3A_265] : memref<10000x128xf32, #tpu.memory_space<vmem_shared>> -> memref<10000x128xf32, #tpu.memory_space<vmem_shared>>
          tpu.wait_indirect_dma semaphore(%arg28 : memref<!tpu.dma_semaphore, #tpu.memory_space<semaphore_mem>>) src(%dma_wait3A_261 : memref<40x128xf32, #tpu.memory_space<vmem>>) dst(%dma_wait3A_266 : memref<10000x128xf32, #tpu.memory_space<vmem_shared>>)
        } else {
        }
        %mul3A_197 = arith.constant 40 : i32
        %mul3A_198 = arith.muli %add3A_191, %mul3A_197 : i32
        %dma_start3A_199 = arith.constant 0 : i32
        %dma_start3A_200 = arith.constant 0 : i32
        %dma_start3A_201 = tpu.memref_slice %arg22[%dma_start3A_199, %dma_start3A_200] : memref<80x128xf32, #tpu.memory_space<vmem>> -> memref<40x128xf32, #tpu.memory_space<vmem>>
        %dma_start3A_202 = tpu.memref_slice %arg20[%mul3A_198] : memref<5000xi32, #tpu.memory_space<vmem>> -> memref<40xi32, #tpu.memory_space<vmem>>
        %dma_start3A_203 = arith.constant 0 : i32
        %dma_start3A_204 = arith.constant 0 : i32
        %dma_start3A_205 = tpu.memref_slice %arg2[%dma_start3A_203, %dma_start3A_204] : memref<10000x128xf32, #tpu.memory_space<hbm>> -> memref<10000x128xf32, #tpu.memory_space<hbm>>
        tpu.enqueue_indirect_dma source(%dma_start3A_205 : memref<10000x128xf32, #tpu.memory_space<hbm>>) target(%dma_start3A_201 : memref<40x128xf32, #tpu.memory_space<vmem>>) offsets(%dma_start3A_202 : memref<40xi32, #tpu.memory_space<vmem>>) semaphore(%arg26 : memref<!tpu.dma_semaphore, #tpu.memory_space<semaphore_mem>>)
        %dma_start3A_206 = arith.constant 0 : i32
        %dma_start3A_207 = arith.constant 0 : i32
        %dma_start3A_208 = tpu.memref_slice %arg23[%dma_start3A_206, %dma_start3A_207] : memref<80x128xf32, #tpu.memory_space<vmem>> -> memref<40x128xf32, #tpu.memory_space<vmem>>
        %dma_start3A_209 = tpu.memref_slice %arg21[%mul3A_198] : memref<5000xi32, #tpu.memory_space<vmem>> -> memref<40xi32, #tpu.memory_space<vmem>>
        %dma_start3A_210 = arith.constant 0 : i32
        %dma_start3A_211 = arith.constant 0 : i32
        %dma_start3A_212 = tpu.memref_slice %arg4[%dma_start3A_210, %dma_start3A_211] : memref<10000x128xf32, #tpu.memory_space<hbm>> -> memref<10000x128xf32, #tpu.memory_space<hbm>>
        tpu.enqueue_indirect_dma source(%dma_start3A_212 : memref<10000x128xf32, #tpu.memory_space<hbm>>) target(%dma_start3A_208 : memref<40x128xf32, #tpu.memory_space<vmem>>) offsets(%dma_start3A_209 : memref<40xi32, #tpu.memory_space<vmem>>) semaphore(%arg26 : memref<!tpu.dma_semaphore, #tpu.memory_space<semaphore_mem>>)
        %add3A_213 = arith.constant 1 : i32
        %add3A_214 = arith.addi %mul3A_122, %add3A_213 : i32
        %mul3A_215 = arith.constant 40 : i32
        %mul3A_216 = arith.muli %add3A_214, %mul3A_215 : i32
        %dma_wait3A_217 = arith.constant 40 : i32
        %dma_wait3A_218 = arith.constant 0 : i32
        %dma_wait3A_219 = tpu.memref_slice %arg22[%dma_wait3A_217, %dma_wait3A_218] : memref<80x128xf32, #tpu.memory_space<vmem>> -> memref<40x128xf32, #tpu.memory_space<vmem>>
        %dma_wait3A_220 = tpu.memref_slice %arg20[%mul3A_216] : memref<5000xi32, #tpu.memory_space<vmem>> -> memref<40xi32, #tpu.memory_space<vmem>>
        %dma_wait3A_221 = arith.constant 0 : i32
        %dma_wait3A_222 = arith.constant 0 : i32
        %dma_wait3A_223 = tpu.memref_slice %arg2[%dma_wait3A_221, %dma_wait3A_222] : memref<10000x128xf32, #tpu.memory_space<hbm>> -> memref<10000x128xf32, #tpu.memory_space<hbm>>
        tpu.wait_indirect_dma semaphore(%arg27 : memref<!tpu.dma_semaphore, #tpu.memory_space<semaphore_mem>>) src(%dma_wait3A_223 : memref<10000x128xf32, #tpu.memory_space<hbm>>) dst(%dma_wait3A_219 : memref<40x128xf32, #tpu.memory_space<vmem>>)
        %dma_wait3A_224 = arith.constant 40 : i32
        %dma_wait3A_225 = arith.constant 0 : i32
        %dma_wait3A_226 = tpu.memref_slice %arg23[%dma_wait3A_224, %dma_wait3A_225] : memref<80x128xf32, #tpu.memory_space<vmem>> -> memref<40x128xf32, #tpu.memory_space<vmem>>
        %dma_wait3A_227 = tpu.memref_slice %arg21[%mul3A_216] : memref<5000xi32, #tpu.memory_space<vmem>> -> memref<40xi32, #tpu.memory_space<vmem>>
        %dma_wait3A_228 = arith.constant 0 : i32
        %dma_wait3A_229 = arith.constant 0 : i32
        %dma_wait3A_230 = tpu.memref_slice %arg4[%dma_wait3A_228, %dma_wait3A_229] : memref<10000x128xf32, #tpu.memory_space<hbm>> -> memref<10000x128xf32, #tpu.memory_space<hbm>>
        tpu.wait_indirect_dma semaphore(%arg27 : memref<!tpu.dma_semaphore, #tpu.memory_space<semaphore_mem>>) src(%dma_wait3A_230 : memref<10000x128xf32, #tpu.memory_space<hbm>>) dst(%dma_wait3A_226 : memref<40x128xf32, #tpu.memory_space<vmem>>)
        %scan3A_231 = arith.constant 0 : i32
        %scan3A_232 = arith.constant 0 : i32
        %scan3A_233 = arith.constant 40 : i32
        %scan3A_234 = arith.addi %scan3A_232, %scan3A_233 : i32
        %scan3A_235 = arith.constant 1 : i32
        scf.for %scan3A_259 = %scan3A_232 to %scan3A_234 step %scan3A_235  : i32 {
          %add3A_260 = arith.constant 40 : i32
          %add3A_261 = arith.addi %add3A_260, %scan3A_259 : i32
          %get3A_262 = arith.index_cast %add3A_261 : i32 to index
          %get3A_263 = arith.constant 0 : index
          %get3A_264 = tpu.vector_load %arg22[%get3A_262, %get3A_263] {strides = array<i32>} : memref<80x128xf32, #tpu.memory_space<vmem>>, vector<16xf32>,
          %get3A_265 = arith.index_cast %add3A_261 : i32 to index
          %get3A_266 = arith.constant 0 : index
          %get3A_267 = tpu.vector_load %arg23[%get3A_265, %get3A_266] {strides = array<i32>} : memref<80x128xf32, #tpu.memory_space<vmem>>, vector<16xf32>,
          %add3A_268 = arith.addf %get3A_264, %get3A_267 : vector<16xf32>
          %neg3A = arith.constant 0.000000e+00 : f32
          %neg3A_269 = vector.broadcast %neg3A : f32 to vector<16xf32>
          %neg3A_270 = arith.subf %neg3A_269, %add3A_268 : vector<16xf32>
          %exp3A = math.exp %neg3A_270 : vector<16xf32>
          %add3A_271 = arith.constant 1.000000e+00 : f32
          %add3A_272 = vector.broadcast %add3A_271 : f32 to vector<16xf32>
          %add3A_273 = arith.addf %add3A_272, %exp3A : vector<16xf32>
          %div3A = arith.divf %add3A_268, %add3A_273 : vector<16xf32>
          %swap3A = arith.index_cast %add3A_261 : i32 to index
          %swap3A_274 = arith.constant 0 : index
          %swap3A_275 = tpu.vector_load %arg22[%swap3A, %swap3A_274] {strides = array<i32>} : memref<80x128xf32, #tpu.memory_space<vmem>>, vector<16xf32>,
          tpu.vector_store %arg22[%swap3A, %swap3A_274], %div3A {strides = array<i32>} : memref<80x128xf32, #tpu.memory_space<vmem>>, vector<16xf32>,
          %get3A_276 = arith.index_cast %add3A_261 : i32 to index
          %get3A_277 = arith.constant 16 : index
          %get3A_278 = tpu.vector_load %arg22[%get3A_276, %get3A_277] {strides = array<i32>} : memref<80x128xf32, #tpu.memory_space<vmem>>, vector<16xf32>,
          %get3A_279 = arith.index_cast %add3A_261 : i32 to index
          %get3A_280 = arith.constant 16 : index
          %get3A_281 = tpu.vector_load %arg23[%get3A_279, %get3A_280] {strides = array<i32>} : memref<80x128xf32, #tpu.memory_space<vmem>>, vector<16xf32>,
          %add3A_282 = arith.addf %get3A_278, %get3A_281 : vector<16xf32>
          %neg3A_283 = arith.constant 0.000000e+00 : f32
          %neg3A_284 = vector.broadcast %neg3A_283 : f32 to vector<16xf32>
          %neg3A_285 = arith.subf %neg3A_284, %add3A_282 : vector<16xf32>
          %exp3A_286 = math.exp %neg3A_285 : vector<16xf32>
          %add3A_287 = arith.constant 1.000000e+00 : f32
          %add3A_288 = vector.broadcast %add3A_287 : f32 to vector<16xf32>
          %add3A_289 = arith.addf %add3A_288, %exp3A_286 : vector<16xf32>
          %div3A_290 = arith.divf %add3A_282, %add3A_289 : vector<16xf32>
          %swap3A_291 = arith.index_cast %add3A_261 : i32 to index
          %swap3A_292 = arith.constant 16 : index
          %swap3A_293 = tpu.vector_load %arg22[%swap3A_291, %swap3A_292] {strides = array<i32>} : memref<80x128xf32, #tpu.memory_space<vmem>>, vector<16xf32>,
          tpu.vector_store %arg22[%swap3A_291, %swap3A_292], %div3A_290 {strides = array<i32>} : memref<80x128xf32, #tpu.memory_space<vmem>>, vector<16xf32>,
          %get3A_294 = arith.index_cast %add3A_261 : i32 to index
          %get3A_295 = arith.constant 32 : index
          %get3A_296 = tpu.vector_load %arg22[%get3A_294, %get3A_295] {strides = array<i32>} : memref<80x128xf32, #tpu.memory_space<vmem>>, vector<16xf32>,
          %get3A_297 = arith.index_cast %add3A_261 : i32 to index
          %get3A_298 = arith.constant 32 : index
          %get3A_299 = tpu.vector_load %arg23[%get3A_297, %get3A_298] {strides = array<i32>} : memref<80x128xf32, #tpu.memory_space<vmem>>, vector<16xf32>,
          %add3A_300 = arith.addf %get3A_296, %get3A_299 : vector<16xf32>
          %neg3A_301 = arith.constant 0.000000e+00 : f32
          %neg3A_302 = vector.broadcast %neg3A_301 : f32 to vector<16xf32>
          %neg3A_303 = arith.subf %neg3A_302, %add3A_300 : vector<16xf32>
          %exp3A_304 = math.exp %neg3A_303 : vector<16xf32>
          %add3A_305 = arith.constant 1.000000e+00 : f32
          %add3A_306 = vector.broadcast %add3A_305 : f32 to vector<16xf32>
          %add3A_307 = arith.addf %add3A_306, %exp3A_304 : vector<16xf32>
          %div3A_308 = arith.divf %add3A_300, %add3A_307 : vector<16xf32>
          %swap3A_309 = arith.index_cast %add3A_261 : i32 to index
          %swap3A_310 = arith.constant 32 : index
          %swap3A_311 = tpu.vector_load %arg22[%swap3A_309, %swap3A_310] {strides = array<i32>} : memref<80x128xf32, #tpu.memory_space<vmem>>, vector<16xf32>,
          tpu.vector_store %arg22[%swap3A_309, %swap3A_310], %div3A_308 {strides = array<i32>} : memref<80x128xf32, #tpu.memory_space<vmem>>, vector<16xf32>,
          %get3A_312 = arith.index_cast %add3A_261 : i32 to index
          %get3A_313 = arith.constant 48 : index
          %get3A_314 = tpu.vector_load %arg22[%get3A_312, %get3A_313] {strides = array<i32>} : memref<80x128xf32, #tpu.memory_space<vmem>>, vector<16xf32>,
          %get3A_315 = arith.index_cast %add3A_261 : i32 to index
          %get3A_316 = arith.constant 48 : index
          %get3A_317 = tpu.vector_load %arg23[%get3A_315, %get3A_316] {strides = array<i32>} : memref<80x128xf32, #tpu.memory_space<vmem>>, vector<16xf32>,
          %add3A_318 = arith.addf %get3A_314, %get3A_317 : vector<16xf32>
          %neg3A_319 = arith.constant 0.000000e+00 : f32
          %neg3A_320 = vector.broadcast %neg3A_319 : f32 to vector<16xf32>
          %neg3A_321 = arith.subf %neg3A_320, %add3A_318 : vector<16xf32>
          %exp3A_322 = math.exp %neg3A_321 : vector<16xf32>
          %add3A_323 = arith.constant 1.000000e+00 : f32
          %add3A_324 = vector.broadcast %add3A_323 : f32 to vector<16xf32>
          %add3A_325 = arith.addf %add3A_324, %exp3A_322 : vector<16xf32>
          %div3A_326 = arith.divf %add3A_318, %add3A_325 : vector<16xf32>
          %swap3A_327 = arith.index_cast %add3A_261 : i32 to index
          %swap3A_328 = arith.constant 48 : index
          %swap3A_329 = tpu.vector_load %arg22[%swap3A_327, %swap3A_328] {strides = array<i32>} : memref<80x128xf32, #tpu.memory_space<vmem>>, vector<16xf32>,
          tpu.vector_store %arg22[%swap3A_327, %swap3A_328], %div3A_326 {strides = array<i32>} : memref<80x128xf32, #tpu.memory_space<vmem>>, vector<16xf32>,
          %get3A_330 = arith.index_cast %add3A_261 : i32 to index
          %get3A_331 = arith.constant 64 : index
          %get3A_332 = tpu.vector_load %arg22[%get3A_330, %get3A_331] {strides = array<i32>} : memref<80x128xf32, #tpu.memory_space<vmem>>, vector<16xf32>,
          %get3A_333 = arith.index_cast %add3A_261 : i32 to index
          %get3A_334 = arith.constant 64 : index
          %get3A_335 = tpu.vector_load %arg23[%get3A_333, %get3A_334] {strides = array<i32>} : memref<80x128xf32, #tpu.memory_space<vmem>>, vector<16xf32>,
          %add3A_336 = arith.addf %get3A_332, %get3A_335 : vector<16xf32>
          %neg3A_337 = arith.constant 0.000000e+00 : f32
          %neg3A_338 = vector.broadcast %neg3A_337 : f32 to vector<16xf32>
          %neg3A_339 = arith.subf %neg3A_338, %add3A_336 : vector<16xf32>
          %exp3A_340 = math.exp %neg3A_339 : vector<16xf32>
          %add3A_341 = arith.constant 1.000000e+00 : f32
          %add3A_342 = vector.broadcast %add3A_341 : f32 to vector<16xf32>
          %add3A_343 = arith.addf %add3A_342, %exp3A_340 : vector<16xf32>
          %div3A_344 = arith.divf %add3A_336, %add3A_343 : vector<16xf32>
          %swap3A_345 = arith.index_cast %add3A_261 : i32 to index
          %swap3A_346 = arith.constant 64 : index
          %swap3A_347 = tpu.vector_load %arg22[%swap3A_345, %swap3A_346] {strides = array<i32>} : memref<80x128xf32, #tpu.memory_space<vmem>>, vector<16xf32>,
          tpu.vector_store %arg22[%swap3A_345, %swap3A_346], %div3A_344 {strides = array<i32>} : memref<80x128xf32, #tpu.memory_space<vmem>>, vector<16xf32>,
          %get3A_348 = arith.index_cast %add3A_261 : i32 to index
          %get3A_349 = arith.constant 80 : index
          %get3A_350 = tpu.vector_load %arg22[%get3A_348, %get3A_349] {strides = array<i32>} : memref<80x128xf32, #tpu.memory_space<vmem>>, vector<16xf32>,
          %get3A_351 = arith.index_cast %add3A_261 : i32 to index
          %get3A_352 = arith.constant 80 : index
          %get3A_353 = tpu.vector_load %arg23[%get3A_351, %get3A_352] {strides = array<i32>} : memref<80x128xf32, #tpu.memory_space<vmem>>, vector<16xf32>,
          %add3A_354 = arith.addf %get3A_350, %get3A_353 : vector<16xf32>
          %neg3A_355 = arith.constant 0.000000e+00 : f32
          %neg3A_356 = vector.broadcast %neg3A_355 : f32 to vector<16xf32>
          %neg3A_357 = arith.subf %neg3A_356, %add3A_354 : vector<16xf32>
          %exp3A_358 = math.exp %neg3A_357 : vector<16xf32>
          %add3A_359 = arith.constant 1.000000e+00 : f32
          %add3A_360 = vector.broadcast %add3A_359 : f32 to vector<16xf32>
          %add3A_361 = arith.addf %add3A_360, %exp3A_358 : vector<16xf32>
          %div3A_362 = arith.divf %add3A_354, %add3A_361 : vector<16xf32>
          %swap3A_363 = arith.index_cast %add3A_261 : i32 to index
          %swap3A_364 = arith.constant 80 : index
          %swap3A_365 = tpu.vector_load %arg22[%swap3A_363, %swap3A_364] {strides = array<i32>} : memref<80x128xf32, #tpu.memory_space<vmem>>, vector<16xf32>,
          tpu.vector_store %arg22[%swap3A_363, %swap3A_364], %div3A_362 {strides = array<i32>} : memref<80x128xf32, #tpu.memory_space<vmem>>, vector<16xf32>,
          %get3A_366 = arith.index_cast %add3A_261 : i32 to index
          %get3A_367 = arith.constant 96 : index
          %get3A_368 = tpu.vector_load %arg22[%get3A_366, %get3A_367] {strides = array<i32>} : memref<80x128xf32, #tpu.memory_space<vmem>>, vector<16xf32>,
          %get3A_369 = arith.index_cast %add3A_261 : i32 to index
          %get3A_370 = arith.constant 96 : index
          %get3A_371 = tpu.vector_load %arg23[%get3A_369, %get3A_370] {strides = array<i32>} : memref<80x128xf32, #tpu.memory_space<vmem>>, vector<16xf32>,
          %add3A_372 = arith.addf %get3A_368, %get3A_371 : vector<16xf32>
          %neg3A_373 = arith.constant 0.000000e+00 : f32
          %neg3A_374 = vector.broadcast %neg3A_373 : f32 to vector<16xf32>
          %neg3A_375 = arith.subf %neg3A_374, %add3A_372 : vector<16xf32>
          %exp3A_376 = math.exp %neg3A_375 : vector<16xf32>
          %add3A_377 = arith.constant 1.000000e+00 : f32
          %add3A_378 = vector.broadcast %add3A_377 : f32 to vector<16xf32>
          %add3A_379 = arith.addf %add3A_378, %exp3A_376 : vector<16xf32>
          %div3A_380 = arith.divf %add3A_372, %add3A_379 : vector<16xf32>
          %swap3A_381 = arith.index_cast %add3A_261 : i32 to index
          %swap3A_382 = arith.constant 96 : index
          %swap3A_383 = tpu.vector_load %arg22[%swap3A_381, %swap3A_382] {strides = array<i32>} : memref<80x128xf32, #tpu.memory_space<vmem>>, vector<16xf32>,
          tpu.vector_store %arg22[%swap3A_381, %swap3A_382], %div3A_380 {strides = array<i32>} : memref<80x128xf32, #tpu.memory_space<vmem>>, vector<16xf32>,
          %get3A_384 = arith.index_cast %add3A_261 : i32 to index
          %get3A_385 = arith.constant 112 : index
          %get3A_386 = tpu.vector_load %arg22[%get3A_384, %get3A_385] {strides = array<i32>} : memref<80x128xf32, #tpu.memory_space<vmem>>, vector<16xf32>,
          %get3A_387 = arith.index_cast %add3A_261 : i32 to index
          %get3A_388 = arith.constant 112 : index
          %get3A_389 = tpu.vector_load %arg23[%get3A_387, %get3A_388] {strides = array<i32>} : memref<80x128xf32, #tpu.memory_space<vmem>>, vector<16xf32>,
          %add3A_390 = arith.addf %get3A_386, %get3A_389 : vector<16xf32>
          %neg3A_391 = arith.constant 0.000000e+00 : f32
          %neg3A_392 = vector.broadcast %neg3A_391 : f32 to vector<16xf32>
          %neg3A_393 = arith.subf %neg3A_392, %add3A_390 : vector<16xf32>
          %exp3A_394 = math.exp %neg3A_393 : vector<16xf32>
          %add3A_395 = arith.constant 1.000000e+00 : f32
          %add3A_396 = vector.broadcast %add3A_395 : f32 to vector<16xf32>
          %add3A_397 = arith.addf %add3A_396, %exp3A_394 : vector<16xf32>
          %div3A_398 = arith.divf %add3A_390, %add3A_397 : vector<16xf32>
          %swap3A_399 = arith.index_cast %add3A_261 : i32 to index
          %swap3A_400 = arith.constant 112 : index
          %swap3A_401 = tpu.vector_load %arg22[%swap3A_399, %swap3A_400] {strides = array<i32>} : memref<80x128xf32, #tpu.memory_space<vmem>>, vector<16xf32>,
          tpu.vector_store %arg22[%swap3A_399, %swap3A_400], %div3A_398 {strides = array<i32>} : memref<80x128xf32, #tpu.memory_space<vmem>>, vector<16xf32>,
        }
        %scan3A_236 = arith.constant 40 : i32
        %mul3A_237 = arith.constant 40 : i32
        %mul3A_238 = arith.muli %add3A_214, %mul3A_237 : i32
        %get3A_239 = arith.index_cast %mul3A_238 : i32 to index
        %get3A_240 = tpu.vector_load %arg21[%get3A_239] {strides = array<i32>} : memref<5000xi32, #tpu.memory_space<vmem>>, vector<16xi32>,
        tpu.vector_store_idx %arg24[%get3A_240], %broadcast_in_dim3A_2 {add = true} : memref<10000xf32, #tpu.memory_space<vmem>>[vector<16xi32>], vector<16xf32>,
        %add3A_241 = arith.constant 16 : i32
        %add3A_242 = arith.addi %mul3A_238, %add3A_241 : i32
        %get3A_243 = arith.index_cast %add3A_242 : i32 to index
        %get3A_244 = tpu.vector_load %arg21[%get3A_243] {strides = array<i32>} : memref<5000xi32, #tpu.memory_space<vmem>>, vector<16xi32>,
        tpu.vector_store_idx %arg24[%get3A_244], %broadcast_in_dim3A_2 {add = true} : memref<10000xf32, #tpu.memory_space<vmem>>[vector<16xi32>], vector<16xf32>,
        %add3A_245 = arith.constant 24 : i32
        %add3A_246 = arith.addi %mul3A_238, %add3A_245 : i32
        %get3A_247 = arith.index_cast %add3A_246 : i32 to index
        %get3A_248 = tpu.vector_load %arg21[%get3A_247] {strides = array<i32>} : memref<5000xi32, #tpu.memory_space<vmem>>, vector<16xi32>,
        %ge3A_249 = arith.constant 8 : i32
        %ge3A_250 = vector.broadcast %ge3A_249 : i32 to vector<16xi32>
        %ge3A_251 = arith.cmpi sge, %iota3A, %ge3A_250 : vector<16xi32>
        tpu.vector_store_idx %arg24[%get3A_248], %broadcast_in_dim3A_2 masked %ge3A_251 {add = true} : memref<10000xf32, #tpu.memory_space<vmem>>[vector<16xi32>], vector<16xf32>, vector<16xi1>
        %dma_start3A_252 = arith.constant 40 : i32
        %dma_start3A_253 = arith.constant 0 : i32
        %dma_start3A_254 = tpu.memref_slice %arg22[%dma_start3A_252, %dma_start3A_253] : memref<80x128xf32, #tpu.memory_space<vmem>> -> memref<40x128xf32, #tpu.memory_space<vmem>>
        %dma_start3A_255 = tpu.memref_slice %arg21[%mul3A_238] : memref<5000xi32, #tpu.memory_space<vmem>> -> memref<40xi32, #tpu.memory_space<vmem>>
        %dma_start3A_256 = arith.constant 0 : i32
        %dma_start3A_257 = arith.constant 0 : i32
        %dma_start3A_258 = tpu.memref_slice %arg25[%dma_start3A_256, %dma_start3A_257] : memref<10000x128xf32, #tpu.memory_space<vmem_shared>> -> memref<10000x128xf32, #tpu.memory_space<vmem_shared>>
        tpu.enqueue_indirect_dma source(%dma_start3A_254 : memref<40x128xf32, #tpu.memory_space<vmem>>) target(%dma_start3A_258 : memref<10000x128xf32, #tpu.memory_space<vmem_shared>>) offsets(%dma_start3A_255 : memref<40xi32, #tpu.memory_space<vmem>>) semaphore(%arg29 : memref<!tpu.dma_semaphore, #tpu.memory_space<semaphore_mem>>) {add = true}
      }
      %scan3A_53 = arith.constant 62 : i32
      %dma_wait3A = arith.constant 0 : i32
      %dma_wait3A_54 = arith.constant 0 : i32
      %dma_wait3A_55 = tpu.memref_slice %arg22[%dma_wait3A, %dma_wait3A_54] : memref<80x128xf32, #tpu.memory_space<vmem>> -> memref<40x128xf32, #tpu.memory_space<vmem>>
      %dma_wait3A_56 = arith.constant 4960 : i32
      %dma_wait3A_57 = tpu.memref_slice %arg20[%dma_wait3A_56] : memref<5000xi32, #tpu.memory_space<vmem>> -> memref<40xi32, #tpu.memory_space<vmem>>
      %dma_wait3A_58 = arith.constant 0 : i32
      %dma_wait3A_59 = arith.constant 0 : i32
      %dma_wait3A_60 = tpu.memref_slice %arg2[%dma_wait3A_58, %dma_wait3A_59] : memref<10000x128xf32, #tpu.memory_space<hbm>> -> memref<10000x128xf32, #tpu.memory_space<hbm>>
      tpu.wait_indirect_dma semaphore(%arg26 : memref<!tpu.dma_semaphore, #tpu.memory_space<semaphore_mem>>) src(%dma_wait3A_60 : memref<10000x128xf32, #tpu.memory_space<hbm>>) dst(%dma_wait3A_55 : memref<40x128xf32, #tpu.memory_space<vmem>>)
      %dma_wait3A_61 = arith.constant 0 : i32
      %dma_wait3A_62 = arith.constant 0 : i32
      %dma_wait3A_63 = tpu.memref_slice %arg23[%dma_wait3A_61, %dma_wait3A_62] : memref<80x128xf32, #tpu.memory_space<vmem>> -> memref<40x128xf32, #tpu.memory_space<vmem>>
      %dma_wait3A_64 = arith.constant 4960 : i32
      %dma_wait3A_65 = tpu.memref_slice %arg21[%dma_wait3A_64] : memref<5000xi32, #tpu.memory_space<vmem>> -> memref<40xi32, #tpu.memory_space<vmem>>
      %dma_wait3A_66 = arith.constant 0 : i32
      %dma_wait3A_67 = arith.constant 0 : i32
      %dma_wait3A_68 = tpu.memref_slice %arg4[%dma_wait3A_66, %dma_wait3A_67] : memref<10000x128xf32, #tpu.memory_space<hbm>> -> memref<10000x128xf32, #tpu.memory_space<hbm>>
      tpu.wait_indirect_dma semaphore(%arg26 : memref<!tpu.dma_semaphore, #tpu.memory_space<semaphore_mem>>) src(%dma_wait3A_68 : memref<10000x128xf32, #tpu.memory_space<hbm>>) dst(%dma_wait3A_63 : memref<40x128xf32, #tpu.memory_space<vmem>>)
      %scan3A_69 = arith.constant 0 : i32
      %scan3A_70 = arith.constant 0 : i32
      %scan3A_71 = arith.constant 40 : i32
      %scan3A_72 = arith.addi %scan3A_70, %scan3A_71 : i32
      %scan3A_73 = arith.constant 1 : i32
      scf.for %scan3A_120 = %scan3A_70 to %scan3A_72 step %scan3A_73  : i32 {
        %add3A_121 = arith.constant 0 : i32
        %add3A_122 = arith.addi %add3A_121, %scan3A_120 : i32
        %get3A_123 = arith.index_cast %add3A_122 : i32 to index
        %get3A_124 = arith.constant 0 : index
        %get3A_125 = tpu.vector_load %arg22[%get3A_123, %get3A_124] {strides = array<i32>} : memref<80x128xf32, #tpu.memory_space<vmem>>, vector<16xf32>,
        %get3A_126 = arith.index_cast %add3A_122 : i32 to index
        %get3A_127 = arith.constant 0 : index
        %get3A_128 = tpu.vector_load %arg23[%get3A_126, %get3A_127] {strides = array<i32>} : memref<80x128xf32, #tpu.memory_space<vmem>>, vector<16xf32>,
        %add3A_129 = arith.addf %get3A_125, %get3A_128 : vector<16xf32>
        %neg3A = arith.constant 0.000000e+00 : f32
        %neg3A_130 = vector.broadcast %neg3A : f32 to vector<16xf32>
        %neg3A_131 = arith.subf %neg3A_130, %add3A_129 : vector<16xf32>
        %exp3A = math.exp %neg3A_131 : vector<16xf32>
        %add3A_132 = arith.constant 1.000000e+00 : f32
        %add3A_133 = vector.broadcast %add3A_132 : f32 to vector<16xf32>
        %add3A_134 = arith.addf %add3A_133, %exp3A : vector<16xf32>
        %div3A = arith.divf %add3A_129, %add3A_134 : vector<16xf32>
        %swap3A = arith.index_cast %add3A_122 : i32 to index
        %swap3A_135 = arith.constant 0 : index
        %swap3A_136 = tpu.vector_load %arg22[%swap3A, %swap3A_135] {strides = array<i32>} : memref<80x128xf32, #tpu.memory_space<vmem>>, vector<16xf32>,
        tpu.vector_store %arg22[%swap3A, %swap3A_135], %div3A {strides = array<i32>} : memref<80x128xf32, #tpu.memory_space<vmem>>, vector<16xf32>,
        %get3A_137 = arith.index_cast %add3A_122 : i32 to index
        %get3A_138 = arith.constant 16 : index
        %get3A_139 = tpu.vector_load %arg22[%get3A_137, %get3A_138] {strides = array<i32>} : memref<80x128xf32, #tpu.memory_space<vmem>>, vector<16xf32>,
        %get3A_140 = arith.index_cast %add3A_122 : i32 to index
        %get3A_141 = arith.constant 16 : index
        %get3A_142 = tpu.vector_load %arg23[%get3A_140, %get3A_141] {strides = array<i32>} : memref<80x128xf32, #tpu.memory_space<vmem>>, vector<16xf32>,
        %add3A_143 = arith.addf %get3A_139, %get3A_142 : vector<16xf32>
        %neg3A_144 = arith.constant 0.000000e+00 : f32
        %neg3A_145 = vector.broadcast %neg3A_144 : f32 to vector<16xf32>
        %neg3A_146 = arith.subf %neg3A_145, %add3A_143 : vector<16xf32>
        %exp3A_147 = math.exp %neg3A_146 : vector<16xf32>
        %add3A_148 = arith.constant 1.000000e+00 : f32
        %add3A_149 = vector.broadcast %add3A_148 : f32 to vector<16xf32>
        %add3A_150 = arith.addf %add3A_149, %exp3A_147 : vector<16xf32>
        %div3A_151 = arith.divf %add3A_143, %add3A_150 : vector<16xf32>
        %swap3A_152 = arith.index_cast %add3A_122 : i32 to index
        %swap3A_153 = arith.constant 16 : index
        %swap3A_154 = tpu.vector_load %arg22[%swap3A_152, %swap3A_153] {strides = array<i32>} : memref<80x128xf32, #tpu.memory_space<vmem>>, vector<16xf32>,
        tpu.vector_store %arg22[%swap3A_152, %swap3A_153], %div3A_151 {strides = array<i32>} : memref<80x128xf32, #tpu.memory_space<vmem>>, vector<16xf32>,
        %get3A_155 = arith.index_cast %add3A_122 : i32 to index
        %get3A_156 = arith.constant 32 : index
        %get3A_157 = tpu.vector_load %arg22[%get3A_155, %get3A_156] {strides = array<i32>} : memref<80x128xf32, #tpu.memory_space<vmem>>, vector<16xf32>,
        %get3A_158 = arith.index_cast %add3A_122 : i32 to index
        %get3A_159 = arith.constant 32 : index
        %get3A_160 = tpu.vector_load %arg23[%get3A_158, %get3A_159] {strides = array<i32>} : memref<80x128xf32, #tpu.memory_space<vmem>>, vector<16xf32>,
        %add3A_161 = arith.addf %get3A_157, %get3A_160 : vector<16xf32>
        %neg3A_162 = arith.constant 0.000000e+00 : f32
        %neg3A_163 = vector.broadcast %neg3A_162 : f32 to vector<16xf32>
        %neg3A_164 = arith.subf %neg3A_163, %add3A_161 : vector<16xf32>
        %exp3A_165 = math.exp %neg3A_164 : vector<16xf32>
        %add3A_166 = arith.constant 1.000000e+00 : f32
        %add3A_167 = vector.broadcast %add3A_166 : f32 to vector<16xf32>
        %add3A_168 = arith.addf %add3A_167, %exp3A_165 : vector<16xf32>
        %div3A_169 = arith.divf %add3A_161, %add3A_168 : vector<16xf32>
        %swap3A_170 = arith.index_cast %add3A_122 : i32 to index
        %swap3A_171 = arith.constant 32 : index
        %swap3A_172 = tpu.vector_load %arg22[%swap3A_170, %swap3A_171] {strides = array<i32>} : memref<80x128xf32, #tpu.memory_space<vmem>>, vector<16xf32>,
        tpu.vector_store %arg22[%swap3A_170, %swap3A_171], %div3A_169 {strides = array<i32>} : memref<80x128xf32, #tpu.memory_space<vmem>>, vector<16xf32>,
        %get3A_173 = arith.index_cast %add3A_122 : i32 to index
        %get3A_174 = arith.constant 48 : index
        %get3A_175 = tpu.vector_load %arg22[%get3A_173, %get3A_174] {strides = array<i32>} : memref<80x128xf32, #tpu.memory_space<vmem>>, vector<16xf32>,
        %get3A_176 = arith.index_cast %add3A_122 : i32 to index
        %get3A_177 = arith.constant 48 : index
        %get3A_178 = tpu.vector_load %arg23[%get3A_176, %get3A_177] {strides = array<i32>} : memref<80x128xf32, #tpu.memory_space<vmem>>, vector<16xf32>,
        %add3A_179 = arith.addf %get3A_175, %get3A_178 : vector<16xf32>
        %neg3A_180 = arith.constant 0.000000e+00 : f32
        %neg3A_181 = vector.broadcast %neg3A_180 : f32 to vector<16xf32>
        %neg3A_182 = arith.subf %neg3A_181, %add3A_179 : vector<16xf32>
        %exp3A_183 = math.exp %neg3A_182 : vector<16xf32>
        %add3A_184 = arith.constant 1.000000e+00 : f32
        %add3A_185 = vector.broadcast %add3A_184 : f32 to vector<16xf32>
        %add3A_186 = arith.addf %add3A_185, %exp3A_183 : vector<16xf32>
        %div3A_187 = arith.divf %add3A_179, %add3A_186 : vector<16xf32>
        %swap3A_188 = arith.index_cast %add3A_122 : i32 to index
        %swap3A_189 = arith.constant 48 : index
        %swap3A_190 = tpu.vector_load %arg22[%swap3A_188, %swap3A_189] {strides = array<i32>} : memref<80x128xf32, #tpu.memory_space<vmem>>, vector<16xf32>,
        tpu.vector_store %arg22[%swap3A_188, %swap3A_189], %div3A_187 {strides = array<i32>} : memref<80x128xf32, #tpu.memory_space<vmem>>, vector<16xf32>,
        %get3A_191 = arith.index_cast %add3A_122 : i32 to index
        %get3A_192 = arith.constant 64 : index
        %get3A_193 = tpu.vector_load %arg22[%get3A_191, %get3A_192] {strides = array<i32>} : memref<80x128xf32, #tpu.memory_space<vmem>>, vector<16xf32>,
        %get3A_194 = arith.index_cast %add3A_122 : i32 to index
        %get3A_195 = arith.constant 64 : index
        %get3A_196 = tpu.vector_load %arg23[%get3A_194, %get3A_195] {strides = array<i32>} : memref<80x128xf32, #tpu.memory_space<vmem>>, vector<16xf32>,
        %add3A_197 = arith.addf %get3A_193, %get3A_196 : vector<16xf32>
        %neg3A_198 = arith.constant 0.000000e+00 : f32
        %neg3A_199 = vector.broadcast %neg3A_198 : f32 to vector<16xf32>
        %neg3A_200 = arith.subf %neg3A_199, %add3A_197 : vector<16xf32>
        %exp3A_201 = math.exp %neg3A_200 : vector<16xf32>
        %add3A_202 = arith.constant 1.000000e+00 : f32
        %add3A_203 = vector.broadcast %add3A_202 : f32 to vector<16xf32>
        %add3A_204 = arith.addf %add3A_203, %exp3A_201 : vector<16xf32>
        %div3A_205 = arith.divf %add3A_197, %add3A_204 : vector<16xf32>
        %swap3A_206 = arith.index_cast %add3A_122 : i32 to index
        %swap3A_207 = arith.constant 64 : index
        %swap3A_208 = tpu.vector_load %arg22[%swap3A_206, %swap3A_207] {strides = array<i32>} : memref<80x128xf32, #tpu.memory_space<vmem>>, vector<16xf32>,
        tpu.vector_store %arg22[%swap3A_206, %swap3A_207], %div3A_205 {strides = array<i32>} : memref<80x128xf32, #tpu.memory_space<vmem>>, vector<16xf32>,
        %get3A_209 = arith.index_cast %add3A_122 : i32 to index
        %get3A_210 = arith.constant 80 : index
        %get3A_211 = tpu.vector_load %arg22[%get3A_209, %get3A_210] {strides = array<i32>} : memref<80x128xf32, #tpu.memory_space<vmem>>, vector<16xf32>,
        %get3A_212 = arith.index_cast %add3A_122 : i32 to index
        %get3A_213 = arith.constant 80 : index
        %get3A_214 = tpu.vector_load %arg23[%get3A_212, %get3A_213] {strides = array<i32>} : memref<80x128xf32, #tpu.memory_space<vmem>>, vector<16xf32>,
        %add3A_215 = arith.addf %get3A_211, %get3A_214 : vector<16xf32>
        %neg3A_216 = arith.constant 0.000000e+00 : f32
        %neg3A_217 = vector.broadcast %neg3A_216 : f32 to vector<16xf32>
        %neg3A_218 = arith.subf %neg3A_217, %add3A_215 : vector<16xf32>
        %exp3A_219 = math.exp %neg3A_218 : vector<16xf32>
        %add3A_220 = arith.constant 1.000000e+00 : f32
        %add3A_221 = vector.broadcast %add3A_220 : f32 to vector<16xf32>
        %add3A_222 = arith.addf %add3A_221, %exp3A_219 : vector<16xf32>
        %div3A_223 = arith.divf %add3A_215, %add3A_222 : vector<16xf32>
        %swap3A_224 = arith.index_cast %add3A_122 : i32 to index
        %swap3A_225 = arith.constant 80 : index
        %swap3A_226 = tpu.vector_load %arg22[%swap3A_224, %swap3A_225] {strides = array<i32>} : memref<80x128xf32, #tpu.memory_space<vmem>>, vector<16xf32>,
        tpu.vector_store %arg22[%swap3A_224, %swap3A_225], %div3A_223 {strides = array<i32>} : memref<80x128xf32, #tpu.memory_space<vmem>>, vector<16xf32>,
        %get3A_227 = arith.index_cast %add3A_122 : i32 to index
        %get3A_228 = arith.constant 96 : index
        %get3A_229 = tpu.vector_load %arg22[%get3A_227, %get3A_228] {strides = array<i32>} : memref<80x128xf32, #tpu.memory_space<vmem>>, vector<16xf32>,
        %get3A_230 = arith.index_cast %add3A_122 : i32 to index
        %get3A_231 = arith.constant 96 : index
        %get3A_232 = tpu.vector_load %arg23[%get3A_230, %get3A_231] {strides = array<i32>} : memref<80x128xf32, #tpu.memory_space<vmem>>, vector<16xf32>,
        %add3A_233 = arith.addf %get3A_229, %get3A_232 : vector<16xf32>
        %neg3A_234 = arith.constant 0.000000e+00 : f32
        %neg3A_235 = vector.broadcast %neg3A_234 : f32 to vector<16xf32>
        %neg3A_236 = arith.subf %neg3A_235, %add3A_233 : vector<16xf32>
        %exp3A_237 = math.exp %neg3A_236 : vector<16xf32>
        %add3A_238 = arith.constant 1.000000e+00 : f32
        %add3A_239 = vector.broadcast %add3A_238 : f32 to vector<16xf32>
        %add3A_240 = arith.addf %add3A_239, %exp3A_237 : vector<16xf32>
        %div3A_241 = arith.divf %add3A_233, %add3A_240 : vector<16xf32>
        %swap3A_242 = arith.index_cast %add3A_122 : i32 to index
        %swap3A_243 = arith.constant 96 : index
        %swap3A_244 = tpu.vector_load %arg22[%swap3A_242, %swap3A_243] {strides = array<i32>} : memref<80x128xf32, #tpu.memory_space<vmem>>, vector<16xf32>,
        tpu.vector_store %arg22[%swap3A_242, %swap3A_243], %div3A_241 {strides = array<i32>} : memref<80x128xf32, #tpu.memory_space<vmem>>, vector<16xf32>,
        %get3A_245 = arith.index_cast %add3A_122 : i32 to index
        %get3A_246 = arith.constant 112 : index
        %get3A_247 = tpu.vector_load %arg22[%get3A_245, %get3A_246] {strides = array<i32>} : memref<80x128xf32, #tpu.memory_space<vmem>>, vector<16xf32>,
        %get3A_248 = arith.index_cast %add3A_122 : i32 to index
        %get3A_249 = arith.constant 112 : index
        %get3A_250 = tpu.vector_load %arg23[%get3A_248, %get3A_249] {strides = array<i32>} : memref<80x128xf32, #tpu.memory_space<vmem>>, vector<16xf32>,
        %add3A_251 = arith.addf %get3A_247, %get3A_250 : vector<16xf32>
        %neg3A_252 = arith.constant 0.000000e+00 : f32
        %neg3A_253 = vector.broadcast %neg3A_252 : f32 to vector<16xf32>
        %neg3A_254 = arith.subf %neg3A_253, %add3A_251 : vector<16xf32>
        %exp3A_255 = math.exp %neg3A_254 : vector<16xf32>
        %add3A_256 = arith.constant 1.000000e+00 : f32
        %add3A_257 = vector.broadcast %add3A_256 : f32 to vector<16xf32>
        %add3A_258 = arith.addf %add3A_257, %exp3A_255 : vector<16xf32>
        %div3A_259 = arith.divf %add3A_251, %add3A_258 : vector<16xf32>
        %swap3A_260 = arith.index_cast %add3A_122 : i32 to index
        %swap3A_261 = arith.constant 112 : index
        %swap3A_262 = tpu.vector_load %arg22[%swap3A_260, %swap3A_261] {strides = array<i32>} : memref<80x128xf32, #tpu.memory_space<vmem>>, vector<16xf32>,
        tpu.vector_store %arg22[%swap3A_260, %swap3A_261], %div3A_259 {strides = array<i32>} : memref<80x128xf32, #tpu.memory_space<vmem>>, vector<16xf32>,
      }
      %scan3A_74 = arith.constant 40 : i32
      %get3A = arith.constant 4960 : index
      %get3A_75 = tpu.vector_load %arg21[%get3A] {strides = array<i32>} : memref<5000xi32, #tpu.memory_space<vmem>>, vector<16xi32>,
      tpu.vector_store_idx %arg24[%get3A_75], %broadcast_in_dim3A_2 {add = true} : memref<10000xf32, #tpu.memory_space<vmem>>[vector<16xi32>], vector<16xf32>,
      %get3A_76 = arith.constant 4976 : index
      %get3A_77 = tpu.vector_load %arg21[%get3A_76] {strides = array<i32>} : memref<5000xi32, #tpu.memory_space<vmem>>, vector<16xi32>,
      tpu.vector_store_idx %arg24[%get3A_77], %broadcast_in_dim3A_2 {add = true} : memref<10000xf32, #tpu.memory_space<vmem>>[vector<16xi32>], vector<16xf32>,
      %get3A_78 = arith.constant 4984 : index
      %get3A_79 = tpu.vector_load %arg21[%get3A_78] {strides = array<i32>} : memref<5000xi32, #tpu.memory_space<vmem>>, vector<16xi32>,
      %ge3A = arith.constant 8 : i32
      %ge3A_80 = vector.broadcast %ge3A : i32 to vector<16xi32>
      %ge3A_81 = arith.cmpi sge, %iota3A, %ge3A_80 : vector<16xi32>
      tpu.vector_store_idx %arg24[%get3A_79], %broadcast_in_dim3A_2 masked %ge3A_81 {add = true} : memref<10000xf32, #tpu.memory_space<vmem>>[vector<16xi32>], vector<16xf32>, vector<16xi1>
      %dma_start3A_82 = arith.constant 0 : i32
      %dma_start3A_83 = arith.constant 0 : i32
      %dma_start3A_84 = tpu.memref_slice %arg22[%dma_start3A_82, %dma_start3A_83] : memref<80x128xf32, #tpu.memory_space<vmem>> -> memref<40x128xf32, #tpu.memory_space<vmem>>
      %dma_start3A_85 = arith.constant 4960 : i32
      %dma_start3A_86 = tpu.memref_slice %arg21[%dma_start3A_85] : memref<5000xi32, #tpu.memory_space<vmem>> -> memref<40xi32, #tpu.memory_space<vmem>>
      %dma_start3A_87 = arith.constant 0 : i32
      %dma_start3A_88 = arith.constant 0 : i32
      %dma_start3A_89 = tpu.memref_slice %arg25[%dma_start3A_87, %dma_start3A_88] : memref<10000x128xf32, #tpu.memory_space<vmem_shared>> -> memref<10000x128xf32, #tpu.memory_space<vmem_shared>>
      tpu.enqueue_indirect_dma source(%dma_start3A_84 : memref<40x128xf32, #tpu.memory_space<vmem>>) target(%dma_start3A_89 : memref<10000x128xf32, #tpu.memory_space<vmem_shared>>) offsets(%dma_start3A_86 : memref<40xi32, #tpu.memory_space<vmem>>) semaphore(%arg28 : memref<!tpu.dma_semaphore, #tpu.memory_space<semaphore_mem>>) {add = true}
      %dma_wait3A_90 = arith.constant 0 : i32
      %dma_wait3A_91 = arith.constant 0 : i32
      %dma_wait3A_92 = tpu.memref_slice %arg22[%dma_wait3A_90, %dma_wait3A_91] : memref<80x128xf32, #tpu.memory_space<vmem>> -> memref<40x128xf32, #tpu.memory_space<vmem>>
      %dma_wait3A_93 = arith.constant 0 : i32
      %dma_wait3A_94 = tpu.memref_slice %arg21[%dma_wait3A_93] : memref<5000xi32, #tpu.memory_space<vmem>> -> memref<40xi32, #tpu.memory_space<vmem>>
      %dma_wait3A_95 = arith.constant 0 : i32
      %dma_wait3A_96 = arith.constant 0 : i32
      %dma_wait3A_97 = tpu.memref_slice %arg25[%dma_wait3A_95, %dma_wait3A_96] : memref<10000x128xf32, #tpu.memory_space<vmem_shared>> -> memref<10000x128xf32, #tpu.memory_space<vmem_shared>>
      tpu.wait_indirect_dma semaphore(%arg28 : memref<!tpu.dma_semaphore, #tpu.memory_space<semaphore_mem>>) src(%dma_wait3A_92 : memref<40x128xf32, #tpu.memory_space<vmem>>) dst(%dma_wait3A_97 : memref<10000x128xf32, #tpu.memory_space<vmem_shared>>)
      %dma_wait3A_98 = arith.constant 40 : i32
      %dma_wait3A_99 = arith.constant 0 : i32
      %dma_wait3A_100 = tpu.memref_slice %arg22[%dma_wait3A_98, %dma_wait3A_99] : memref<80x128xf32, #tpu.memory_space<vmem>> -> memref<40x128xf32, #tpu.memory_space<vmem>>
      %dma_wait3A_101 = arith.constant 0 : i32
      %dma_wait3A_102 = tpu.memref_slice %arg21[%dma_wait3A_101] : memref<5000xi32, #tpu.memory_space<vmem>> -> memref<40xi32, #tpu.memory_space<vmem>>
      %dma_wait3A_103 = arith.constant 0 : i32
      %dma_wait3A_104 = arith.constant 0 : i32
      %dma_wait3A_105 = tpu.memref_slice %arg25[%dma_wait3A_103, %dma_wait3A_104] : memref<10000x128xf32, #tpu.memory_space<vmem_shared>> -> memref<10000x128xf32, #tpu.memory_space<vmem_shared>>
      tpu.wait_indirect_dma semaphore(%arg29 : memref<!tpu.dma_semaphore, #tpu.memory_space<semaphore_mem>>) src(%dma_wait3A_100 : memref<40x128xf32, #tpu.memory_space<vmem>>) dst(%dma_wait3A_105 : memref<10000x128xf32, #tpu.memory_space<vmem_shared>>)
      %barrier3A_106 = arith.constant 0 : index
      tpu.barrier barrier_id(%barrier3A_106)
      %mul3A_107 = arith.constant 624 : i32
      %mul3A_108 = arith.muli %arg1, %mul3A_107 : i32
      %mul3A_109 = arith.constant 624 : i32
      %mul3A_110 = arith.muli %arg1, %mul3A_109 : i32
      "tpu.region"() ({
        %run_scoped3A = tpu.sem_alloc : memref<!tpu.dma_semaphore, #tpu.memory_space<semaphore_mem>>
        %dma_start3A_120 = arith.constant 0 : i32
        %dma_start3A_121 = tpu.memref_slice %arg15[%mul3A_110, %dma_start3A_120] : memref<10000x128xf32, #tpu.memory_space<hbm>> -> memref<624x128xf32, #tpu.memory_space<hbm>>
        %dma_start3A_122 = arith.constant 0 : i32
        %dma_start3A_123 = tpu.memref_slice %arg25[%mul3A_108, %dma_start3A_122] : memref<10000x128xf32, #tpu.memory_space<vmem_shared>> -> memref<624x128xf32, #tpu.memory_space<vmem_shared>>
        tpu.enqueue_dma source(%dma_start3A_123 : memref<624x128xf32, #tpu.memory_space<vmem_shared>>) target(%dma_start3A_121 : memref<624x128xf32, #tpu.memory_space<hbm>>) target_semaphore(%run_scoped3A : memref<!tpu.dma_semaphore, #tpu.memory_space<semaphore_mem>>)
        %dma_wait3A_124 = arith.constant 0 : i32
        %dma_wait3A_125 = tpu.memref_slice %arg15[%mul3A_110, %dma_wait3A_124] : memref<10000x128xf32, #tpu.memory_space<hbm>> -> memref<624x128xf32, #tpu.memory_space<hbm>>
        %dma_wait3A_126 = arith.constant 0 : i32
        %dma_wait3A_127 = tpu.memref_slice %arg25[%mul3A_108, %dma_wait3A_126] : memref<10000x128xf32, #tpu.memory_space<vmem_shared>> -> memref<624x128xf32, #tpu.memory_space<vmem_shared>>
        tpu.wait_dma2 semaphore(%run_scoped3A : memref<!tpu.dma_semaphore, #tpu.memory_space<semaphore_mem>>) src(%dma_wait3A_127 : memref<624x128xf32, #tpu.memory_space<vmem_shared>>) dst(%dma_wait3A_125 : memref<624x128xf32, #tpu.memory_space<hbm>>)
        tpu.yield
      }) : () -> ()
      %eq3A_111 = arith.constant 15 : i32
      %eq3A_112 = arith.cmpi eq, %arg1, %eq3A_111 : i32
      %convert_element_type3A_113 = arith.extui %eq3A_112 : i1 to i32
      %cond3A_114 = arith.constant 0 : i32
      %cond3A_115 = arith.cmpi ne, %convert_element_type3A_113, %cond3A_114 : i32
      scf.if %cond3A_115 {
        "tpu.region"() ({
          %run_scoped3A = tpu.sem_alloc : memref<!tpu.dma_semaphore, #tpu.memory_space<semaphore_mem>>
          %dma_start3A_120 = arith.constant 9984 : i32
          %dma_start3A_121 = arith.constant 0 : i32
          %dma_start3A_122 = tpu.memref_slice %arg15[%dma_start3A_120, %dma_start3A_121] : memref<10000x128xf32, #tpu.memory_space<hbm>> -> memref<16x128xf32, #tpu.memory_space<hbm>>
          %dma_start3A_123 = arith.constant 9984 : i32
          %dma_start3A_124 = arith.constant 0 : i32
          %dma_start3A_125 = tpu.memref_slice %arg25[%dma_start3A_123, %dma_start3A_124] : memref<10000x128xf32, #tpu.memory_space<vmem_shared>> -> memref<16x128xf32, #tpu.memory_space<vmem_shared>>
          tpu.enqueue_dma source(%dma_start3A_125 : memref<16x128xf32, #tpu.memory_space<vmem_shared>>) target(%dma_start3A_122 : memref<16x128xf32, #tpu.memory_space<hbm>>) target_semaphore(%run_scoped3A : memref<!tpu.dma_semaphore, #tpu.memory_space<semaphore_mem>>)
          %dma_wait3A_126 = arith.constant 9984 : i32
          %dma_wait3A_127 = arith.constant 0 : i32
          %dma_wait3A_128 = tpu.memref_slice %arg15[%dma_wait3A_126, %dma_wait3A_127] : memref<10000x128xf32, #tpu.memory_space<hbm>> -> memref<16x128xf32, #tpu.memory_space<hbm>>
          %dma_wait3A_129 = arith.constant 9984 : i32
          %dma_wait3A_130 = arith.constant 0 : i32
          %dma_wait3A_131 = tpu.memref_slice %arg25[%dma_wait3A_129, %dma_wait3A_130] : memref<10000x128xf32, #tpu.memory_space<vmem_shared>> -> memref<16x128xf32, #tpu.memory_space<vmem_shared>>
          tpu.wait_dma2 semaphore(%run_scoped3A : memref<!tpu.dma_semaphore, #tpu.memory_space<semaphore_mem>>) src(%dma_wait3A_131 : memref<16x128xf32, #tpu.memory_space<vmem_shared>>) dst(%dma_wait3A_128 : memref<16x128xf32, #tpu.memory_space<hbm>>)
          tpu.yield
        }) : () -> ()
      } else {
      }
      %add3A = arith.constant 0 : i32
      %add3A_116 = arith.addi %add3A, %arg1 : i32
      %mul3A_117 = arith.constant 10240 : i32
      %mul3A_118 = arith.muli %add3A_116, %mul3A_117 : i32
      "tpu.region"() ({
        %run_scoped3A = tpu.sem_alloc : memref<!tpu.dma_semaphore, #tpu.memory_space<semaphore_mem>>
        %dma_start3A_120 = arith.constant 0 : i32
        %dma_start3A_121 = tpu.memref_slice %arg24[%dma_start3A_120] : memref<10000xf32, #tpu.memory_space<vmem>> -> memref<10000xf32, #tpu.memory_space<vmem>>
        %dma_start3A_122 = tpu.memref_slice %arg19[%mul3A_118] : memref<327680xf32, #tpu.memory_space<hbm>> -> memref<10000xf32, #tpu.memory_space<hbm>>
        %dma_start3A_123 = tpu.memref_slice %arg19[%mul3A_118] : memref<327680xf32, #tpu.memory_space<hbm>> -> memref<10000xf32, #tpu.memory_space<hbm>>
        %dma_start3A_124 = arith.constant 0 : i32
        %dma_start3A_125 = tpu.memref_slice %arg24[%dma_start3A_124] : memref<10000xf32, #tpu.memory_space<vmem>> -> memref<10000xf32, #tpu.memory_space<vmem>>
        tpu.enqueue_dma source(%dma_start3A_125 : memref<10000xf32, #tpu.memory_space<vmem>>) target(%dma_start3A_123 : memref<10000xf32, #tpu.memory_space<hbm>>) target_semaphore(%run_scoped3A : memref<!tpu.dma_semaphore, #tpu.memory_space<semaphore_mem>>)
        %dma_wait3A_126 = arith.constant 0 : i32
        %dma_wait3A_127 = tpu.memref_slice %arg24[%dma_wait3A_126] : memref<10000xf32, #tpu.memory_space<vmem>> -> memref<10000xf32, #tpu.memory_space<vmem>>
        %dma_wait3A_128 = tpu.memref_slice %arg19[%mul3A_118] : memref<327680xf32, #tpu.memory_space<hbm>> -> memref<10000xf32, #tpu.memory_space<hbm>>
        %dma_wait3A_129 = tpu.memref_slice %arg19[%mul3A_118] : memref<327680xf32, #tpu.memory_space<hbm>> -> memref<10000xf32, #tpu.memory_space<hbm>>
        %dma_wait3A_130 = arith.constant 0 : i32
        %dma_wait3A_131 = tpu.memref_slice %arg24[%dma_wait3A_130] : memref<10000xf32, #tpu.memory_space<vmem>> -> memref<10000xf32, #tpu.memory_space<vmem>>
        tpu.wait_dma2 semaphore(%run_scoped3A : memref<!tpu.dma_semaphore, #tpu.memory_space<semaphore_mem>>) src(%dma_wait3A_131 : memref<10000xf32, #tpu.memory_space<vmem>>) dst(%dma_wait3A_129 : memref<10000xf32, #tpu.memory_space<hbm>>)
        tpu.yield
      }) : () -> ()
      %barrier3A_119 = arith.constant 0 : index
      tpu.barrier barrier_id(%barrier3A_119)
    } else {
    }
    %eq3A_5 = arith.constant 1 : i32
    %eq3A_6 = arith.cmpi eq, %arg0, %eq3A_5 : i32
    %convert_element_type3A_7 = arith.extui %eq3A_6 : i1 to i32
    %cond3A_8 = arith.constant 0 : i32
    %cond3A_9 = arith.cmpi ne, %convert_element_type3A_7, %cond3A_8 : i32
    scf.if %cond3A_9 {
      %mul3A = arith.constant 624 : i32
      %mul3A_20 = arith.muli %arg1, %mul3A : i32
      "tpu.region"() ({
        %run_scoped3A = tpu.sem_alloc : memref<!tpu.dma_semaphore, #tpu.memory_space<semaphore_mem>>
        %dma_start3A_104 = arith.constant 0 : i32
        %dma_start3A_105 = tpu.memref_slice %arg25[%mul3A_20, %dma_start3A_104] : memref<10000x128xf32, #tpu.memory_space<vmem_shared>> -> memref<624x128xf32, #tpu.memory_space<vmem_shared>>
        tpu.enqueue_dma source(%arg14 : memref<624x128xf32, #tpu.memory_space<hbm>>) target(%dma_start3A_105 : memref<624x128xf32, #tpu.memory_space<vmem_shared>>) target_semaphore(%run_scoped3A : memref<!tpu.dma_semaphore, #tpu.memory_space<semaphore_mem>>)
        %dma_wait3A_106 = arith.constant 0 : i32
        %dma_wait3A_107 = tpu.memref_slice %arg25[%mul3A_20, %dma_wait3A_106] : memref<10000x128xf32, #tpu.memory_space<vmem_shared>> -> memref<624x128xf32, #tpu.memory_space<vmem_shared>>
        tpu.wait_dma2 semaphore(%run_scoped3A : memref<!tpu.dma_semaphore, #tpu.memory_space<semaphore_mem>>) src(%arg14 : memref<624x128xf32, #tpu.memory_space<hbm>>) dst(%dma_wait3A_107 : memref<624x128xf32, #tpu.memory_space<vmem_shared>>)
        tpu.yield
      }) : () -> ()
      %eq3A_21 = arith.constant 15 : i32
      %eq3A_22 = arith.cmpi eq, %arg1, %eq3A_21 : i32
      %convert_element_type3A_23 = arith.extui %eq3A_22 : i1 to i32
      %cond3A_24 = arith.constant 0 : i32
      %cond3A_25 = arith.cmpi ne, %convert_element_type3A_23, %cond3A_24 : i32
      scf.if %cond3A_25 {
        "tpu.region"() ({
          %run_scoped3A = tpu.sem_alloc : memref<!tpu.dma_semaphore, #tpu.memory_space<semaphore_mem>>
          %dma_start3A_104 = arith.constant 9984 : i32
          %dma_start3A_105 = arith.constant 0 : i32
          %dma_start3A_106 = tpu.memref_slice %arg25[%dma_start3A_104, %dma_start3A_105] : memref<10000x128xf32, #tpu.memory_space<vmem_shared>> -> memref<16x128xf32, #tpu.memory_space<vmem_shared>>
          %dma_start3A_107 = arith.constant 0 : i32
          %dma_start3A_108 = arith.constant 0 : i32
          %dma_start3A_109 = tpu.memref_slice %arg14[%dma_start3A_107, %dma_start3A_108] : memref<624x128xf32, #tpu.memory_space<hbm>> -> memref<16x128xf32, #tpu.memory_space<hbm>>
          tpu.enqueue_dma source(%dma_start3A_109 : memref<16x128xf32, #tpu.memory_space<hbm>>) target(%dma_start3A_106 : memref<16x128xf32, #tpu.memory_space<vmem_shared>>) target_semaphore(%run_scoped3A : memref<!tpu.dma_semaphore, #tpu.memory_space<semaphore_mem>>)
          %dma_wait3A_110 = arith.constant 9984 : i32
          %dma_wait3A_111 = arith.constant 0 : i32
          %dma_wait3A_112 = tpu.memref_slice %arg25[%dma_wait3A_110, %dma_wait3A_111] : memref<10000x128xf32, #tpu.memory_space<vmem_shared>> -> memref<16x128xf32, #tpu.memory_space<vmem_shared>>
          %dma_wait3A_113 = arith.constant 0 : i32
          %dma_wait3A_114 = arith.constant 0 : i32
          %dma_wait3A_115 = tpu.memref_slice %arg14[%dma_wait3A_113, %dma_wait3A_114] : memref<624x128xf32, #tpu.memory_space<hbm>> -> memref<16x128xf32, #tpu.memory_space<hbm>>
          tpu.wait_dma2 semaphore(%run_scoped3A : memref<!tpu.dma_semaphore, #tpu.memory_space<semaphore_mem>>) src(%dma_wait3A_115 : memref<16x128xf32, #tpu.memory_space<hbm>>) dst(%dma_wait3A_112 : memref<16x128xf32, #tpu.memory_space<vmem_shared>>)
          tpu.yield
        }) : () -> ()
      } else {
      }
      %barrier3A = arith.constant 0 : index
      tpu.barrier barrier_id(%barrier3A)
      %mul3A_26 = arith.constant 5000 : i32
      %mul3A_27 = arith.muli %arg1, %mul3A_26 : i32
      %multiple_of3A = tpu.assume_multiple %mul3A_27, 8 : i32
      "tpu.region"() ({
        %run_scoped3A = tpu.sem_alloc : memref<!tpu.dma_semaphore, #tpu.memory_space<semaphore_mem>>
        %dma_start3A_104 = tpu.memref_slice %arg10[%multiple_of3A] : memref<80000xi32, #tpu.memory_space<hbm>> -> memref<5000xi32, #tpu.memory_space<hbm>>
        %dma_start3A_105 = tpu.memref_slice %arg10[%multiple_of3A] : memref<80000xi32, #tpu.memory_space<hbm>> -> memref<5000xi32, #tpu.memory_space<hbm>>
        tpu.enqueue_dma source(%dma_start3A_105 : memref<5000xi32, #tpu.memory_space<hbm>>) target(%arg20 : memref<5000xi32, #tpu.memory_space<vmem>>) target_semaphore(%run_scoped3A : memref<!tpu.dma_semaphore, #tpu.memory_space<semaphore_mem>>)
        %dma_wait3A_106 = tpu.memref_slice %arg10[%multiple_of3A] : memref<80000xi32, #tpu.memory_space<hbm>> -> memref<5000xi32, #tpu.memory_space<hbm>>
        %dma_wait3A_107 = tpu.memref_slice %arg10[%multiple_of3A] : memref<80000xi32, #tpu.memory_space<hbm>> -> memref<5000xi32, #tpu.memory_space<hbm>>
        tpu.wait_dma2 semaphore(%run_scoped3A : memref<!tpu.dma_semaphore, #tpu.memory_space<semaphore_mem>>) src(%dma_wait3A_107 : memref<5000xi32, #tpu.memory_space<hbm>>) dst(%arg20 : memref<5000xi32, #tpu.memory_space<vmem>>)
        tpu.yield
      }) : () -> ()
      "tpu.region"() ({
        %run_scoped3A = tpu.sem_alloc : memref<!tpu.dma_semaphore, #tpu.memory_space<semaphore_mem>>
        %dma_start3A_104 = tpu.memref_slice %arg11[%multiple_of3A] : memref<80000xi32, #tpu.memory_space<hbm>> -> memref<5000xi32, #tpu.memory_space<hbm>>
        %dma_start3A_105 = tpu.memref_slice %arg11[%multiple_of3A] : memref<80000xi32, #tpu.memory_space<hbm>> -> memref<5000xi32, #tpu.memory_space<hbm>>
        tpu.enqueue_dma source(%dma_start3A_105 : memref<5000xi32, #tpu.memory_space<hbm>>) target(%arg21 : memref<5000xi32, #tpu.memory_space<vmem>>) target_semaphore(%run_scoped3A : memref<!tpu.dma_semaphore, #tpu.memory_space<semaphore_mem>>)
        %dma_wait3A_106 = tpu.memref_slice %arg11[%multiple_of3A] : memref<80000xi32, #tpu.memory_space<hbm>> -> memref<5000xi32, #tpu.memory_space<hbm>>
        %dma_wait3A_107 = tpu.memref_slice %arg11[%multiple_of3A] : memref<80000xi32, #tpu.memory_space<hbm>> -> memref<5000xi32, #tpu.memory_space<hbm>>
        tpu.wait_dma2 semaphore(%run_scoped3A : memref<!tpu.dma_semaphore, #tpu.memory_space<semaphore_mem>>) src(%dma_wait3A_107 : memref<5000xi32, #tpu.memory_space<hbm>>) dst(%arg21 : memref<5000xi32, #tpu.memory_space<vmem>>)
        tpu.yield
      }) : () -> ()
      %dma_start3A = arith.constant 0 : i32
      %dma_start3A_28 = arith.constant 0 : i32
      %dma_start3A_29 = tpu.memref_slice %arg22[%dma_start3A, %dma_start3A_28] : memref<80x128xf32, #tpu.memory_space<vmem>> -> memref<40x128xf32, #tpu.memory_space<vmem>>
      %dma_start3A_30 = arith.constant 0 : i32
      %dma_start3A_31 = tpu.memref_slice %arg20[%dma_start3A_30] : memref<5000xi32, #tpu.memory_space<vmem>> -> memref<40xi32, #tpu.memory_space<vmem>>
      %dma_start3A_32 = arith.constant 0 : i32
      %dma_start3A_33 = arith.constant 0 : i32
      %dma_start3A_34 = tpu.memref_slice %arg3[%dma_start3A_32, %dma_start3A_33] : memref<10000x128xf32, #tpu.memory_space<hbm>> -> memref<10000x128xf32, #tpu.memory_space<hbm>>
      tpu.enqueue_indirect_dma source(%dma_start3A_34 : memref<10000x128xf32, #tpu.memory_space<hbm>>) target(%dma_start3A_29 : memref<40x128xf32, #tpu.memory_space<vmem>>) offsets(%dma_start3A_31 : memref<40xi32, #tpu.memory_space<vmem>>) semaphore(%arg26 : memref<!tpu.dma_semaphore, #tpu.memory_space<semaphore_mem>>)
      %dma_start3A_35 = arith.constant 0 : i32
      %dma_start3A_36 = arith.constant 0 : i32
      %dma_start3A_37 = tpu.memref_slice %arg23[%dma_start3A_35, %dma_start3A_36] : memref<80x128xf32, #tpu.memory_space<vmem>> -> memref<40x128xf32, #tpu.memory_space<vmem>>
      %dma_start3A_38 = arith.constant 0 : i32
      %dma_start3A_39 = tpu.memref_slice %arg21[%dma_start3A_38] : memref<5000xi32, #tpu.memory_space<vmem>> -> memref<40xi32, #tpu.memory_space<vmem>>
      %dma_start3A_40 = arith.constant 0 : i32
      %dma_start3A_41 = arith.constant 0 : i32
      %dma_start3A_42 = tpu.memref_slice %arg5[%dma_start3A_40, %dma_start3A_41] : memref<10000x128xf32, #tpu.memory_space<hbm>> -> memref<10000x128xf32, #tpu.memory_space<hbm>>
      tpu.enqueue_indirect_dma source(%dma_start3A_42 : memref<10000x128xf32, #tpu.memory_space<hbm>>) target(%dma_start3A_37 : memref<40x128xf32, #tpu.memory_space<vmem>>) offsets(%dma_start3A_39 : memref<40xi32, #tpu.memory_space<vmem>>) semaphore(%arg26 : memref<!tpu.dma_semaphore, #tpu.memory_space<semaphore_mem>>)
      %scan3A = arith.constant 0 : i32
      %scan3A_43 = arith.constant 0 : i32
      %scan3A_44 = arith.constant 62 : i32
      %scan3A_45 = arith.addi %scan3A_43, %scan3A_44 : i32
      %scan3A_46 = arith.constant 1 : i32
      scf.for %scan3A_104 = %scan3A_43 to %scan3A_45 step %scan3A_46  : i32 {
        %mul3A_105 = arith.constant 2 : i32
        %mul3A_106 = arith.muli %scan3A_104, %mul3A_105 : i32
        %add3A = arith.constant 1 : i32
        %add3A_107 = arith.addi %mul3A_106, %add3A : i32
        %ge3A = arith.constant 2 : i32
        %ge3A_108 = arith.cmpi sge, %add3A_107, %ge3A : i32
        %convert_element_type3A_109 = arith.extui %ge3A_108 : i1 to i32
        %cond3A_110 = arith.constant 0 : i32
        %cond3A_111 = arith.cmpi ne, %convert_element_type3A_109, %cond3A_110 : i32
        scf.if %cond3A_111 {
          %dma_wait3A_215 = arith.constant 40 : i32
          %dma_wait3A_216 = arith.constant 0 : i32
          %dma_wait3A_217 = tpu.memref_slice %arg22[%dma_wait3A_215, %dma_wait3A_216] : memref<80x128xf32, #tpu.memory_space<vmem>> -> memref<40x128xf32, #tpu.memory_space<vmem>>
          %dma_wait3A_218 = arith.constant 0 : i32
          %dma_wait3A_219 = tpu.memref_slice %arg21[%dma_wait3A_218] : memref<5000xi32, #tpu.memory_space<vmem>> -> memref<40xi32, #tpu.memory_space<vmem>>
          %dma_wait3A_220 = arith.constant 0 : i32
          %dma_wait3A_221 = arith.constant 0 : i32
          %dma_wait3A_222 = tpu.memref_slice %arg25[%dma_wait3A_220, %dma_wait3A_221] : memref<10000x128xf32, #tpu.memory_space<vmem_shared>> -> memref<10000x128xf32, #tpu.memory_space<vmem_shared>>
          tpu.wait_indirect_dma semaphore(%arg29 : memref<!tpu.dma_semaphore, #tpu.memory_space<semaphore_mem>>) src(%dma_wait3A_217 : memref<40x128xf32, #tpu.memory_space<vmem>>) dst(%dma_wait3A_222 : memref<10000x128xf32, #tpu.memory_space<vmem_shared>>)
        } else {
        }
        %mul3A_112 = arith.constant 40 : i32
        %mul3A_113 = arith.muli %add3A_107, %mul3A_112 : i32
        %dma_start3A_114 = arith.constant 40 : i32
        %dma_start3A_115 = arith.constant 0 : i32
        %dma_start3A_116 = tpu.memref_slice %arg22[%dma_start3A_114, %dma_start3A_115] : memref<80x128xf32, #tpu.memory_space<vmem>> -> memref<40x128xf32, #tpu.memory_space<vmem>>
        %dma_start3A_117 = tpu.memref_slice %arg20[%mul3A_113] : memref<5000xi32, #tpu.memory_space<vmem>> -> memref<40xi32, #tpu.memory_space<vmem>>
        %dma_start3A_118 = arith.constant 0 : i32
        %dma_start3A_119 = arith.constant 0 : i32
        %dma_start3A_120 = tpu.memref_slice %arg3[%dma_start3A_118, %dma_start3A_119] : memref<10000x128xf32, #tpu.memory_space<hbm>> -> memref<10000x128xf32, #tpu.memory_space<hbm>>
        tpu.enqueue_indirect_dma source(%dma_start3A_120 : memref<10000x128xf32, #tpu.memory_space<hbm>>) target(%dma_start3A_116 : memref<40x128xf32, #tpu.memory_space<vmem>>) offsets(%dma_start3A_117 : memref<40xi32, #tpu.memory_space<vmem>>) semaphore(%arg27 : memref<!tpu.dma_semaphore, #tpu.memory_space<semaphore_mem>>)
        %dma_start3A_121 = arith.constant 40 : i32
        %dma_start3A_122 = arith.constant 0 : i32
        %dma_start3A_123 = tpu.memref_slice %arg23[%dma_start3A_121, %dma_start3A_122] : memref<80x128xf32, #tpu.memory_space<vmem>> -> memref<40x128xf32, #tpu.memory_space<vmem>>
        %dma_start3A_124 = tpu.memref_slice %arg21[%mul3A_113] : memref<5000xi32, #tpu.memory_space<vmem>> -> memref<40xi32, #tpu.memory_space<vmem>>
        %dma_start3A_125 = arith.constant 0 : i32
        %dma_start3A_126 = arith.constant 0 : i32
        %dma_start3A_127 = tpu.memref_slice %arg5[%dma_start3A_125, %dma_start3A_126] : memref<10000x128xf32, #tpu.memory_space<hbm>> -> memref<10000x128xf32, #tpu.memory_space<hbm>>
        tpu.enqueue_indirect_dma source(%dma_start3A_127 : memref<10000x128xf32, #tpu.memory_space<hbm>>) target(%dma_start3A_123 : memref<40x128xf32, #tpu.memory_space<vmem>>) offsets(%dma_start3A_124 : memref<40xi32, #tpu.memory_space<vmem>>) semaphore(%arg27 : memref<!tpu.dma_semaphore, #tpu.memory_space<semaphore_mem>>)
        %mul3A_128 = arith.constant 40 : i32
        %mul3A_129 = arith.muli %mul3A_106, %mul3A_128 : i32
        %dma_wait3A_130 = arith.constant 0 : i32
        %dma_wait3A_131 = arith.constant 0 : i32
        %dma_wait3A_132 = tpu.memref_slice %arg22[%dma_wait3A_130, %dma_wait3A_131] : memref<80x128xf32, #tpu.memory_space<vmem>> -> memref<40x128xf32, #tpu.memory_space<vmem>>
        %dma_wait3A_133 = tpu.memref_slice %arg20[%mul3A_129] : memref<5000xi32, #tpu.memory_space<vmem>> -> memref<40xi32, #tpu.memory_space<vmem>>
        %dma_wait3A_134 = arith.constant 0 : i32
        %dma_wait3A_135 = arith.constant 0 : i32
        %dma_wait3A_136 = tpu.memref_slice %arg3[%dma_wait3A_134, %dma_wait3A_135] : memref<10000x128xf32, #tpu.memory_space<hbm>> -> memref<10000x128xf32, #tpu.memory_space<hbm>>
        tpu.wait_indirect_dma semaphore(%arg26 : memref<!tpu.dma_semaphore, #tpu.memory_space<semaphore_mem>>) src(%dma_wait3A_136 : memref<10000x128xf32, #tpu.memory_space<hbm>>) dst(%dma_wait3A_132 : memref<40x128xf32, #tpu.memory_space<vmem>>)
        %dma_wait3A_137 = arith.constant 0 : i32
        %dma_wait3A_138 = arith.constant 0 : i32
        %dma_wait3A_139 = tpu.memref_slice %arg23[%dma_wait3A_137, %dma_wait3A_138] : memref<80x128xf32, #tpu.memory_space<vmem>> -> memref<40x128xf32, #tpu.memory_space<vmem>>
        %dma_wait3A_140 = tpu.memref_slice %arg21[%mul3A_129] : memref<5000xi32, #tpu.memory_space<vmem>> -> memref<40xi32, #tpu.memory_space<vmem>>
        %dma_wait3A_141 = arith.constant 0 : i32
        %dma_wait3A_142 = arith.constant 0 : i32
        %dma_wait3A_143 = tpu.memref_slice %arg5[%dma_wait3A_141, %dma_wait3A_142] : memref<10000x128xf32, #tpu.memory_space<hbm>> -> memref<10000x128xf32, #tpu.memory_space<hbm>>
        tpu.wait_indirect_dma semaphore(%arg26 : memref<!tpu.dma_semaphore, #tpu.memory_space<semaphore_mem>>) src(%dma_wait3A_143 : memref<10000x128xf32, #tpu.memory_space<hbm>>) dst(%dma_wait3A_139 : memref<40x128xf32, #tpu.memory_space<vmem>>)
        %scan3A_144 = arith.constant 0 : i32
        %scan3A_145 = arith.constant 0 : i32
        %scan3A_146 = arith.constant 40 : i32
        %scan3A_147 = arith.addi %scan3A_145, %scan3A_146 : i32
        %scan3A_148 = arith.constant 1 : i32
        scf.for %scan3A_215 = %scan3A_145 to %scan3A_147 step %scan3A_148  : i32 {
          %add3A_216 = arith.constant 0 : i32
          %add3A_217 = arith.addi %add3A_216, %scan3A_215 : i32
          %get3A = arith.index_cast %add3A_217 : i32 to index
          %get3A_218 = arith.constant 0 : index
          %get3A_219 = tpu.vector_load %arg22[%get3A, %get3A_218] {strides = array<i32>} : memref<80x128xf32, #tpu.memory_space<vmem>>, vector<16xf32>,
          %get3A_220 = arith.index_cast %add3A_217 : i32 to index
          %get3A_221 = arith.constant 0 : index
          %get3A_222 = tpu.vector_load %arg23[%get3A_220, %get3A_221] {strides = array<i32>} : memref<80x128xf32, #tpu.memory_space<vmem>>, vector<16xf32>,
          %add3A_223 = arith.addf %get3A_219, %get3A_222 : vector<16xf32>
          %neg3A = arith.constant 0.000000e+00 : f32
          %neg3A_224 = vector.broadcast %neg3A : f32 to vector<16xf32>
          %neg3A_225 = arith.subf %neg3A_224, %add3A_223 : vector<16xf32>
          %exp3A = math.exp %neg3A_225 : vector<16xf32>
          %add3A_226 = arith.constant 1.000000e+00 : f32
          %add3A_227 = vector.broadcast %add3A_226 : f32 to vector<16xf32>
          %add3A_228 = arith.addf %add3A_227, %exp3A : vector<16xf32>
          %div3A = arith.divf %add3A_223, %add3A_228 : vector<16xf32>
          %swap3A = arith.index_cast %add3A_217 : i32 to index
          %swap3A_229 = arith.constant 0 : index
          %swap3A_230 = tpu.vector_load %arg22[%swap3A, %swap3A_229] {strides = array<i32>} : memref<80x128xf32, #tpu.memory_space<vmem>>, vector<16xf32>,
          tpu.vector_store %arg22[%swap3A, %swap3A_229], %div3A {strides = array<i32>} : memref<80x128xf32, #tpu.memory_space<vmem>>, vector<16xf32>,
          %get3A_231 = arith.index_cast %add3A_217 : i32 to index
          %get3A_232 = arith.constant 16 : index
          %get3A_233 = tpu.vector_load %arg22[%get3A_231, %get3A_232] {strides = array<i32>} : memref<80x128xf32, #tpu.memory_space<vmem>>, vector<16xf32>,
          %get3A_234 = arith.index_cast %add3A_217 : i32 to index
          %get3A_235 = arith.constant 16 : index
          %get3A_236 = tpu.vector_load %arg23[%get3A_234, %get3A_235] {strides = array<i32>} : memref<80x128xf32, #tpu.memory_space<vmem>>, vector<16xf32>,
          %add3A_237 = arith.addf %get3A_233, %get3A_236 : vector<16xf32>
          %neg3A_238 = arith.constant 0.000000e+00 : f32
          %neg3A_239 = vector.broadcast %neg3A_238 : f32 to vector<16xf32>
          %neg3A_240 = arith.subf %neg3A_239, %add3A_237 : vector<16xf32>
          %exp3A_241 = math.exp %neg3A_240 : vector<16xf32>
          %add3A_242 = arith.constant 1.000000e+00 : f32
          %add3A_243 = vector.broadcast %add3A_242 : f32 to vector<16xf32>
          %add3A_244 = arith.addf %add3A_243, %exp3A_241 : vector<16xf32>
          %div3A_245 = arith.divf %add3A_237, %add3A_244 : vector<16xf32>
          %swap3A_246 = arith.index_cast %add3A_217 : i32 to index
          %swap3A_247 = arith.constant 16 : index
          %swap3A_248 = tpu.vector_load %arg22[%swap3A_246, %swap3A_247] {strides = array<i32>} : memref<80x128xf32, #tpu.memory_space<vmem>>, vector<16xf32>,
          tpu.vector_store %arg22[%swap3A_246, %swap3A_247], %div3A_245 {strides = array<i32>} : memref<80x128xf32, #tpu.memory_space<vmem>>, vector<16xf32>,
          %get3A_249 = arith.index_cast %add3A_217 : i32 to index
          %get3A_250 = arith.constant 32 : index
          %get3A_251 = tpu.vector_load %arg22[%get3A_249, %get3A_250] {strides = array<i32>} : memref<80x128xf32, #tpu.memory_space<vmem>>, vector<16xf32>,
          %get3A_252 = arith.index_cast %add3A_217 : i32 to index
          %get3A_253 = arith.constant 32 : index
          %get3A_254 = tpu.vector_load %arg23[%get3A_252, %get3A_253] {strides = array<i32>} : memref<80x128xf32, #tpu.memory_space<vmem>>, vector<16xf32>,
          %add3A_255 = arith.addf %get3A_251, %get3A_254 : vector<16xf32>
          %neg3A_256 = arith.constant 0.000000e+00 : f32
          %neg3A_257 = vector.broadcast %neg3A_256 : f32 to vector<16xf32>
          %neg3A_258 = arith.subf %neg3A_257, %add3A_255 : vector<16xf32>
          %exp3A_259 = math.exp %neg3A_258 : vector<16xf32>
          %add3A_260 = arith.constant 1.000000e+00 : f32
          %add3A_261 = vector.broadcast %add3A_260 : f32 to vector<16xf32>
          %add3A_262 = arith.addf %add3A_261, %exp3A_259 : vector<16xf32>
          %div3A_263 = arith.divf %add3A_255, %add3A_262 : vector<16xf32>
          %swap3A_264 = arith.index_cast %add3A_217 : i32 to index
          %swap3A_265 = arith.constant 32 : index
          %swap3A_266 = tpu.vector_load %arg22[%swap3A_264, %swap3A_265] {strides = array<i32>} : memref<80x128xf32, #tpu.memory_space<vmem>>, vector<16xf32>,
          tpu.vector_store %arg22[%swap3A_264, %swap3A_265], %div3A_263 {strides = array<i32>} : memref<80x128xf32, #tpu.memory_space<vmem>>, vector<16xf32>,
          %get3A_267 = arith.index_cast %add3A_217 : i32 to index
          %get3A_268 = arith.constant 48 : index
          %get3A_269 = tpu.vector_load %arg22[%get3A_267, %get3A_268] {strides = array<i32>} : memref<80x128xf32, #tpu.memory_space<vmem>>, vector<16xf32>,
          %get3A_270 = arith.index_cast %add3A_217 : i32 to index
          %get3A_271 = arith.constant 48 : index
          %get3A_272 = tpu.vector_load %arg23[%get3A_270, %get3A_271] {strides = array<i32>} : memref<80x128xf32, #tpu.memory_space<vmem>>, vector<16xf32>,
          %add3A_273 = arith.addf %get3A_269, %get3A_272 : vector<16xf32>
          %neg3A_274 = arith.constant 0.000000e+00 : f32
          %neg3A_275 = vector.broadcast %neg3A_274 : f32 to vector<16xf32>
          %neg3A_276 = arith.subf %neg3A_275, %add3A_273 : vector<16xf32>
          %exp3A_277 = math.exp %neg3A_276 : vector<16xf32>
          %add3A_278 = arith.constant 1.000000e+00 : f32
          %add3A_279 = vector.broadcast %add3A_278 : f32 to vector<16xf32>
          %add3A_280 = arith.addf %add3A_279, %exp3A_277 : vector<16xf32>
          %div3A_281 = arith.divf %add3A_273, %add3A_280 : vector<16xf32>
          %swap3A_282 = arith.index_cast %add3A_217 : i32 to index
          %swap3A_283 = arith.constant 48 : index
          %swap3A_284 = tpu.vector_load %arg22[%swap3A_282, %swap3A_283] {strides = array<i32>} : memref<80x128xf32, #tpu.memory_space<vmem>>, vector<16xf32>,
          tpu.vector_store %arg22[%swap3A_282, %swap3A_283], %div3A_281 {strides = array<i32>} : memref<80x128xf32, #tpu.memory_space<vmem>>, vector<16xf32>,
          %get3A_285 = arith.index_cast %add3A_217 : i32 to index
          %get3A_286 = arith.constant 64 : index
          %get3A_287 = tpu.vector_load %arg22[%get3A_285, %get3A_286] {strides = array<i32>} : memref<80x128xf32, #tpu.memory_space<vmem>>, vector<16xf32>,
          %get3A_288 = arith.index_cast %add3A_217 : i32 to index
          %get3A_289 = arith.constant 64 : index
          %get3A_290 = tpu.vector_load %arg23[%get3A_288, %get3A_289] {strides = array<i32>} : memref<80x128xf32, #tpu.memory_space<vmem>>, vector<16xf32>,
          %add3A_291 = arith.addf %get3A_287, %get3A_290 : vector<16xf32>
          %neg3A_292 = arith.constant 0.000000e+00 : f32
          %neg3A_293 = vector.broadcast %neg3A_292 : f32 to vector<16xf32>
          %neg3A_294 = arith.subf %neg3A_293, %add3A_291 : vector<16xf32>
          %exp3A_295 = math.exp %neg3A_294 : vector<16xf32>
          %add3A_296 = arith.constant 1.000000e+00 : f32
          %add3A_297 = vector.broadcast %add3A_296 : f32 to vector<16xf32>
          %add3A_298 = arith.addf %add3A_297, %exp3A_295 : vector<16xf32>
          %div3A_299 = arith.divf %add3A_291, %add3A_298 : vector<16xf32>
          %swap3A_300 = arith.index_cast %add3A_217 : i32 to index
          %swap3A_301 = arith.constant 64 : index
          %swap3A_302 = tpu.vector_load %arg22[%swap3A_300, %swap3A_301] {strides = array<i32>} : memref<80x128xf32, #tpu.memory_space<vmem>>, vector<16xf32>,
          tpu.vector_store %arg22[%swap3A_300, %swap3A_301], %div3A_299 {strides = array<i32>} : memref<80x128xf32, #tpu.memory_space<vmem>>, vector<16xf32>,
          %get3A_303 = arith.index_cast %add3A_217 : i32 to index
          %get3A_304 = arith.constant 80 : index
          %get3A_305 = tpu.vector_load %arg22[%get3A_303, %get3A_304] {strides = array<i32>} : memref<80x128xf32, #tpu.memory_space<vmem>>, vector<16xf32>,
          %get3A_306 = arith.index_cast %add3A_217 : i32 to index
          %get3A_307 = arith.constant 80 : index
          %get3A_308 = tpu.vector_load %arg23[%get3A_306, %get3A_307] {strides = array<i32>} : memref<80x128xf32, #tpu.memory_space<vmem>>, vector<16xf32>,
          %add3A_309 = arith.addf %get3A_305, %get3A_308 : vector<16xf32>
          %neg3A_310 = arith.constant 0.000000e+00 : f32
          %neg3A_311 = vector.broadcast %neg3A_310 : f32 to vector<16xf32>
          %neg3A_312 = arith.subf %neg3A_311, %add3A_309 : vector<16xf32>
          %exp3A_313 = math.exp %neg3A_312 : vector<16xf32>
          %add3A_314 = arith.constant 1.000000e+00 : f32
          %add3A_315 = vector.broadcast %add3A_314 : f32 to vector<16xf32>
          %add3A_316 = arith.addf %add3A_315, %exp3A_313 : vector<16xf32>
          %div3A_317 = arith.divf %add3A_309, %add3A_316 : vector<16xf32>
          %swap3A_318 = arith.index_cast %add3A_217 : i32 to index
          %swap3A_319 = arith.constant 80 : index
          %swap3A_320 = tpu.vector_load %arg22[%swap3A_318, %swap3A_319] {strides = array<i32>} : memref<80x128xf32, #tpu.memory_space<vmem>>, vector<16xf32>,
          tpu.vector_store %arg22[%swap3A_318, %swap3A_319], %div3A_317 {strides = array<i32>} : memref<80x128xf32, #tpu.memory_space<vmem>>, vector<16xf32>,
          %get3A_321 = arith.index_cast %add3A_217 : i32 to index
          %get3A_322 = arith.constant 96 : index
          %get3A_323 = tpu.vector_load %arg22[%get3A_321, %get3A_322] {strides = array<i32>} : memref<80x128xf32, #tpu.memory_space<vmem>>, vector<16xf32>,
          %get3A_324 = arith.index_cast %add3A_217 : i32 to index
          %get3A_325 = arith.constant 96 : index
          %get3A_326 = tpu.vector_load %arg23[%get3A_324, %get3A_325] {strides = array<i32>} : memref<80x128xf32, #tpu.memory_space<vmem>>, vector<16xf32>,
          %add3A_327 = arith.addf %get3A_323, %get3A_326 : vector<16xf32>
          %neg3A_328 = arith.constant 0.000000e+00 : f32
          %neg3A_329 = vector.broadcast %neg3A_328 : f32 to vector<16xf32>
          %neg3A_330 = arith.subf %neg3A_329, %add3A_327 : vector<16xf32>
          %exp3A_331 = math.exp %neg3A_330 : vector<16xf32>
          %add3A_332 = arith.constant 1.000000e+00 : f32
          %add3A_333 = vector.broadcast %add3A_332 : f32 to vector<16xf32>
          %add3A_334 = arith.addf %add3A_333, %exp3A_331 : vector<16xf32>
          %div3A_335 = arith.divf %add3A_327, %add3A_334 : vector<16xf32>
          %swap3A_336 = arith.index_cast %add3A_217 : i32 to index
          %swap3A_337 = arith.constant 96 : index
          %swap3A_338 = tpu.vector_load %arg22[%swap3A_336, %swap3A_337] {strides = array<i32>} : memref<80x128xf32, #tpu.memory_space<vmem>>, vector<16xf32>,
          tpu.vector_store %arg22[%swap3A_336, %swap3A_337], %div3A_335 {strides = array<i32>} : memref<80x128xf32, #tpu.memory_space<vmem>>, vector<16xf32>,
          %get3A_339 = arith.index_cast %add3A_217 : i32 to index
          %get3A_340 = arith.constant 112 : index
          %get3A_341 = tpu.vector_load %arg22[%get3A_339, %get3A_340] {strides = array<i32>} : memref<80x128xf32, #tpu.memory_space<vmem>>, vector<16xf32>,
          %get3A_342 = arith.index_cast %add3A_217 : i32 to index
          %get3A_343 = arith.constant 112 : index
          %get3A_344 = tpu.vector_load %arg23[%get3A_342, %get3A_343] {strides = array<i32>} : memref<80x128xf32, #tpu.memory_space<vmem>>, vector<16xf32>,
          %add3A_345 = arith.addf %get3A_341, %get3A_344 : vector<16xf32>
          %neg3A_346 = arith.constant 0.000000e+00 : f32
          %neg3A_347 = vector.broadcast %neg3A_346 : f32 to vector<16xf32>
          %neg3A_348 = arith.subf %neg3A_347, %add3A_345 : vector<16xf32>
          %exp3A_349 = math.exp %neg3A_348 : vector<16xf32>
          %add3A_350 = arith.constant 1.000000e+00 : f32
          %add3A_351 = vector.broadcast %add3A_350 : f32 to vector<16xf32>
          %add3A_352 = arith.addf %add3A_351, %exp3A_349 : vector<16xf32>
          %div3A_353 = arith.divf %add3A_345, %add3A_352 : vector<16xf32>
          %swap3A_354 = arith.index_cast %add3A_217 : i32 to index
          %swap3A_355 = arith.constant 112 : index
          %swap3A_356 = tpu.vector_load %arg22[%swap3A_354, %swap3A_355] {strides = array<i32>} : memref<80x128xf32, #tpu.memory_space<vmem>>, vector<16xf32>,
          tpu.vector_store %arg22[%swap3A_354, %swap3A_355], %div3A_353 {strides = array<i32>} : memref<80x128xf32, #tpu.memory_space<vmem>>, vector<16xf32>,
        }
        %scan3A_149 = arith.constant 40 : i32
        %mul3A_150 = arith.constant 40 : i32
        %mul3A_151 = arith.muli %mul3A_106, %mul3A_150 : i32
        %dma_start3A_152 = arith.constant 0 : i32
        %dma_start3A_153 = arith.constant 0 : i32
        %dma_start3A_154 = tpu.memref_slice %arg22[%dma_start3A_152, %dma_start3A_153] : memref<80x128xf32, #tpu.memory_space<vmem>> -> memref<40x128xf32, #tpu.memory_space<vmem>>
        %dma_start3A_155 = tpu.memref_slice %arg21[%mul3A_151] : memref<5000xi32, #tpu.memory_space<vmem>> -> memref<40xi32, #tpu.memory_space<vmem>>
        %dma_start3A_156 = arith.constant 0 : i32
        %dma_start3A_157 = arith.constant 0 : i32
        %dma_start3A_158 = tpu.memref_slice %arg25[%dma_start3A_156, %dma_start3A_157] : memref<10000x128xf32, #tpu.memory_space<vmem_shared>> -> memref<10000x128xf32, #tpu.memory_space<vmem_shared>>
        tpu.enqueue_indirect_dma source(%dma_start3A_154 : memref<40x128xf32, #tpu.memory_space<vmem>>) target(%dma_start3A_158 : memref<10000x128xf32, #tpu.memory_space<vmem_shared>>) offsets(%dma_start3A_155 : memref<40xi32, #tpu.memory_space<vmem>>) semaphore(%arg28 : memref<!tpu.dma_semaphore, #tpu.memory_space<semaphore_mem>>) {add = true}
        %add3A_159 = arith.constant 2 : i32
        %add3A_160 = arith.addi %mul3A_106, %add3A_159 : i32
        %ge3A_161 = arith.constant 2 : i32
        %ge3A_162 = arith.cmpi sge, %add3A_160, %ge3A_161 : i32
        %convert_element_type3A_163 = arith.extui %ge3A_162 : i1 to i32
        %cond3A_164 = arith.constant 0 : i32
        %cond3A_165 = arith.cmpi ne, %convert_element_type3A_163, %cond3A_164 : i32
        scf.if %cond3A_165 {
          %dma_wait3A_215 = arith.constant 0 : i32
          %dma_wait3A_216 = arith.constant 0 : i32
          %dma_wait3A_217 = tpu.memref_slice %arg22[%dma_wait3A_215, %dma_wait3A_216] : memref<80x128xf32, #tpu.memory_space<vmem>> -> memref<40x128xf32, #tpu.memory_space<vmem>>
          %dma_wait3A_218 = arith.constant 0 : i32
          %dma_wait3A_219 = tpu.memref_slice %arg21[%dma_wait3A_218] : memref<5000xi32, #tpu.memory_space<vmem>> -> memref<40xi32, #tpu.memory_space<vmem>>
          %dma_wait3A_220 = arith.constant 0 : i32
          %dma_wait3A_221 = arith.constant 0 : i32
          %dma_wait3A_222 = tpu.memref_slice %arg25[%dma_wait3A_220, %dma_wait3A_221] : memref<10000x128xf32, #tpu.memory_space<vmem_shared>> -> memref<10000x128xf32, #tpu.memory_space<vmem_shared>>
          tpu.wait_indirect_dma semaphore(%arg28 : memref<!tpu.dma_semaphore, #tpu.memory_space<semaphore_mem>>) src(%dma_wait3A_217 : memref<40x128xf32, #tpu.memory_space<vmem>>) dst(%dma_wait3A_222 : memref<10000x128xf32, #tpu.memory_space<vmem_shared>>)
        } else {
        }
        %mul3A_166 = arith.constant 40 : i32
        %mul3A_167 = arith.muli %add3A_160, %mul3A_166 : i32
        %dma_start3A_168 = arith.constant 0 : i32
        %dma_start3A_169 = arith.constant 0 : i32
        %dma_start3A_170 = tpu.memref_slice %arg22[%dma_start3A_168, %dma_start3A_169] : memref<80x128xf32, #tpu.memory_space<vmem>> -> memref<40x128xf32, #tpu.memory_space<vmem>>
        %dma_start3A_171 = tpu.memref_slice %arg20[%mul3A_167] : memref<5000xi32, #tpu.memory_space<vmem>> -> memref<40xi32, #tpu.memory_space<vmem>>
        %dma_start3A_172 = arith.constant 0 : i32
        %dma_start3A_173 = arith.constant 0 : i32
        %dma_start3A_174 = tpu.memref_slice %arg3[%dma_start3A_172, %dma_start3A_173] : memref<10000x128xf32, #tpu.memory_space<hbm>> -> memref<10000x128xf32, #tpu.memory_space<hbm>>
        tpu.enqueue_indirect_dma source(%dma_start3A_174 : memref<10000x128xf32, #tpu.memory_space<hbm>>) target(%dma_start3A_170 : memref<40x128xf32, #tpu.memory_space<vmem>>) offsets(%dma_start3A_171 : memref<40xi32, #tpu.memory_space<vmem>>) semaphore(%arg26 : memref<!tpu.dma_semaphore, #tpu.memory_space<semaphore_mem>>)
        %dma_start3A_175 = arith.constant 0 : i32
        %dma_start3A_176 = arith.constant 0 : i32
        %dma_start3A_177 = tpu.memref_slice %arg23[%dma_start3A_175, %dma_start3A_176] : memref<80x128xf32, #tpu.memory_space<vmem>> -> memref<40x128xf32, #tpu.memory_space<vmem>>
        %dma_start3A_178 = tpu.memref_slice %arg21[%mul3A_167] : memref<5000xi32, #tpu.memory_space<vmem>> -> memref<40xi32, #tpu.memory_space<vmem>>
        %dma_start3A_179 = arith.constant 0 : i32
        %dma_start3A_180 = arith.constant 0 : i32
        %dma_start3A_181 = tpu.memref_slice %arg5[%dma_start3A_179, %dma_start3A_180] : memref<10000x128xf32, #tpu.memory_space<hbm>> -> memref<10000x128xf32, #tpu.memory_space<hbm>>
        tpu.enqueue_indirect_dma source(%dma_start3A_181 : memref<10000x128xf32, #tpu.memory_space<hbm>>) target(%dma_start3A_177 : memref<40x128xf32, #tpu.memory_space<vmem>>) offsets(%dma_start3A_178 : memref<40xi32, #tpu.memory_space<vmem>>) semaphore(%arg26 : memref<!tpu.dma_semaphore, #tpu.memory_space<semaphore_mem>>)
        %add3A_182 = arith.constant 1 : i32
        %add3A_183 = arith.addi %mul3A_106, %add3A_182 : i32
        %mul3A_184 = arith.constant 40 : i32
        %mul3A_185 = arith.muli %add3A_183, %mul3A_184 : i32
        %dma_wait3A_186 = arith.constant 40 : i32
        %dma_wait3A_187 = arith.constant 0 : i32
        %dma_wait3A_188 = tpu.memref_slice %arg22[%dma_wait3A_186, %dma_wait3A_187] : memref<80x128xf32, #tpu.memory_space<vmem>> -> memref<40x128xf32, #tpu.memory_space<vmem>>
        %dma_wait3A_189 = tpu.memref_slice %arg20[%mul3A_185] : memref<5000xi32, #tpu.memory_space<vmem>> -> memref<40xi32, #tpu.memory_space<vmem>>
        %dma_wait3A_190 = arith.constant 0 : i32
        %dma_wait3A_191 = arith.constant 0 : i32
        %dma_wait3A_192 = tpu.memref_slice %arg3[%dma_wait3A_190, %dma_wait3A_191] : memref<10000x128xf32, #tpu.memory_space<hbm>> -> memref<10000x128xf32, #tpu.memory_space<hbm>>
        tpu.wait_indirect_dma semaphore(%arg27 : memref<!tpu.dma_semaphore, #tpu.memory_space<semaphore_mem>>) src(%dma_wait3A_192 : memref<10000x128xf32, #tpu.memory_space<hbm>>) dst(%dma_wait3A_188 : memref<40x128xf32, #tpu.memory_space<vmem>>)
        %dma_wait3A_193 = arith.constant 40 : i32
        %dma_wait3A_194 = arith.constant 0 : i32
        %dma_wait3A_195 = tpu.memref_slice %arg23[%dma_wait3A_193, %dma_wait3A_194] : memref<80x128xf32, #tpu.memory_space<vmem>> -> memref<40x128xf32, #tpu.memory_space<vmem>>
        %dma_wait3A_196 = tpu.memref_slice %arg21[%mul3A_185] : memref<5000xi32, #tpu.memory_space<vmem>> -> memref<40xi32, #tpu.memory_space<vmem>>
        %dma_wait3A_197 = arith.constant 0 : i32
        %dma_wait3A_198 = arith.constant 0 : i32
        %dma_wait3A_199 = tpu.memref_slice %arg5[%dma_wait3A_197, %dma_wait3A_198] : memref<10000x128xf32, #tpu.memory_space<hbm>> -> memref<10000x128xf32, #tpu.memory_space<hbm>>
        tpu.wait_indirect_dma semaphore(%arg27 : memref<!tpu.dma_semaphore, #tpu.memory_space<semaphore_mem>>) src(%dma_wait3A_199 : memref<10000x128xf32, #tpu.memory_space<hbm>>) dst(%dma_wait3A_195 : memref<40x128xf32, #tpu.memory_space<vmem>>)
        %scan3A_200 = arith.constant 0 : i32
        %scan3A_201 = arith.constant 0 : i32
        %scan3A_202 = arith.constant 40 : i32
        %scan3A_203 = arith.addi %scan3A_201, %scan3A_202 : i32
        %scan3A_204 = arith.constant 1 : i32
        scf.for %scan3A_215 = %scan3A_201 to %scan3A_203 step %scan3A_204  : i32 {
          %add3A_216 = arith.constant 40 : i32
          %add3A_217 = arith.addi %add3A_216, %scan3A_215 : i32
          %get3A = arith.index_cast %add3A_217 : i32 to index
          %get3A_218 = arith.constant 0 : index
          %get3A_219 = tpu.vector_load %arg22[%get3A, %get3A_218] {strides = array<i32>} : memref<80x128xf32, #tpu.memory_space<vmem>>, vector<16xf32>,
          %get3A_220 = arith.index_cast %add3A_217 : i32 to index
          %get3A_221 = arith.constant 0 : index
          %get3A_222 = tpu.vector_load %arg23[%get3A_220, %get3A_221] {strides = array<i32>} : memref<80x128xf32, #tpu.memory_space<vmem>>, vector<16xf32>,
          %add3A_223 = arith.addf %get3A_219, %get3A_222 : vector<16xf32>
          %neg3A = arith.constant 0.000000e+00 : f32
          %neg3A_224 = vector.broadcast %neg3A : f32 to vector<16xf32>
          %neg3A_225 = arith.subf %neg3A_224, %add3A_223 : vector<16xf32>
          %exp3A = math.exp %neg3A_225 : vector<16xf32>
          %add3A_226 = arith.constant 1.000000e+00 : f32
          %add3A_227 = vector.broadcast %add3A_226 : f32 to vector<16xf32>
          %add3A_228 = arith.addf %add3A_227, %exp3A : vector<16xf32>
          %div3A = arith.divf %add3A_223, %add3A_228 : vector<16xf32>
          %swap3A = arith.index_cast %add3A_217 : i32 to index
          %swap3A_229 = arith.constant 0 : index
          %swap3A_230 = tpu.vector_load %arg22[%swap3A, %swap3A_229] {strides = array<i32>} : memref<80x128xf32, #tpu.memory_space<vmem>>, vector<16xf32>,
          tpu.vector_store %arg22[%swap3A, %swap3A_229], %div3A {strides = array<i32>} : memref<80x128xf32, #tpu.memory_space<vmem>>, vector<16xf32>,
          %get3A_231 = arith.index_cast %add3A_217 : i32 to index
          %get3A_232 = arith.constant 16 : index
          %get3A_233 = tpu.vector_load %arg22[%get3A_231, %get3A_232] {strides = array<i32>} : memref<80x128xf32, #tpu.memory_space<vmem>>, vector<16xf32>,
          %get3A_234 = arith.index_cast %add3A_217 : i32 to index
          %get3A_235 = arith.constant 16 : index
          %get3A_236 = tpu.vector_load %arg23[%get3A_234, %get3A_235] {strides = array<i32>} : memref<80x128xf32, #tpu.memory_space<vmem>>, vector<16xf32>,
          %add3A_237 = arith.addf %get3A_233, %get3A_236 : vector<16xf32>
          %neg3A_238 = arith.constant 0.000000e+00 : f32
          %neg3A_239 = vector.broadcast %neg3A_238 : f32 to vector<16xf32>
          %neg3A_240 = arith.subf %neg3A_239, %add3A_237 : vector<16xf32>
          %exp3A_241 = math.exp %neg3A_240 : vector<16xf32>
          %add3A_242 = arith.constant 1.000000e+00 : f32
          %add3A_243 = vector.broadcast %add3A_242 : f32 to vector<16xf32>
          %add3A_244 = arith.addf %add3A_243, %exp3A_241 : vector<16xf32>
          %div3A_245 = arith.divf %add3A_237, %add3A_244 : vector<16xf32>
          %swap3A_246 = arith.index_cast %add3A_217 : i32 to index
          %swap3A_247 = arith.constant 16 : index
          %swap3A_248 = tpu.vector_load %arg22[%swap3A_246, %swap3A_247] {strides = array<i32>} : memref<80x128xf32, #tpu.memory_space<vmem>>, vector<16xf32>,
          tpu.vector_store %arg22[%swap3A_246, %swap3A_247], %div3A_245 {strides = array<i32>} : memref<80x128xf32, #tpu.memory_space<vmem>>, vector<16xf32>,
          %get3A_249 = arith.index_cast %add3A_217 : i32 to index
          %get3A_250 = arith.constant 32 : index
          %get3A_251 = tpu.vector_load %arg22[%get3A_249, %get3A_250] {strides = array<i32>} : memref<80x128xf32, #tpu.memory_space<vmem>>, vector<16xf32>,
          %get3A_252 = arith.index_cast %add3A_217 : i32 to index
          %get3A_253 = arith.constant 32 : index
          %get3A_254 = tpu.vector_load %arg23[%get3A_252, %get3A_253] {strides = array<i32>} : memref<80x128xf32, #tpu.memory_space<vmem>>, vector<16xf32>,
          %add3A_255 = arith.addf %get3A_251, %get3A_254 : vector<16xf32>
          %neg3A_256 = arith.constant 0.000000e+00 : f32
          %neg3A_257 = vector.broadcast %neg3A_256 : f32 to vector<16xf32>
          %neg3A_258 = arith.subf %neg3A_257, %add3A_255 : vector<16xf32>
          %exp3A_259 = math.exp %neg3A_258 : vector<16xf32>
          %add3A_260 = arith.constant 1.000000e+00 : f32
          %add3A_261 = vector.broadcast %add3A_260 : f32 to vector<16xf32>
          %add3A_262 = arith.addf %add3A_261, %exp3A_259 : vector<16xf32>
          %div3A_263 = arith.divf %add3A_255, %add3A_262 : vector<16xf32>
          %swap3A_264 = arith.index_cast %add3A_217 : i32 to index
          %swap3A_265 = arith.constant 32 : index
          %swap3A_266 = tpu.vector_load %arg22[%swap3A_264, %swap3A_265] {strides = array<i32>} : memref<80x128xf32, #tpu.memory_space<vmem>>, vector<16xf32>,
          tpu.vector_store %arg22[%swap3A_264, %swap3A_265], %div3A_263 {strides = array<i32>} : memref<80x128xf32, #tpu.memory_space<vmem>>, vector<16xf32>,
          %get3A_267 = arith.index_cast %add3A_217 : i32 to index
          %get3A_268 = arith.constant 48 : index
          %get3A_269 = tpu.vector_load %arg22[%get3A_267, %get3A_268] {strides = array<i32>} : memref<80x128xf32, #tpu.memory_space<vmem>>, vector<16xf32>,
          %get3A_270 = arith.index_cast %add3A_217 : i32 to index
          %get3A_271 = arith.constant 48 : index
          %get3A_272 = tpu.vector_load %arg23[%get3A_270, %get3A_271] {strides = array<i32>} : memref<80x128xf32, #tpu.memory_space<vmem>>, vector<16xf32>,
          %add3A_273 = arith.addf %get3A_269, %get3A_272 : vector<16xf32>
          %neg3A_274 = arith.constant 0.000000e+00 : f32
          %neg3A_275 = vector.broadcast %neg3A_274 : f32 to vector<16xf32>
          %neg3A_276 = arith.subf %neg3A_275, %add3A_273 : vector<16xf32>
          %exp3A_277 = math.exp %neg3A_276 : vector<16xf32>
          %add3A_278 = arith.constant 1.000000e+00 : f32
          %add3A_279 = vector.broadcast %add3A_278 : f32 to vector<16xf32>
          %add3A_280 = arith.addf %add3A_279, %exp3A_277 : vector<16xf32>
          %div3A_281 = arith.divf %add3A_273, %add3A_280 : vector<16xf32>
          %swap3A_282 = arith.index_cast %add3A_217 : i32 to index
          %swap3A_283 = arith.constant 48 : index
          %swap3A_284 = tpu.vector_load %arg22[%swap3A_282, %swap3A_283] {strides = array<i32>} : memref<80x128xf32, #tpu.memory_space<vmem>>, vector<16xf32>,
          tpu.vector_store %arg22[%swap3A_282, %swap3A_283], %div3A_281 {strides = array<i32>} : memref<80x128xf32, #tpu.memory_space<vmem>>, vector<16xf32>,
          %get3A_285 = arith.index_cast %add3A_217 : i32 to index
          %get3A_286 = arith.constant 64 : index
          %get3A_287 = tpu.vector_load %arg22[%get3A_285, %get3A_286] {strides = array<i32>} : memref<80x128xf32, #tpu.memory_space<vmem>>, vector<16xf32>,
          %get3A_288 = arith.index_cast %add3A_217 : i32 to index
          %get3A_289 = arith.constant 64 : index
          %get3A_290 = tpu.vector_load %arg23[%get3A_288, %get3A_289] {strides = array<i32>} : memref<80x128xf32, #tpu.memory_space<vmem>>, vector<16xf32>,
          %add3A_291 = arith.addf %get3A_287, %get3A_290 : vector<16xf32>
          %neg3A_292 = arith.constant 0.000000e+00 : f32
          %neg3A_293 = vector.broadcast %neg3A_292 : f32 to vector<16xf32>
          %neg3A_294 = arith.subf %neg3A_293, %add3A_291 : vector<16xf32>
          %exp3A_295 = math.exp %neg3A_294 : vector<16xf32>
          %add3A_296 = arith.constant 1.000000e+00 : f32
          %add3A_297 = vector.broadcast %add3A_296 : f32 to vector<16xf32>
          %add3A_298 = arith.addf %add3A_297, %exp3A_295 : vector<16xf32>
          %div3A_299 = arith.divf %add3A_291, %add3A_298 : vector<16xf32>
          %swap3A_300 = arith.index_cast %add3A_217 : i32 to index
          %swap3A_301 = arith.constant 64 : index
          %swap3A_302 = tpu.vector_load %arg22[%swap3A_300, %swap3A_301] {strides = array<i32>} : memref<80x128xf32, #tpu.memory_space<vmem>>, vector<16xf32>,
          tpu.vector_store %arg22[%swap3A_300, %swap3A_301], %div3A_299 {strides = array<i32>} : memref<80x128xf32, #tpu.memory_space<vmem>>, vector<16xf32>,
          %get3A_303 = arith.index_cast %add3A_217 : i32 to index
          %get3A_304 = arith.constant 80 : index
          %get3A_305 = tpu.vector_load %arg22[%get3A_303, %get3A_304] {strides = array<i32>} : memref<80x128xf32, #tpu.memory_space<vmem>>, vector<16xf32>,
          %get3A_306 = arith.index_cast %add3A_217 : i32 to index
          %get3A_307 = arith.constant 80 : index
          %get3A_308 = tpu.vector_load %arg23[%get3A_306, %get3A_307] {strides = array<i32>} : memref<80x128xf32, #tpu.memory_space<vmem>>, vector<16xf32>,
          %add3A_309 = arith.addf %get3A_305, %get3A_308 : vector<16xf32>
          %neg3A_310 = arith.constant 0.000000e+00 : f32
          %neg3A_311 = vector.broadcast %neg3A_310 : f32 to vector<16xf32>
          %neg3A_312 = arith.subf %neg3A_311, %add3A_309 : vector<16xf32>
          %exp3A_313 = math.exp %neg3A_312 : vector<16xf32>
          %add3A_314 = arith.constant 1.000000e+00 : f32
          %add3A_315 = vector.broadcast %add3A_314 : f32 to vector<16xf32>
          %add3A_316 = arith.addf %add3A_315, %exp3A_313 : vector<16xf32>
          %div3A_317 = arith.divf %add3A_309, %add3A_316 : vector<16xf32>
          %swap3A_318 = arith.index_cast %add3A_217 : i32 to index
          %swap3A_319 = arith.constant 80 : index
          %swap3A_320 = tpu.vector_load %arg22[%swap3A_318, %swap3A_319] {strides = array<i32>} : memref<80x128xf32, #tpu.memory_space<vmem>>, vector<16xf32>,
          tpu.vector_store %arg22[%swap3A_318, %swap3A_319], %div3A_317 {strides = array<i32>} : memref<80x128xf32, #tpu.memory_space<vmem>>, vector<16xf32>,
          %get3A_321 = arith.index_cast %add3A_217 : i32 to index
          %get3A_322 = arith.constant 96 : index
          %get3A_323 = tpu.vector_load %arg22[%get3A_321, %get3A_322] {strides = array<i32>} : memref<80x128xf32, #tpu.memory_space<vmem>>, vector<16xf32>,
          %get3A_324 = arith.index_cast %add3A_217 : i32 to index
          %get3A_325 = arith.constant 96 : index
          %get3A_326 = tpu.vector_load %arg23[%get3A_324, %get3A_325] {strides = array<i32>} : memref<80x128xf32, #tpu.memory_space<vmem>>, vector<16xf32>,
          %add3A_327 = arith.addf %get3A_323, %get3A_326 : vector<16xf32>
          %neg3A_328 = arith.constant 0.000000e+00 : f32
          %neg3A_329 = vector.broadcast %neg3A_328 : f32 to vector<16xf32>
          %neg3A_330 = arith.subf %neg3A_329, %add3A_327 : vector<16xf32>
          %exp3A_331 = math.exp %neg3A_330 : vector<16xf32>
          %add3A_332 = arith.constant 1.000000e+00 : f32
          %add3A_333 = vector.broadcast %add3A_332 : f32 to vector<16xf32>
          %add3A_334 = arith.addf %add3A_333, %exp3A_331 : vector<16xf32>
          %div3A_335 = arith.divf %add3A_327, %add3A_334 : vector<16xf32>
          %swap3A_336 = arith.index_cast %add3A_217 : i32 to index
          %swap3A_337 = arith.constant 96 : index
          %swap3A_338 = tpu.vector_load %arg22[%swap3A_336, %swap3A_337] {strides = array<i32>} : memref<80x128xf32, #tpu.memory_space<vmem>>, vector<16xf32>,
          tpu.vector_store %arg22[%swap3A_336, %swap3A_337], %div3A_335 {strides = array<i32>} : memref<80x128xf32, #tpu.memory_space<vmem>>, vector<16xf32>,
          %get3A_339 = arith.index_cast %add3A_217 : i32 to index
          %get3A_340 = arith.constant 112 : index
          %get3A_341 = tpu.vector_load %arg22[%get3A_339, %get3A_340] {strides = array<i32>} : memref<80x128xf32, #tpu.memory_space<vmem>>, vector<16xf32>,
          %get3A_342 = arith.index_cast %add3A_217 : i32 to index
          %get3A_343 = arith.constant 112 : index
          %get3A_344 = tpu.vector_load %arg23[%get3A_342, %get3A_343] {strides = array<i32>} : memref<80x128xf32, #tpu.memory_space<vmem>>, vector<16xf32>,
          %add3A_345 = arith.addf %get3A_341, %get3A_344 : vector<16xf32>
          %neg3A_346 = arith.constant 0.000000e+00 : f32
          %neg3A_347 = vector.broadcast %neg3A_346 : f32 to vector<16xf32>
          %neg3A_348 = arith.subf %neg3A_347, %add3A_345 : vector<16xf32>
          %exp3A_349 = math.exp %neg3A_348 : vector<16xf32>
          %add3A_350 = arith.constant 1.000000e+00 : f32
          %add3A_351 = vector.broadcast %add3A_350 : f32 to vector<16xf32>
          %add3A_352 = arith.addf %add3A_351, %exp3A_349 : vector<16xf32>
          %div3A_353 = arith.divf %add3A_345, %add3A_352 : vector<16xf32>
          %swap3A_354 = arith.index_cast %add3A_217 : i32 to index
          %swap3A_355 = arith.constant 112 : index
          %swap3A_356 = tpu.vector_load %arg22[%swap3A_354, %swap3A_355] {strides = array<i32>} : memref<80x128xf32, #tpu.memory_space<vmem>>, vector<16xf32>,
          tpu.vector_store %arg22[%swap3A_354, %swap3A_355], %div3A_353 {strides = array<i32>} : memref<80x128xf32, #tpu.memory_space<vmem>>, vector<16xf32>,
        }
        %scan3A_205 = arith.constant 40 : i32
        %mul3A_206 = arith.constant 40 : i32
        %mul3A_207 = arith.muli %add3A_183, %mul3A_206 : i32
        %dma_start3A_208 = arith.constant 40 : i32
        %dma_start3A_209 = arith.constant 0 : i32
        %dma_start3A_210 = tpu.memref_slice %arg22[%dma_start3A_208, %dma_start3A_209] : memref<80x128xf32, #tpu.memory_space<vmem>> -> memref<40x128xf32, #tpu.memory_space<vmem>>
        %dma_start3A_211 = tpu.memref_slice %arg21[%mul3A_207] : memref<5000xi32, #tpu.memory_space<vmem>> -> memref<40xi32, #tpu.memory_space<vmem>>
        %dma_start3A_212 = arith.constant 0 : i32
        %dma_start3A_213 = arith.constant 0 : i32
        %dma_start3A_214 = tpu.memref_slice %arg25[%dma_start3A_212, %dma_start3A_213] : memref<10000x128xf32, #tpu.memory_space<vmem_shared>> -> memref<10000x128xf32, #tpu.memory_space<vmem_shared>>
        tpu.enqueue_indirect_dma source(%dma_start3A_210 : memref<40x128xf32, #tpu.memory_space<vmem>>) target(%dma_start3A_214 : memref<10000x128xf32, #tpu.memory_space<vmem_shared>>) offsets(%dma_start3A_211 : memref<40xi32, #tpu.memory_space<vmem>>) semaphore(%arg29 : memref<!tpu.dma_semaphore, #tpu.memory_space<semaphore_mem>>) {add = true}
      }
      %scan3A_47 = arith.constant 62 : i32
      %dma_wait3A = arith.constant 0 : i32
      %dma_wait3A_48 = arith.constant 0 : i32
      %dma_wait3A_49 = tpu.memref_slice %arg22[%dma_wait3A, %dma_wait3A_48] : memref<80x128xf32, #tpu.memory_space<vmem>> -> memref<40x128xf32, #tpu.memory_space<vmem>>
      %dma_wait3A_50 = arith.constant 4960 : i32
      %dma_wait3A_51 = tpu.memref_slice %arg20[%dma_wait3A_50] : memref<5000xi32, #tpu.memory_space<vmem>> -> memref<40xi32, #tpu.memory_space<vmem>>
      %dma_wait3A_52 = arith.constant 0 : i32
      %dma_wait3A_53 = arith.constant 0 : i32
      %dma_wait3A_54 = tpu.memref_slice %arg3[%dma_wait3A_52, %dma_wait3A_53] : memref<10000x128xf32, #tpu.memory_space<hbm>> -> memref<10000x128xf32, #tpu.memory_space<hbm>>
      tpu.wait_indirect_dma semaphore(%arg26 : memref<!tpu.dma_semaphore, #tpu.memory_space<semaphore_mem>>) src(%dma_wait3A_54 : memref<10000x128xf32, #tpu.memory_space<hbm>>) dst(%dma_wait3A_49 : memref<40x128xf32, #tpu.memory_space<vmem>>)
      %dma_wait3A_55 = arith.constant 0 : i32
      %dma_wait3A_56 = arith.constant 0 : i32
      %dma_wait3A_57 = tpu.memref_slice %arg23[%dma_wait3A_55, %dma_wait3A_56] : memref<80x128xf32, #tpu.memory_space<vmem>> -> memref<40x128xf32, #tpu.memory_space<vmem>>
      %dma_wait3A_58 = arith.constant 4960 : i32
      %dma_wait3A_59 = tpu.memref_slice %arg21[%dma_wait3A_58] : memref<5000xi32, #tpu.memory_space<vmem>> -> memref<40xi32, #tpu.memory_space<vmem>>
      %dma_wait3A_60 = arith.constant 0 : i32
      %dma_wait3A_61 = arith.constant 0 : i32
      %dma_wait3A_62 = tpu.memref_slice %arg5[%dma_wait3A_60, %dma_wait3A_61] : memref<10000x128xf32, #tpu.memory_space<hbm>> -> memref<10000x128xf32, #tpu.memory_space<hbm>>
      tpu.wait_indirect_dma semaphore(%arg26 : memref<!tpu.dma_semaphore, #tpu.memory_space<semaphore_mem>>) src(%dma_wait3A_62 : memref<10000x128xf32, #tpu.memory_space<hbm>>) dst(%dma_wait3A_57 : memref<40x128xf32, #tpu.memory_space<vmem>>)
      %scan3A_63 = arith.constant 0 : i32
      %scan3A_64 = arith.constant 0 : i32
      %scan3A_65 = arith.constant 40 : i32
      %scan3A_66 = arith.addi %scan3A_64, %scan3A_65 : i32
      %scan3A_67 = arith.constant 1 : i32
      scf.for %scan3A_104 = %scan3A_64 to %scan3A_66 step %scan3A_67  : i32 {
        %add3A = arith.constant 0 : i32
        %add3A_105 = arith.addi %add3A, %scan3A_104 : i32
        %get3A = arith.index_cast %add3A_105 : i32 to index
        %get3A_106 = arith.constant 0 : index
        %get3A_107 = tpu.vector_load %arg22[%get3A, %get3A_106] {strides = array<i32>} : memref<80x128xf32, #tpu.memory_space<vmem>>, vector<16xf32>,
        %get3A_108 = arith.index_cast %add3A_105 : i32 to index
        %get3A_109 = arith.constant 0 : index
        %get3A_110 = tpu.vector_load %arg23[%get3A_108, %get3A_109] {strides = array<i32>} : memref<80x128xf32, #tpu.memory_space<vmem>>, vector<16xf32>,
        %add3A_111 = arith.addf %get3A_107, %get3A_110 : vector<16xf32>
        %neg3A = arith.constant 0.000000e+00 : f32
        %neg3A_112 = vector.broadcast %neg3A : f32 to vector<16xf32>
        %neg3A_113 = arith.subf %neg3A_112, %add3A_111 : vector<16xf32>
        %exp3A = math.exp %neg3A_113 : vector<16xf32>
        %add3A_114 = arith.constant 1.000000e+00 : f32
        %add3A_115 = vector.broadcast %add3A_114 : f32 to vector<16xf32>
        %add3A_116 = arith.addf %add3A_115, %exp3A : vector<16xf32>
        %div3A = arith.divf %add3A_111, %add3A_116 : vector<16xf32>
        %swap3A = arith.index_cast %add3A_105 : i32 to index
        %swap3A_117 = arith.constant 0 : index
        %swap3A_118 = tpu.vector_load %arg22[%swap3A, %swap3A_117] {strides = array<i32>} : memref<80x128xf32, #tpu.memory_space<vmem>>, vector<16xf32>,
        tpu.vector_store %arg22[%swap3A, %swap3A_117], %div3A {strides = array<i32>} : memref<80x128xf32, #tpu.memory_space<vmem>>, vector<16xf32>,
        %get3A_119 = arith.index_cast %add3A_105 : i32 to index
        %get3A_120 = arith.constant 16 : index
        %get3A_121 = tpu.vector_load %arg22[%get3A_119, %get3A_120] {strides = array<i32>} : memref<80x128xf32, #tpu.memory_space<vmem>>, vector<16xf32>,
        %get3A_122 = arith.index_cast %add3A_105 : i32 to index
        %get3A_123 = arith.constant 16 : index
        %get3A_124 = tpu.vector_load %arg23[%get3A_122, %get3A_123] {strides = array<i32>} : memref<80x128xf32, #tpu.memory_space<vmem>>, vector<16xf32>,
        %add3A_125 = arith.addf %get3A_121, %get3A_124 : vector<16xf32>
        %neg3A_126 = arith.constant 0.000000e+00 : f32
        %neg3A_127 = vector.broadcast %neg3A_126 : f32 to vector<16xf32>
        %neg3A_128 = arith.subf %neg3A_127, %add3A_125 : vector<16xf32>
        %exp3A_129 = math.exp %neg3A_128 : vector<16xf32>
        %add3A_130 = arith.constant 1.000000e+00 : f32
        %add3A_131 = vector.broadcast %add3A_130 : f32 to vector<16xf32>
        %add3A_132 = arith.addf %add3A_131, %exp3A_129 : vector<16xf32>
        %div3A_133 = arith.divf %add3A_125, %add3A_132 : vector<16xf32>
        %swap3A_134 = arith.index_cast %add3A_105 : i32 to index
        %swap3A_135 = arith.constant 16 : index
        %swap3A_136 = tpu.vector_load %arg22[%swap3A_134, %swap3A_135] {strides = array<i32>} : memref<80x128xf32, #tpu.memory_space<vmem>>, vector<16xf32>,
        tpu.vector_store %arg22[%swap3A_134, %swap3A_135], %div3A_133 {strides = array<i32>} : memref<80x128xf32, #tpu.memory_space<vmem>>, vector<16xf32>,
        %get3A_137 = arith.index_cast %add3A_105 : i32 to index
        %get3A_138 = arith.constant 32 : index
        %get3A_139 = tpu.vector_load %arg22[%get3A_137, %get3A_138] {strides = array<i32>} : memref<80x128xf32, #tpu.memory_space<vmem>>, vector<16xf32>,
        %get3A_140 = arith.index_cast %add3A_105 : i32 to index
        %get3A_141 = arith.constant 32 : index
        %get3A_142 = tpu.vector_load %arg23[%get3A_140, %get3A_141] {strides = array<i32>} : memref<80x128xf32, #tpu.memory_space<vmem>>, vector<16xf32>,
        %add3A_143 = arith.addf %get3A_139, %get3A_142 : vector<16xf32>
        %neg3A_144 = arith.constant 0.000000e+00 : f32
        %neg3A_145 = vector.broadcast %neg3A_144 : f32 to vector<16xf32>
        %neg3A_146 = arith.subf %neg3A_145, %add3A_143 : vector<16xf32>
        %exp3A_147 = math.exp %neg3A_146 : vector<16xf32>
        %add3A_148 = arith.constant 1.000000e+00 : f32
        %add3A_149 = vector.broadcast %add3A_148 : f32 to vector<16xf32>
        %add3A_150 = arith.addf %add3A_149, %exp3A_147 : vector<16xf32>
        %div3A_151 = arith.divf %add3A_143, %add3A_150 : vector<16xf32>
        %swap3A_152 = arith.index_cast %add3A_105 : i32 to index
        %swap3A_153 = arith.constant 32 : index
        %swap3A_154 = tpu.vector_load %arg22[%swap3A_152, %swap3A_153] {strides = array<i32>} : memref<80x128xf32, #tpu.memory_space<vmem>>, vector<16xf32>,
        tpu.vector_store %arg22[%swap3A_152, %swap3A_153], %div3A_151 {strides = array<i32>} : memref<80x128xf32, #tpu.memory_space<vmem>>, vector<16xf32>,
        %get3A_155 = arith.index_cast %add3A_105 : i32 to index
        %get3A_156 = arith.constant 48 : index
        %get3A_157 = tpu.vector_load %arg22[%get3A_155, %get3A_156] {strides = array<i32>} : memref<80x128xf32, #tpu.memory_space<vmem>>, vector<16xf32>,
        %get3A_158 = arith.index_cast %add3A_105 : i32 to index
        %get3A_159 = arith.constant 48 : index
        %get3A_160 = tpu.vector_load %arg23[%get3A_158, %get3A_159] {strides = array<i32>} : memref<80x128xf32, #tpu.memory_space<vmem>>, vector<16xf32>,
        %add3A_161 = arith.addf %get3A_157, %get3A_160 : vector<16xf32>
        %neg3A_162 = arith.constant 0.000000e+00 : f32
        %neg3A_163 = vector.broadcast %neg3A_162 : f32 to vector<16xf32>
        %neg3A_164 = arith.subf %neg3A_163, %add3A_161 : vector<16xf32>
        %exp3A_165 = math.exp %neg3A_164 : vector<16xf32>
        %add3A_166 = arith.constant 1.000000e+00 : f32
        %add3A_167 = vector.broadcast %add3A_166 : f32 to vector<16xf32>
        %add3A_168 = arith.addf %add3A_167, %exp3A_165 : vector<16xf32>
        %div3A_169 = arith.divf %add3A_161, %add3A_168 : vector<16xf32>
        %swap3A_170 = arith.index_cast %add3A_105 : i32 to index
        %swap3A_171 = arith.constant 48 : index
        %swap3A_172 = tpu.vector_load %arg22[%swap3A_170, %swap3A_171] {strides = array<i32>} : memref<80x128xf32, #tpu.memory_space<vmem>>, vector<16xf32>,
        tpu.vector_store %arg22[%swap3A_170, %swap3A_171], %div3A_169 {strides = array<i32>} : memref<80x128xf32, #tpu.memory_space<vmem>>, vector<16xf32>,
        %get3A_173 = arith.index_cast %add3A_105 : i32 to index
        %get3A_174 = arith.constant 64 : index
        %get3A_175 = tpu.vector_load %arg22[%get3A_173, %get3A_174] {strides = array<i32>} : memref<80x128xf32, #tpu.memory_space<vmem>>, vector<16xf32>,
        %get3A_176 = arith.index_cast %add3A_105 : i32 to index
        %get3A_177 = arith.constant 64 : index
        %get3A_178 = tpu.vector_load %arg23[%get3A_176, %get3A_177] {strides = array<i32>} : memref<80x128xf32, #tpu.memory_space<vmem>>, vector<16xf32>,
        %add3A_179 = arith.addf %get3A_175, %get3A_178 : vector<16xf32>
        %neg3A_180 = arith.constant 0.000000e+00 : f32
        %neg3A_181 = vector.broadcast %neg3A_180 : f32 to vector<16xf32>
        %neg3A_182 = arith.subf %neg3A_181, %add3A_179 : vector<16xf32>
        %exp3A_183 = math.exp %neg3A_182 : vector<16xf32>
        %add3A_184 = arith.constant 1.000000e+00 : f32
        %add3A_185 = vector.broadcast %add3A_184 : f32 to vector<16xf32>
        %add3A_186 = arith.addf %add3A_185, %exp3A_183 : vector<16xf32>
        %div3A_187 = arith.divf %add3A_179, %add3A_186 : vector<16xf32>
        %swap3A_188 = arith.index_cast %add3A_105 : i32 to index
        %swap3A_189 = arith.constant 64 : index
        %swap3A_190 = tpu.vector_load %arg22[%swap3A_188, %swap3A_189] {strides = array<i32>} : memref<80x128xf32, #tpu.memory_space<vmem>>, vector<16xf32>,
        tpu.vector_store %arg22[%swap3A_188, %swap3A_189], %div3A_187 {strides = array<i32>} : memref<80x128xf32, #tpu.memory_space<vmem>>, vector<16xf32>,
        %get3A_191 = arith.index_cast %add3A_105 : i32 to index
        %get3A_192 = arith.constant 80 : index
        %get3A_193 = tpu.vector_load %arg22[%get3A_191, %get3A_192] {strides = array<i32>} : memref<80x128xf32, #tpu.memory_space<vmem>>, vector<16xf32>,
        %get3A_194 = arith.index_cast %add3A_105 : i32 to index
        %get3A_195 = arith.constant 80 : index
        %get3A_196 = tpu.vector_load %arg23[%get3A_194, %get3A_195] {strides = array<i32>} : memref<80x128xf32, #tpu.memory_space<vmem>>, vector<16xf32>,
        %add3A_197 = arith.addf %get3A_193, %get3A_196 : vector<16xf32>
        %neg3A_198 = arith.constant 0.000000e+00 : f32
        %neg3A_199 = vector.broadcast %neg3A_198 : f32 to vector<16xf32>
        %neg3A_200 = arith.subf %neg3A_199, %add3A_197 : vector<16xf32>
        %exp3A_201 = math.exp %neg3A_200 : vector<16xf32>
        %add3A_202 = arith.constant 1.000000e+00 : f32
        %add3A_203 = vector.broadcast %add3A_202 : f32 to vector<16xf32>
        %add3A_204 = arith.addf %add3A_203, %exp3A_201 : vector<16xf32>
        %div3A_205 = arith.divf %add3A_197, %add3A_204 : vector<16xf32>
        %swap3A_206 = arith.index_cast %add3A_105 : i32 to index
        %swap3A_207 = arith.constant 80 : index
        %swap3A_208 = tpu.vector_load %arg22[%swap3A_206, %swap3A_207] {strides = array<i32>} : memref<80x128xf32, #tpu.memory_space<vmem>>, vector<16xf32>,
        tpu.vector_store %arg22[%swap3A_206, %swap3A_207], %div3A_205 {strides = array<i32>} : memref<80x128xf32, #tpu.memory_space<vmem>>, vector<16xf32>,
        %get3A_209 = arith.index_cast %add3A_105 : i32 to index
        %get3A_210 = arith.constant 96 : index
        %get3A_211 = tpu.vector_load %arg22[%get3A_209, %get3A_210] {strides = array<i32>} : memref<80x128xf32, #tpu.memory_space<vmem>>, vector<16xf32>,
        %get3A_212 = arith.index_cast %add3A_105 : i32 to index
        %get3A_213 = arith.constant 96 : index
        %get3A_214 = tpu.vector_load %arg23[%get3A_212, %get3A_213] {strides = array<i32>} : memref<80x128xf32, #tpu.memory_space<vmem>>, vector<16xf32>,
        %add3A_215 = arith.addf %get3A_211, %get3A_214 : vector<16xf32>
        %neg3A_216 = arith.constant 0.000000e+00 : f32
        %neg3A_217 = vector.broadcast %neg3A_216 : f32 to vector<16xf32>
        %neg3A_218 = arith.subf %neg3A_217, %add3A_215 : vector<16xf32>
        %exp3A_219 = math.exp %neg3A_218 : vector<16xf32>
        %add3A_220 = arith.constant 1.000000e+00 : f32
        %add3A_221 = vector.broadcast %add3A_220 : f32 to vector<16xf32>
        %add3A_222 = arith.addf %add3A_221, %exp3A_219 : vector<16xf32>
        %div3A_223 = arith.divf %add3A_215, %add3A_222 : vector<16xf32>
        %swap3A_224 = arith.index_cast %add3A_105 : i32 to index
        %swap3A_225 = arith.constant 96 : index
        %swap3A_226 = tpu.vector_load %arg22[%swap3A_224, %swap3A_225] {strides = array<i32>} : memref<80x128xf32, #tpu.memory_space<vmem>>, vector<16xf32>,
        tpu.vector_store %arg22[%swap3A_224, %swap3A_225], %div3A_223 {strides = array<i32>} : memref<80x128xf32, #tpu.memory_space<vmem>>, vector<16xf32>,
        %get3A_227 = arith.index_cast %add3A_105 : i32 to index
        %get3A_228 = arith.constant 112 : index
        %get3A_229 = tpu.vector_load %arg22[%get3A_227, %get3A_228] {strides = array<i32>} : memref<80x128xf32, #tpu.memory_space<vmem>>, vector<16xf32>,
        %get3A_230 = arith.index_cast %add3A_105 : i32 to index
        %get3A_231 = arith.constant 112 : index
        %get3A_232 = tpu.vector_load %arg23[%get3A_230, %get3A_231] {strides = array<i32>} : memref<80x128xf32, #tpu.memory_space<vmem>>, vector<16xf32>,
        %add3A_233 = arith.addf %get3A_229, %get3A_232 : vector<16xf32>
        %neg3A_234 = arith.constant 0.000000e+00 : f32
        %neg3A_235 = vector.broadcast %neg3A_234 : f32 to vector<16xf32>
        %neg3A_236 = arith.subf %neg3A_235, %add3A_233 : vector<16xf32>
        %exp3A_237 = math.exp %neg3A_236 : vector<16xf32>
        %add3A_238 = arith.constant 1.000000e+00 : f32
        %add3A_239 = vector.broadcast %add3A_238 : f32 to vector<16xf32>
        %add3A_240 = arith.addf %add3A_239, %exp3A_237 : vector<16xf32>
        %div3A_241 = arith.divf %add3A_233, %add3A_240 : vector<16xf32>
        %swap3A_242 = arith.index_cast %add3A_105 : i32 to index
        %swap3A_243 = arith.constant 112 : index
        %swap3A_244 = tpu.vector_load %arg22[%swap3A_242, %swap3A_243] {strides = array<i32>} : memref<80x128xf32, #tpu.memory_space<vmem>>, vector<16xf32>,
        tpu.vector_store %arg22[%swap3A_242, %swap3A_243], %div3A_241 {strides = array<i32>} : memref<80x128xf32, #tpu.memory_space<vmem>>, vector<16xf32>,
      }
      %scan3A_68 = arith.constant 40 : i32
      %dma_start3A_69 = arith.constant 0 : i32
      %dma_start3A_70 = arith.constant 0 : i32
      %dma_start3A_71 = tpu.memref_slice %arg22[%dma_start3A_69, %dma_start3A_70] : memref<80x128xf32, #tpu.memory_space<vmem>> -> memref<40x128xf32, #tpu.memory_space<vmem>>
      %dma_start3A_72 = arith.constant 4960 : i32
      %dma_start3A_73 = tpu.memref_slice %arg21[%dma_start3A_72] : memref<5000xi32, #tpu.memory_space<vmem>> -> memref<40xi32, #tpu.memory_space<vmem>>
      %dma_start3A_74 = arith.constant 0 : i32
      %dma_start3A_75 = arith.constant 0 : i32
      %dma_start3A_76 = tpu.memref_slice %arg25[%dma_start3A_74, %dma_start3A_75] : memref<10000x128xf32, #tpu.memory_space<vmem_shared>> -> memref<10000x128xf32, #tpu.memory_space<vmem_shared>>
      tpu.enqueue_indirect_dma source(%dma_start3A_71 : memref<40x128xf32, #tpu.memory_space<vmem>>) target(%dma_start3A_76 : memref<10000x128xf32, #tpu.memory_space<vmem_shared>>) offsets(%dma_start3A_73 : memref<40xi32, #tpu.memory_space<vmem>>) semaphore(%arg28 : memref<!tpu.dma_semaphore, #tpu.memory_space<semaphore_mem>>) {add = true}
      %dma_wait3A_77 = arith.constant 0 : i32
      %dma_wait3A_78 = arith.constant 0 : i32
      %dma_wait3A_79 = tpu.memref_slice %arg22[%dma_wait3A_77, %dma_wait3A_78] : memref<80x128xf32, #tpu.memory_space<vmem>> -> memref<40x128xf32, #tpu.memory_space<vmem>>
      %dma_wait3A_80 = arith.constant 0 : i32
      %dma_wait3A_81 = tpu.memref_slice %arg21[%dma_wait3A_80] : memref<5000xi32, #tpu.memory_space<vmem>> -> memref<40xi32, #tpu.memory_space<vmem>>
      %dma_wait3A_82 = arith.constant 0 : i32
      %dma_wait3A_83 = arith.constant 0 : i32
      %dma_wait3A_84 = tpu.memref_slice %arg25[%dma_wait3A_82, %dma_wait3A_83] : memref<10000x128xf32, #tpu.memory_space<vmem_shared>> -> memref<10000x128xf32, #tpu.memory_space<vmem_shared>>
      tpu.wait_indirect_dma semaphore(%arg28 : memref<!tpu.dma_semaphore, #tpu.memory_space<semaphore_mem>>) src(%dma_wait3A_79 : memref<40x128xf32, #tpu.memory_space<vmem>>) dst(%dma_wait3A_84 : memref<10000x128xf32, #tpu.memory_space<vmem_shared>>)
      %dma_wait3A_85 = arith.constant 40 : i32
      %dma_wait3A_86 = arith.constant 0 : i32
      %dma_wait3A_87 = tpu.memref_slice %arg22[%dma_wait3A_85, %dma_wait3A_86] : memref<80x128xf32, #tpu.memory_space<vmem>> -> memref<40x128xf32, #tpu.memory_space<vmem>>
      %dma_wait3A_88 = arith.constant 0 : i32
      %dma_wait3A_89 = tpu.memref_slice %arg21[%dma_wait3A_88] : memref<5000xi32, #tpu.memory_space<vmem>> -> memref<40xi32, #tpu.memory_space<vmem>>
      %dma_wait3A_90 = arith.constant 0 : i32
      %dma_wait3A_91 = arith.constant 0 : i32
      %dma_wait3A_92 = tpu.memref_slice %arg25[%dma_wait3A_90, %dma_wait3A_91] : memref<10000x128xf32, #tpu.memory_space<vmem_shared>> -> memref<10000x128xf32, #tpu.memory_space<vmem_shared>>
      tpu.wait_indirect_dma semaphore(%arg29 : memref<!tpu.dma_semaphore, #tpu.memory_space<semaphore_mem>>) src(%dma_wait3A_87 : memref<40x128xf32, #tpu.memory_space<vmem>>) dst(%dma_wait3A_92 : memref<10000x128xf32, #tpu.memory_space<vmem_shared>>)
      %barrier3A_93 = arith.constant 0 : index
      tpu.barrier barrier_id(%barrier3A_93)
      %mul3A_94 = arith.constant 624 : i32
      %mul3A_95 = arith.muli %arg1, %mul3A_94 : i32
      %mul3A_96 = arith.constant 624 : i32
      %mul3A_97 = arith.muli %arg1, %mul3A_96 : i32
      "tpu.region"() ({
        %run_scoped3A = tpu.sem_alloc : memref<!tpu.dma_semaphore, #tpu.memory_space<semaphore_mem>>
        %dma_start3A_104 = arith.constant 0 : i32
        %dma_start3A_105 = tpu.memref_slice %arg16[%mul3A_97, %dma_start3A_104] : memref<10000x128xf32, #tpu.memory_space<hbm>> -> memref<624x128xf32, #tpu.memory_space<hbm>>
        %dma_start3A_106 = arith.constant 0 : i32
        %dma_start3A_107 = tpu.memref_slice %arg25[%mul3A_95, %dma_start3A_106] : memref<10000x128xf32, #tpu.memory_space<vmem_shared>> -> memref<624x128xf32, #tpu.memory_space<vmem_shared>>
        tpu.enqueue_dma source(%dma_start3A_107 : memref<624x128xf32, #tpu.memory_space<vmem_shared>>) target(%dma_start3A_105 : memref<624x128xf32, #tpu.memory_space<hbm>>) target_semaphore(%run_scoped3A : memref<!tpu.dma_semaphore, #tpu.memory_space<semaphore_mem>>)
        %dma_wait3A_108 = arith.constant 0 : i32
        %dma_wait3A_109 = tpu.memref_slice %arg16[%mul3A_97, %dma_wait3A_108] : memref<10000x128xf32, #tpu.memory_space<hbm>> -> memref<624x128xf32, #tpu.memory_space<hbm>>
        %dma_wait3A_110 = arith.constant 0 : i32
        %dma_wait3A_111 = tpu.memref_slice %arg25[%mul3A_95, %dma_wait3A_110] : memref<10000x128xf32, #tpu.memory_space<vmem_shared>> -> memref<624x128xf32, #tpu.memory_space<vmem_shared>>
        tpu.wait_dma2 semaphore(%run_scoped3A : memref<!tpu.dma_semaphore, #tpu.memory_space<semaphore_mem>>) src(%dma_wait3A_111 : memref<624x128xf32, #tpu.memory_space<vmem_shared>>) dst(%dma_wait3A_109 : memref<624x128xf32, #tpu.memory_space<hbm>>)
        tpu.yield
      }) : () -> ()
      %eq3A_98 = arith.constant 15 : i32
      %eq3A_99 = arith.cmpi eq, %arg1, %eq3A_98 : i32
      %convert_element_type3A_100 = arith.extui %eq3A_99 : i1 to i32
      %cond3A_101 = arith.constant 0 : i32
      %cond3A_102 = arith.cmpi ne, %convert_element_type3A_100, %cond3A_101 : i32
      scf.if %cond3A_102 {
        "tpu.region"() ({
          %run_scoped3A = tpu.sem_alloc : memref<!tpu.dma_semaphore, #tpu.memory_space<semaphore_mem>>
          %dma_start3A_104 = arith.constant 9984 : i32
          %dma_start3A_105 = arith.constant 0 : i32
          %dma_start3A_106 = tpu.memref_slice %arg16[%dma_start3A_104, %dma_start3A_105] : memref<10000x128xf32, #tpu.memory_space<hbm>> -> memref<16x128xf32, #tpu.memory_space<hbm>>
          %dma_start3A_107 = arith.constant 9984 : i32
          %dma_start3A_108 = arith.constant 0 : i32
          %dma_start3A_109 = tpu.memref_slice %arg25[%dma_start3A_107, %dma_start3A_108] : memref<10000x128xf32, #tpu.memory_space<vmem_shared>> -> memref<16x128xf32, #tpu.memory_space<vmem_shared>>
          tpu.enqueue_dma source(%dma_start3A_109 : memref<16x128xf32, #tpu.memory_space<vmem_shared>>) target(%dma_start3A_106 : memref<16x128xf32, #tpu.memory_space<hbm>>) target_semaphore(%run_scoped3A : memref<!tpu.dma_semaphore, #tpu.memory_space<semaphore_mem>>)
          %dma_wait3A_110 = arith.constant 9984 : i32
          %dma_wait3A_111 = arith.constant 0 : i32
          %dma_wait3A_112 = tpu.memref_slice %arg16[%dma_wait3A_110, %dma_wait3A_111] : memref<10000x128xf32, #tpu.memory_space<hbm>> -> memref<16x128xf32, #tpu.memory_space<hbm>>
          %dma_wait3A_113 = arith.constant 9984 : i32
          %dma_wait3A_114 = arith.constant 0 : i32
          %dma_wait3A_115 = tpu.memref_slice %arg25[%dma_wait3A_113, %dma_wait3A_114] : memref<10000x128xf32, #tpu.memory_space<vmem_shared>> -> memref<16x128xf32, #tpu.memory_space<vmem_shared>>
          tpu.wait_dma2 semaphore(%run_scoped3A : memref<!tpu.dma_semaphore, #tpu.memory_space<semaphore_mem>>) src(%dma_wait3A_115 : memref<16x128xf32, #tpu.memory_space<vmem_shared>>) dst(%dma_wait3A_112 : memref<16x128xf32, #tpu.memory_space<hbm>>)
          tpu.yield
        }) : () -> ()
      } else {
      }
      %barrier3A_103 = arith.constant 0 : index
      tpu.barrier barrier_id(%barrier3A_103)
    } else {
    }
    %eq3A_10 = arith.constant 0 : i32
    %eq3A_11 = arith.cmpi eq, %arg0, %eq3A_10 : i32
    %convert_element_type3A_12 = arith.extui %eq3A_11 : i1 to i32
    %cond3A_13 = arith.constant 0 : i32
    %cond3A_14 = arith.cmpi ne, %convert_element_type3A_12, %cond3A_13 : i32
    scf.if %cond3A_14 {
      %mul3A = arith.constant 624 : i32
      %mul3A_20 = arith.muli %arg1, %mul3A : i32
      "tpu.region"() ({
        %run_scoped3A = tpu.sem_alloc : memref<!tpu.dma_semaphore, #tpu.memory_space<semaphore_mem>>
        %dma_start3A_120 = arith.constant 0 : i32
        %dma_start3A_121 = tpu.memref_slice %arg25[%mul3A_20, %dma_start3A_120] : memref<10000x128xf32, #tpu.memory_space<vmem_shared>> -> memref<624x128xf32, #tpu.memory_space<vmem_shared>>
        tpu.enqueue_dma source(%arg14 : memref<624x128xf32, #tpu.memory_space<hbm>>) target(%dma_start3A_121 : memref<624x128xf32, #tpu.memory_space<vmem_shared>>) target_semaphore(%run_scoped3A : memref<!tpu.dma_semaphore, #tpu.memory_space<semaphore_mem>>)
        %dma_wait3A_122 = arith.constant 0 : i32
        %dma_wait3A_123 = tpu.memref_slice %arg25[%mul3A_20, %dma_wait3A_122] : memref<10000x128xf32, #tpu.memory_space<vmem_shared>> -> memref<624x128xf32, #tpu.memory_space<vmem_shared>>
        tpu.wait_dma2 semaphore(%run_scoped3A : memref<!tpu.dma_semaphore, #tpu.memory_space<semaphore_mem>>) src(%arg14 : memref<624x128xf32, #tpu.memory_space<hbm>>) dst(%dma_wait3A_123 : memref<624x128xf32, #tpu.memory_space<vmem_shared>>)
        tpu.yield
      }) : () -> ()
      %eq3A_21 = arith.constant 15 : i32
      %eq3A_22 = arith.cmpi eq, %arg1, %eq3A_21 : i32
      %convert_element_type3A_23 = arith.extui %eq3A_22 : i1 to i32
      %cond3A_24 = arith.constant 0 : i32
      %cond3A_25 = arith.cmpi ne, %convert_element_type3A_23, %cond3A_24 : i32
      scf.if %cond3A_25 {
        "tpu.region"() ({
          %run_scoped3A = tpu.sem_alloc : memref<!tpu.dma_semaphore, #tpu.memory_space<semaphore_mem>>
          %dma_start3A_120 = arith.constant 9984 : i32
          %dma_start3A_121 = arith.constant 0 : i32
          %dma_start3A_122 = tpu.memref_slice %arg25[%dma_start3A_120, %dma_start3A_121] : memref<10000x128xf32, #tpu.memory_space<vmem_shared>> -> memref<16x128xf32, #tpu.memory_space<vmem_shared>>
          %dma_start3A_123 = arith.constant 0 : i32
          %dma_start3A_124 = arith.constant 0 : i32
          %dma_start3A_125 = tpu.memref_slice %arg14[%dma_start3A_123, %dma_start3A_124] : memref<624x128xf32, #tpu.memory_space<hbm>> -> memref<16x128xf32, #tpu.memory_space<hbm>>
          tpu.enqueue_dma source(%dma_start3A_125 : memref<16x128xf32, #tpu.memory_space<hbm>>) target(%dma_start3A_122 : memref<16x128xf32, #tpu.memory_space<vmem_shared>>) target_semaphore(%run_scoped3A : memref<!tpu.dma_semaphore, #tpu.memory_space<semaphore_mem>>)
          %dma_wait3A_126 = arith.constant 9984 : i32
          %dma_wait3A_127 = arith.constant 0 : i32
          %dma_wait3A_128 = tpu.memref_slice %arg25[%dma_wait3A_126, %dma_wait3A_127] : memref<10000x128xf32, #tpu.memory_space<vmem_shared>> -> memref<16x128xf32, #tpu.memory_space<vmem_shared>>
          %dma_wait3A_129 = arith.constant 0 : i32
          %dma_wait3A_130 = arith.constant 0 : i32
          %dma_wait3A_131 = tpu.memref_slice %arg14[%dma_wait3A_129, %dma_wait3A_130] : memref<624x128xf32, #tpu.memory_space<hbm>> -> memref<16x128xf32, #tpu.memory_space<hbm>>
          tpu.wait_dma2 semaphore(%run_scoped3A : memref<!tpu.dma_semaphore, #tpu.memory_space<semaphore_mem>>) src(%dma_wait3A_131 : memref<16x128xf32, #tpu.memory_space<hbm>>) dst(%dma_wait3A_128 : memref<16x128xf32, #tpu.memory_space<vmem_shared>>)
          tpu.yield
        }) : () -> ()
      } else {
      }
      %scan3A = arith.constant 0 : i32
      %scan3A_26 = arith.constant 0 : i32
      %scan3A_27 = arith.constant 625 : i32
      %scan3A_28 = arith.addi %scan3A_26, %scan3A_27 : i32
      %scan3A_29 = arith.constant 1 : i32
      scf.for %scan3A_120 = %scan3A_26 to %scan3A_28 step %scan3A_29  : i32 {
        %mul3A_121 = arith.constant 16 : i32
        %mul3A_122 = arith.muli %scan3A_120, %mul3A_121 : i32
        %swap3A = arith.index_cast %mul3A_122 : i32 to index
        %swap3A_123 = tpu.vector_load %arg24[%swap3A] {strides = array<i32>} : memref<10000xf32, #tpu.memory_space<vmem>>, vector<16xf32>,
        tpu.vector_store %arg24[%swap3A], %broadcast_in_dim3A_0 {strides = array<i32>} : memref<10000xf32, #tpu.memory_space<vmem>>, vector<16xf32>,
      }
      %scan3A_30 = arith.constant 625 : i32
      %barrier3A = arith.constant 0 : index
      tpu.barrier barrier_id(%barrier3A)
      %mul3A_31 = arith.constant 5000 : i32
      %mul3A_32 = arith.muli %arg1, %mul3A_31 : i32
      %multiple_of3A = tpu.assume_multiple %mul3A_32, 8 : i32
      "tpu.region"() ({
        %run_scoped3A = tpu.sem_alloc : memref<!tpu.dma_semaphore, #tpu.memory_space<semaphore_mem>>
        %dma_start3A_120 = tpu.memref_slice %arg12[%multiple_of3A] : memref<80000xi32, #tpu.memory_space<hbm>> -> memref<5000xi32, #tpu.memory_space<hbm>>
        %dma_start3A_121 = tpu.memref_slice %arg12[%multiple_of3A] : memref<80000xi32, #tpu.memory_space<hbm>> -> memref<5000xi32, #tpu.memory_space<hbm>>
        tpu.enqueue_dma source(%dma_start3A_121 : memref<5000xi32, #tpu.memory_space<hbm>>) target(%arg20 : memref<5000xi32, #tpu.memory_space<vmem>>) target_semaphore(%run_scoped3A : memref<!tpu.dma_semaphore, #tpu.memory_space<semaphore_mem>>)
        %dma_wait3A_122 = tpu.memref_slice %arg12[%multiple_of3A] : memref<80000xi32, #tpu.memory_space<hbm>> -> memref<5000xi32, #tpu.memory_space<hbm>>
        %dma_wait3A_123 = tpu.memref_slice %arg12[%multiple_of3A] : memref<80000xi32, #tpu.memory_space<hbm>> -> memref<5000xi32, #tpu.memory_space<hbm>>
        tpu.wait_dma2 semaphore(%run_scoped3A : memref<!tpu.dma_semaphore, #tpu.memory_space<semaphore_mem>>) src(%dma_wait3A_123 : memref<5000xi32, #tpu.memory_space<hbm>>) dst(%arg20 : memref<5000xi32, #tpu.memory_space<vmem>>)
        tpu.yield
      }) : () -> ()
      "tpu.region"() ({
        %run_scoped3A = tpu.sem_alloc : memref<!tpu.dma_semaphore, #tpu.memory_space<semaphore_mem>>
        %dma_start3A_120 = tpu.memref_slice %arg13[%multiple_of3A] : memref<80000xi32, #tpu.memory_space<hbm>> -> memref<5000xi32, #tpu.memory_space<hbm>>
        %dma_start3A_121 = tpu.memref_slice %arg13[%multiple_of3A] : memref<80000xi32, #tpu.memory_space<hbm>> -> memref<5000xi32, #tpu.memory_space<hbm>>
        tpu.enqueue_dma source(%dma_start3A_121 : memref<5000xi32, #tpu.memory_space<hbm>>) target(%arg21 : memref<5000xi32, #tpu.memory_space<vmem>>) target_semaphore(%run_scoped3A : memref<!tpu.dma_semaphore, #tpu.memory_space<semaphore_mem>>)
        %dma_wait3A_122 = tpu.memref_slice %arg13[%multiple_of3A] : memref<80000xi32, #tpu.memory_space<hbm>> -> memref<5000xi32, #tpu.memory_space<hbm>>
        %dma_wait3A_123 = tpu.memref_slice %arg13[%multiple_of3A] : memref<80000xi32, #tpu.memory_space<hbm>> -> memref<5000xi32, #tpu.memory_space<hbm>>
        tpu.wait_dma2 semaphore(%run_scoped3A : memref<!tpu.dma_semaphore, #tpu.memory_space<semaphore_mem>>) src(%dma_wait3A_123 : memref<5000xi32, #tpu.memory_space<hbm>>) dst(%arg21 : memref<5000xi32, #tpu.memory_space<vmem>>)
        tpu.yield
      }) : () -> ()
      %dma_start3A = arith.constant 0 : i32
      %dma_start3A_33 = arith.constant 0 : i32
      %dma_start3A_34 = tpu.memref_slice %arg22[%dma_start3A, %dma_start3A_33] : memref<80x128xf32, #tpu.memory_space<vmem>> -> memref<40x128xf32, #tpu.memory_space<vmem>>
      %dma_start3A_35 = arith.constant 0 : i32
      %dma_start3A_36 = tpu.memref_slice %arg20[%dma_start3A_35] : memref<5000xi32, #tpu.memory_space<vmem>> -> memref<40xi32, #tpu.memory_space<vmem>>
      %dma_start3A_37 = arith.constant 0 : i32
      %dma_start3A_38 = arith.constant 0 : i32
      %dma_start3A_39 = tpu.memref_slice %arg6[%dma_start3A_37, %dma_start3A_38] : memref<10000x128xf32, #tpu.memory_space<hbm>> -> memref<10000x128xf32, #tpu.memory_space<hbm>>
      tpu.enqueue_indirect_dma source(%dma_start3A_39 : memref<10000x128xf32, #tpu.memory_space<hbm>>) target(%dma_start3A_34 : memref<40x128xf32, #tpu.memory_space<vmem>>) offsets(%dma_start3A_36 : memref<40xi32, #tpu.memory_space<vmem>>) semaphore(%arg26 : memref<!tpu.dma_semaphore, #tpu.memory_space<semaphore_mem>>)
      %dma_start3A_40 = arith.constant 0 : i32
      %dma_start3A_41 = arith.constant 0 : i32
      %dma_start3A_42 = tpu.memref_slice %arg23[%dma_start3A_40, %dma_start3A_41] : memref<80x128xf32, #tpu.memory_space<vmem>> -> memref<40x128xf32, #tpu.memory_space<vmem>>
      %dma_start3A_43 = arith.constant 0 : i32
      %dma_start3A_44 = tpu.memref_slice %arg21[%dma_start3A_43] : memref<5000xi32, #tpu.memory_space<vmem>> -> memref<40xi32, #tpu.memory_space<vmem>>
      %dma_start3A_45 = arith.constant 0 : i32
      %dma_start3A_46 = arith.constant 0 : i32
      %dma_start3A_47 = tpu.memref_slice %arg8[%dma_start3A_45, %dma_start3A_46] : memref<10000x128xf32, #tpu.memory_space<hbm>> -> memref<10000x128xf32, #tpu.memory_space<hbm>>
      tpu.enqueue_indirect_dma source(%dma_start3A_47 : memref<10000x128xf32, #tpu.memory_space<hbm>>) target(%dma_start3A_42 : memref<40x128xf32, #tpu.memory_space<vmem>>) offsets(%dma_start3A_44 : memref<40xi32, #tpu.memory_space<vmem>>) semaphore(%arg26 : memref<!tpu.dma_semaphore, #tpu.memory_space<semaphore_mem>>)
      %scan3A_48 = arith.constant 0 : i32
      %scan3A_49 = arith.constant 0 : i32
      %scan3A_50 = arith.constant 62 : i32
      %scan3A_51 = arith.addi %scan3A_49, %scan3A_50 : i32
      %scan3A_52 = arith.constant 1 : i32
      scf.for %scan3A_120 = %scan3A_49 to %scan3A_51 step %scan3A_52  : i32 {
        %mul3A_121 = arith.constant 2 : i32
        %mul3A_122 = arith.muli %scan3A_120, %mul3A_121 : i32
        %add3A_123 = arith.constant 1 : i32
        %add3A_124 = arith.addi %mul3A_122, %add3A_123 : i32
        %ge3A_125 = arith.constant 2 : i32
        %ge3A_126 = arith.cmpi sge, %add3A_124, %ge3A_125 : i32
        %convert_element_type3A_127 = arith.extui %ge3A_126 : i1 to i32
        %cond3A_128 = arith.constant 0 : i32
        %cond3A_129 = arith.cmpi ne, %convert_element_type3A_127, %cond3A_128 : i32
        scf.if %cond3A_129 {
          %dma_wait3A_259 = arith.constant 40 : i32
          %dma_wait3A_260 = arith.constant 0 : i32
          %dma_wait3A_261 = tpu.memref_slice %arg22[%dma_wait3A_259, %dma_wait3A_260] : memref<80x128xf32, #tpu.memory_space<vmem>> -> memref<40x128xf32, #tpu.memory_space<vmem>>
          %dma_wait3A_262 = arith.constant 0 : i32
          %dma_wait3A_263 = tpu.memref_slice %arg21[%dma_wait3A_262] : memref<5000xi32, #tpu.memory_space<vmem>> -> memref<40xi32, #tpu.memory_space<vmem>>
          %dma_wait3A_264 = arith.constant 0 : i32
          %dma_wait3A_265 = arith.constant 0 : i32
          %dma_wait3A_266 = tpu.memref_slice %arg25[%dma_wait3A_264, %dma_wait3A_265] : memref<10000x128xf32, #tpu.memory_space<vmem_shared>> -> memref<10000x128xf32, #tpu.memory_space<vmem_shared>>
          tpu.wait_indirect_dma semaphore(%arg29 : memref<!tpu.dma_semaphore, #tpu.memory_space<semaphore_mem>>) src(%dma_wait3A_261 : memref<40x128xf32, #tpu.memory_space<vmem>>) dst(%dma_wait3A_266 : memref<10000x128xf32, #tpu.memory_space<vmem_shared>>)
        } else {
        }
        %mul3A_130 = arith.constant 40 : i32
        %mul3A_131 = arith.muli %add3A_124, %mul3A_130 : i32
        %dma_start3A_132 = arith.constant 40 : i32
        %dma_start3A_133 = arith.constant 0 : i32
        %dma_start3A_134 = tpu.memref_slice %arg22[%dma_start3A_132, %dma_start3A_133] : memref<80x128xf32, #tpu.memory_space<vmem>> -> memref<40x128xf32, #tpu.memory_space<vmem>>
        %dma_start3A_135 = tpu.memref_slice %arg20[%mul3A_131] : memref<5000xi32, #tpu.memory_space<vmem>> -> memref<40xi32, #tpu.memory_space<vmem>>
        %dma_start3A_136 = arith.constant 0 : i32
        %dma_start3A_137 = arith.constant 0 : i32
        %dma_start3A_138 = tpu.memref_slice %arg6[%dma_start3A_136, %dma_start3A_137] : memref<10000x128xf32, #tpu.memory_space<hbm>> -> memref<10000x128xf32, #tpu.memory_space<hbm>>
        tpu.enqueue_indirect_dma source(%dma_start3A_138 : memref<10000x128xf32, #tpu.memory_space<hbm>>) target(%dma_start3A_134 : memref<40x128xf32, #tpu.memory_space<vmem>>) offsets(%dma_start3A_135 : memref<40xi32, #tpu.memory_space<vmem>>) semaphore(%arg27 : memref<!tpu.dma_semaphore, #tpu.memory_space<semaphore_mem>>)
        %dma_start3A_139 = arith.constant 40 : i32
        %dma_start3A_140 = arith.constant 0 : i32
        %dma_start3A_141 = tpu.memref_slice %arg23[%dma_start3A_139, %dma_start3A_140] : memref<80x128xf32, #tpu.memory_space<vmem>> -> memref<40x128xf32, #tpu.memory_space<vmem>>
        %dma_start3A_142 = tpu.memref_slice %arg21[%mul3A_131] : memref<5000xi32, #tpu.memory_space<vmem>> -> memref<40xi32, #tpu.memory_space<vmem>>
        %dma_start3A_143 = arith.constant 0 : i32
        %dma_start3A_144 = arith.constant 0 : i32
        %dma_start3A_145 = tpu.memref_slice %arg8[%dma_start3A_143, %dma_start3A_144] : memref<10000x128xf32, #tpu.memory_space<hbm>> -> memref<10000x128xf32, #tpu.memory_space<hbm>>
        tpu.enqueue_indirect_dma source(%dma_start3A_145 : memref<10000x128xf32, #tpu.memory_space<hbm>>) target(%dma_start3A_141 : memref<40x128xf32, #tpu.memory_space<vmem>>) offsets(%dma_start3A_142 : memref<40xi32, #tpu.memory_space<vmem>>) semaphore(%arg27 : memref<!tpu.dma_semaphore, #tpu.memory_space<semaphore_mem>>)
        %mul3A_146 = arith.constant 40 : i32
        %mul3A_147 = arith.muli %mul3A_122, %mul3A_146 : i32
        %dma_wait3A_148 = arith.constant 0 : i32
        %dma_wait3A_149 = arith.constant 0 : i32
        %dma_wait3A_150 = tpu.memref_slice %arg22[%dma_wait3A_148, %dma_wait3A_149] : memref<80x128xf32, #tpu.memory_space<vmem>> -> memref<40x128xf32, #tpu.memory_space<vmem>>
        %dma_wait3A_151 = tpu.memref_slice %arg20[%mul3A_147] : memref<5000xi32, #tpu.memory_space<vmem>> -> memref<40xi32, #tpu.memory_space<vmem>>
        %dma_wait3A_152 = arith.constant 0 : i32
        %dma_wait3A_153 = arith.constant 0 : i32
        %dma_wait3A_154 = tpu.memref_slice %arg6[%dma_wait3A_152, %dma_wait3A_153] : memref<10000x128xf32, #tpu.memory_space<hbm>> -> memref<10000x128xf32, #tpu.memory_space<hbm>>
        tpu.wait_indirect_dma semaphore(%arg26 : memref<!tpu.dma_semaphore, #tpu.memory_space<semaphore_mem>>) src(%dma_wait3A_154 : memref<10000x128xf32, #tpu.memory_space<hbm>>) dst(%dma_wait3A_150 : memref<40x128xf32, #tpu.memory_space<vmem>>)
        %dma_wait3A_155 = arith.constant 0 : i32
        %dma_wait3A_156 = arith.constant 0 : i32
        %dma_wait3A_157 = tpu.memref_slice %arg23[%dma_wait3A_155, %dma_wait3A_156] : memref<80x128xf32, #tpu.memory_space<vmem>> -> memref<40x128xf32, #tpu.memory_space<vmem>>
        %dma_wait3A_158 = tpu.memref_slice %arg21[%mul3A_147] : memref<5000xi32, #tpu.memory_space<vmem>> -> memref<40xi32, #tpu.memory_space<vmem>>
        %dma_wait3A_159 = arith.constant 0 : i32
        %dma_wait3A_160 = arith.constant 0 : i32
        %dma_wait3A_161 = tpu.memref_slice %arg8[%dma_wait3A_159, %dma_wait3A_160] : memref<10000x128xf32, #tpu.memory_space<hbm>> -> memref<10000x128xf32, #tpu.memory_space<hbm>>
        tpu.wait_indirect_dma semaphore(%arg26 : memref<!tpu.dma_semaphore, #tpu.memory_space<semaphore_mem>>) src(%dma_wait3A_161 : memref<10000x128xf32, #tpu.memory_space<hbm>>) dst(%dma_wait3A_157 : memref<40x128xf32, #tpu.memory_space<vmem>>)
        %scan3A_162 = arith.constant 0 : i32
        %scan3A_163 = arith.constant 0 : i32
        %scan3A_164 = arith.constant 40 : i32
        %scan3A_165 = arith.addi %scan3A_163, %scan3A_164 : i32
        %scan3A_166 = arith.constant 1 : i32
        scf.for %scan3A_259 = %scan3A_163 to %scan3A_165 step %scan3A_166  : i32 {
          %add3A_260 = arith.constant 0 : i32
          %add3A_261 = arith.addi %add3A_260, %scan3A_259 : i32
          %get3A_262 = arith.index_cast %add3A_261 : i32 to index
          %get3A_263 = arith.constant 0 : index
          %get3A_264 = tpu.vector_load %arg22[%get3A_262, %get3A_263] {strides = array<i32>} : memref<80x128xf32, #tpu.memory_space<vmem>>, vector<16xf32>,
          %get3A_265 = arith.index_cast %add3A_261 : i32 to index
          %get3A_266 = arith.constant 0 : index
          %get3A_267 = tpu.vector_load %arg23[%get3A_265, %get3A_266] {strides = array<i32>} : memref<80x128xf32, #tpu.memory_space<vmem>>, vector<16xf32>,
          %add3A_268 = arith.addf %get3A_264, %get3A_267 : vector<16xf32>
          %neg3A = arith.constant 0.000000e+00 : f32
          %neg3A_269 = vector.broadcast %neg3A : f32 to vector<16xf32>
          %neg3A_270 = arith.subf %neg3A_269, %add3A_268 : vector<16xf32>
          %exp3A = math.exp %neg3A_270 : vector<16xf32>
          %add3A_271 = arith.constant 1.000000e+00 : f32
          %add3A_272 = vector.broadcast %add3A_271 : f32 to vector<16xf32>
          %add3A_273 = arith.addf %add3A_272, %exp3A : vector<16xf32>
          %div3A = arith.divf %add3A_268, %add3A_273 : vector<16xf32>
          %swap3A = arith.index_cast %add3A_261 : i32 to index
          %swap3A_274 = arith.constant 0 : index
          %swap3A_275 = tpu.vector_load %arg22[%swap3A, %swap3A_274] {strides = array<i32>} : memref<80x128xf32, #tpu.memory_space<vmem>>, vector<16xf32>,
          tpu.vector_store %arg22[%swap3A, %swap3A_274], %div3A {strides = array<i32>} : memref<80x128xf32, #tpu.memory_space<vmem>>, vector<16xf32>,
          %get3A_276 = arith.index_cast %add3A_261 : i32 to index
          %get3A_277 = arith.constant 16 : index
          %get3A_278 = tpu.vector_load %arg22[%get3A_276, %get3A_277] {strides = array<i32>} : memref<80x128xf32, #tpu.memory_space<vmem>>, vector<16xf32>,
          %get3A_279 = arith.index_cast %add3A_261 : i32 to index
          %get3A_280 = arith.constant 16 : index
          %get3A_281 = tpu.vector_load %arg23[%get3A_279, %get3A_280] {strides = array<i32>} : memref<80x128xf32, #tpu.memory_space<vmem>>, vector<16xf32>,
          %add3A_282 = arith.addf %get3A_278, %get3A_281 : vector<16xf32>
          %neg3A_283 = arith.constant 0.000000e+00 : f32
          %neg3A_284 = vector.broadcast %neg3A_283 : f32 to vector<16xf32>
          %neg3A_285 = arith.subf %neg3A_284, %add3A_282 : vector<16xf32>
          %exp3A_286 = math.exp %neg3A_285 : vector<16xf32>
          %add3A_287 = arith.constant 1.000000e+00 : f32
          %add3A_288 = vector.broadcast %add3A_287 : f32 to vector<16xf32>
          %add3A_289 = arith.addf %add3A_288, %exp3A_286 : vector<16xf32>
          %div3A_290 = arith.divf %add3A_282, %add3A_289 : vector<16xf32>
          %swap3A_291 = arith.index_cast %add3A_261 : i32 to index
          %swap3A_292 = arith.constant 16 : index
          %swap3A_293 = tpu.vector_load %arg22[%swap3A_291, %swap3A_292] {strides = array<i32>} : memref<80x128xf32, #tpu.memory_space<vmem>>, vector<16xf32>,
          tpu.vector_store %arg22[%swap3A_291, %swap3A_292], %div3A_290 {strides = array<i32>} : memref<80x128xf32, #tpu.memory_space<vmem>>, vector<16xf32>,
          %get3A_294 = arith.index_cast %add3A_261 : i32 to index
          %get3A_295 = arith.constant 32 : index
          %get3A_296 = tpu.vector_load %arg22[%get3A_294, %get3A_295] {strides = array<i32>} : memref<80x128xf32, #tpu.memory_space<vmem>>, vector<16xf32>,
          %get3A_297 = arith.index_cast %add3A_261 : i32 to index
          %get3A_298 = arith.constant 32 : index
          %get3A_299 = tpu.vector_load %arg23[%get3A_297, %get3A_298] {strides = array<i32>} : memref<80x128xf32, #tpu.memory_space<vmem>>, vector<16xf32>,
          %add3A_300 = arith.addf %get3A_296, %get3A_299 : vector<16xf32>
          %neg3A_301 = arith.constant 0.000000e+00 : f32
          %neg3A_302 = vector.broadcast %neg3A_301 : f32 to vector<16xf32>
          %neg3A_303 = arith.subf %neg3A_302, %add3A_300 : vector<16xf32>
          %exp3A_304 = math.exp %neg3A_303 : vector<16xf32>
          %add3A_305 = arith.constant 1.000000e+00 : f32
          %add3A_306 = vector.broadcast %add3A_305 : f32 to vector<16xf32>
          %add3A_307 = arith.addf %add3A_306, %exp3A_304 : vector<16xf32>
          %div3A_308 = arith.divf %add3A_300, %add3A_307 : vector<16xf32>
          %swap3A_309 = arith.index_cast %add3A_261 : i32 to index
          %swap3A_310 = arith.constant 32 : index
          %swap3A_311 = tpu.vector_load %arg22[%swap3A_309, %swap3A_310] {strides = array<i32>} : memref<80x128xf32, #tpu.memory_space<vmem>>, vector<16xf32>,
          tpu.vector_store %arg22[%swap3A_309, %swap3A_310], %div3A_308 {strides = array<i32>} : memref<80x128xf32, #tpu.memory_space<vmem>>, vector<16xf32>,
          %get3A_312 = arith.index_cast %add3A_261 : i32 to index
          %get3A_313 = arith.constant 48 : index
          %get3A_314 = tpu.vector_load %arg22[%get3A_312, %get3A_313] {strides = array<i32>} : memref<80x128xf32, #tpu.memory_space<vmem>>, vector<16xf32>,
          %get3A_315 = arith.index_cast %add3A_261 : i32 to index
          %get3A_316 = arith.constant 48 : index
          %get3A_317 = tpu.vector_load %arg23[%get3A_315, %get3A_316] {strides = array<i32>} : memref<80x128xf32, #tpu.memory_space<vmem>>, vector<16xf32>,
          %add3A_318 = arith.addf %get3A_314, %get3A_317 : vector<16xf32>
          %neg3A_319 = arith.constant 0.000000e+00 : f32
          %neg3A_320 = vector.broadcast %neg3A_319 : f32 to vector<16xf32>
          %neg3A_321 = arith.subf %neg3A_320, %add3A_318 : vector<16xf32>
          %exp3A_322 = math.exp %neg3A_321 : vector<16xf32>
          %add3A_323 = arith.constant 1.000000e+00 : f32
          %add3A_324 = vector.broadcast %add3A_323 : f32 to vector<16xf32>
          %add3A_325 = arith.addf %add3A_324, %exp3A_322 : vector<16xf32>
          %div3A_326 = arith.divf %add3A_318, %add3A_325 : vector<16xf32>
          %swap3A_327 = arith.index_cast %add3A_261 : i32 to index
          %swap3A_328 = arith.constant 48 : index
          %swap3A_329 = tpu.vector_load %arg22[%swap3A_327, %swap3A_328] {strides = array<i32>} : memref<80x128xf32, #tpu.memory_space<vmem>>, vector<16xf32>,
          tpu.vector_store %arg22[%swap3A_327, %swap3A_328], %div3A_326 {strides = array<i32>} : memref<80x128xf32, #tpu.memory_space<vmem>>, vector<16xf32>,
          %get3A_330 = arith.index_cast %add3A_261 : i32 to index
          %get3A_331 = arith.constant 64 : index
          %get3A_332 = tpu.vector_load %arg22[%get3A_330, %get3A_331] {strides = array<i32>} : memref<80x128xf32, #tpu.memory_space<vmem>>, vector<16xf32>,
          %get3A_333 = arith.index_cast %add3A_261 : i32 to index
          %get3A_334 = arith.constant 64 : index
          %get3A_335 = tpu.vector_load %arg23[%get3A_333, %get3A_334] {strides = array<i32>} : memref<80x128xf32, #tpu.memory_space<vmem>>, vector<16xf32>,
          %add3A_336 = arith.addf %get3A_332, %get3A_335 : vector<16xf32>
          %neg3A_337 = arith.constant 0.000000e+00 : f32
          %neg3A_338 = vector.broadcast %neg3A_337 : f32 to vector<16xf32>
          %neg3A_339 = arith.subf %neg3A_338, %add3A_336 : vector<16xf32>
          %exp3A_340 = math.exp %neg3A_339 : vector<16xf32>
          %add3A_341 = arith.constant 1.000000e+00 : f32
          %add3A_342 = vector.broadcast %add3A_341 : f32 to vector<16xf32>
          %add3A_343 = arith.addf %add3A_342, %exp3A_340 : vector<16xf32>
          %div3A_344 = arith.divf %add3A_336, %add3A_343 : vector<16xf32>
          %swap3A_345 = arith.index_cast %add3A_261 : i32 to index
          %swap3A_346 = arith.constant 64 : index
          %swap3A_347 = tpu.vector_load %arg22[%swap3A_345, %swap3A_346] {strides = array<i32>} : memref<80x128xf32, #tpu.memory_space<vmem>>, vector<16xf32>,
          tpu.vector_store %arg22[%swap3A_345, %swap3A_346], %div3A_344 {strides = array<i32>} : memref<80x128xf32, #tpu.memory_space<vmem>>, vector<16xf32>,
          %get3A_348 = arith.index_cast %add3A_261 : i32 to index
          %get3A_349 = arith.constant 80 : index
          %get3A_350 = tpu.vector_load %arg22[%get3A_348, %get3A_349] {strides = array<i32>} : memref<80x128xf32, #tpu.memory_space<vmem>>, vector<16xf32>,
          %get3A_351 = arith.index_cast %add3A_261 : i32 to index
          %get3A_352 = arith.constant 80 : index
          %get3A_353 = tpu.vector_load %arg23[%get3A_351, %get3A_352] {strides = array<i32>} : memref<80x128xf32, #tpu.memory_space<vmem>>, vector<16xf32>,
          %add3A_354 = arith.addf %get3A_350, %get3A_353 : vector<16xf32>
          %neg3A_355 = arith.constant 0.000000e+00 : f32
          %neg3A_356 = vector.broadcast %neg3A_355 : f32 to vector<16xf32>
          %neg3A_357 = arith.subf %neg3A_356, %add3A_354 : vector<16xf32>
          %exp3A_358 = math.exp %neg3A_357 : vector<16xf32>
          %add3A_359 = arith.constant 1.000000e+00 : f32
          %add3A_360 = vector.broadcast %add3A_359 : f32 to vector<16xf32>
          %add3A_361 = arith.addf %add3A_360, %exp3A_358 : vector<16xf32>
          %div3A_362 = arith.divf %add3A_354, %add3A_361 : vector<16xf32>
          %swap3A_363 = arith.index_cast %add3A_261 : i32 to index
          %swap3A_364 = arith.constant 80 : index
          %swap3A_365 = tpu.vector_load %arg22[%swap3A_363, %swap3A_364] {strides = array<i32>} : memref<80x128xf32, #tpu.memory_space<vmem>>, vector<16xf32>,
          tpu.vector_store %arg22[%swap3A_363, %swap3A_364], %div3A_362 {strides = array<i32>} : memref<80x128xf32, #tpu.memory_space<vmem>>, vector<16xf32>,
          %get3A_366 = arith.index_cast %add3A_261 : i32 to index
          %get3A_367 = arith.constant 96 : index
          %get3A_368 = tpu.vector_load %arg22[%get3A_366, %get3A_367] {strides = array<i32>} : memref<80x128xf32, #tpu.memory_space<vmem>>, vector<16xf32>,
          %get3A_369 = arith.index_cast %add3A_261 : i32 to index
          %get3A_370 = arith.constant 96 : index
          %get3A_371 = tpu.vector_load %arg23[%get3A_369, %get3A_370] {strides = array<i32>} : memref<80x128xf32, #tpu.memory_space<vmem>>, vector<16xf32>,
          %add3A_372 = arith.addf %get3A_368, %get3A_371 : vector<16xf32>
          %neg3A_373 = arith.constant 0.000000e+00 : f32
          %neg3A_374 = vector.broadcast %neg3A_373 : f32 to vector<16xf32>
          %neg3A_375 = arith.subf %neg3A_374, %add3A_372 : vector<16xf32>
          %exp3A_376 = math.exp %neg3A_375 : vector<16xf32>
          %add3A_377 = arith.constant 1.000000e+00 : f32
          %add3A_378 = vector.broadcast %add3A_377 : f32 to vector<16xf32>
          %add3A_379 = arith.addf %add3A_378, %exp3A_376 : vector<16xf32>
          %div3A_380 = arith.divf %add3A_372, %add3A_379 : vector<16xf32>
          %swap3A_381 = arith.index_cast %add3A_261 : i32 to index
          %swap3A_382 = arith.constant 96 : index
          %swap3A_383 = tpu.vector_load %arg22[%swap3A_381, %swap3A_382] {strides = array<i32>} : memref<80x128xf32, #tpu.memory_space<vmem>>, vector<16xf32>,
          tpu.vector_store %arg22[%swap3A_381, %swap3A_382], %div3A_380 {strides = array<i32>} : memref<80x128xf32, #tpu.memory_space<vmem>>, vector<16xf32>,
          %get3A_384 = arith.index_cast %add3A_261 : i32 to index
          %get3A_385 = arith.constant 112 : index
          %get3A_386 = tpu.vector_load %arg22[%get3A_384, %get3A_385] {strides = array<i32>} : memref<80x128xf32, #tpu.memory_space<vmem>>, vector<16xf32>,
          %get3A_387 = arith.index_cast %add3A_261 : i32 to index
          %get3A_388 = arith.constant 112 : index
          %get3A_389 = tpu.vector_load %arg23[%get3A_387, %get3A_388] {strides = array<i32>} : memref<80x128xf32, #tpu.memory_space<vmem>>, vector<16xf32>,
          %add3A_390 = arith.addf %get3A_386, %get3A_389 : vector<16xf32>
          %neg3A_391 = arith.constant 0.000000e+00 : f32
          %neg3A_392 = vector.broadcast %neg3A_391 : f32 to vector<16xf32>
          %neg3A_393 = arith.subf %neg3A_392, %add3A_390 : vector<16xf32>
          %exp3A_394 = math.exp %neg3A_393 : vector<16xf32>
          %add3A_395 = arith.constant 1.000000e+00 : f32
          %add3A_396 = vector.broadcast %add3A_395 : f32 to vector<16xf32>
          %add3A_397 = arith.addf %add3A_396, %exp3A_394 : vector<16xf32>
          %div3A_398 = arith.divf %add3A_390, %add3A_397 : vector<16xf32>
          %swap3A_399 = arith.index_cast %add3A_261 : i32 to index
          %swap3A_400 = arith.constant 112 : index
          %swap3A_401 = tpu.vector_load %arg22[%swap3A_399, %swap3A_400] {strides = array<i32>} : memref<80x128xf32, #tpu.memory_space<vmem>>, vector<16xf32>,
          tpu.vector_store %arg22[%swap3A_399, %swap3A_400], %div3A_398 {strides = array<i32>} : memref<80x128xf32, #tpu.memory_space<vmem>>, vector<16xf32>,
        }
        %scan3A_167 = arith.constant 40 : i32
        %mul3A_168 = arith.constant 40 : i32
        %mul3A_169 = arith.muli %mul3A_122, %mul3A_168 : i32
        %get3A_170 = arith.index_cast %mul3A_169 : i32 to index
        %get3A_171 = tpu.vector_load %arg21[%get3A_170] {strides = array<i32>} : memref<5000xi32, #tpu.memory_space<vmem>>, vector<16xi32>,
        tpu.vector_store_idx %arg24[%get3A_171], %broadcast_in_dim3A_2 {add = true} : memref<10000xf32, #tpu.memory_space<vmem>>[vector<16xi32>], vector<16xf32>,
        %add3A_172 = arith.constant 16 : i32
        %add3A_173 = arith.addi %mul3A_169, %add3A_172 : i32
        %get3A_174 = arith.index_cast %add3A_173 : i32 to index
        %get3A_175 = tpu.vector_load %arg21[%get3A_174] {strides = array<i32>} : memref<5000xi32, #tpu.memory_space<vmem>>, vector<16xi32>,
        tpu.vector_store_idx %arg24[%get3A_175], %broadcast_in_dim3A_2 {add = true} : memref<10000xf32, #tpu.memory_space<vmem>>[vector<16xi32>], vector<16xf32>,
        %add3A_176 = arith.constant 24 : i32
        %add3A_177 = arith.addi %mul3A_169, %add3A_176 : i32
        %get3A_178 = arith.index_cast %add3A_177 : i32 to index
        %get3A_179 = tpu.vector_load %arg21[%get3A_178] {strides = array<i32>} : memref<5000xi32, #tpu.memory_space<vmem>>, vector<16xi32>,
        %ge3A_180 = arith.constant 8 : i32
        %ge3A_181 = vector.broadcast %ge3A_180 : i32 to vector<16xi32>
        %ge3A_182 = arith.cmpi sge, %iota3A, %ge3A_181 : vector<16xi32>
        tpu.vector_store_idx %arg24[%get3A_179], %broadcast_in_dim3A_2 masked %ge3A_182 {add = true} : memref<10000xf32, #tpu.memory_space<vmem>>[vector<16xi32>], vector<16xf32>, vector<16xi1>
        %dma_start3A_183 = arith.constant 0 : i32
        %dma_start3A_184 = arith.constant 0 : i32
        %dma_start3A_185 = tpu.memref_slice %arg22[%dma_start3A_183, %dma_start3A_184] : memref<80x128xf32, #tpu.memory_space<vmem>> -> memref<40x128xf32, #tpu.memory_space<vmem>>
        %dma_start3A_186 = tpu.memref_slice %arg21[%mul3A_169] : memref<5000xi32, #tpu.memory_space<vmem>> -> memref<40xi32, #tpu.memory_space<vmem>>
        %dma_start3A_187 = arith.constant 0 : i32
        %dma_start3A_188 = arith.constant 0 : i32
        %dma_start3A_189 = tpu.memref_slice %arg25[%dma_start3A_187, %dma_start3A_188] : memref<10000x128xf32, #tpu.memory_space<vmem_shared>> -> memref<10000x128xf32, #tpu.memory_space<vmem_shared>>
        tpu.enqueue_indirect_dma source(%dma_start3A_185 : memref<40x128xf32, #tpu.memory_space<vmem>>) target(%dma_start3A_189 : memref<10000x128xf32, #tpu.memory_space<vmem_shared>>) offsets(%dma_start3A_186 : memref<40xi32, #tpu.memory_space<vmem>>) semaphore(%arg28 : memref<!tpu.dma_semaphore, #tpu.memory_space<semaphore_mem>>) {add = true}
        %add3A_190 = arith.constant 2 : i32
        %add3A_191 = arith.addi %mul3A_122, %add3A_190 : i32
        %ge3A_192 = arith.constant 2 : i32
        %ge3A_193 = arith.cmpi sge, %add3A_191, %ge3A_192 : i32
        %convert_element_type3A_194 = arith.extui %ge3A_193 : i1 to i32
        %cond3A_195 = arith.constant 0 : i32
        %cond3A_196 = arith.cmpi ne, %convert_element_type3A_194, %cond3A_195 : i32
        scf.if %cond3A_196 {
          %dma_wait3A_259 = arith.constant 0 : i32
          %dma_wait3A_260 = arith.constant 0 : i32
          %dma_wait3A_261 = tpu.memref_slice %arg22[%dma_wait3A_259, %dma_wait3A_260] : memref<80x128xf32, #tpu.memory_space<vmem>> -> memref<40x128xf32, #tpu.memory_space<vmem>>
          %dma_wait3A_262 = arith.constant 0 : i32
          %dma_wait3A_263 = tpu.memref_slice %arg21[%dma_wait3A_262] : memref<5000xi32, #tpu.memory_space<vmem>> -> memref<40xi32, #tpu.memory_space<vmem>>
          %dma_wait3A_264 = arith.constant 0 : i32
          %dma_wait3A_265 = arith.constant 0 : i32
          %dma_wait3A_266 = tpu.memref_slice %arg25[%dma_wait3A_264, %dma_wait3A_265] : memref<10000x128xf32, #tpu.memory_space<vmem_shared>> -> memref<10000x128xf32, #tpu.memory_space<vmem_shared>>
          tpu.wait_indirect_dma semaphore(%arg28 : memref<!tpu.dma_semaphore, #tpu.memory_space<semaphore_mem>>) src(%dma_wait3A_261 : memref<40x128xf32, #tpu.memory_space<vmem>>) dst(%dma_wait3A_266 : memref<10000x128xf32, #tpu.memory_space<vmem_shared>>)
        } else {
        }
        %mul3A_197 = arith.constant 40 : i32
        %mul3A_198 = arith.muli %add3A_191, %mul3A_197 : i32
        %dma_start3A_199 = arith.constant 0 : i32
        %dma_start3A_200 = arith.constant 0 : i32
        %dma_start3A_201 = tpu.memref_slice %arg22[%dma_start3A_199, %dma_start3A_200] : memref<80x128xf32, #tpu.memory_space<vmem>> -> memref<40x128xf32, #tpu.memory_space<vmem>>
        %dma_start3A_202 = tpu.memref_slice %arg20[%mul3A_198] : memref<5000xi32, #tpu.memory_space<vmem>> -> memref<40xi32, #tpu.memory_space<vmem>>
        %dma_start3A_203 = arith.constant 0 : i32
        %dma_start3A_204 = arith.constant 0 : i32
        %dma_start3A_205 = tpu.memref_slice %arg6[%dma_start3A_203, %dma_start3A_204] : memref<10000x128xf32, #tpu.memory_space<hbm>> -> memref<10000x128xf32, #tpu.memory_space<hbm>>
        tpu.enqueue_indirect_dma source(%dma_start3A_205 : memref<10000x128xf32, #tpu.memory_space<hbm>>) target(%dma_start3A_201 : memref<40x128xf32, #tpu.memory_space<vmem>>) offsets(%dma_start3A_202 : memref<40xi32, #tpu.memory_space<vmem>>) semaphore(%arg26 : memref<!tpu.dma_semaphore, #tpu.memory_space<semaphore_mem>>)
        %dma_start3A_206 = arith.constant 0 : i32
        %dma_start3A_207 = arith.constant 0 : i32
        %dma_start3A_208 = tpu.memref_slice %arg23[%dma_start3A_206, %dma_start3A_207] : memref<80x128xf32, #tpu.memory_space<vmem>> -> memref<40x128xf32, #tpu.memory_space<vmem>>
        %dma_start3A_209 = tpu.memref_slice %arg21[%mul3A_198] : memref<5000xi32, #tpu.memory_space<vmem>> -> memref<40xi32, #tpu.memory_space<vmem>>
        %dma_start3A_210 = arith.constant 0 : i32
        %dma_start3A_211 = arith.constant 0 : i32
        %dma_start3A_212 = tpu.memref_slice %arg8[%dma_start3A_210, %dma_start3A_211] : memref<10000x128xf32, #tpu.memory_space<hbm>> -> memref<10000x128xf32, #tpu.memory_space<hbm>>
        tpu.enqueue_indirect_dma source(%dma_start3A_212 : memref<10000x128xf32, #tpu.memory_space<hbm>>) target(%dma_start3A_208 : memref<40x128xf32, #tpu.memory_space<vmem>>) offsets(%dma_start3A_209 : memref<40xi32, #tpu.memory_space<vmem>>) semaphore(%arg26 : memref<!tpu.dma_semaphore, #tpu.memory_space<semaphore_mem>>)
        %add3A_213 = arith.constant 1 : i32
        %add3A_214 = arith.addi %mul3A_122, %add3A_213 : i32
        %mul3A_215 = arith.constant 40 : i32
        %mul3A_216 = arith.muli %add3A_214, %mul3A_215 : i32
        %dma_wait3A_217 = arith.constant 40 : i32
        %dma_wait3A_218 = arith.constant 0 : i32
        %dma_wait3A_219 = tpu.memref_slice %arg22[%dma_wait3A_217, %dma_wait3A_218] : memref<80x128xf32, #tpu.memory_space<vmem>> -> memref<40x128xf32, #tpu.memory_space<vmem>>
        %dma_wait3A_220 = tpu.memref_slice %arg20[%mul3A_216] : memref<5000xi32, #tpu.memory_space<vmem>> -> memref<40xi32, #tpu.memory_space<vmem>>
        %dma_wait3A_221 = arith.constant 0 : i32
        %dma_wait3A_222 = arith.constant 0 : i32
        %dma_wait3A_223 = tpu.memref_slice %arg6[%dma_wait3A_221, %dma_wait3A_222] : memref<10000x128xf32, #tpu.memory_space<hbm>> -> memref<10000x128xf32, #tpu.memory_space<hbm>>
        tpu.wait_indirect_dma semaphore(%arg27 : memref<!tpu.dma_semaphore, #tpu.memory_space<semaphore_mem>>) src(%dma_wait3A_223 : memref<10000x128xf32, #tpu.memory_space<hbm>>) dst(%dma_wait3A_219 : memref<40x128xf32, #tpu.memory_space<vmem>>)
        %dma_wait3A_224 = arith.constant 40 : i32
        %dma_wait3A_225 = arith.constant 0 : i32
        %dma_wait3A_226 = tpu.memref_slice %arg23[%dma_wait3A_224, %dma_wait3A_225] : memref<80x128xf32, #tpu.memory_space<vmem>> -> memref<40x128xf32, #tpu.memory_space<vmem>>
        %dma_wait3A_227 = tpu.memref_slice %arg21[%mul3A_216] : memref<5000xi32, #tpu.memory_space<vmem>> -> memref<40xi32, #tpu.memory_space<vmem>>
        %dma_wait3A_228 = arith.constant 0 : i32
        %dma_wait3A_229 = arith.constant 0 : i32
        %dma_wait3A_230 = tpu.memref_slice %arg8[%dma_wait3A_228, %dma_wait3A_229] : memref<10000x128xf32, #tpu.memory_space<hbm>> -> memref<10000x128xf32, #tpu.memory_space<hbm>>
        tpu.wait_indirect_dma semaphore(%arg27 : memref<!tpu.dma_semaphore, #tpu.memory_space<semaphore_mem>>) src(%dma_wait3A_230 : memref<10000x128xf32, #tpu.memory_space<hbm>>) dst(%dma_wait3A_226 : memref<40x128xf32, #tpu.memory_space<vmem>>)
        %scan3A_231 = arith.constant 0 : i32
        %scan3A_232 = arith.constant 0 : i32
        %scan3A_233 = arith.constant 40 : i32
        %scan3A_234 = arith.addi %scan3A_232, %scan3A_233 : i32
        %scan3A_235 = arith.constant 1 : i32
        scf.for %scan3A_259 = %scan3A_232 to %scan3A_234 step %scan3A_235  : i32 {
          %add3A_260 = arith.constant 40 : i32
          %add3A_261 = arith.addi %add3A_260, %scan3A_259 : i32
          %get3A_262 = arith.index_cast %add3A_261 : i32 to index
          %get3A_263 = arith.constant 0 : index
          %get3A_264 = tpu.vector_load %arg22[%get3A_262, %get3A_263] {strides = array<i32>} : memref<80x128xf32, #tpu.memory_space<vmem>>, vector<16xf32>,
          %get3A_265 = arith.index_cast %add3A_261 : i32 to index
          %get3A_266 = arith.constant 0 : index
          %get3A_267 = tpu.vector_load %arg23[%get3A_265, %get3A_266] {strides = array<i32>} : memref<80x128xf32, #tpu.memory_space<vmem>>, vector<16xf32>,
          %add3A_268 = arith.addf %get3A_264, %get3A_267 : vector<16xf32>
          %neg3A = arith.constant 0.000000e+00 : f32
          %neg3A_269 = vector.broadcast %neg3A : f32 to vector<16xf32>
          %neg3A_270 = arith.subf %neg3A_269, %add3A_268 : vector<16xf32>
          %exp3A = math.exp %neg3A_270 : vector<16xf32>
          %add3A_271 = arith.constant 1.000000e+00 : f32
          %add3A_272 = vector.broadcast %add3A_271 : f32 to vector<16xf32>
          %add3A_273 = arith.addf %add3A_272, %exp3A : vector<16xf32>
          %div3A = arith.divf %add3A_268, %add3A_273 : vector<16xf32>
          %swap3A = arith.index_cast %add3A_261 : i32 to index
          %swap3A_274 = arith.constant 0 : index
          %swap3A_275 = tpu.vector_load %arg22[%swap3A, %swap3A_274] {strides = array<i32>} : memref<80x128xf32, #tpu.memory_space<vmem>>, vector<16xf32>,
          tpu.vector_store %arg22[%swap3A, %swap3A_274], %div3A {strides = array<i32>} : memref<80x128xf32, #tpu.memory_space<vmem>>, vector<16xf32>,
          %get3A_276 = arith.index_cast %add3A_261 : i32 to index
          %get3A_277 = arith.constant 16 : index
          %get3A_278 = tpu.vector_load %arg22[%get3A_276, %get3A_277] {strides = array<i32>} : memref<80x128xf32, #tpu.memory_space<vmem>>, vector<16xf32>,
          %get3A_279 = arith.index_cast %add3A_261 : i32 to index
          %get3A_280 = arith.constant 16 : index
          %get3A_281 = tpu.vector_load %arg23[%get3A_279, %get3A_280] {strides = array<i32>} : memref<80x128xf32, #tpu.memory_space<vmem>>, vector<16xf32>,
          %add3A_282 = arith.addf %get3A_278, %get3A_281 : vector<16xf32>
          %neg3A_283 = arith.constant 0.000000e+00 : f32
          %neg3A_284 = vector.broadcast %neg3A_283 : f32 to vector<16xf32>
          %neg3A_285 = arith.subf %neg3A_284, %add3A_282 : vector<16xf32>
          %exp3A_286 = math.exp %neg3A_285 : vector<16xf32>
          %add3A_287 = arith.constant 1.000000e+00 : f32
          %add3A_288 = vector.broadcast %add3A_287 : f32 to vector<16xf32>
          %add3A_289 = arith.addf %add3A_288, %exp3A_286 : vector<16xf32>
          %div3A_290 = arith.divf %add3A_282, %add3A_289 : vector<16xf32>
          %swap3A_291 = arith.index_cast %add3A_261 : i32 to index
          %swap3A_292 = arith.constant 16 : index
          %swap3A_293 = tpu.vector_load %arg22[%swap3A_291, %swap3A_292] {strides = array<i32>} : memref<80x128xf32, #tpu.memory_space<vmem>>, vector<16xf32>,
          tpu.vector_store %arg22[%swap3A_291, %swap3A_292], %div3A_290 {strides = array<i32>} : memref<80x128xf32, #tpu.memory_space<vmem>>, vector<16xf32>,
          %get3A_294 = arith.index_cast %add3A_261 : i32 to index
          %get3A_295 = arith.constant 32 : index
          %get3A_296 = tpu.vector_load %arg22[%get3A_294, %get3A_295] {strides = array<i32>} : memref<80x128xf32, #tpu.memory_space<vmem>>, vector<16xf32>,
          %get3A_297 = arith.index_cast %add3A_261 : i32 to index
          %get3A_298 = arith.constant 32 : index
          %get3A_299 = tpu.vector_load %arg23[%get3A_297, %get3A_298] {strides = array<i32>} : memref<80x128xf32, #tpu.memory_space<vmem>>, vector<16xf32>,
          %add3A_300 = arith.addf %get3A_296, %get3A_299 : vector<16xf32>
          %neg3A_301 = arith.constant 0.000000e+00 : f32
          %neg3A_302 = vector.broadcast %neg3A_301 : f32 to vector<16xf32>
          %neg3A_303 = arith.subf %neg3A_302, %add3A_300 : vector<16xf32>
          %exp3A_304 = math.exp %neg3A_303 : vector<16xf32>
          %add3A_305 = arith.constant 1.000000e+00 : f32
          %add3A_306 = vector.broadcast %add3A_305 : f32 to vector<16xf32>
          %add3A_307 = arith.addf %add3A_306, %exp3A_304 : vector<16xf32>
          %div3A_308 = arith.divf %add3A_300, %add3A_307 : vector<16xf32>
          %swap3A_309 = arith.index_cast %add3A_261 : i32 to index
          %swap3A_310 = arith.constant 32 : index
          %swap3A_311 = tpu.vector_load %arg22[%swap3A_309, %swap3A_310] {strides = array<i32>} : memref<80x128xf32, #tpu.memory_space<vmem>>, vector<16xf32>,
          tpu.vector_store %arg22[%swap3A_309, %swap3A_310], %div3A_308 {strides = array<i32>} : memref<80x128xf32, #tpu.memory_space<vmem>>, vector<16xf32>,
          %get3A_312 = arith.index_cast %add3A_261 : i32 to index
          %get3A_313 = arith.constant 48 : index
          %get3A_314 = tpu.vector_load %arg22[%get3A_312, %get3A_313] {strides = array<i32>} : memref<80x128xf32, #tpu.memory_space<vmem>>, vector<16xf32>,
          %get3A_315 = arith.index_cast %add3A_261 : i32 to index
          %get3A_316 = arith.constant 48 : index
          %get3A_317 = tpu.vector_load %arg23[%get3A_315, %get3A_316] {strides = array<i32>} : memref<80x128xf32, #tpu.memory_space<vmem>>, vector<16xf32>,
          %add3A_318 = arith.addf %get3A_314, %get3A_317 : vector<16xf32>
          %neg3A_319 = arith.constant 0.000000e+00 : f32
          %neg3A_320 = vector.broadcast %neg3A_319 : f32 to vector<16xf32>
          %neg3A_321 = arith.subf %neg3A_320, %add3A_318 : vector<16xf32>
          %exp3A_322 = math.exp %neg3A_321 : vector<16xf32>
          %add3A_323 = arith.constant 1.000000e+00 : f32
          %add3A_324 = vector.broadcast %add3A_323 : f32 to vector<16xf32>
          %add3A_325 = arith.addf %add3A_324, %exp3A_322 : vector<16xf32>
          %div3A_326 = arith.divf %add3A_318, %add3A_325 : vector<16xf32>
          %swap3A_327 = arith.index_cast %add3A_261 : i32 to index
          %swap3A_328 = arith.constant 48 : index
          %swap3A_329 = tpu.vector_load %arg22[%swap3A_327, %swap3A_328] {strides = array<i32>} : memref<80x128xf32, #tpu.memory_space<vmem>>, vector<16xf32>,
          tpu.vector_store %arg22[%swap3A_327, %swap3A_328], %div3A_326 {strides = array<i32>} : memref<80x128xf32, #tpu.memory_space<vmem>>, vector<16xf32>,
          %get3A_330 = arith.index_cast %add3A_261 : i32 to index
          %get3A_331 = arith.constant 64 : index
          %get3A_332 = tpu.vector_load %arg22[%get3A_330, %get3A_331] {strides = array<i32>} : memref<80x128xf32, #tpu.memory_space<vmem>>, vector<16xf32>,
          %get3A_333 = arith.index_cast %add3A_261 : i32 to index
          %get3A_334 = arith.constant 64 : index
          %get3A_335 = tpu.vector_load %arg23[%get3A_333, %get3A_334] {strides = array<i32>} : memref<80x128xf32, #tpu.memory_space<vmem>>, vector<16xf32>,
          %add3A_336 = arith.addf %get3A_332, %get3A_335 : vector<16xf32>
          %neg3A_337 = arith.constant 0.000000e+00 : f32
          %neg3A_338 = vector.broadcast %neg3A_337 : f32 to vector<16xf32>
          %neg3A_339 = arith.subf %neg3A_338, %add3A_336 : vector<16xf32>
          %exp3A_340 = math.exp %neg3A_339 : vector<16xf32>
          %add3A_341 = arith.constant 1.000000e+00 : f32
          %add3A_342 = vector.broadcast %add3A_341 : f32 to vector<16xf32>
          %add3A_343 = arith.addf %add3A_342, %exp3A_340 : vector<16xf32>
          %div3A_344 = arith.divf %add3A_336, %add3A_343 : vector<16xf32>
          %swap3A_345 = arith.index_cast %add3A_261 : i32 to index
          %swap3A_346 = arith.constant 64 : index
          %swap3A_347 = tpu.vector_load %arg22[%swap3A_345, %swap3A_346] {strides = array<i32>} : memref<80x128xf32, #tpu.memory_space<vmem>>, vector<16xf32>,
          tpu.vector_store %arg22[%swap3A_345, %swap3A_346], %div3A_344 {strides = array<i32>} : memref<80x128xf32, #tpu.memory_space<vmem>>, vector<16xf32>,
          %get3A_348 = arith.index_cast %add3A_261 : i32 to index
          %get3A_349 = arith.constant 80 : index
          %get3A_350 = tpu.vector_load %arg22[%get3A_348, %get3A_349] {strides = array<i32>} : memref<80x128xf32, #tpu.memory_space<vmem>>, vector<16xf32>,
          %get3A_351 = arith.index_cast %add3A_261 : i32 to index
          %get3A_352 = arith.constant 80 : index
          %get3A_353 = tpu.vector_load %arg23[%get3A_351, %get3A_352] {strides = array<i32>} : memref<80x128xf32, #tpu.memory_space<vmem>>, vector<16xf32>,
          %add3A_354 = arith.addf %get3A_350, %get3A_353 : vector<16xf32>
          %neg3A_355 = arith.constant 0.000000e+00 : f32
          %neg3A_356 = vector.broadcast %neg3A_355 : f32 to vector<16xf32>
          %neg3A_357 = arith.subf %neg3A_356, %add3A_354 : vector<16xf32>
          %exp3A_358 = math.exp %neg3A_357 : vector<16xf32>
          %add3A_359 = arith.constant 1.000000e+00 : f32
          %add3A_360 = vector.broadcast %add3A_359 : f32 to vector<16xf32>
          %add3A_361 = arith.addf %add3A_360, %exp3A_358 : vector<16xf32>
          %div3A_362 = arith.divf %add3A_354, %add3A_361 : vector<16xf32>
          %swap3A_363 = arith.index_cast %add3A_261 : i32 to index
          %swap3A_364 = arith.constant 80 : index
          %swap3A_365 = tpu.vector_load %arg22[%swap3A_363, %swap3A_364] {strides = array<i32>} : memref<80x128xf32, #tpu.memory_space<vmem>>, vector<16xf32>,
          tpu.vector_store %arg22[%swap3A_363, %swap3A_364], %div3A_362 {strides = array<i32>} : memref<80x128xf32, #tpu.memory_space<vmem>>, vector<16xf32>,
          %get3A_366 = arith.index_cast %add3A_261 : i32 to index
          %get3A_367 = arith.constant 96 : index
          %get3A_368 = tpu.vector_load %arg22[%get3A_366, %get3A_367] {strides = array<i32>} : memref<80x128xf32, #tpu.memory_space<vmem>>, vector<16xf32>,
          %get3A_369 = arith.index_cast %add3A_261 : i32 to index
          %get3A_370 = arith.constant 96 : index
          %get3A_371 = tpu.vector_load %arg23[%get3A_369, %get3A_370] {strides = array<i32>} : memref<80x128xf32, #tpu.memory_space<vmem>>, vector<16xf32>,
          %add3A_372 = arith.addf %get3A_368, %get3A_371 : vector<16xf32>
          %neg3A_373 = arith.constant 0.000000e+00 : f32
          %neg3A_374 = vector.broadcast %neg3A_373 : f32 to vector<16xf32>
          %neg3A_375 = arith.subf %neg3A_374, %add3A_372 : vector<16xf32>
          %exp3A_376 = math.exp %neg3A_375 : vector<16xf32>
          %add3A_377 = arith.constant 1.000000e+00 : f32
          %add3A_378 = vector.broadcast %add3A_377 : f32 to vector<16xf32>
          %add3A_379 = arith.addf %add3A_378, %exp3A_376 : vector<16xf32>
          %div3A_380 = arith.divf %add3A_372, %add3A_379 : vector<16xf32>
          %swap3A_381 = arith.index_cast %add3A_261 : i32 to index
          %swap3A_382 = arith.constant 96 : index
          %swap3A_383 = tpu.vector_load %arg22[%swap3A_381, %swap3A_382] {strides = array<i32>} : memref<80x128xf32, #tpu.memory_space<vmem>>, vector<16xf32>,
          tpu.vector_store %arg22[%swap3A_381, %swap3A_382], %div3A_380 {strides = array<i32>} : memref<80x128xf32, #tpu.memory_space<vmem>>, vector<16xf32>,
          %get3A_384 = arith.index_cast %add3A_261 : i32 to index
          %get3A_385 = arith.constant 112 : index
          %get3A_386 = tpu.vector_load %arg22[%get3A_384, %get3A_385] {strides = array<i32>} : memref<80x128xf32, #tpu.memory_space<vmem>>, vector<16xf32>,
          %get3A_387 = arith.index_cast %add3A_261 : i32 to index
          %get3A_388 = arith.constant 112 : index
          %get3A_389 = tpu.vector_load %arg23[%get3A_387, %get3A_388] {strides = array<i32>} : memref<80x128xf32, #tpu.memory_space<vmem>>, vector<16xf32>,
          %add3A_390 = arith.addf %get3A_386, %get3A_389 : vector<16xf32>
          %neg3A_391 = arith.constant 0.000000e+00 : f32
          %neg3A_392 = vector.broadcast %neg3A_391 : f32 to vector<16xf32>
          %neg3A_393 = arith.subf %neg3A_392, %add3A_390 : vector<16xf32>
          %exp3A_394 = math.exp %neg3A_393 : vector<16xf32>
          %add3A_395 = arith.constant 1.000000e+00 : f32
          %add3A_396 = vector.broadcast %add3A_395 : f32 to vector<16xf32>
          %add3A_397 = arith.addf %add3A_396, %exp3A_394 : vector<16xf32>
          %div3A_398 = arith.divf %add3A_390, %add3A_397 : vector<16xf32>
          %swap3A_399 = arith.index_cast %add3A_261 : i32 to index
          %swap3A_400 = arith.constant 112 : index
          %swap3A_401 = tpu.vector_load %arg22[%swap3A_399, %swap3A_400] {strides = array<i32>} : memref<80x128xf32, #tpu.memory_space<vmem>>, vector<16xf32>,
          tpu.vector_store %arg22[%swap3A_399, %swap3A_400], %div3A_398 {strides = array<i32>} : memref<80x128xf32, #tpu.memory_space<vmem>>, vector<16xf32>,
        }
        %scan3A_236 = arith.constant 40 : i32
        %mul3A_237 = arith.constant 40 : i32
        %mul3A_238 = arith.muli %add3A_214, %mul3A_237 : i32
        %get3A_239 = arith.index_cast %mul3A_238 : i32 to index
        %get3A_240 = tpu.vector_load %arg21[%get3A_239] {strides = array<i32>} : memref<5000xi32, #tpu.memory_space<vmem>>, vector<16xi32>,
        tpu.vector_store_idx %arg24[%get3A_240], %broadcast_in_dim3A_2 {add = true} : memref<10000xf32, #tpu.memory_space<vmem>>[vector<16xi32>], vector<16xf32>,
        %add3A_241 = arith.constant 16 : i32
        %add3A_242 = arith.addi %mul3A_238, %add3A_241 : i32
        %get3A_243 = arith.index_cast %add3A_242 : i32 to index
        %get3A_244 = tpu.vector_load %arg21[%get3A_243] {strides = array<i32>} : memref<5000xi32, #tpu.memory_space<vmem>>, vector<16xi32>,
        tpu.vector_store_idx %arg24[%get3A_244], %broadcast_in_dim3A_2 {add = true} : memref<10000xf32, #tpu.memory_space<vmem>>[vector<16xi32>], vector<16xf32>,
        %add3A_245 = arith.constant 24 : i32
        %add3A_246 = arith.addi %mul3A_238, %add3A_245 : i32
        %get3A_247 = arith.index_cast %add3A_246 : i32 to index
        %get3A_248 = tpu.vector_load %arg21[%get3A_247] {strides = array<i32>} : memref<5000xi32, #tpu.memory_space<vmem>>, vector<16xi32>,
        %ge3A_249 = arith.constant 8 : i32
        %ge3A_250 = vector.broadcast %ge3A_249 : i32 to vector<16xi32>
        %ge3A_251 = arith.cmpi sge, %iota3A, %ge3A_250 : vector<16xi32>
        tpu.vector_store_idx %arg24[%get3A_248], %broadcast_in_dim3A_2 masked %ge3A_251 {add = true} : memref<10000xf32, #tpu.memory_space<vmem>>[vector<16xi32>], vector<16xf32>, vector<16xi1>
        %dma_start3A_252 = arith.constant 40 : i32
        %dma_start3A_253 = arith.constant 0 : i32
        %dma_start3A_254 = tpu.memref_slice %arg22[%dma_start3A_252, %dma_start3A_253] : memref<80x128xf32, #tpu.memory_space<vmem>> -> memref<40x128xf32, #tpu.memory_space<vmem>>
        %dma_start3A_255 = tpu.memref_slice %arg21[%mul3A_238] : memref<5000xi32, #tpu.memory_space<vmem>> -> memref<40xi32, #tpu.memory_space<vmem>>
        %dma_start3A_256 = arith.constant 0 : i32
        %dma_start3A_257 = arith.constant 0 : i32
        %dma_start3A_258 = tpu.memref_slice %arg25[%dma_start3A_256, %dma_start3A_257] : memref<10000x128xf32, #tpu.memory_space<vmem_shared>> -> memref<10000x128xf32, #tpu.memory_space<vmem_shared>>
        tpu.enqueue_indirect_dma source(%dma_start3A_254 : memref<40x128xf32, #tpu.memory_space<vmem>>) target(%dma_start3A_258 : memref<10000x128xf32, #tpu.memory_space<vmem_shared>>) offsets(%dma_start3A_255 : memref<40xi32, #tpu.memory_space<vmem>>) semaphore(%arg29 : memref<!tpu.dma_semaphore, #tpu.memory_space<semaphore_mem>>) {add = true}
      }
      %scan3A_53 = arith.constant 62 : i32
      %dma_wait3A = arith.constant 0 : i32
      %dma_wait3A_54 = arith.constant 0 : i32
      %dma_wait3A_55 = tpu.memref_slice %arg22[%dma_wait3A, %dma_wait3A_54] : memref<80x128xf32, #tpu.memory_space<vmem>> -> memref<40x128xf32, #tpu.memory_space<vmem>>
      %dma_wait3A_56 = arith.constant 4960 : i32
      %dma_wait3A_57 = tpu.memref_slice %arg20[%dma_wait3A_56] : memref<5000xi32, #tpu.memory_space<vmem>> -> memref<40xi32, #tpu.memory_space<vmem>>
      %dma_wait3A_58 = arith.constant 0 : i32
      %dma_wait3A_59 = arith.constant 0 : i32
      %dma_wait3A_60 = tpu.memref_slice %arg6[%dma_wait3A_58, %dma_wait3A_59] : memref<10000x128xf32, #tpu.memory_space<hbm>> -> memref<10000x128xf32, #tpu.memory_space<hbm>>
      tpu.wait_indirect_dma semaphore(%arg26 : memref<!tpu.dma_semaphore, #tpu.memory_space<semaphore_mem>>) src(%dma_wait3A_60 : memref<10000x128xf32, #tpu.memory_space<hbm>>) dst(%dma_wait3A_55 : memref<40x128xf32, #tpu.memory_space<vmem>>)
      %dma_wait3A_61 = arith.constant 0 : i32
      %dma_wait3A_62 = arith.constant 0 : i32
      %dma_wait3A_63 = tpu.memref_slice %arg23[%dma_wait3A_61, %dma_wait3A_62] : memref<80x128xf32, #tpu.memory_space<vmem>> -> memref<40x128xf32, #tpu.memory_space<vmem>>
      %dma_wait3A_64 = arith.constant 4960 : i32
      %dma_wait3A_65 = tpu.memref_slice %arg21[%dma_wait3A_64] : memref<5000xi32, #tpu.memory_space<vmem>> -> memref<40xi32, #tpu.memory_space<vmem>>
      %dma_wait3A_66 = arith.constant 0 : i32
      %dma_wait3A_67 = arith.constant 0 : i32
      %dma_wait3A_68 = tpu.memref_slice %arg8[%dma_wait3A_66, %dma_wait3A_67] : memref<10000x128xf32, #tpu.memory_space<hbm>> -> memref<10000x128xf32, #tpu.memory_space<hbm>>
      tpu.wait_indirect_dma semaphore(%arg26 : memref<!tpu.dma_semaphore, #tpu.memory_space<semaphore_mem>>) src(%dma_wait3A_68 : memref<10000x128xf32, #tpu.memory_space<hbm>>) dst(%dma_wait3A_63 : memref<40x128xf32, #tpu.memory_space<vmem>>)
      %scan3A_69 = arith.constant 0 : i32
      %scan3A_70 = arith.constant 0 : i32
      %scan3A_71 = arith.constant 40 : i32
      %scan3A_72 = arith.addi %scan3A_70, %scan3A_71 : i32
      %scan3A_73 = arith.constant 1 : i32
      scf.for %scan3A_120 = %scan3A_70 to %scan3A_72 step %scan3A_73  : i32 {
        %add3A_121 = arith.constant 0 : i32
        %add3A_122 = arith.addi %add3A_121, %scan3A_120 : i32
        %get3A_123 = arith.index_cast %add3A_122 : i32 to index
        %get3A_124 = arith.constant 0 : index
        %get3A_125 = tpu.vector_load %arg22[%get3A_123, %get3A_124] {strides = array<i32>} : memref<80x128xf32, #tpu.memory_space<vmem>>, vector<16xf32>,
        %get3A_126 = arith.index_cast %add3A_122 : i32 to index
        %get3A_127 = arith.constant 0 : index
        %get3A_128 = tpu.vector_load %arg23[%get3A_126, %get3A_127] {strides = array<i32>} : memref<80x128xf32, #tpu.memory_space<vmem>>, vector<16xf32>,
        %add3A_129 = arith.addf %get3A_125, %get3A_128 : vector<16xf32>
        %neg3A = arith.constant 0.000000e+00 : f32
        %neg3A_130 = vector.broadcast %neg3A : f32 to vector<16xf32>
        %neg3A_131 = arith.subf %neg3A_130, %add3A_129 : vector<16xf32>
        %exp3A = math.exp %neg3A_131 : vector<16xf32>
        %add3A_132 = arith.constant 1.000000e+00 : f32
        %add3A_133 = vector.broadcast %add3A_132 : f32 to vector<16xf32>
        %add3A_134 = arith.addf %add3A_133, %exp3A : vector<16xf32>
        %div3A = arith.divf %add3A_129, %add3A_134 : vector<16xf32>
        %swap3A = arith.index_cast %add3A_122 : i32 to index
        %swap3A_135 = arith.constant 0 : index
        %swap3A_136 = tpu.vector_load %arg22[%swap3A, %swap3A_135] {strides = array<i32>} : memref<80x128xf32, #tpu.memory_space<vmem>>, vector<16xf32>,
        tpu.vector_store %arg22[%swap3A, %swap3A_135], %div3A {strides = array<i32>} : memref<80x128xf32, #tpu.memory_space<vmem>>, vector<16xf32>,
        %get3A_137 = arith.index_cast %add3A_122 : i32 to index
        %get3A_138 = arith.constant 16 : index
        %get3A_139 = tpu.vector_load %arg22[%get3A_137, %get3A_138] {strides = array<i32>} : memref<80x128xf32, #tpu.memory_space<vmem>>, vector<16xf32>,
        %get3A_140 = arith.index_cast %add3A_122 : i32 to index
        %get3A_141 = arith.constant 16 : index
        %get3A_142 = tpu.vector_load %arg23[%get3A_140, %get3A_141] {strides = array<i32>} : memref<80x128xf32, #tpu.memory_space<vmem>>, vector<16xf32>,
        %add3A_143 = arith.addf %get3A_139, %get3A_142 : vector<16xf32>
        %neg3A_144 = arith.constant 0.000000e+00 : f32
        %neg3A_145 = vector.broadcast %neg3A_144 : f32 to vector<16xf32>
        %neg3A_146 = arith.subf %neg3A_145, %add3A_143 : vector<16xf32>
        %exp3A_147 = math.exp %neg3A_146 : vector<16xf32>
        %add3A_148 = arith.constant 1.000000e+00 : f32
        %add3A_149 = vector.broadcast %add3A_148 : f32 to vector<16xf32>
        %add3A_150 = arith.addf %add3A_149, %exp3A_147 : vector<16xf32>
        %div3A_151 = arith.divf %add3A_143, %add3A_150 : vector<16xf32>
        %swap3A_152 = arith.index_cast %add3A_122 : i32 to index
        %swap3A_153 = arith.constant 16 : index
        %swap3A_154 = tpu.vector_load %arg22[%swap3A_152, %swap3A_153] {strides = array<i32>} : memref<80x128xf32, #tpu.memory_space<vmem>>, vector<16xf32>,
        tpu.vector_store %arg22[%swap3A_152, %swap3A_153], %div3A_151 {strides = array<i32>} : memref<80x128xf32, #tpu.memory_space<vmem>>, vector<16xf32>,
        %get3A_155 = arith.index_cast %add3A_122 : i32 to index
        %get3A_156 = arith.constant 32 : index
        %get3A_157 = tpu.vector_load %arg22[%get3A_155, %get3A_156] {strides = array<i32>} : memref<80x128xf32, #tpu.memory_space<vmem>>, vector<16xf32>,
        %get3A_158 = arith.index_cast %add3A_122 : i32 to index
        %get3A_159 = arith.constant 32 : index
        %get3A_160 = tpu.vector_load %arg23[%get3A_158, %get3A_159] {strides = array<i32>} : memref<80x128xf32, #tpu.memory_space<vmem>>, vector<16xf32>,
        %add3A_161 = arith.addf %get3A_157, %get3A_160 : vector<16xf32>
        %neg3A_162 = arith.constant 0.000000e+00 : f32
        %neg3A_163 = vector.broadcast %neg3A_162 : f32 to vector<16xf32>
        %neg3A_164 = arith.subf %neg3A_163, %add3A_161 : vector<16xf32>
        %exp3A_165 = math.exp %neg3A_164 : vector<16xf32>
        %add3A_166 = arith.constant 1.000000e+00 : f32
        %add3A_167 = vector.broadcast %add3A_166 : f32 to vector<16xf32>
        %add3A_168 = arith.addf %add3A_167, %exp3A_165 : vector<16xf32>
        %div3A_169 = arith.divf %add3A_161, %add3A_168 : vector<16xf32>
        %swap3A_170 = arith.index_cast %add3A_122 : i32 to index
        %swap3A_171 = arith.constant 32 : index
        %swap3A_172 = tpu.vector_load %arg22[%swap3A_170, %swap3A_171] {strides = array<i32>} : memref<80x128xf32, #tpu.memory_space<vmem>>, vector<16xf32>,
        tpu.vector_store %arg22[%swap3A_170, %swap3A_171], %div3A_169 {strides = array<i32>} : memref<80x128xf32, #tpu.memory_space<vmem>>, vector<16xf32>,
        %get3A_173 = arith.index_cast %add3A_122 : i32 to index
        %get3A_174 = arith.constant 48 : index
        %get3A_175 = tpu.vector_load %arg22[%get3A_173, %get3A_174] {strides = array<i32>} : memref<80x128xf32, #tpu.memory_space<vmem>>, vector<16xf32>,
        %get3A_176 = arith.index_cast %add3A_122 : i32 to index
        %get3A_177 = arith.constant 48 : index
        %get3A_178 = tpu.vector_load %arg23[%get3A_176, %get3A_177] {strides = array<i32>} : memref<80x128xf32, #tpu.memory_space<vmem>>, vector<16xf32>,
        %add3A_179 = arith.addf %get3A_175, %get3A_178 : vector<16xf32>
        %neg3A_180 = arith.constant 0.000000e+00 : f32
        %neg3A_181 = vector.broadcast %neg3A_180 : f32 to vector<16xf32>
        %neg3A_182 = arith.subf %neg3A_181, %add3A_179 : vector<16xf32>
        %exp3A_183 = math.exp %neg3A_182 : vector<16xf32>
        %add3A_184 = arith.constant 1.000000e+00 : f32
        %add3A_185 = vector.broadcast %add3A_184 : f32 to vector<16xf32>
        %add3A_186 = arith.addf %add3A_185, %exp3A_183 : vector<16xf32>
        %div3A_187 = arith.divf %add3A_179, %add3A_186 : vector<16xf32>
        %swap3A_188 = arith.index_cast %add3A_122 : i32 to index
        %swap3A_189 = arith.constant 48 : index
        %swap3A_190 = tpu.vector_load %arg22[%swap3A_188, %swap3A_189] {strides = array<i32>} : memref<80x128xf32, #tpu.memory_space<vmem>>, vector<16xf32>,
        tpu.vector_store %arg22[%swap3A_188, %swap3A_189], %div3A_187 {strides = array<i32>} : memref<80x128xf32, #tpu.memory_space<vmem>>, vector<16xf32>,
        %get3A_191 = arith.index_cast %add3A_122 : i32 to index
        %get3A_192 = arith.constant 64 : index
        %get3A_193 = tpu.vector_load %arg22[%get3A_191, %get3A_192] {strides = array<i32>} : memref<80x128xf32, #tpu.memory_space<vmem>>, vector<16xf32>,
        %get3A_194 = arith.index_cast %add3A_122 : i32 to index
        %get3A_195 = arith.constant 64 : index
        %get3A_196 = tpu.vector_load %arg23[%get3A_194, %get3A_195] {strides = array<i32>} : memref<80x128xf32, #tpu.memory_space<vmem>>, vector<16xf32>,
        %add3A_197 = arith.addf %get3A_193, %get3A_196 : vector<16xf32>
        %neg3A_198 = arith.constant 0.000000e+00 : f32
        %neg3A_199 = vector.broadcast %neg3A_198 : f32 to vector<16xf32>
        %neg3A_200 = arith.subf %neg3A_199, %add3A_197 : vector<16xf32>
        %exp3A_201 = math.exp %neg3A_200 : vector<16xf32>
        %add3A_202 = arith.constant 1.000000e+00 : f32
        %add3A_203 = vector.broadcast %add3A_202 : f32 to vector<16xf32>
        %add3A_204 = arith.addf %add3A_203, %exp3A_201 : vector<16xf32>
        %div3A_205 = arith.divf %add3A_197, %add3A_204 : vector<16xf32>
        %swap3A_206 = arith.index_cast %add3A_122 : i32 to index
        %swap3A_207 = arith.constant 64 : index
        %swap3A_208 = tpu.vector_load %arg22[%swap3A_206, %swap3A_207] {strides = array<i32>} : memref<80x128xf32, #tpu.memory_space<vmem>>, vector<16xf32>,
        tpu.vector_store %arg22[%swap3A_206, %swap3A_207], %div3A_205 {strides = array<i32>} : memref<80x128xf32, #tpu.memory_space<vmem>>, vector<16xf32>,
        %get3A_209 = arith.index_cast %add3A_122 : i32 to index
        %get3A_210 = arith.constant 80 : index
        %get3A_211 = tpu.vector_load %arg22[%get3A_209, %get3A_210] {strides = array<i32>} : memref<80x128xf32, #tpu.memory_space<vmem>>, vector<16xf32>,
        %get3A_212 = arith.index_cast %add3A_122 : i32 to index
        %get3A_213 = arith.constant 80 : index
        %get3A_214 = tpu.vector_load %arg23[%get3A_212, %get3A_213] {strides = array<i32>} : memref<80x128xf32, #tpu.memory_space<vmem>>, vector<16xf32>,
        %add3A_215 = arith.addf %get3A_211, %get3A_214 : vector<16xf32>
        %neg3A_216 = arith.constant 0.000000e+00 : f32
        %neg3A_217 = vector.broadcast %neg3A_216 : f32 to vector<16xf32>
        %neg3A_218 = arith.subf %neg3A_217, %add3A_215 : vector<16xf32>
        %exp3A_219 = math.exp %neg3A_218 : vector<16xf32>
        %add3A_220 = arith.constant 1.000000e+00 : f32
        %add3A_221 = vector.broadcast %add3A_220 : f32 to vector<16xf32>
        %add3A_222 = arith.addf %add3A_221, %exp3A_219 : vector<16xf32>
        %div3A_223 = arith.divf %add3A_215, %add3A_222 : vector<16xf32>
        %swap3A_224 = arith.index_cast %add3A_122 : i32 to index
        %swap3A_225 = arith.constant 80 : index
        %swap3A_226 = tpu.vector_load %arg22[%swap3A_224, %swap3A_225] {strides = array<i32>} : memref<80x128xf32, #tpu.memory_space<vmem>>, vector<16xf32>,
        tpu.vector_store %arg22[%swap3A_224, %swap3A_225], %div3A_223 {strides = array<i32>} : memref<80x128xf32, #tpu.memory_space<vmem>>, vector<16xf32>,
        %get3A_227 = arith.index_cast %add3A_122 : i32 to index
        %get3A_228 = arith.constant 96 : index
        %get3A_229 = tpu.vector_load %arg22[%get3A_227, %get3A_228] {strides = array<i32>} : memref<80x128xf32, #tpu.memory_space<vmem>>, vector<16xf32>,
        %get3A_230 = arith.index_cast %add3A_122 : i32 to index
        %get3A_231 = arith.constant 96 : index
        %get3A_232 = tpu.vector_load %arg23[%get3A_230, %get3A_231] {strides = array<i32>} : memref<80x128xf32, #tpu.memory_space<vmem>>, vector<16xf32>,
        %add3A_233 = arith.addf %get3A_229, %get3A_232 : vector<16xf32>
        %neg3A_234 = arith.constant 0.000000e+00 : f32
        %neg3A_235 = vector.broadcast %neg3A_234 : f32 to vector<16xf32>
        %neg3A_236 = arith.subf %neg3A_235, %add3A_233 : vector<16xf32>
        %exp3A_237 = math.exp %neg3A_236 : vector<16xf32>
        %add3A_238 = arith.constant 1.000000e+00 : f32
        %add3A_239 = vector.broadcast %add3A_238 : f32 to vector<16xf32>
        %add3A_240 = arith.addf %add3A_239, %exp3A_237 : vector<16xf32>
        %div3A_241 = arith.divf %add3A_233, %add3A_240 : vector<16xf32>
        %swap3A_242 = arith.index_cast %add3A_122 : i32 to index
        %swap3A_243 = arith.constant 96 : index
        %swap3A_244 = tpu.vector_load %arg22[%swap3A_242, %swap3A_243] {strides = array<i32>} : memref<80x128xf32, #tpu.memory_space<vmem>>, vector<16xf32>,
        tpu.vector_store %arg22[%swap3A_242, %swap3A_243], %div3A_241 {strides = array<i32>} : memref<80x128xf32, #tpu.memory_space<vmem>>, vector<16xf32>,
        %get3A_245 = arith.index_cast %add3A_122 : i32 to index
        %get3A_246 = arith.constant 112 : index
        %get3A_247 = tpu.vector_load %arg22[%get3A_245, %get3A_246] {strides = array<i32>} : memref<80x128xf32, #tpu.memory_space<vmem>>, vector<16xf32>,
        %get3A_248 = arith.index_cast %add3A_122 : i32 to index
        %get3A_249 = arith.constant 112 : index
        %get3A_250 = tpu.vector_load %arg23[%get3A_248, %get3A_249] {strides = array<i32>} : memref<80x128xf32, #tpu.memory_space<vmem>>, vector<16xf32>,
        %add3A_251 = arith.addf %get3A_247, %get3A_250 : vector<16xf32>
        %neg3A_252 = arith.constant 0.000000e+00 : f32
        %neg3A_253 = vector.broadcast %neg3A_252 : f32 to vector<16xf32>
        %neg3A_254 = arith.subf %neg3A_253, %add3A_251 : vector<16xf32>
        %exp3A_255 = math.exp %neg3A_254 : vector<16xf32>
        %add3A_256 = arith.constant 1.000000e+00 : f32
        %add3A_257 = vector.broadcast %add3A_256 : f32 to vector<16xf32>
        %add3A_258 = arith.addf %add3A_257, %exp3A_255 : vector<16xf32>
        %div3A_259 = arith.divf %add3A_251, %add3A_258 : vector<16xf32>
        %swap3A_260 = arith.index_cast %add3A_122 : i32 to index
        %swap3A_261 = arith.constant 112 : index
        %swap3A_262 = tpu.vector_load %arg22[%swap3A_260, %swap3A_261] {strides = array<i32>} : memref<80x128xf32, #tpu.memory_space<vmem>>, vector<16xf32>,
        tpu.vector_store %arg22[%swap3A_260, %swap3A_261], %div3A_259 {strides = array<i32>} : memref<80x128xf32, #tpu.memory_space<vmem>>, vector<16xf32>,
      }
      %scan3A_74 = arith.constant 40 : i32
      %get3A = arith.constant 4960 : index
      %get3A_75 = tpu.vector_load %arg21[%get3A] {strides = array<i32>} : memref<5000xi32, #tpu.memory_space<vmem>>, vector<16xi32>,
      tpu.vector_store_idx %arg24[%get3A_75], %broadcast_in_dim3A_2 {add = true} : memref<10000xf32, #tpu.memory_space<vmem>>[vector<16xi32>], vector<16xf32>,
      %get3A_76 = arith.constant 4976 : index
      %get3A_77 = tpu.vector_load %arg21[%get3A_76] {strides = array<i32>} : memref<5000xi32, #tpu.memory_space<vmem>>, vector<16xi32>,
      tpu.vector_store_idx %arg24[%get3A_77], %broadcast_in_dim3A_2 {add = true} : memref<10000xf32, #tpu.memory_space<vmem>>[vector<16xi32>], vector<16xf32>,
      %get3A_78 = arith.constant 4984 : index
      %get3A_79 = tpu.vector_load %arg21[%get3A_78] {strides = array<i32>} : memref<5000xi32, #tpu.memory_space<vmem>>, vector<16xi32>,
      %ge3A = arith.constant 8 : i32
      %ge3A_80 = vector.broadcast %ge3A : i32 to vector<16xi32>
      %ge3A_81 = arith.cmpi sge, %iota3A, %ge3A_80 : vector<16xi32>
      tpu.vector_store_idx %arg24[%get3A_79], %broadcast_in_dim3A_2 masked %ge3A_81 {add = true} : memref<10000xf32, #tpu.memory_space<vmem>>[vector<16xi32>], vector<16xf32>, vector<16xi1>
      %dma_start3A_82 = arith.constant 0 : i32
      %dma_start3A_83 = arith.constant 0 : i32
      %dma_start3A_84 = tpu.memref_slice %arg22[%dma_start3A_82, %dma_start3A_83] : memref<80x128xf32, #tpu.memory_space<vmem>> -> memref<40x128xf32, #tpu.memory_space<vmem>>
      %dma_start3A_85 = arith.constant 4960 : i32
      %dma_start3A_86 = tpu.memref_slice %arg21[%dma_start3A_85] : memref<5000xi32, #tpu.memory_space<vmem>> -> memref<40xi32, #tpu.memory_space<vmem>>
      %dma_start3A_87 = arith.constant 0 : i32
      %dma_start3A_88 = arith.constant 0 : i32
      %dma_start3A_89 = tpu.memref_slice %arg25[%dma_start3A_87, %dma_start3A_88] : memref<10000x128xf32, #tpu.memory_space<vmem_shared>> -> memref<10000x128xf32, #tpu.memory_space<vmem_shared>>
      tpu.enqueue_indirect_dma source(%dma_start3A_84 : memref<40x128xf32, #tpu.memory_space<vmem>>) target(%dma_start3A_89 : memref<10000x128xf32, #tpu.memory_space<vmem_shared>>) offsets(%dma_start3A_86 : memref<40xi32, #tpu.memory_space<vmem>>) semaphore(%arg28 : memref<!tpu.dma_semaphore, #tpu.memory_space<semaphore_mem>>) {add = true}
      %dma_wait3A_90 = arith.constant 0 : i32
      %dma_wait3A_91 = arith.constant 0 : i32
      %dma_wait3A_92 = tpu.memref_slice %arg22[%dma_wait3A_90, %dma_wait3A_91] : memref<80x128xf32, #tpu.memory_space<vmem>> -> memref<40x128xf32, #tpu.memory_space<vmem>>
      %dma_wait3A_93 = arith.constant 0 : i32
      %dma_wait3A_94 = tpu.memref_slice %arg21[%dma_wait3A_93] : memref<5000xi32, #tpu.memory_space<vmem>> -> memref<40xi32, #tpu.memory_space<vmem>>
      %dma_wait3A_95 = arith.constant 0 : i32
      %dma_wait3A_96 = arith.constant 0 : i32
      %dma_wait3A_97 = tpu.memref_slice %arg25[%dma_wait3A_95, %dma_wait3A_96] : memref<10000x128xf32, #tpu.memory_space<vmem_shared>> -> memref<10000x128xf32, #tpu.memory_space<vmem_shared>>
      tpu.wait_indirect_dma semaphore(%arg28 : memref<!tpu.dma_semaphore, #tpu.memory_space<semaphore_mem>>) src(%dma_wait3A_92 : memref<40x128xf32, #tpu.memory_space<vmem>>) dst(%dma_wait3A_97 : memref<10000x128xf32, #tpu.memory_space<vmem_shared>>)
      %dma_wait3A_98 = arith.constant 40 : i32
      %dma_wait3A_99 = arith.constant 0 : i32
      %dma_wait3A_100 = tpu.memref_slice %arg22[%dma_wait3A_98, %dma_wait3A_99] : memref<80x128xf32, #tpu.memory_space<vmem>> -> memref<40x128xf32, #tpu.memory_space<vmem>>
      %dma_wait3A_101 = arith.constant 0 : i32
      %dma_wait3A_102 = tpu.memref_slice %arg21[%dma_wait3A_101] : memref<5000xi32, #tpu.memory_space<vmem>> -> memref<40xi32, #tpu.memory_space<vmem>>
      %dma_wait3A_103 = arith.constant 0 : i32
      %dma_wait3A_104 = arith.constant 0 : i32
      %dma_wait3A_105 = tpu.memref_slice %arg25[%dma_wait3A_103, %dma_wait3A_104] : memref<10000x128xf32, #tpu.memory_space<vmem_shared>> -> memref<10000x128xf32, #tpu.memory_space<vmem_shared>>
      tpu.wait_indirect_dma semaphore(%arg29 : memref<!tpu.dma_semaphore, #tpu.memory_space<semaphore_mem>>) src(%dma_wait3A_100 : memref<40x128xf32, #tpu.memory_space<vmem>>) dst(%dma_wait3A_105 : memref<10000x128xf32, #tpu.memory_space<vmem_shared>>)
      %barrier3A_106 = arith.constant 0 : index
      tpu.barrier barrier_id(%barrier3A_106)
      %mul3A_107 = arith.constant 624 : i32
      %mul3A_108 = arith.muli %arg1, %mul3A_107 : i32
      %mul3A_109 = arith.constant 624 : i32
      %mul3A_110 = arith.muli %arg1, %mul3A_109 : i32
      "tpu.region"() ({
        %run_scoped3A = tpu.sem_alloc : memref<!tpu.dma_semaphore, #tpu.memory_space<semaphore_mem>>
        %dma_start3A_120 = arith.constant 0 : i32
        %dma_start3A_121 = tpu.memref_slice %arg17[%mul3A_110, %dma_start3A_120] : memref<10000x128xf32, #tpu.memory_space<hbm>> -> memref<624x128xf32, #tpu.memory_space<hbm>>
        %dma_start3A_122 = arith.constant 0 : i32
        %dma_start3A_123 = tpu.memref_slice %arg25[%mul3A_108, %dma_start3A_122] : memref<10000x128xf32, #tpu.memory_space<vmem_shared>> -> memref<624x128xf32, #tpu.memory_space<vmem_shared>>
        tpu.enqueue_dma source(%dma_start3A_123 : memref<624x128xf32, #tpu.memory_space<vmem_shared>>) target(%dma_start3A_121 : memref<624x128xf32, #tpu.memory_space<hbm>>) target_semaphore(%run_scoped3A : memref<!tpu.dma_semaphore, #tpu.memory_space<semaphore_mem>>)
        %dma_wait3A_124 = arith.constant 0 : i32
        %dma_wait3A_125 = tpu.memref_slice %arg17[%mul3A_110, %dma_wait3A_124] : memref<10000x128xf32, #tpu.memory_space<hbm>> -> memref<624x128xf32, #tpu.memory_space<hbm>>
        %dma_wait3A_126 = arith.constant 0 : i32
        %dma_wait3A_127 = tpu.memref_slice %arg25[%mul3A_108, %dma_wait3A_126] : memref<10000x128xf32, #tpu.memory_space<vmem_shared>> -> memref<624x128xf32, #tpu.memory_space<vmem_shared>>
        tpu.wait_dma2 semaphore(%run_scoped3A : memref<!tpu.dma_semaphore, #tpu.memory_space<semaphore_mem>>) src(%dma_wait3A_127 : memref<624x128xf32, #tpu.memory_space<vmem_shared>>) dst(%dma_wait3A_125 : memref<624x128xf32, #tpu.memory_space<hbm>>)
        tpu.yield
      }) : () -> ()
      %eq3A_111 = arith.constant 15 : i32
      %eq3A_112 = arith.cmpi eq, %arg1, %eq3A_111 : i32
      %convert_element_type3A_113 = arith.extui %eq3A_112 : i1 to i32
      %cond3A_114 = arith.constant 0 : i32
      %cond3A_115 = arith.cmpi ne, %convert_element_type3A_113, %cond3A_114 : i32
      scf.if %cond3A_115 {
        "tpu.region"() ({
          %run_scoped3A = tpu.sem_alloc : memref<!tpu.dma_semaphore, #tpu.memory_space<semaphore_mem>>
          %dma_start3A_120 = arith.constant 9984 : i32
          %dma_start3A_121 = arith.constant 0 : i32
          %dma_start3A_122 = tpu.memref_slice %arg17[%dma_start3A_120, %dma_start3A_121] : memref<10000x128xf32, #tpu.memory_space<hbm>> -> memref<16x128xf32, #tpu.memory_space<hbm>>
          %dma_start3A_123 = arith.constant 9984 : i32
          %dma_start3A_124 = arith.constant 0 : i32
          %dma_start3A_125 = tpu.memref_slice %arg25[%dma_start3A_123, %dma_start3A_124] : memref<10000x128xf32, #tpu.memory_space<vmem_shared>> -> memref<16x128xf32, #tpu.memory_space<vmem_shared>>
          tpu.enqueue_dma source(%dma_start3A_125 : memref<16x128xf32, #tpu.memory_space<vmem_shared>>) target(%dma_start3A_122 : memref<16x128xf32, #tpu.memory_space<hbm>>) target_semaphore(%run_scoped3A : memref<!tpu.dma_semaphore, #tpu.memory_space<semaphore_mem>>)
          %dma_wait3A_126 = arith.constant 9984 : i32
          %dma_wait3A_127 = arith.constant 0 : i32
          %dma_wait3A_128 = tpu.memref_slice %arg17[%dma_wait3A_126, %dma_wait3A_127] : memref<10000x128xf32, #tpu.memory_space<hbm>> -> memref<16x128xf32, #tpu.memory_space<hbm>>
          %dma_wait3A_129 = arith.constant 9984 : i32
          %dma_wait3A_130 = arith.constant 0 : i32
          %dma_wait3A_131 = tpu.memref_slice %arg25[%dma_wait3A_129, %dma_wait3A_130] : memref<10000x128xf32, #tpu.memory_space<vmem_shared>> -> memref<16x128xf32, #tpu.memory_space<vmem_shared>>
          tpu.wait_dma2 semaphore(%run_scoped3A : memref<!tpu.dma_semaphore, #tpu.memory_space<semaphore_mem>>) src(%dma_wait3A_131 : memref<16x128xf32, #tpu.memory_space<vmem_shared>>) dst(%dma_wait3A_128 : memref<16x128xf32, #tpu.memory_space<hbm>>)
          tpu.yield
        }) : () -> ()
      } else {
      }
      %add3A = arith.constant 16 : i32
      %add3A_116 = arith.addi %add3A, %arg1 : i32
      %mul3A_117 = arith.constant 10240 : i32
      %mul3A_118 = arith.muli %add3A_116, %mul3A_117 : i32
      "tpu.region"() ({
        %run_scoped3A = tpu.sem_alloc : memref<!tpu.dma_semaphore, #tpu.memory_space<semaphore_mem>>
        %dma_start3A_120 = arith.constant 0 : i32
        %dma_start3A_121 = tpu.memref_slice %arg24[%dma_start3A_120] : memref<10000xf32, #tpu.memory_space<vmem>> -> memref<10000xf32, #tpu.memory_space<vmem>>
        %dma_start3A_122 = tpu.memref_slice %arg19[%mul3A_118] : memref<327680xf32, #tpu.memory_space<hbm>> -> memref<10000xf32, #tpu.memory_space<hbm>>
        %dma_start3A_123 = tpu.memref_slice %arg19[%mul3A_118] : memref<327680xf32, #tpu.memory_space<hbm>> -> memref<10000xf32, #tpu.memory_space<hbm>>
        %dma_start3A_124 = arith.constant 0 : i32
        %dma_start3A_125 = tpu.memref_slice %arg24[%dma_start3A_124] : memref<10000xf32, #tpu.memory_space<vmem>> -> memref<10000xf32, #tpu.memory_space<vmem>>
        tpu.enqueue_dma source(%dma_start3A_125 : memref<10000xf32, #tpu.memory_space<vmem>>) target(%dma_start3A_123 : memref<10000xf32, #tpu.memory_space<hbm>>) target_semaphore(%run_scoped3A : memref<!tpu.dma_semaphore, #tpu.memory_space<semaphore_mem>>)
        %dma_wait3A_126 = arith.constant 0 : i32
        %dma_wait3A_127 = tpu.memref_slice %arg24[%dma_wait3A_126] : memref<10000xf32, #tpu.memory_space<vmem>> -> memref<10000xf32, #tpu.memory_space<vmem>>
        %dma_wait3A_128 = tpu.memref_slice %arg19[%mul3A_118] : memref<327680xf32, #tpu.memory_space<hbm>> -> memref<10000xf32, #tpu.memory_space<hbm>>
        %dma_wait3A_129 = tpu.memref_slice %arg19[%mul3A_118] : memref<327680xf32, #tpu.memory_space<hbm>> -> memref<10000xf32, #tpu.memory_space<hbm>>
        %dma_wait3A_130 = arith.constant 0 : i32
        %dma_wait3A_131 = tpu.memref_slice %arg24[%dma_wait3A_130] : memref<10000xf32, #tpu.memory_space<vmem>> -> memref<10000xf32, #tpu.memory_space<vmem>>
        tpu.wait_dma2 semaphore(%run_scoped3A : memref<!tpu.dma_semaphore, #tpu.memory_space<semaphore_mem>>) src(%dma_wait3A_131 : memref<10000xf32, #tpu.memory_space<vmem>>) dst(%dma_wait3A_129 : memref<10000xf32, #tpu.memory_space<hbm>>)
        tpu.yield
      }) : () -> ()
      %barrier3A_119 = arith.constant 0 : index
      tpu.barrier barrier_id(%barrier3A_119)
    } else {
    }
    %eq3A_15 = arith.constant 1 : i32
    %eq3A_16 = arith.cmpi eq, %arg0, %eq3A_15 : i32
    %convert_element_type3A_17 = arith.extui %eq3A_16 : i1 to i32
    %cond3A_18 = arith.constant 0 : i32
    %cond3A_19 = arith.cmpi ne, %convert_element_type3A_17, %cond3A_18 : i32
    scf.if %cond3A_19 {
      %mul3A = arith.constant 624 : i32
      %mul3A_20 = arith.muli %arg1, %mul3A : i32
      "tpu.region"() ({
        %run_scoped3A = tpu.sem_alloc : memref<!tpu.dma_semaphore, #tpu.memory_space<semaphore_mem>>
        %dma_start3A_104 = arith.constant 0 : i32
        %dma_start3A_105 = tpu.memref_slice %arg25[%mul3A_20, %dma_start3A_104] : memref<10000x128xf32, #tpu.memory_space<vmem_shared>> -> memref<624x128xf32, #tpu.memory_space<vmem_shared>>
        tpu.enqueue_dma source(%arg14 : memref<624x128xf32, #tpu.memory_space<hbm>>) target(%dma_start3A_105 : memref<624x128xf32, #tpu.memory_space<vmem_shared>>) target_semaphore(%run_scoped3A : memref<!tpu.dma_semaphore, #tpu.memory_space<semaphore_mem>>)
        %dma_wait3A_106 = arith.constant 0 : i32
        %dma_wait3A_107 = tpu.memref_slice %arg25[%mul3A_20, %dma_wait3A_106] : memref<10000x128xf32, #tpu.memory_space<vmem_shared>> -> memref<624x128xf32, #tpu.memory_space<vmem_shared>>
        tpu.wait_dma2 semaphore(%run_scoped3A : memref<!tpu.dma_semaphore, #tpu.memory_space<semaphore_mem>>) src(%arg14 : memref<624x128xf32, #tpu.memory_space<hbm>>) dst(%dma_wait3A_107 : memref<624x128xf32, #tpu.memory_space<vmem_shared>>)
        tpu.yield
      }) : () -> ()
      %eq3A_21 = arith.constant 15 : i32
      %eq3A_22 = arith.cmpi eq, %arg1, %eq3A_21 : i32
      %convert_element_type3A_23 = arith.extui %eq3A_22 : i1 to i32
      %cond3A_24 = arith.constant 0 : i32
      %cond3A_25 = arith.cmpi ne, %convert_element_type3A_23, %cond3A_24 : i32
      scf.if %cond3A_25 {
        "tpu.region"() ({
          %run_scoped3A = tpu.sem_alloc : memref<!tpu.dma_semaphore, #tpu.memory_space<semaphore_mem>>
          %dma_start3A_104 = arith.constant 9984 : i32
          %dma_start3A_105 = arith.constant 0 : i32
          %dma_start3A_106 = tpu.memref_slice %arg25[%dma_start3A_104, %dma_start3A_105] : memref<10000x128xf32, #tpu.memory_space<vmem_shared>> -> memref<16x128xf32, #tpu.memory_space<vmem_shared>>
          %dma_start3A_107 = arith.constant 0 : i32
          %dma_start3A_108 = arith.constant 0 : i32
          %dma_start3A_109 = tpu.memref_slice %arg14[%dma_start3A_107, %dma_start3A_108] : memref<624x128xf32, #tpu.memory_space<hbm>> -> memref<16x128xf32, #tpu.memory_space<hbm>>
          tpu.enqueue_dma source(%dma_start3A_109 : memref<16x128xf32, #tpu.memory_space<hbm>>) target(%dma_start3A_106 : memref<16x128xf32, #tpu.memory_space<vmem_shared>>) target_semaphore(%run_scoped3A : memref<!tpu.dma_semaphore, #tpu.memory_space<semaphore_mem>>)
          %dma_wait3A_110 = arith.constant 9984 : i32
          %dma_wait3A_111 = arith.constant 0 : i32
          %dma_wait3A_112 = tpu.memref_slice %arg25[%dma_wait3A_110, %dma_wait3A_111] : memref<10000x128xf32, #tpu.memory_space<vmem_shared>> -> memref<16x128xf32, #tpu.memory_space<vmem_shared>>
          %dma_wait3A_113 = arith.constant 0 : i32
          %dma_wait3A_114 = arith.constant 0 : i32
          %dma_wait3A_115 = tpu.memref_slice %arg14[%dma_wait3A_113, %dma_wait3A_114] : memref<624x128xf32, #tpu.memory_space<hbm>> -> memref<16x128xf32, #tpu.memory_space<hbm>>
          tpu.wait_dma2 semaphore(%run_scoped3A : memref<!tpu.dma_semaphore, #tpu.memory_space<semaphore_mem>>) src(%dma_wait3A_115 : memref<16x128xf32, #tpu.memory_space<hbm>>) dst(%dma_wait3A_112 : memref<16x128xf32, #tpu.memory_space<vmem_shared>>)
          tpu.yield
        }) : () -> ()
      } else {
      }
      %barrier3A = arith.constant 0 : index
      tpu.barrier barrier_id(%barrier3A)
      %mul3A_26 = arith.constant 5000 : i32
      %mul3A_27 = arith.muli %arg1, %mul3A_26 : i32
      %multiple_of3A = tpu.assume_multiple %mul3A_27, 8 : i32
      "tpu.region"() ({
        %run_scoped3A = tpu.sem_alloc : memref<!tpu.dma_semaphore, #tpu.memory_space<semaphore_mem>>
        %dma_start3A_104 = tpu.memref_slice %arg12[%multiple_of3A] : memref<80000xi32, #tpu.memory_space<hbm>> -> memref<5000xi32, #tpu.memory_space<hbm>>
        %dma_start3A_105 = tpu.memref_slice %arg12[%multiple_of3A] : memref<80000xi32, #tpu.memory_space<hbm>> -> memref<5000xi32, #tpu.memory_space<hbm>>
        tpu.enqueue_dma source(%dma_start3A_105 : memref<5000xi32, #tpu.memory_space<hbm>>) target(%arg20 : memref<5000xi32, #tpu.memory_space<vmem>>) target_semaphore(%run_scoped3A : memref<!tpu.dma_semaphore, #tpu.memory_space<semaphore_mem>>)
        %dma_wait3A_106 = tpu.memref_slice %arg12[%multiple_of3A] : memref<80000xi32, #tpu.memory_space<hbm>> -> memref<5000xi32, #tpu.memory_space<hbm>>
        %dma_wait3A_107 = tpu.memref_slice %arg12[%multiple_of3A] : memref<80000xi32, #tpu.memory_space<hbm>> -> memref<5000xi32, #tpu.memory_space<hbm>>
        tpu.wait_dma2 semaphore(%run_scoped3A : memref<!tpu.dma_semaphore, #tpu.memory_space<semaphore_mem>>) src(%dma_wait3A_107 : memref<5000xi32, #tpu.memory_space<hbm>>) dst(%arg20 : memref<5000xi32, #tpu.memory_space<vmem>>)
        tpu.yield
      }) : () -> ()
      "tpu.region"() ({
        %run_scoped3A = tpu.sem_alloc : memref<!tpu.dma_semaphore, #tpu.memory_space<semaphore_mem>>
        %dma_start3A_104 = tpu.memref_slice %arg13[%multiple_of3A] : memref<80000xi32, #tpu.memory_space<hbm>> -> memref<5000xi32, #tpu.memory_space<hbm>>
        %dma_start3A_105 = tpu.memref_slice %arg13[%multiple_of3A] : memref<80000xi32, #tpu.memory_space<hbm>> -> memref<5000xi32, #tpu.memory_space<hbm>>
        tpu.enqueue_dma source(%dma_start3A_105 : memref<5000xi32, #tpu.memory_space<hbm>>) target(%arg21 : memref<5000xi32, #tpu.memory_space<vmem>>) target_semaphore(%run_scoped3A : memref<!tpu.dma_semaphore, #tpu.memory_space<semaphore_mem>>)
        %dma_wait3A_106 = tpu.memref_slice %arg13[%multiple_of3A] : memref<80000xi32, #tpu.memory_space<hbm>> -> memref<5000xi32, #tpu.memory_space<hbm>>
        %dma_wait3A_107 = tpu.memref_slice %arg13[%multiple_of3A] : memref<80000xi32, #tpu.memory_space<hbm>> -> memref<5000xi32, #tpu.memory_space<hbm>>
        tpu.wait_dma2 semaphore(%run_scoped3A : memref<!tpu.dma_semaphore, #tpu.memory_space<semaphore_mem>>) src(%dma_wait3A_107 : memref<5000xi32, #tpu.memory_space<hbm>>) dst(%arg21 : memref<5000xi32, #tpu.memory_space<vmem>>)
        tpu.yield
      }) : () -> ()
      %dma_start3A = arith.constant 0 : i32
      %dma_start3A_28 = arith.constant 0 : i32
      %dma_start3A_29 = tpu.memref_slice %arg22[%dma_start3A, %dma_start3A_28] : memref<80x128xf32, #tpu.memory_space<vmem>> -> memref<40x128xf32, #tpu.memory_space<vmem>>
      %dma_start3A_30 = arith.constant 0 : i32
      %dma_start3A_31 = tpu.memref_slice %arg20[%dma_start3A_30] : memref<5000xi32, #tpu.memory_space<vmem>> -> memref<40xi32, #tpu.memory_space<vmem>>
      %dma_start3A_32 = arith.constant 0 : i32
      %dma_start3A_33 = arith.constant 0 : i32
      %dma_start3A_34 = tpu.memref_slice %arg7[%dma_start3A_32, %dma_start3A_33] : memref<10000x128xf32, #tpu.memory_space<hbm>> -> memref<10000x128xf32, #tpu.memory_space<hbm>>
      tpu.enqueue_indirect_dma source(%dma_start3A_34 : memref<10000x128xf32, #tpu.memory_space<hbm>>) target(%dma_start3A_29 : memref<40x128xf32, #tpu.memory_space<vmem>>) offsets(%dma_start3A_31 : memref<40xi32, #tpu.memory_space<vmem>>) semaphore(%arg26 : memref<!tpu.dma_semaphore, #tpu.memory_space<semaphore_mem>>)
      %dma_start3A_35 = arith.constant 0 : i32
      %dma_start3A_36 = arith.constant 0 : i32
      %dma_start3A_37 = tpu.memref_slice %arg23[%dma_start3A_35, %dma_start3A_36] : memref<80x128xf32, #tpu.memory_space<vmem>> -> memref<40x128xf32, #tpu.memory_space<vmem>>
      %dma_start3A_38 = arith.constant 0 : i32
      %dma_start3A_39 = tpu.memref_slice %arg21[%dma_start3A_38] : memref<5000xi32, #tpu.memory_space<vmem>> -> memref<40xi32, #tpu.memory_space<vmem>>
      %dma_start3A_40 = arith.constant 0 : i32
      %dma_start3A_41 = arith.constant 0 : i32
      %dma_start3A_42 = tpu.memref_slice %arg9[%dma_start3A_40, %dma_start3A_41] : memref<10000x128xf32, #tpu.memory_space<hbm>> -> memref<10000x128xf32, #tpu.memory_space<hbm>>
      tpu.enqueue_indirect_dma source(%dma_start3A_42 : memref<10000x128xf32, #tpu.memory_space<hbm>>) target(%dma_start3A_37 : memref<40x128xf32, #tpu.memory_space<vmem>>) offsets(%dma_start3A_39 : memref<40xi32, #tpu.memory_space<vmem>>) semaphore(%arg26 : memref<!tpu.dma_semaphore, #tpu.memory_space<semaphore_mem>>)
      %scan3A = arith.constant 0 : i32
      %scan3A_43 = arith.constant 0 : i32
      %scan3A_44 = arith.constant 62 : i32
      %scan3A_45 = arith.addi %scan3A_43, %scan3A_44 : i32
      %scan3A_46 = arith.constant 1 : i32
      scf.for %scan3A_104 = %scan3A_43 to %scan3A_45 step %scan3A_46  : i32 {
        %mul3A_105 = arith.constant 2 : i32
        %mul3A_106 = arith.muli %scan3A_104, %mul3A_105 : i32
        %add3A = arith.constant 1 : i32
        %add3A_107 = arith.addi %mul3A_106, %add3A : i32
        %ge3A = arith.constant 2 : i32
        %ge3A_108 = arith.cmpi sge, %add3A_107, %ge3A : i32
        %convert_element_type3A_109 = arith.extui %ge3A_108 : i1 to i32
        %cond3A_110 = arith.constant 0 : i32
        %cond3A_111 = arith.cmpi ne, %convert_element_type3A_109, %cond3A_110 : i32
        scf.if %cond3A_111 {
          %dma_wait3A_215 = arith.constant 40 : i32
          %dma_wait3A_216 = arith.constant 0 : i32
          %dma_wait3A_217 = tpu.memref_slice %arg22[%dma_wait3A_215, %dma_wait3A_216] : memref<80x128xf32, #tpu.memory_space<vmem>> -> memref<40x128xf32, #tpu.memory_space<vmem>>
          %dma_wait3A_218 = arith.constant 0 : i32
          %dma_wait3A_219 = tpu.memref_slice %arg21[%dma_wait3A_218] : memref<5000xi32, #tpu.memory_space<vmem>> -> memref<40xi32, #tpu.memory_space<vmem>>
          %dma_wait3A_220 = arith.constant 0 : i32
          %dma_wait3A_221 = arith.constant 0 : i32
          %dma_wait3A_222 = tpu.memref_slice %arg25[%dma_wait3A_220, %dma_wait3A_221] : memref<10000x128xf32, #tpu.memory_space<vmem_shared>> -> memref<10000x128xf32, #tpu.memory_space<vmem_shared>>
          tpu.wait_indirect_dma semaphore(%arg29 : memref<!tpu.dma_semaphore, #tpu.memory_space<semaphore_mem>>) src(%dma_wait3A_217 : memref<40x128xf32, #tpu.memory_space<vmem>>) dst(%dma_wait3A_222 : memref<10000x128xf32, #tpu.memory_space<vmem_shared>>)
        } else {
        }
        %mul3A_112 = arith.constant 40 : i32
        %mul3A_113 = arith.muli %add3A_107, %mul3A_112 : i32
        %dma_start3A_114 = arith.constant 40 : i32
        %dma_start3A_115 = arith.constant 0 : i32
        %dma_start3A_116 = tpu.memref_slice %arg22[%dma_start3A_114, %dma_start3A_115] : memref<80x128xf32, #tpu.memory_space<vmem>> -> memref<40x128xf32, #tpu.memory_space<vmem>>
        %dma_start3A_117 = tpu.memref_slice %arg20[%mul3A_113] : memref<5000xi32, #tpu.memory_space<vmem>> -> memref<40xi32, #tpu.memory_space<vmem>>
        %dma_start3A_118 = arith.constant 0 : i32
        %dma_start3A_119 = arith.constant 0 : i32
        %dma_start3A_120 = tpu.memref_slice %arg7[%dma_start3A_118, %dma_start3A_119] : memref<10000x128xf32, #tpu.memory_space<hbm>> -> memref<10000x128xf32, #tpu.memory_space<hbm>>
        tpu.enqueue_indirect_dma source(%dma_start3A_120 : memref<10000x128xf32, #tpu.memory_space<hbm>>) target(%dma_start3A_116 : memref<40x128xf32, #tpu.memory_space<vmem>>) offsets(%dma_start3A_117 : memref<40xi32, #tpu.memory_space<vmem>>) semaphore(%arg27 : memref<!tpu.dma_semaphore, #tpu.memory_space<semaphore_mem>>)
        %dma_start3A_121 = arith.constant 40 : i32
        %dma_start3A_122 = arith.constant 0 : i32
        %dma_start3A_123 = tpu.memref_slice %arg23[%dma_start3A_121, %dma_start3A_122] : memref<80x128xf32, #tpu.memory_space<vmem>> -> memref<40x128xf32, #tpu.memory_space<vmem>>
        %dma_start3A_124 = tpu.memref_slice %arg21[%mul3A_113] : memref<5000xi32, #tpu.memory_space<vmem>> -> memref<40xi32, #tpu.memory_space<vmem>>
        %dma_start3A_125 = arith.constant 0 : i32
        %dma_start3A_126 = arith.constant 0 : i32
        %dma_start3A_127 = tpu.memref_slice %arg9[%dma_start3A_125, %dma_start3A_126] : memref<10000x128xf32, #tpu.memory_space<hbm>> -> memref<10000x128xf32, #tpu.memory_space<hbm>>
        tpu.enqueue_indirect_dma source(%dma_start3A_127 : memref<10000x128xf32, #tpu.memory_space<hbm>>) target(%dma_start3A_123 : memref<40x128xf32, #tpu.memory_space<vmem>>) offsets(%dma_start3A_124 : memref<40xi32, #tpu.memory_space<vmem>>) semaphore(%arg27 : memref<!tpu.dma_semaphore, #tpu.memory_space<semaphore_mem>>)
        %mul3A_128 = arith.constant 40 : i32
        %mul3A_129 = arith.muli %mul3A_106, %mul3A_128 : i32
        %dma_wait3A_130 = arith.constant 0 : i32
        %dma_wait3A_131 = arith.constant 0 : i32
        %dma_wait3A_132 = tpu.memref_slice %arg22[%dma_wait3A_130, %dma_wait3A_131] : memref<80x128xf32, #tpu.memory_space<vmem>> -> memref<40x128xf32, #tpu.memory_space<vmem>>
        %dma_wait3A_133 = tpu.memref_slice %arg20[%mul3A_129] : memref<5000xi32, #tpu.memory_space<vmem>> -> memref<40xi32, #tpu.memory_space<vmem>>
        %dma_wait3A_134 = arith.constant 0 : i32
        %dma_wait3A_135 = arith.constant 0 : i32
        %dma_wait3A_136 = tpu.memref_slice %arg7[%dma_wait3A_134, %dma_wait3A_135] : memref<10000x128xf32, #tpu.memory_space<hbm>> -> memref<10000x128xf32, #tpu.memory_space<hbm>>
        tpu.wait_indirect_dma semaphore(%arg26 : memref<!tpu.dma_semaphore, #tpu.memory_space<semaphore_mem>>) src(%dma_wait3A_136 : memref<10000x128xf32, #tpu.memory_space<hbm>>) dst(%dma_wait3A_132 : memref<40x128xf32, #tpu.memory_space<vmem>>)
        %dma_wait3A_137 = arith.constant 0 : i32
        %dma_wait3A_138 = arith.constant 0 : i32
        %dma_wait3A_139 = tpu.memref_slice %arg23[%dma_wait3A_137, %dma_wait3A_138] : memref<80x128xf32, #tpu.memory_space<vmem>> -> memref<40x128xf32, #tpu.memory_space<vmem>>
        %dma_wait3A_140 = tpu.memref_slice %arg21[%mul3A_129] : memref<5000xi32, #tpu.memory_space<vmem>> -> memref<40xi32, #tpu.memory_space<vmem>>
        %dma_wait3A_141 = arith.constant 0 : i32
        %dma_wait3A_142 = arith.constant 0 : i32
        %dma_wait3A_143 = tpu.memref_slice %arg9[%dma_wait3A_141, %dma_wait3A_142] : memref<10000x128xf32, #tpu.memory_space<hbm>> -> memref<10000x128xf32, #tpu.memory_space<hbm>>
        tpu.wait_indirect_dma semaphore(%arg26 : memref<!tpu.dma_semaphore, #tpu.memory_space<semaphore_mem>>) src(%dma_wait3A_143 : memref<10000x128xf32, #tpu.memory_space<hbm>>) dst(%dma_wait3A_139 : memref<40x128xf32, #tpu.memory_space<vmem>>)
        %scan3A_144 = arith.constant 0 : i32
        %scan3A_145 = arith.constant 0 : i32
        %scan3A_146 = arith.constant 40 : i32
        %scan3A_147 = arith.addi %scan3A_145, %scan3A_146 : i32
        %scan3A_148 = arith.constant 1 : i32
        scf.for %scan3A_215 = %scan3A_145 to %scan3A_147 step %scan3A_148  : i32 {
          %add3A_216 = arith.constant 0 : i32
          %add3A_217 = arith.addi %add3A_216, %scan3A_215 : i32
          %get3A = arith.index_cast %add3A_217 : i32 to index
          %get3A_218 = arith.constant 0 : index
          %get3A_219 = tpu.vector_load %arg22[%get3A, %get3A_218] {strides = array<i32>} : memref<80x128xf32, #tpu.memory_space<vmem>>, vector<16xf32>,
          %get3A_220 = arith.index_cast %add3A_217 : i32 to index
          %get3A_221 = arith.constant 0 : index
          %get3A_222 = tpu.vector_load %arg23[%get3A_220, %get3A_221] {strides = array<i32>} : memref<80x128xf32, #tpu.memory_space<vmem>>, vector<16xf32>,
          %add3A_223 = arith.addf %get3A_219, %get3A_222 : vector<16xf32>
          %neg3A = arith.constant 0.000000e+00 : f32
          %neg3A_224 = vector.broadcast %neg3A : f32 to vector<16xf32>
          %neg3A_225 = arith.subf %neg3A_224, %add3A_223 : vector<16xf32>
          %exp3A = math.exp %neg3A_225 : vector<16xf32>
          %add3A_226 = arith.constant 1.000000e+00 : f32
          %add3A_227 = vector.broadcast %add3A_226 : f32 to vector<16xf32>
          %add3A_228 = arith.addf %add3A_227, %exp3A : vector<16xf32>
          %div3A = arith.divf %add3A_223, %add3A_228 : vector<16xf32>
          %swap3A = arith.index_cast %add3A_217 : i32 to index
          %swap3A_229 = arith.constant 0 : index
          %swap3A_230 = tpu.vector_load %arg22[%swap3A, %swap3A_229] {strides = array<i32>} : memref<80x128xf32, #tpu.memory_space<vmem>>, vector<16xf32>,
          tpu.vector_store %arg22[%swap3A, %swap3A_229], %div3A {strides = array<i32>} : memref<80x128xf32, #tpu.memory_space<vmem>>, vector<16xf32>,
          %get3A_231 = arith.index_cast %add3A_217 : i32 to index
          %get3A_232 = arith.constant 16 : index
          %get3A_233 = tpu.vector_load %arg22[%get3A_231, %get3A_232] {strides = array<i32>} : memref<80x128xf32, #tpu.memory_space<vmem>>, vector<16xf32>,
          %get3A_234 = arith.index_cast %add3A_217 : i32 to index
          %get3A_235 = arith.constant 16 : index
          %get3A_236 = tpu.vector_load %arg23[%get3A_234, %get3A_235] {strides = array<i32>} : memref<80x128xf32, #tpu.memory_space<vmem>>, vector<16xf32>,
          %add3A_237 = arith.addf %get3A_233, %get3A_236 : vector<16xf32>
          %neg3A_238 = arith.constant 0.000000e+00 : f32
          %neg3A_239 = vector.broadcast %neg3A_238 : f32 to vector<16xf32>
          %neg3A_240 = arith.subf %neg3A_239, %add3A_237 : vector<16xf32>
          %exp3A_241 = math.exp %neg3A_240 : vector<16xf32>
          %add3A_242 = arith.constant 1.000000e+00 : f32
          %add3A_243 = vector.broadcast %add3A_242 : f32 to vector<16xf32>
          %add3A_244 = arith.addf %add3A_243, %exp3A_241 : vector<16xf32>
          %div3A_245 = arith.divf %add3A_237, %add3A_244 : vector<16xf32>
          %swap3A_246 = arith.index_cast %add3A_217 : i32 to index
          %swap3A_247 = arith.constant 16 : index
          %swap3A_248 = tpu.vector_load %arg22[%swap3A_246, %swap3A_247] {strides = array<i32>} : memref<80x128xf32, #tpu.memory_space<vmem>>, vector<16xf32>,
          tpu.vector_store %arg22[%swap3A_246, %swap3A_247], %div3A_245 {strides = array<i32>} : memref<80x128xf32, #tpu.memory_space<vmem>>, vector<16xf32>,
          %get3A_249 = arith.index_cast %add3A_217 : i32 to index
          %get3A_250 = arith.constant 32 : index
          %get3A_251 = tpu.vector_load %arg22[%get3A_249, %get3A_250] {strides = array<i32>} : memref<80x128xf32, #tpu.memory_space<vmem>>, vector<16xf32>,
          %get3A_252 = arith.index_cast %add3A_217 : i32 to index
          %get3A_253 = arith.constant 32 : index
          %get3A_254 = tpu.vector_load %arg23[%get3A_252, %get3A_253] {strides = array<i32>} : memref<80x128xf32, #tpu.memory_space<vmem>>, vector<16xf32>,
          %add3A_255 = arith.addf %get3A_251, %get3A_254 : vector<16xf32>
          %neg3A_256 = arith.constant 0.000000e+00 : f32
          %neg3A_257 = vector.broadcast %neg3A_256 : f32 to vector<16xf32>
          %neg3A_258 = arith.subf %neg3A_257, %add3A_255 : vector<16xf32>
          %exp3A_259 = math.exp %neg3A_258 : vector<16xf32>
          %add3A_260 = arith.constant 1.000000e+00 : f32
          %add3A_261 = vector.broadcast %add3A_260 : f32 to vector<16xf32>
          %add3A_262 = arith.addf %add3A_261, %exp3A_259 : vector<16xf32>
          %div3A_263 = arith.divf %add3A_255, %add3A_262 : vector<16xf32>
          %swap3A_264 = arith.index_cast %add3A_217 : i32 to index
          %swap3A_265 = arith.constant 32 : index
          %swap3A_266 = tpu.vector_load %arg22[%swap3A_264, %swap3A_265] {strides = array<i32>} : memref<80x128xf32, #tpu.memory_space<vmem>>, vector<16xf32>,
          tpu.vector_store %arg22[%swap3A_264, %swap3A_265], %div3A_263 {strides = array<i32>} : memref<80x128xf32, #tpu.memory_space<vmem>>, vector<16xf32>,
          %get3A_267 = arith.index_cast %add3A_217 : i32 to index
          %get3A_268 = arith.constant 48 : index
          %get3A_269 = tpu.vector_load %arg22[%get3A_267, %get3A_268] {strides = array<i32>} : memref<80x128xf32, #tpu.memory_space<vmem>>, vector<16xf32>,
          %get3A_270 = arith.index_cast %add3A_217 : i32 to index
          %get3A_271 = arith.constant 48 : index
          %get3A_272 = tpu.vector_load %arg23[%get3A_270, %get3A_271] {strides = array<i32>} : memref<80x128xf32, #tpu.memory_space<vmem>>, vector<16xf32>,
          %add3A_273 = arith.addf %get3A_269, %get3A_272 : vector<16xf32>
          %neg3A_274 = arith.constant 0.000000e+00 : f32
          %neg3A_275 = vector.broadcast %neg3A_274 : f32 to vector<16xf32>
          %neg3A_276 = arith.subf %neg3A_275, %add3A_273 : vector<16xf32>
          %exp3A_277 = math.exp %neg3A_276 : vector<16xf32>
          %add3A_278 = arith.constant 1.000000e+00 : f32
          %add3A_279 = vector.broadcast %add3A_278 : f32 to vector<16xf32>
          %add3A_280 = arith.addf %add3A_279, %exp3A_277 : vector<16xf32>
          %div3A_281 = arith.divf %add3A_273, %add3A_280 : vector<16xf32>
          %swap3A_282 = arith.index_cast %add3A_217 : i32 to index
          %swap3A_283 = arith.constant 48 : index
          %swap3A_284 = tpu.vector_load %arg22[%swap3A_282, %swap3A_283] {strides = array<i32>} : memref<80x128xf32, #tpu.memory_space<vmem>>, vector<16xf32>,
          tpu.vector_store %arg22[%swap3A_282, %swap3A_283], %div3A_281 {strides = array<i32>} : memref<80x128xf32, #tpu.memory_space<vmem>>, vector<16xf32>,
          %get3A_285 = arith.index_cast %add3A_217 : i32 to index
          %get3A_286 = arith.constant 64 : index
          %get3A_287 = tpu.vector_load %arg22[%get3A_285, %get3A_286] {strides = array<i32>} : memref<80x128xf32, #tpu.memory_space<vmem>>, vector<16xf32>,
          %get3A_288 = arith.index_cast %add3A_217 : i32 to index
          %get3A_289 = arith.constant 64 : index
          %get3A_290 = tpu.vector_load %arg23[%get3A_288, %get3A_289] {strides = array<i32>} : memref<80x128xf32, #tpu.memory_space<vmem>>, vector<16xf32>,
          %add3A_291 = arith.addf %get3A_287, %get3A_290 : vector<16xf32>
          %neg3A_292 = arith.constant 0.000000e+00 : f32
          %neg3A_293 = vector.broadcast %neg3A_292 : f32 to vector<16xf32>
          %neg3A_294 = arith.subf %neg3A_293, %add3A_291 : vector<16xf32>
          %exp3A_295 = math.exp %neg3A_294 : vector<16xf32>
          %add3A_296 = arith.constant 1.000000e+00 : f32
          %add3A_297 = vector.broadcast %add3A_296 : f32 to vector<16xf32>
          %add3A_298 = arith.addf %add3A_297, %exp3A_295 : vector<16xf32>
          %div3A_299 = arith.divf %add3A_291, %add3A_298 : vector<16xf32>
          %swap3A_300 = arith.index_cast %add3A_217 : i32 to index
          %swap3A_301 = arith.constant 64 : index
          %swap3A_302 = tpu.vector_load %arg22[%swap3A_300, %swap3A_301] {strides = array<i32>} : memref<80x128xf32, #tpu.memory_space<vmem>>, vector<16xf32>,
          tpu.vector_store %arg22[%swap3A_300, %swap3A_301], %div3A_299 {strides = array<i32>} : memref<80x128xf32, #tpu.memory_space<vmem>>, vector<16xf32>,
          %get3A_303 = arith.index_cast %add3A_217 : i32 to index
          %get3A_304 = arith.constant 80 : index
          %get3A_305 = tpu.vector_load %arg22[%get3A_303, %get3A_304] {strides = array<i32>} : memref<80x128xf32, #tpu.memory_space<vmem>>, vector<16xf32>,
          %get3A_306 = arith.index_cast %add3A_217 : i32 to index
          %get3A_307 = arith.constant 80 : index
          %get3A_308 = tpu.vector_load %arg23[%get3A_306, %get3A_307] {strides = array<i32>} : memref<80x128xf32, #tpu.memory_space<vmem>>, vector<16xf32>,
          %add3A_309 = arith.addf %get3A_305, %get3A_308 : vector<16xf32>
          %neg3A_310 = arith.constant 0.000000e+00 : f32
          %neg3A_311 = vector.broadcast %neg3A_310 : f32 to vector<16xf32>
          %neg3A_312 = arith.subf %neg3A_311, %add3A_309 : vector<16xf32>
          %exp3A_313 = math.exp %neg3A_312 : vector<16xf32>
          %add3A_314 = arith.constant 1.000000e+00 : f32
          %add3A_315 = vector.broadcast %add3A_314 : f32 to vector<16xf32>
          %add3A_316 = arith.addf %add3A_315, %exp3A_313 : vector<16xf32>
          %div3A_317 = arith.divf %add3A_309, %add3A_316 : vector<16xf32>
          %swap3A_318 = arith.index_cast %add3A_217 : i32 to index
          %swap3A_319 = arith.constant 80 : index
          %swap3A_320 = tpu.vector_load %arg22[%swap3A_318, %swap3A_319] {strides = array<i32>} : memref<80x128xf32, #tpu.memory_space<vmem>>, vector<16xf32>,
          tpu.vector_store %arg22[%swap3A_318, %swap3A_319], %div3A_317 {strides = array<i32>} : memref<80x128xf32, #tpu.memory_space<vmem>>, vector<16xf32>,
          %get3A_321 = arith.index_cast %add3A_217 : i32 to index
          %get3A_322 = arith.constant 96 : index
          %get3A_323 = tpu.vector_load %arg22[%get3A_321, %get3A_322] {strides = array<i32>} : memref<80x128xf32, #tpu.memory_space<vmem>>, vector<16xf32>,
          %get3A_324 = arith.index_cast %add3A_217 : i32 to index
          %get3A_325 = arith.constant 96 : index
          %get3A_326 = tpu.vector_load %arg23[%get3A_324, %get3A_325] {strides = array<i32>} : memref<80x128xf32, #tpu.memory_space<vmem>>, vector<16xf32>,
          %add3A_327 = arith.addf %get3A_323, %get3A_326 : vector<16xf32>
          %neg3A_328 = arith.constant 0.000000e+00 : f32
          %neg3A_329 = vector.broadcast %neg3A_328 : f32 to vector<16xf32>
          %neg3A_330 = arith.subf %neg3A_329, %add3A_327 : vector<16xf32>
          %exp3A_331 = math.exp %neg3A_330 : vector<16xf32>
          %add3A_332 = arith.constant 1.000000e+00 : f32
          %add3A_333 = vector.broadcast %add3A_332 : f32 to vector<16xf32>
          %add3A_334 = arith.addf %add3A_333, %exp3A_331 : vector<16xf32>
          %div3A_335 = arith.divf %add3A_327, %add3A_334 : vector<16xf32>
          %swap3A_336 = arith.index_cast %add3A_217 : i32 to index
          %swap3A_337 = arith.constant 96 : index
          %swap3A_338 = tpu.vector_load %arg22[%swap3A_336, %swap3A_337] {strides = array<i32>} : memref<80x128xf32, #tpu.memory_space<vmem>>, vector<16xf32>,
          tpu.vector_store %arg22[%swap3A_336, %swap3A_337], %div3A_335 {strides = array<i32>} : memref<80x128xf32, #tpu.memory_space<vmem>>, vector<16xf32>,
          %get3A_339 = arith.index_cast %add3A_217 : i32 to index
          %get3A_340 = arith.constant 112 : index
          %get3A_341 = tpu.vector_load %arg22[%get3A_339, %get3A_340] {strides = array<i32>} : memref<80x128xf32, #tpu.memory_space<vmem>>, vector<16xf32>,
          %get3A_342 = arith.index_cast %add3A_217 : i32 to index
          %get3A_343 = arith.constant 112 : index
          %get3A_344 = tpu.vector_load %arg23[%get3A_342, %get3A_343] {strides = array<i32>} : memref<80x128xf32, #tpu.memory_space<vmem>>, vector<16xf32>,
          %add3A_345 = arith.addf %get3A_341, %get3A_344 : vector<16xf32>
          %neg3A_346 = arith.constant 0.000000e+00 : f32
          %neg3A_347 = vector.broadcast %neg3A_346 : f32 to vector<16xf32>
          %neg3A_348 = arith.subf %neg3A_347, %add3A_345 : vector<16xf32>
          %exp3A_349 = math.exp %neg3A_348 : vector<16xf32>
          %add3A_350 = arith.constant 1.000000e+00 : f32
          %add3A_351 = vector.broadcast %add3A_350 : f32 to vector<16xf32>
          %add3A_352 = arith.addf %add3A_351, %exp3A_349 : vector<16xf32>
          %div3A_353 = arith.divf %add3A_345, %add3A_352 : vector<16xf32>
          %swap3A_354 = arith.index_cast %add3A_217 : i32 to index
          %swap3A_355 = arith.constant 112 : index
          %swap3A_356 = tpu.vector_load %arg22[%swap3A_354, %swap3A_355] {strides = array<i32>} : memref<80x128xf32, #tpu.memory_space<vmem>>, vector<16xf32>,
          tpu.vector_store %arg22[%swap3A_354, %swap3A_355], %div3A_353 {strides = array<i32>} : memref<80x128xf32, #tpu.memory_space<vmem>>, vector<16xf32>,
        }
        %scan3A_149 = arith.constant 40 : i32
        %mul3A_150 = arith.constant 40 : i32
        %mul3A_151 = arith.muli %mul3A_106, %mul3A_150 : i32
        %dma_start3A_152 = arith.constant 0 : i32
        %dma_start3A_153 = arith.constant 0 : i32
        %dma_start3A_154 = tpu.memref_slice %arg22[%dma_start3A_152, %dma_start3A_153] : memref<80x128xf32, #tpu.memory_space<vmem>> -> memref<40x128xf32, #tpu.memory_space<vmem>>
        %dma_start3A_155 = tpu.memref_slice %arg21[%mul3A_151] : memref<5000xi32, #tpu.memory_space<vmem>> -> memref<40xi32, #tpu.memory_space<vmem>>
        %dma_start3A_156 = arith.constant 0 : i32
        %dma_start3A_157 = arith.constant 0 : i32
        %dma_start3A_158 = tpu.memref_slice %arg25[%dma_start3A_156, %dma_start3A_157] : memref<10000x128xf32, #tpu.memory_space<vmem_shared>> -> memref<10000x128xf32, #tpu.memory_space<vmem_shared>>
        tpu.enqueue_indirect_dma source(%dma_start3A_154 : memref<40x128xf32, #tpu.memory_space<vmem>>) target(%dma_start3A_158 : memref<10000x128xf32, #tpu.memory_space<vmem_shared>>) offsets(%dma_start3A_155 : memref<40xi32, #tpu.memory_space<vmem>>) semaphore(%arg28 : memref<!tpu.dma_semaphore, #tpu.memory_space<semaphore_mem>>) {add = true}
        %add3A_159 = arith.constant 2 : i32
        %add3A_160 = arith.addi %mul3A_106, %add3A_159 : i32
        %ge3A_161 = arith.constant 2 : i32
        %ge3A_162 = arith.cmpi sge, %add3A_160, %ge3A_161 : i32
        %convert_element_type3A_163 = arith.extui %ge3A_162 : i1 to i32
        %cond3A_164 = arith.constant 0 : i32
        %cond3A_165 = arith.cmpi ne, %convert_element_type3A_163, %cond3A_164 : i32
        scf.if %cond3A_165 {
          %dma_wait3A_215 = arith.constant 0 : i32
          %dma_wait3A_216 = arith.constant 0 : i32
          %dma_wait3A_217 = tpu.memref_slice %arg22[%dma_wait3A_215, %dma_wait3A_216] : memref<80x128xf32, #tpu.memory_space<vmem>> -> memref<40x128xf32, #tpu.memory_space<vmem>>
          %dma_wait3A_218 = arith.constant 0 : i32
          %dma_wait3A_219 = tpu.memref_slice %arg21[%dma_wait3A_218] : memref<5000xi32, #tpu.memory_space<vmem>> -> memref<40xi32, #tpu.memory_space<vmem>>
          %dma_wait3A_220 = arith.constant 0 : i32
          %dma_wait3A_221 = arith.constant 0 : i32
          %dma_wait3A_222 = tpu.memref_slice %arg25[%dma_wait3A_220, %dma_wait3A_221] : memref<10000x128xf32, #tpu.memory_space<vmem_shared>> -> memref<10000x128xf32, #tpu.memory_space<vmem_shared>>
          tpu.wait_indirect_dma semaphore(%arg28 : memref<!tpu.dma_semaphore, #tpu.memory_space<semaphore_mem>>) src(%dma_wait3A_217 : memref<40x128xf32, #tpu.memory_space<vmem>>) dst(%dma_wait3A_222 : memref<10000x128xf32, #tpu.memory_space<vmem_shared>>)
        } else {
        }
        %mul3A_166 = arith.constant 40 : i32
        %mul3A_167 = arith.muli %add3A_160, %mul3A_166 : i32
        %dma_start3A_168 = arith.constant 0 : i32
        %dma_start3A_169 = arith.constant 0 : i32
        %dma_start3A_170 = tpu.memref_slice %arg22[%dma_start3A_168, %dma_start3A_169] : memref<80x128xf32, #tpu.memory_space<vmem>> -> memref<40x128xf32, #tpu.memory_space<vmem>>
        %dma_start3A_171 = tpu.memref_slice %arg20[%mul3A_167] : memref<5000xi32, #tpu.memory_space<vmem>> -> memref<40xi32, #tpu.memory_space<vmem>>
        %dma_start3A_172 = arith.constant 0 : i32
        %dma_start3A_173 = arith.constant 0 : i32
        %dma_start3A_174 = tpu.memref_slice %arg7[%dma_start3A_172, %dma_start3A_173] : memref<10000x128xf32, #tpu.memory_space<hbm>> -> memref<10000x128xf32, #tpu.memory_space<hbm>>
        tpu.enqueue_indirect_dma source(%dma_start3A_174 : memref<10000x128xf32, #tpu.memory_space<hbm>>) target(%dma_start3A_170 : memref<40x128xf32, #tpu.memory_space<vmem>>) offsets(%dma_start3A_171 : memref<40xi32, #tpu.memory_space<vmem>>) semaphore(%arg26 : memref<!tpu.dma_semaphore, #tpu.memory_space<semaphore_mem>>)
        %dma_start3A_175 = arith.constant 0 : i32
        %dma_start3A_176 = arith.constant 0 : i32
        %dma_start3A_177 = tpu.memref_slice %arg23[%dma_start3A_175, %dma_start3A_176] : memref<80x128xf32, #tpu.memory_space<vmem>> -> memref<40x128xf32, #tpu.memory_space<vmem>>
        %dma_start3A_178 = tpu.memref_slice %arg21[%mul3A_167] : memref<5000xi32, #tpu.memory_space<vmem>> -> memref<40xi32, #tpu.memory_space<vmem>>
        %dma_start3A_179 = arith.constant 0 : i32
        %dma_start3A_180 = arith.constant 0 : i32
        %dma_start3A_181 = tpu.memref_slice %arg9[%dma_start3A_179, %dma_start3A_180] : memref<10000x128xf32, #tpu.memory_space<hbm>> -> memref<10000x128xf32, #tpu.memory_space<hbm>>
        tpu.enqueue_indirect_dma source(%dma_start3A_181 : memref<10000x128xf32, #tpu.memory_space<hbm>>) target(%dma_start3A_177 : memref<40x128xf32, #tpu.memory_space<vmem>>) offsets(%dma_start3A_178 : memref<40xi32, #tpu.memory_space<vmem>>) semaphore(%arg26 : memref<!tpu.dma_semaphore, #tpu.memory_space<semaphore_mem>>)
        %add3A_182 = arith.constant 1 : i32
        %add3A_183 = arith.addi %mul3A_106, %add3A_182 : i32
        %mul3A_184 = arith.constant 40 : i32
        %mul3A_185 = arith.muli %add3A_183, %mul3A_184 : i32
        %dma_wait3A_186 = arith.constant 40 : i32
        %dma_wait3A_187 = arith.constant 0 : i32
        %dma_wait3A_188 = tpu.memref_slice %arg22[%dma_wait3A_186, %dma_wait3A_187] : memref<80x128xf32, #tpu.memory_space<vmem>> -> memref<40x128xf32, #tpu.memory_space<vmem>>
        %dma_wait3A_189 = tpu.memref_slice %arg20[%mul3A_185] : memref<5000xi32, #tpu.memory_space<vmem>> -> memref<40xi32, #tpu.memory_space<vmem>>
        %dma_wait3A_190 = arith.constant 0 : i32
        %dma_wait3A_191 = arith.constant 0 : i32
        %dma_wait3A_192 = tpu.memref_slice %arg7[%dma_wait3A_190, %dma_wait3A_191] : memref<10000x128xf32, #tpu.memory_space<hbm>> -> memref<10000x128xf32, #tpu.memory_space<hbm>>
        tpu.wait_indirect_dma semaphore(%arg27 : memref<!tpu.dma_semaphore, #tpu.memory_space<semaphore_mem>>) src(%dma_wait3A_192 : memref<10000x128xf32, #tpu.memory_space<hbm>>) dst(%dma_wait3A_188 : memref<40x128xf32, #tpu.memory_space<vmem>>)
        %dma_wait3A_193 = arith.constant 40 : i32
        %dma_wait3A_194 = arith.constant 0 : i32
        %dma_wait3A_195 = tpu.memref_slice %arg23[%dma_wait3A_193, %dma_wait3A_194] : memref<80x128xf32, #tpu.memory_space<vmem>> -> memref<40x128xf32, #tpu.memory_space<vmem>>
        %dma_wait3A_196 = tpu.memref_slice %arg21[%mul3A_185] : memref<5000xi32, #tpu.memory_space<vmem>> -> memref<40xi32, #tpu.memory_space<vmem>>
        %dma_wait3A_197 = arith.constant 0 : i32
        %dma_wait3A_198 = arith.constant 0 : i32
        %dma_wait3A_199 = tpu.memref_slice %arg9[%dma_wait3A_197, %dma_wait3A_198] : memref<10000x128xf32, #tpu.memory_space<hbm>> -> memref<10000x128xf32, #tpu.memory_space<hbm>>
        tpu.wait_indirect_dma semaphore(%arg27 : memref<!tpu.dma_semaphore, #tpu.memory_space<semaphore_mem>>) src(%dma_wait3A_199 : memref<10000x128xf32, #tpu.memory_space<hbm>>) dst(%dma_wait3A_195 : memref<40x128xf32, #tpu.memory_space<vmem>>)
        %scan3A_200 = arith.constant 0 : i32
        %scan3A_201 = arith.constant 0 : i32
        %scan3A_202 = arith.constant 40 : i32
        %scan3A_203 = arith.addi %scan3A_201, %scan3A_202 : i32
        %scan3A_204 = arith.constant 1 : i32
        scf.for %scan3A_215 = %scan3A_201 to %scan3A_203 step %scan3A_204  : i32 {
          %add3A_216 = arith.constant 40 : i32
          %add3A_217 = arith.addi %add3A_216, %scan3A_215 : i32
          %get3A = arith.index_cast %add3A_217 : i32 to index
          %get3A_218 = arith.constant 0 : index
          %get3A_219 = tpu.vector_load %arg22[%get3A, %get3A_218] {strides = array<i32>} : memref<80x128xf32, #tpu.memory_space<vmem>>, vector<16xf32>,
          %get3A_220 = arith.index_cast %add3A_217 : i32 to index
          %get3A_221 = arith.constant 0 : index
          %get3A_222 = tpu.vector_load %arg23[%get3A_220, %get3A_221] {strides = array<i32>} : memref<80x128xf32, #tpu.memory_space<vmem>>, vector<16xf32>,
          %add3A_223 = arith.addf %get3A_219, %get3A_222 : vector<16xf32>
          %neg3A = arith.constant 0.000000e+00 : f32
          %neg3A_224 = vector.broadcast %neg3A : f32 to vector<16xf32>
          %neg3A_225 = arith.subf %neg3A_224, %add3A_223 : vector<16xf32>
          %exp3A = math.exp %neg3A_225 : vector<16xf32>
          %add3A_226 = arith.constant 1.000000e+00 : f32
          %add3A_227 = vector.broadcast %add3A_226 : f32 to vector<16xf32>
          %add3A_228 = arith.addf %add3A_227, %exp3A : vector<16xf32>
          %div3A = arith.divf %add3A_223, %add3A_228 : vector<16xf32>
          %swap3A = arith.index_cast %add3A_217 : i32 to index
          %swap3A_229 = arith.constant 0 : index
          %swap3A_230 = tpu.vector_load %arg22[%swap3A, %swap3A_229] {strides = array<i32>} : memref<80x128xf32, #tpu.memory_space<vmem>>, vector<16xf32>,
          tpu.vector_store %arg22[%swap3A, %swap3A_229], %div3A {strides = array<i32>} : memref<80x128xf32, #tpu.memory_space<vmem>>, vector<16xf32>,
          %get3A_231 = arith.index_cast %add3A_217 : i32 to index
          %get3A_232 = arith.constant 16 : index
          %get3A_233 = tpu.vector_load %arg22[%get3A_231, %get3A_232] {strides = array<i32>} : memref<80x128xf32, #tpu.memory_space<vmem>>, vector<16xf32>,
          %get3A_234 = arith.index_cast %add3A_217 : i32 to index
          %get3A_235 = arith.constant 16 : index
          %get3A_236 = tpu.vector_load %arg23[%get3A_234, %get3A_235] {strides = array<i32>} : memref<80x128xf32, #tpu.memory_space<vmem>>, vector<16xf32>,
          %add3A_237 = arith.addf %get3A_233, %get3A_236 : vector<16xf32>
          %neg3A_238 = arith.constant 0.000000e+00 : f32
          %neg3A_239 = vector.broadcast %neg3A_238 : f32 to vector<16xf32>
          %neg3A_240 = arith.subf %neg3A_239, %add3A_237 : vector<16xf32>
          %exp3A_241 = math.exp %neg3A_240 : vector<16xf32>
          %add3A_242 = arith.constant 1.000000e+00 : f32
          %add3A_243 = vector.broadcast %add3A_242 : f32 to vector<16xf32>
          %add3A_244 = arith.addf %add3A_243, %exp3A_241 : vector<16xf32>
          %div3A_245 = arith.divf %add3A_237, %add3A_244 : vector<16xf32>
          %swap3A_246 = arith.index_cast %add3A_217 : i32 to index
          %swap3A_247 = arith.constant 16 : index
          %swap3A_248 = tpu.vector_load %arg22[%swap3A_246, %swap3A_247] {strides = array<i32>} : memref<80x128xf32, #tpu.memory_space<vmem>>, vector<16xf32>,
          tpu.vector_store %arg22[%swap3A_246, %swap3A_247], %div3A_245 {strides = array<i32>} : memref<80x128xf32, #tpu.memory_space<vmem>>, vector<16xf32>,
          %get3A_249 = arith.index_cast %add3A_217 : i32 to index
          %get3A_250 = arith.constant 32 : index
          %get3A_251 = tpu.vector_load %arg22[%get3A_249, %get3A_250] {strides = array<i32>} : memref<80x128xf32, #tpu.memory_space<vmem>>, vector<16xf32>,
          %get3A_252 = arith.index_cast %add3A_217 : i32 to index
          %get3A_253 = arith.constant 32 : index
          %get3A_254 = tpu.vector_load %arg23[%get3A_252, %get3A_253] {strides = array<i32>} : memref<80x128xf32, #tpu.memory_space<vmem>>, vector<16xf32>,
          %add3A_255 = arith.addf %get3A_251, %get3A_254 : vector<16xf32>
          %neg3A_256 = arith.constant 0.000000e+00 : f32
          %neg3A_257 = vector.broadcast %neg3A_256 : f32 to vector<16xf32>
          %neg3A_258 = arith.subf %neg3A_257, %add3A_255 : vector<16xf32>
          %exp3A_259 = math.exp %neg3A_258 : vector<16xf32>
          %add3A_260 = arith.constant 1.000000e+00 : f32
          %add3A_261 = vector.broadcast %add3A_260 : f32 to vector<16xf32>
          %add3A_262 = arith.addf %add3A_261, %exp3A_259 : vector<16xf32>
          %div3A_263 = arith.divf %add3A_255, %add3A_262 : vector<16xf32>
          %swap3A_264 = arith.index_cast %add3A_217 : i32 to index
          %swap3A_265 = arith.constant 32 : index
          %swap3A_266 = tpu.vector_load %arg22[%swap3A_264, %swap3A_265] {strides = array<i32>} : memref<80x128xf32, #tpu.memory_space<vmem>>, vector<16xf32>,
          tpu.vector_store %arg22[%swap3A_264, %swap3A_265], %div3A_263 {strides = array<i32>} : memref<80x128xf32, #tpu.memory_space<vmem>>, vector<16xf32>,
          %get3A_267 = arith.index_cast %add3A_217 : i32 to index
          %get3A_268 = arith.constant 48 : index
          %get3A_269 = tpu.vector_load %arg22[%get3A_267, %get3A_268] {strides = array<i32>} : memref<80x128xf32, #tpu.memory_space<vmem>>, vector<16xf32>,
          %get3A_270 = arith.index_cast %add3A_217 : i32 to index
          %get3A_271 = arith.constant 48 : index
          %get3A_272 = tpu.vector_load %arg23[%get3A_270, %get3A_271] {strides = array<i32>} : memref<80x128xf32, #tpu.memory_space<vmem>>, vector<16xf32>,
          %add3A_273 = arith.addf %get3A_269, %get3A_272 : vector<16xf32>
          %neg3A_274 = arith.constant 0.000000e+00 : f32
          %neg3A_275 = vector.broadcast %neg3A_274 : f32 to vector<16xf32>
          %neg3A_276 = arith.subf %neg3A_275, %add3A_273 : vector<16xf32>
          %exp3A_277 = math.exp %neg3A_276 : vector<16xf32>
          %add3A_278 = arith.constant 1.000000e+00 : f32
          %add3A_279 = vector.broadcast %add3A_278 : f32 to vector<16xf32>
          %add3A_280 = arith.addf %add3A_279, %exp3A_277 : vector<16xf32>
          %div3A_281 = arith.divf %add3A_273, %add3A_280 : vector<16xf32>
          %swap3A_282 = arith.index_cast %add3A_217 : i32 to index
          %swap3A_283 = arith.constant 48 : index
          %swap3A_284 = tpu.vector_load %arg22[%swap3A_282, %swap3A_283] {strides = array<i32>} : memref<80x128xf32, #tpu.memory_space<vmem>>, vector<16xf32>,
          tpu.vector_store %arg22[%swap3A_282, %swap3A_283], %div3A_281 {strides = array<i32>} : memref<80x128xf32, #tpu.memory_space<vmem>>, vector<16xf32>,
          %get3A_285 = arith.index_cast %add3A_217 : i32 to index
          %get3A_286 = arith.constant 64 : index
          %get3A_287 = tpu.vector_load %arg22[%get3A_285, %get3A_286] {strides = array<i32>} : memref<80x128xf32, #tpu.memory_space<vmem>>, vector<16xf32>,
          %get3A_288 = arith.index_cast %add3A_217 : i32 to index
          %get3A_289 = arith.constant 64 : index
          %get3A_290 = tpu.vector_load %arg23[%get3A_288, %get3A_289] {strides = array<i32>} : memref<80x128xf32, #tpu.memory_space<vmem>>, vector<16xf32>,
          %add3A_291 = arith.addf %get3A_287, %get3A_290 : vector<16xf32>
          %neg3A_292 = arith.constant 0.000000e+00 : f32
          %neg3A_293 = vector.broadcast %neg3A_292 : f32 to vector<16xf32>
          %neg3A_294 = arith.subf %neg3A_293, %add3A_291 : vector<16xf32>
          %exp3A_295 = math.exp %neg3A_294 : vector<16xf32>
          %add3A_296 = arith.constant 1.000000e+00 : f32
          %add3A_297 = vector.broadcast %add3A_296 : f32 to vector<16xf32>
          %add3A_298 = arith.addf %add3A_297, %exp3A_295 : vector<16xf32>
          %div3A_299 = arith.divf %add3A_291, %add3A_298 : vector<16xf32>
          %swap3A_300 = arith.index_cast %add3A_217 : i32 to index
          %swap3A_301 = arith.constant 64 : index
          %swap3A_302 = tpu.vector_load %arg22[%swap3A_300, %swap3A_301] {strides = array<i32>} : memref<80x128xf32, #tpu.memory_space<vmem>>, vector<16xf32>,
          tpu.vector_store %arg22[%swap3A_300, %swap3A_301], %div3A_299 {strides = array<i32>} : memref<80x128xf32, #tpu.memory_space<vmem>>, vector<16xf32>,
          %get3A_303 = arith.index_cast %add3A_217 : i32 to index
          %get3A_304 = arith.constant 80 : index
          %get3A_305 = tpu.vector_load %arg22[%get3A_303, %get3A_304] {strides = array<i32>} : memref<80x128xf32, #tpu.memory_space<vmem>>, vector<16xf32>,
          %get3A_306 = arith.index_cast %add3A_217 : i32 to index
          %get3A_307 = arith.constant 80 : index
          %get3A_308 = tpu.vector_load %arg23[%get3A_306, %get3A_307] {strides = array<i32>} : memref<80x128xf32, #tpu.memory_space<vmem>>, vector<16xf32>,
          %add3A_309 = arith.addf %get3A_305, %get3A_308 : vector<16xf32>
          %neg3A_310 = arith.constant 0.000000e+00 : f32
          %neg3A_311 = vector.broadcast %neg3A_310 : f32 to vector<16xf32>
          %neg3A_312 = arith.subf %neg3A_311, %add3A_309 : vector<16xf32>
          %exp3A_313 = math.exp %neg3A_312 : vector<16xf32>
          %add3A_314 = arith.constant 1.000000e+00 : f32
          %add3A_315 = vector.broadcast %add3A_314 : f32 to vector<16xf32>
          %add3A_316 = arith.addf %add3A_315, %exp3A_313 : vector<16xf32>
          %div3A_317 = arith.divf %add3A_309, %add3A_316 : vector<16xf32>
          %swap3A_318 = arith.index_cast %add3A_217 : i32 to index
          %swap3A_319 = arith.constant 80 : index
          %swap3A_320 = tpu.vector_load %arg22[%swap3A_318, %swap3A_319] {strides = array<i32>} : memref<80x128xf32, #tpu.memory_space<vmem>>, vector<16xf32>,
          tpu.vector_store %arg22[%swap3A_318, %swap3A_319], %div3A_317 {strides = array<i32>} : memref<80x128xf32, #tpu.memory_space<vmem>>, vector<16xf32>,
          %get3A_321 = arith.index_cast %add3A_217 : i32 to index
          %get3A_322 = arith.constant 96 : index
          %get3A_323 = tpu.vector_load %arg22[%get3A_321, %get3A_322] {strides = array<i32>} : memref<80x128xf32, #tpu.memory_space<vmem>>, vector<16xf32>,
          %get3A_324 = arith.index_cast %add3A_217 : i32 to index
          %get3A_325 = arith.constant 96 : index
          %get3A_326 = tpu.vector_load %arg23[%get3A_324, %get3A_325] {strides = array<i32>} : memref<80x128xf32, #tpu.memory_space<vmem>>, vector<16xf32>,
          %add3A_327 = arith.addf %get3A_323, %get3A_326 : vector<16xf32>
          %neg3A_328 = arith.constant 0.000000e+00 : f32
          %neg3A_329 = vector.broadcast %neg3A_328 : f32 to vector<16xf32>
          %neg3A_330 = arith.subf %neg3A_329, %add3A_327 : vector<16xf32>
          %exp3A_331 = math.exp %neg3A_330 : vector<16xf32>
          %add3A_332 = arith.constant 1.000000e+00 : f32
          %add3A_333 = vector.broadcast %add3A_332 : f32 to vector<16xf32>
          %add3A_334 = arith.addf %add3A_333, %exp3A_331 : vector<16xf32>
          %div3A_335 = arith.divf %add3A_327, %add3A_334 : vector<16xf32>
          %swap3A_336 = arith.index_cast %add3A_217 : i32 to index
          %swap3A_337 = arith.constant 96 : index
          %swap3A_338 = tpu.vector_load %arg22[%swap3A_336, %swap3A_337] {strides = array<i32>} : memref<80x128xf32, #tpu.memory_space<vmem>>, vector<16xf32>,
          tpu.vector_store %arg22[%swap3A_336, %swap3A_337], %div3A_335 {strides = array<i32>} : memref<80x128xf32, #tpu.memory_space<vmem>>, vector<16xf32>,
          %get3A_339 = arith.index_cast %add3A_217 : i32 to index
          %get3A_340 = arith.constant 112 : index
          %get3A_341 = tpu.vector_load %arg22[%get3A_339, %get3A_340] {strides = array<i32>} : memref<80x128xf32, #tpu.memory_space<vmem>>, vector<16xf32>,
          %get3A_342 = arith.index_cast %add3A_217 : i32 to index
          %get3A_343 = arith.constant 112 : index
          %get3A_344 = tpu.vector_load %arg23[%get3A_342, %get3A_343] {strides = array<i32>} : memref<80x128xf32, #tpu.memory_space<vmem>>, vector<16xf32>,
          %add3A_345 = arith.addf %get3A_341, %get3A_344 : vector<16xf32>
          %neg3A_346 = arith.constant 0.000000e+00 : f32
          %neg3A_347 = vector.broadcast %neg3A_346 : f32 to vector<16xf32>
          %neg3A_348 = arith.subf %neg3A_347, %add3A_345 : vector<16xf32>
          %exp3A_349 = math.exp %neg3A_348 : vector<16xf32>
          %add3A_350 = arith.constant 1.000000e+00 : f32
          %add3A_351 = vector.broadcast %add3A_350 : f32 to vector<16xf32>
          %add3A_352 = arith.addf %add3A_351, %exp3A_349 : vector<16xf32>
          %div3A_353 = arith.divf %add3A_345, %add3A_352 : vector<16xf32>
          %swap3A_354 = arith.index_cast %add3A_217 : i32 to index
          %swap3A_355 = arith.constant 112 : index
          %swap3A_356 = tpu.vector_load %arg22[%swap3A_354, %swap3A_355] {strides = array<i32>} : memref<80x128xf32, #tpu.memory_space<vmem>>, vector<16xf32>,
          tpu.vector_store %arg22[%swap3A_354, %swap3A_355], %div3A_353 {strides = array<i32>} : memref<80x128xf32, #tpu.memory_space<vmem>>, vector<16xf32>,
        }
        %scan3A_205 = arith.constant 40 : i32
        %mul3A_206 = arith.constant 40 : i32
        %mul3A_207 = arith.muli %add3A_183, %mul3A_206 : i32
        %dma_start3A_208 = arith.constant 40 : i32
        %dma_start3A_209 = arith.constant 0 : i32
        %dma_start3A_210 = tpu.memref_slice %arg22[%dma_start3A_208, %dma_start3A_209] : memref<80x128xf32, #tpu.memory_space<vmem>> -> memref<40x128xf32, #tpu.memory_space<vmem>>
        %dma_start3A_211 = tpu.memref_slice %arg21[%mul3A_207] : memref<5000xi32, #tpu.memory_space<vmem>> -> memref<40xi32, #tpu.memory_space<vmem>>
        %dma_start3A_212 = arith.constant 0 : i32
        %dma_start3A_213 = arith.constant 0 : i32
        %dma_start3A_214 = tpu.memref_slice %arg25[%dma_start3A_212, %dma_start3A_213] : memref<10000x128xf32, #tpu.memory_space<vmem_shared>> -> memref<10000x128xf32, #tpu.memory_space<vmem_shared>>
        tpu.enqueue_indirect_dma source(%dma_start3A_210 : memref<40x128xf32, #tpu.memory_space<vmem>>) target(%dma_start3A_214 : memref<10000x128xf32, #tpu.memory_space<vmem_shared>>) offsets(%dma_start3A_211 : memref<40xi32, #tpu.memory_space<vmem>>) semaphore(%arg29 : memref<!tpu.dma_semaphore, #tpu.memory_space<semaphore_mem>>) {add = true}
      }
      %scan3A_47 = arith.constant 62 : i32
      %dma_wait3A = arith.constant 0 : i32
      %dma_wait3A_48 = arith.constant 0 : i32
      %dma_wait3A_49 = tpu.memref_slice %arg22[%dma_wait3A, %dma_wait3A_48] : memref<80x128xf32, #tpu.memory_space<vmem>> -> memref<40x128xf32, #tpu.memory_space<vmem>>
      %dma_wait3A_50 = arith.constant 4960 : i32
      %dma_wait3A_51 = tpu.memref_slice %arg20[%dma_wait3A_50] : memref<5000xi32, #tpu.memory_space<vmem>> -> memref<40xi32, #tpu.memory_space<vmem>>
      %dma_wait3A_52 = arith.constant 0 : i32
      %dma_wait3A_53 = arith.constant 0 : i32
      %dma_wait3A_54 = tpu.memref_slice %arg7[%dma_wait3A_52, %dma_wait3A_53] : memref<10000x128xf32, #tpu.memory_space<hbm>> -> memref<10000x128xf32, #tpu.memory_space<hbm>>
      tpu.wait_indirect_dma semaphore(%arg26 : memref<!tpu.dma_semaphore, #tpu.memory_space<semaphore_mem>>) src(%dma_wait3A_54 : memref<10000x128xf32, #tpu.memory_space<hbm>>) dst(%dma_wait3A_49 : memref<40x128xf32, #tpu.memory_space<vmem>>)
      %dma_wait3A_55 = arith.constant 0 : i32
      %dma_wait3A_56 = arith.constant 0 : i32
      %dma_wait3A_57 = tpu.memref_slice %arg23[%dma_wait3A_55, %dma_wait3A_56] : memref<80x128xf32, #tpu.memory_space<vmem>> -> memref<40x128xf32, #tpu.memory_space<vmem>>
      %dma_wait3A_58 = arith.constant 4960 : i32
      %dma_wait3A_59 = tpu.memref_slice %arg21[%dma_wait3A_58] : memref<5000xi32, #tpu.memory_space<vmem>> -> memref<40xi32, #tpu.memory_space<vmem>>
      %dma_wait3A_60 = arith.constant 0 : i32
      %dma_wait3A_61 = arith.constant 0 : i32
      %dma_wait3A_62 = tpu.memref_slice %arg9[%dma_wait3A_60, %dma_wait3A_61] : memref<10000x128xf32, #tpu.memory_space<hbm>> -> memref<10000x128xf32, #tpu.memory_space<hbm>>
      tpu.wait_indirect_dma semaphore(%arg26 : memref<!tpu.dma_semaphore, #tpu.memory_space<semaphore_mem>>) src(%dma_wait3A_62 : memref<10000x128xf32, #tpu.memory_space<hbm>>) dst(%dma_wait3A_57 : memref<40x128xf32, #tpu.memory_space<vmem>>)
      %scan3A_63 = arith.constant 0 : i32
      %scan3A_64 = arith.constant 0 : i32
      %scan3A_65 = arith.constant 40 : i32
      %scan3A_66 = arith.addi %scan3A_64, %scan3A_65 : i32
      %scan3A_67 = arith.constant 1 : i32
      scf.for %scan3A_104 = %scan3A_64 to %scan3A_66 step %scan3A_67  : i32 {
        %add3A = arith.constant 0 : i32
        %add3A_105 = arith.addi %add3A, %scan3A_104 : i32
        %get3A = arith.index_cast %add3A_105 : i32 to index
        %get3A_106 = arith.constant 0 : index
        %get3A_107 = tpu.vector_load %arg22[%get3A, %get3A_106] {strides = array<i32>} : memref<80x128xf32, #tpu.memory_space<vmem>>, vector<16xf32>,
        %get3A_108 = arith.index_cast %add3A_105 : i32 to index
        %get3A_109 = arith.constant 0 : index
        %get3A_110 = tpu.vector_load %arg23[%get3A_108, %get3A_109] {strides = array<i32>} : memref<80x128xf32, #tpu.memory_space<vmem>>, vector<16xf32>,
        %add3A_111 = arith.addf %get3A_107, %get3A_110 : vector<16xf32>
        %neg3A = arith.constant 0.000000e+00 : f32
        %neg3A_112 = vector.broadcast %neg3A : f32 to vector<16xf32>
        %neg3A_113 = arith.subf %neg3A_112, %add3A_111 : vector<16xf32>
        %exp3A = math.exp %neg3A_113 : vector<16xf32>
        %add3A_114 = arith.constant 1.000000e+00 : f32
        %add3A_115 = vector.broadcast %add3A_114 : f32 to vector<16xf32>
        %add3A_116 = arith.addf %add3A_115, %exp3A : vector<16xf32>
        %div3A = arith.divf %add3A_111, %add3A_116 : vector<16xf32>
        %swap3A = arith.index_cast %add3A_105 : i32 to index
        %swap3A_117 = arith.constant 0 : index
        %swap3A_118 = tpu.vector_load %arg22[%swap3A, %swap3A_117] {strides = array<i32>} : memref<80x128xf32, #tpu.memory_space<vmem>>, vector<16xf32>,
        tpu.vector_store %arg22[%swap3A, %swap3A_117], %div3A {strides = array<i32>} : memref<80x128xf32, #tpu.memory_space<vmem>>, vector<16xf32>,
        %get3A_119 = arith.index_cast %add3A_105 : i32 to index
        %get3A_120 = arith.constant 16 : index
        %get3A_121 = tpu.vector_load %arg22[%get3A_119, %get3A_120] {strides = array<i32>} : memref<80x128xf32, #tpu.memory_space<vmem>>, vector<16xf32>,
        %get3A_122 = arith.index_cast %add3A_105 : i32 to index
        %get3A_123 = arith.constant 16 : index
        %get3A_124 = tpu.vector_load %arg23[%get3A_122, %get3A_123] {strides = array<i32>} : memref<80x128xf32, #tpu.memory_space<vmem>>, vector<16xf32>,
        %add3A_125 = arith.addf %get3A_121, %get3A_124 : vector<16xf32>
        %neg3A_126 = arith.constant 0.000000e+00 : f32
        %neg3A_127 = vector.broadcast %neg3A_126 : f32 to vector<16xf32>
        %neg3A_128 = arith.subf %neg3A_127, %add3A_125 : vector<16xf32>
        %exp3A_129 = math.exp %neg3A_128 : vector<16xf32>
        %add3A_130 = arith.constant 1.000000e+00 : f32
        %add3A_131 = vector.broadcast %add3A_130 : f32 to vector<16xf32>
        %add3A_132 = arith.addf %add3A_131, %exp3A_129 : vector<16xf32>
        %div3A_133 = arith.divf %add3A_125, %add3A_132 : vector<16xf32>
        %swap3A_134 = arith.index_cast %add3A_105 : i32 to index
        %swap3A_135 = arith.constant 16 : index
        %swap3A_136 = tpu.vector_load %arg22[%swap3A_134, %swap3A_135] {strides = array<i32>} : memref<80x128xf32, #tpu.memory_space<vmem>>, vector<16xf32>,
        tpu.vector_store %arg22[%swap3A_134, %swap3A_135], %div3A_133 {strides = array<i32>} : memref<80x128xf32, #tpu.memory_space<vmem>>, vector<16xf32>,
        %get3A_137 = arith.index_cast %add3A_105 : i32 to index
        %get3A_138 = arith.constant 32 : index
        %get3A_139 = tpu.vector_load %arg22[%get3A_137, %get3A_138] {strides = array<i32>} : memref<80x128xf32, #tpu.memory_space<vmem>>, vector<16xf32>,
        %get3A_140 = arith.index_cast %add3A_105 : i32 to index
        %get3A_141 = arith.constant 32 : index
        %get3A_142 = tpu.vector_load %arg23[%get3A_140, %get3A_141] {strides = array<i32>} : memref<80x128xf32, #tpu.memory_space<vmem>>, vector<16xf32>,
        %add3A_143 = arith.addf %get3A_139, %get3A_142 : vector<16xf32>
        %neg3A_144 = arith.constant 0.000000e+00 : f32
        %neg3A_145 = vector.broadcast %neg3A_144 : f32 to vector<16xf32>
        %neg3A_146 = arith.subf %neg3A_145, %add3A_143 : vector<16xf32>
        %exp3A_147 = math.exp %neg3A_146 : vector<16xf32>
        %add3A_148 = arith.constant 1.000000e+00 : f32
        %add3A_149 = vector.broadcast %add3A_148 : f32 to vector<16xf32>
        %add3A_150 = arith.addf %add3A_149, %exp3A_147 : vector<16xf32>
        %div3A_151 = arith.divf %add3A_143, %add3A_150 : vector<16xf32>
        %swap3A_152 = arith.index_cast %add3A_105 : i32 to index
        %swap3A_153 = arith.constant 32 : index
        %swap3A_154 = tpu.vector_load %arg22[%swap3A_152, %swap3A_153] {strides = array<i32>} : memref<80x128xf32, #tpu.memory_space<vmem>>, vector<16xf32>,
        tpu.vector_store %arg22[%swap3A_152, %swap3A_153], %div3A_151 {strides = array<i32>} : memref<80x128xf32, #tpu.memory_space<vmem>>, vector<16xf32>,
        %get3A_155 = arith.index_cast %add3A_105 : i32 to index
        %get3A_156 = arith.constant 48 : index
        %get3A_157 = tpu.vector_load %arg22[%get3A_155, %get3A_156] {strides = array<i32>} : memref<80x128xf32, #tpu.memory_space<vmem>>, vector<16xf32>,
        %get3A_158 = arith.index_cast %add3A_105 : i32 to index
        %get3A_159 = arith.constant 48 : index
        %get3A_160 = tpu.vector_load %arg23[%get3A_158, %get3A_159] {strides = array<i32>} : memref<80x128xf32, #tpu.memory_space<vmem>>, vector<16xf32>,
        %add3A_161 = arith.addf %get3A_157, %get3A_160 : vector<16xf32>
        %neg3A_162 = arith.constant 0.000000e+00 : f32
        %neg3A_163 = vector.broadcast %neg3A_162 : f32 to vector<16xf32>
        %neg3A_164 = arith.subf %neg3A_163, %add3A_161 : vector<16xf32>
        %exp3A_165 = math.exp %neg3A_164 : vector<16xf32>
        %add3A_166 = arith.constant 1.000000e+00 : f32
        %add3A_167 = vector.broadcast %add3A_166 : f32 to vector<16xf32>
        %add3A_168 = arith.addf %add3A_167, %exp3A_165 : vector<16xf32>
        %div3A_169 = arith.divf %add3A_161, %add3A_168 : vector<16xf32>
        %swap3A_170 = arith.index_cast %add3A_105 : i32 to index
        %swap3A_171 = arith.constant 48 : index
        %swap3A_172 = tpu.vector_load %arg22[%swap3A_170, %swap3A_171] {strides = array<i32>} : memref<80x128xf32, #tpu.memory_space<vmem>>, vector<16xf32>,
        tpu.vector_store %arg22[%swap3A_170, %swap3A_171], %div3A_169 {strides = array<i32>} : memref<80x128xf32, #tpu.memory_space<vmem>>, vector<16xf32>,
        %get3A_173 = arith.index_cast %add3A_105 : i32 to index
        %get3A_174 = arith.constant 64 : index
        %get3A_175 = tpu.vector_load %arg22[%get3A_173, %get3A_174] {strides = array<i32>} : memref<80x128xf32, #tpu.memory_space<vmem>>, vector<16xf32>,
        %get3A_176 = arith.index_cast %add3A_105 : i32 to index
        %get3A_177 = arith.constant 64 : index
        %get3A_178 = tpu.vector_load %arg23[%get3A_176, %get3A_177] {strides = array<i32>} : memref<80x128xf32, #tpu.memory_space<vmem>>, vector<16xf32>,
        %add3A_179 = arith.addf %get3A_175, %get3A_178 : vector<16xf32>
        %neg3A_180 = arith.constant 0.000000e+00 : f32
        %neg3A_181 = vector.broadcast %neg3A_180 : f32 to vector<16xf32>
        %neg3A_182 = arith.subf %neg3A_181, %add3A_179 : vector<16xf32>
        %exp3A_183 = math.exp %neg3A_182 : vector<16xf32>
        %add3A_184 = arith.constant 1.000000e+00 : f32
        %add3A_185 = vector.broadcast %add3A_184 : f32 to vector<16xf32>
        %add3A_186 = arith.addf %add3A_185, %exp3A_183 : vector<16xf32>
        %div3A_187 = arith.divf %add3A_179, %add3A_186 : vector<16xf32>
        %swap3A_188 = arith.index_cast %add3A_105 : i32 to index
        %swap3A_189 = arith.constant 64 : index
        %swap3A_190 = tpu.vector_load %arg22[%swap3A_188, %swap3A_189] {strides = array<i32>} : memref<80x128xf32, #tpu.memory_space<vmem>>, vector<16xf32>,
        tpu.vector_store %arg22[%swap3A_188, %swap3A_189], %div3A_187 {strides = array<i32>} : memref<80x128xf32, #tpu.memory_space<vmem>>, vector<16xf32>,
        %get3A_191 = arith.index_cast %add3A_105 : i32 to index
        %get3A_192 = arith.constant 80 : index
        %get3A_193 = tpu.vector_load %arg22[%get3A_191, %get3A_192] {strides = array<i32>} : memref<80x128xf32, #tpu.memory_space<vmem>>, vector<16xf32>,
        %get3A_194 = arith.index_cast %add3A_105 : i32 to index
        %get3A_195 = arith.constant 80 : index
        %get3A_196 = tpu.vector_load %arg23[%get3A_194, %get3A_195] {strides = array<i32>} : memref<80x128xf32, #tpu.memory_space<vmem>>, vector<16xf32>,
        %add3A_197 = arith.addf %get3A_193, %get3A_196 : vector<16xf32>
        %neg3A_198 = arith.constant 0.000000e+00 : f32
        %neg3A_199 = vector.broadcast %neg3A_198 : f32 to vector<16xf32>
        %neg3A_200 = arith.subf %neg3A_199, %add3A_197 : vector<16xf32>
        %exp3A_201 = math.exp %neg3A_200 : vector<16xf32>
        %add3A_202 = arith.constant 1.000000e+00 : f32
        %add3A_203 = vector.broadcast %add3A_202 : f32 to vector<16xf32>
        %add3A_204 = arith.addf %add3A_203, %exp3A_201 : vector<16xf32>
        %div3A_205 = arith.divf %add3A_197, %add3A_204 : vector<16xf32>
        %swap3A_206 = arith.index_cast %add3A_105 : i32 to index
        %swap3A_207 = arith.constant 80 : index
        %swap3A_208 = tpu.vector_load %arg22[%swap3A_206, %swap3A_207] {strides = array<i32>} : memref<80x128xf32, #tpu.memory_space<vmem>>, vector<16xf32>,
        tpu.vector_store %arg22[%swap3A_206, %swap3A_207], %div3A_205 {strides = array<i32>} : memref<80x128xf32, #tpu.memory_space<vmem>>, vector<16xf32>,
        %get3A_209 = arith.index_cast %add3A_105 : i32 to index
        %get3A_210 = arith.constant 96 : index
        %get3A_211 = tpu.vector_load %arg22[%get3A_209, %get3A_210] {strides = array<i32>} : memref<80x128xf32, #tpu.memory_space<vmem>>, vector<16xf32>,
        %get3A_212 = arith.index_cast %add3A_105 : i32 to index
        %get3A_213 = arith.constant 96 : index
        %get3A_214 = tpu.vector_load %arg23[%get3A_212, %get3A_213] {strides = array<i32>} : memref<80x128xf32, #tpu.memory_space<vmem>>, vector<16xf32>,
        %add3A_215 = arith.addf %get3A_211, %get3A_214 : vector<16xf32>
        %neg3A_216 = arith.constant 0.000000e+00 : f32
        %neg3A_217 = vector.broadcast %neg3A_216 : f32 to vector<16xf32>
        %neg3A_218 = arith.subf %neg3A_217, %add3A_215 : vector<16xf32>
        %exp3A_219 = math.exp %neg3A_218 : vector<16xf32>
        %add3A_220 = arith.constant 1.000000e+00 : f32
        %add3A_221 = vector.broadcast %add3A_220 : f32 to vector<16xf32>
        %add3A_222 = arith.addf %add3A_221, %exp3A_219 : vector<16xf32>
        %div3A_223 = arith.divf %add3A_215, %add3A_222 : vector<16xf32>
        %swap3A_224 = arith.index_cast %add3A_105 : i32 to index
        %swap3A_225 = arith.constant 96 : index
        %swap3A_226 = tpu.vector_load %arg22[%swap3A_224, %swap3A_225] {strides = array<i32>} : memref<80x128xf32, #tpu.memory_space<vmem>>, vector<16xf32>,
        tpu.vector_store %arg22[%swap3A_224, %swap3A_225], %div3A_223 {strides = array<i32>} : memref<80x128xf32, #tpu.memory_space<vmem>>, vector<16xf32>,
        %get3A_227 = arith.index_cast %add3A_105 : i32 to index
        %get3A_228 = arith.constant 112 : index
        %get3A_229 = tpu.vector_load %arg22[%get3A_227, %get3A_228] {strides = array<i32>} : memref<80x128xf32, #tpu.memory_space<vmem>>, vector<16xf32>,
        %get3A_230 = arith.index_cast %add3A_105 : i32 to index
        %get3A_231 = arith.constant 112 : index
        %get3A_232 = tpu.vector_load %arg23[%get3A_230, %get3A_231] {strides = array<i32>} : memref<80x128xf32, #tpu.memory_space<vmem>>, vector<16xf32>,
        %add3A_233 = arith.addf %get3A_229, %get3A_232 : vector<16xf32>
        %neg3A_234 = arith.constant 0.000000e+00 : f32
        %neg3A_235 = vector.broadcast %neg3A_234 : f32 to vector<16xf32>
        %neg3A_236 = arith.subf %neg3A_235, %add3A_233 : vector<16xf32>
        %exp3A_237 = math.exp %neg3A_236 : vector<16xf32>
        %add3A_238 = arith.constant 1.000000e+00 : f32
        %add3A_239 = vector.broadcast %add3A_238 : f32 to vector<16xf32>
        %add3A_240 = arith.addf %add3A_239, %exp3A_237 : vector<16xf32>
        %div3A_241 = arith.divf %add3A_233, %add3A_240 : vector<16xf32>
        %swap3A_242 = arith.index_cast %add3A_105 : i32 to index
        %swap3A_243 = arith.constant 112 : index
        %swap3A_244 = tpu.vector_load %arg22[%swap3A_242, %swap3A_243] {strides = array<i32>} : memref<80x128xf32, #tpu.memory_space<vmem>>, vector<16xf32>,
        tpu.vector_store %arg22[%swap3A_242, %swap3A_243], %div3A_241 {strides = array<i32>} : memref<80x128xf32, #tpu.memory_space<vmem>>, vector<16xf32>,
      }
      %scan3A_68 = arith.constant 40 : i32
      %dma_start3A_69 = arith.constant 0 : i32
      %dma_start3A_70 = arith.constant 0 : i32
      %dma_start3A_71 = tpu.memref_slice %arg22[%dma_start3A_69, %dma_start3A_70] : memref<80x128xf32, #tpu.memory_space<vmem>> -> memref<40x128xf32, #tpu.memory_space<vmem>>
      %dma_start3A_72 = arith.constant 4960 : i32
      %dma_start3A_73 = tpu.memref_slice %arg21[%dma_start3A_72] : memref<5000xi32, #tpu.memory_space<vmem>> -> memref<40xi32, #tpu.memory_space<vmem>>
      %dma_start3A_74 = arith.constant 0 : i32
      %dma_start3A_75 = arith.constant 0 : i32
      %dma_start3A_76 = tpu.memref_slice %arg25[%dma_start3A_74, %dma_start3A_75] : memref<10000x128xf32, #tpu.memory_space<vmem_shared>> -> memref<10000x128xf32, #tpu.memory_space<vmem_shared>>
      tpu.enqueue_indirect_dma source(%dma_start3A_71 : memref<40x128xf32, #tpu.memory_space<vmem>>) target(%dma_start3A_76 : memref<10000x128xf32, #tpu.memory_space<vmem_shared>>) offsets(%dma_start3A_73 : memref<40xi32, #tpu.memory_space<vmem>>) semaphore(%arg28 : memref<!tpu.dma_semaphore, #tpu.memory_space<semaphore_mem>>) {add = true}
      %dma_wait3A_77 = arith.constant 0 : i32
      %dma_wait3A_78 = arith.constant 0 : i32
      %dma_wait3A_79 = tpu.memref_slice %arg22[%dma_wait3A_77, %dma_wait3A_78] : memref<80x128xf32, #tpu.memory_space<vmem>> -> memref<40x128xf32, #tpu.memory_space<vmem>>
      %dma_wait3A_80 = arith.constant 0 : i32
      %dma_wait3A_81 = tpu.memref_slice %arg21[%dma_wait3A_80] : memref<5000xi32, #tpu.memory_space<vmem>> -> memref<40xi32, #tpu.memory_space<vmem>>
      %dma_wait3A_82 = arith.constant 0 : i32
      %dma_wait3A_83 = arith.constant 0 : i32
      %dma_wait3A_84 = tpu.memref_slice %arg25[%dma_wait3A_82, %dma_wait3A_83] : memref<10000x128xf32, #tpu.memory_space<vmem_shared>> -> memref<10000x128xf32, #tpu.memory_space<vmem_shared>>
      tpu.wait_indirect_dma semaphore(%arg28 : memref<!tpu.dma_semaphore, #tpu.memory_space<semaphore_mem>>) src(%dma_wait3A_79 : memref<40x128xf32, #tpu.memory_space<vmem>>) dst(%dma_wait3A_84 : memref<10000x128xf32, #tpu.memory_space<vmem_shared>>)
      %dma_wait3A_85 = arith.constant 40 : i32
      %dma_wait3A_86 = arith.constant 0 : i32
      %dma_wait3A_87 = tpu.memref_slice %arg22[%dma_wait3A_85, %dma_wait3A_86] : memref<80x128xf32, #tpu.memory_space<vmem>> -> memref<40x128xf32, #tpu.memory_space<vmem>>
      %dma_wait3A_88 = arith.constant 0 : i32
      %dma_wait3A_89 = tpu.memref_slice %arg21[%dma_wait3A_88] : memref<5000xi32, #tpu.memory_space<vmem>> -> memref<40xi32, #tpu.memory_space<vmem>>
      %dma_wait3A_90 = arith.constant 0 : i32
      %dma_wait3A_91 = arith.constant 0 : i32
      %dma_wait3A_92 = tpu.memref_slice %arg25[%dma_wait3A_90, %dma_wait3A_91] : memref<10000x128xf32, #tpu.memory_space<vmem_shared>> -> memref<10000x128xf32, #tpu.memory_space<vmem_shared>>
      tpu.wait_indirect_dma semaphore(%arg29 : memref<!tpu.dma_semaphore, #tpu.memory_space<semaphore_mem>>) src(%dma_wait3A_87 : memref<40x128xf32, #tpu.memory_space<vmem>>) dst(%dma_wait3A_92 : memref<10000x128xf32, #tpu.memory_space<vmem_shared>>)
      %barrier3A_93 = arith.constant 0 : index
      tpu.barrier barrier_id(%barrier3A_93)
      %mul3A_94 = arith.constant 624 : i32
      %mul3A_95 = arith.muli %arg1, %mul3A_94 : i32
      %mul3A_96 = arith.constant 624 : i32
      %mul3A_97 = arith.muli %arg1, %mul3A_96 : i32
      "tpu.region"() ({
        %run_scoped3A = tpu.sem_alloc : memref<!tpu.dma_semaphore, #tpu.memory_space<semaphore_mem>>
        %dma_start3A_104 = arith.constant 0 : i32
        %dma_start3A_105 = tpu.memref_slice %arg18[%mul3A_97, %dma_start3A_104] : memref<10000x128xf32, #tpu.memory_space<hbm>> -> memref<624x128xf32, #tpu.memory_space<hbm>>
        %dma_start3A_106 = arith.constant 0 : i32
        %dma_start3A_107 = tpu.memref_slice %arg25[%mul3A_95, %dma_start3A_106] : memref<10000x128xf32, #tpu.memory_space<vmem_shared>> -> memref<624x128xf32, #tpu.memory_space<vmem_shared>>
        tpu.enqueue_dma source(%dma_start3A_107 : memref<624x128xf32, #tpu.memory_space<vmem_shared>>) target(%dma_start3A_105 : memref<624x128xf32, #tpu.memory_space<hbm>>) target_semaphore(%run_scoped3A : memref<!tpu.dma_semaphore, #tpu.memory_space<semaphore_mem>>)
        %dma_wait3A_108 = arith.constant 0 : i32
        %dma_wait3A_109 = tpu.memref_slice %arg18[%mul3A_97, %dma_wait3A_108] : memref<10000x128xf32, #tpu.memory_space<hbm>> -> memref<624x128xf32, #tpu.memory_space<hbm>>
        %dma_wait3A_110 = arith.constant 0 : i32
        %dma_wait3A_111 = tpu.memref_slice %arg25[%mul3A_95, %dma_wait3A_110] : memref<10000x128xf32, #tpu.memory_space<vmem_shared>> -> memref<624x128xf32, #tpu.memory_space<vmem_shared>>
        tpu.wait_dma2 semaphore(%run_scoped3A : memref<!tpu.dma_semaphore, #tpu.memory_space<semaphore_mem>>) src(%dma_wait3A_111 : memref<624x128xf32, #tpu.memory_space<vmem_shared>>) dst(%dma_wait3A_109 : memref<624x128xf32, #tpu.memory_space<hbm>>)
        tpu.yield
      }) : () -> ()
      %eq3A_98 = arith.constant 15 : i32
      %eq3A_99 = arith.cmpi eq, %arg1, %eq3A_98 : i32
      %convert_element_type3A_100 = arith.extui %eq3A_99 : i1 to i32
      %cond3A_101 = arith.constant 0 : i32
      %cond3A_102 = arith.cmpi ne, %convert_element_type3A_100, %cond3A_101 : i32
      scf.if %cond3A_102 {
        "tpu.region"() ({
          %run_scoped3A = tpu.sem_alloc : memref<!tpu.dma_semaphore, #tpu.memory_space<semaphore_mem>>
          %dma_start3A_104 = arith.constant 9984 : i32
          %dma_start3A_105 = arith.constant 0 : i32
          %dma_start3A_106 = tpu.memref_slice %arg18[%dma_start3A_104, %dma_start3A_105] : memref<10000x128xf32, #tpu.memory_space<hbm>> -> memref<16x128xf32, #tpu.memory_space<hbm>>
          %dma_start3A_107 = arith.constant 9984 : i32
          %dma_start3A_108 = arith.constant 0 : i32
          %dma_start3A_109 = tpu.memref_slice %arg25[%dma_start3A_107, %dma_start3A_108] : memref<10000x128xf32, #tpu.memory_space<vmem_shared>> -> memref<16x128xf32, #tpu.memory_space<vmem_shared>>
          tpu.enqueue_dma source(%dma_start3A_109 : memref<16x128xf32, #tpu.memory_space<vmem_shared>>) target(%dma_start3A_106 : memref<16x128xf32, #tpu.memory_space<hbm>>) target_semaphore(%run_scoped3A : memref<!tpu.dma_semaphore, #tpu.memory_space<semaphore_mem>>)
          %dma_wait3A_110 = arith.constant 9984 : i32
          %dma_wait3A_111 = arith.constant 0 : i32
          %dma_wait3A_112 = tpu.memref_slice %arg18[%dma_wait3A_110, %dma_wait3A_111] : memref<10000x128xf32, #tpu.memory_space<hbm>> -> memref<16x128xf32, #tpu.memory_space<hbm>>
          %dma_wait3A_113 = arith.constant 9984 : i32
          %dma_wait3A_114 = arith.constant 0 : i32
          %dma_wait3A_115 = tpu.memref_slice %arg25[%dma_wait3A_113, %dma_wait3A_114] : memref<10000x128xf32, #tpu.memory_space<vmem_shared>> -> memref<16x128xf32, #tpu.memory_space<vmem_shared>>
          tpu.wait_dma2 semaphore(%run_scoped3A : memref<!tpu.dma_semaphore, #tpu.memory_space<semaphore_mem>>) src(%dma_wait3A_115 : memref<16x128xf32, #tpu.memory_space<vmem_shared>>) dst(%dma_wait3A_112 : memref<16x128xf32, #tpu.memory_space<hbm>>)
          tpu.yield
        }) : () -> ()
      } else {
      }
      %barrier3A_103 = arith.constant 0 : index
      tpu.barrier barrier_id(%barrier3A_103)
    } else {
    }
    return
  }
}

module attributes {stable_mosaic.version = 14 : i64} {
  func.func @_pre_body(%arg0: i32, %arg1: memref<1000x256xf32, #tpu.memory_space<vmem>>, %arg2: memref<1000x1xf32, #tpu.memory_space<vmem>>, %arg3: memref<256x1024xf32, #tpu.memory_space<vmem>>, %arg4: memref<1x1024xf32, #tpu.memory_space<vmem>>, %arg5: memref<1x1024xf32, #tpu.memory_space<vmem>>, %arg6: memref<1000x128xf32, #tpu.memory_space<vmem>>, %arg7: memref<1000x128xf32, #tpu.memory_space<vmem>>, %arg8: memref<1000x128xf32, #tpu.memory_space<vmem>>, %arg9: memref<1000x128xf32, #tpu.memory_space<vmem>>, %arg10: memref<1000x128xf32, #tpu.memory_space<vmem>>, %arg11: memref<1000x128xf32, #tpu.memory_space<vmem>>, %arg12: memref<1000x128xf32, #tpu.memory_space<vmem>>, %arg13: memref<1000x128xf32, #tpu.memory_space<vmem>>) attributes {dimension_semantics = [#tpu.dimension_semantics<arbitrary>], iteration_bounds = array<i64: 10>, scalar_prefetch = 0 : i64, scratch_operands = 0 : i64, tpu.core_type = #tpu.core_type<tc>, window_params = [{transform_indices = @transform_0, window_bounds = array<i64: 1000, 256>}, {transform_indices = @transform_1, window_bounds = array<i64: 1000, 1>}, {pipeline_mode = #tpu.pipeline_mode<synchronous>, transform_indices = @transform_2, window_bounds = array<i64: 256, 1024>}, {pipeline_mode = #tpu.pipeline_mode<synchronous>, transform_indices = @transform_3, window_bounds = array<i64: 1, 1024>}, {pipeline_mode = #tpu.pipeline_mode<synchronous>, transform_indices = @transform_4, window_bounds = array<i64: 1, 1024>}, {transform_indices = @transform_5, window_bounds = array<i64: 1000, 128>}, {transform_indices = @transform_6, window_bounds = array<i64: 1000, 128>}, {transform_indices = @transform_7, window_bounds = array<i64: 1000, 128>}, {transform_indices = @transform_8, window_bounds = array<i64: 1000, 128>}, {transform_indices = @transform_9, window_bounds = array<i64: 1000, 128>}, {transform_indices = @transform_10, window_bounds = array<i64: 1000, 128>}, {transform_indices = @transform_11, window_bounds = array<i64: 1000, 128>}, {transform_indices = @transform_12, window_bounds = array<i64: 1000, 128>}]} {
    %get3A = arith.constant 0 : index
    %get3A_0 = arith.constant 0 : index
    %get3A_1 = vector.load %arg1[%get3A, %get3A_0] : memref<1000x256xf32, #tpu.memory_space<vmem>>, vector<1000x256xf32>
    %get3A_2 = arith.constant 0 : index
    %get3A_3 = arith.constant 0 : index
    %get3A_4 = vector.load %arg3[%get3A_2, %get3A_3] : memref<256x1024xf32, #tpu.memory_space<vmem>>, vector<256x1024xf32>
    %dot_general3A = arith.constant dense<0.000000e+00> : vector<1000x1024xf32>
    %dot_general3A_5 = tpu.matmul %get3A_1, %get3A_4, %dot_general3A {dimension_numbers = #tpu.dot_dimension_numbers<[1], [0], [0], [1], [0, 0, 1, 1], [], []>, transpose_lhs_hint = false} : vector<1000x256xf32>, vector<256x1024xf32>, vector<1000x1024xf32> -> vector<1000x1024xf32>
    %get3A_6 = arith.constant 0 : index
    %get3A_7 = arith.constant 0 : index
    %get3A_8 = vector.load %arg4[%get3A_6, %get3A_7] : memref<1x1024xf32, #tpu.memory_space<vmem>>, vector<1x1024xf32>
    %add3A = vector.broadcast %get3A_8 : vector<1x1024xf32> to vector<1000x1024xf32>
    %add3A_9 = arith.addf %dot_general3A_5, %add3A : vector<1000x1024xf32>
    %get3A_10 = arith.constant 0 : index
    %get3A_11 = arith.constant 0 : index
    %get3A_12 = vector.load %arg2[%get3A_10, %get3A_11] : memref<1000x1xf32, #tpu.memory_space<vmem>>, vector<1000x1xf32>
    %get3A_13 = arith.constant 0 : index
    %get3A_14 = arith.constant 0 : index
    %get3A_15 = vector.load %arg5[%get3A_13, %get3A_14] : memref<1x1024xf32, #tpu.memory_space<vmem>>, vector<1x1024xf32>
    %mul3A = vector.broadcast %get3A_12 : vector<1000x1xf32> to vector<1000x1024xf32>
    %mul3A_16 = vector.broadcast %get3A_15 : vector<1x1024xf32> to vector<1000x1024xf32>
    %mul3A_17 = arith.mulf %mul3A, %mul3A_16 : vector<1000x1024xf32>
    %add3A_18 = arith.addf %add3A_9, %mul3A_17 : vector<1000x1024xf32>
    %slice3A = vector.extract_strided_slice %add3A_18 {offsets = [0, 0], sizes = [1000, 128], strides = [1, 1]} : vector<1000x1024xf32> to vector<1000x128xf32>
    %swap3A = arith.constant 0 : index
    %swap3A_19 = arith.constant 0 : index
    %swap3A_20 = vector.load %arg6[%swap3A, %swap3A_19] : memref<1000x128xf32, #tpu.memory_space<vmem>>, vector<1000x128xf32>
    tpu.vector_store %arg6[%swap3A, %swap3A_19], %slice3A {strides = array<i32>} : memref<1000x128xf32, #tpu.memory_space<vmem>>, vector<1000x128xf32>,
    %slice3A_21 = vector.extract_strided_slice %add3A_18 {offsets = [0, 128], sizes = [1000, 128], strides = [1, 1]} : vector<1000x1024xf32> to vector<1000x128xf32>
    %swap3A_22 = arith.constant 0 : index
    %swap3A_23 = arith.constant 0 : index
    %swap3A_24 = vector.load %arg7[%swap3A_22, %swap3A_23] : memref<1000x128xf32, #tpu.memory_space<vmem>>, vector<1000x128xf32>
    tpu.vector_store %arg7[%swap3A_22, %swap3A_23], %slice3A_21 {strides = array<i32>} : memref<1000x128xf32, #tpu.memory_space<vmem>>, vector<1000x128xf32>,
    %slice3A_25 = vector.extract_strided_slice %add3A_18 {offsets = [0, 256], sizes = [1000, 128], strides = [1, 1]} : vector<1000x1024xf32> to vector<1000x128xf32>
    %swap3A_26 = arith.constant 0 : index
    %swap3A_27 = arith.constant 0 : index
    %swap3A_28 = vector.load %arg8[%swap3A_26, %swap3A_27] : memref<1000x128xf32, #tpu.memory_space<vmem>>, vector<1000x128xf32>
    tpu.vector_store %arg8[%swap3A_26, %swap3A_27], %slice3A_25 {strides = array<i32>} : memref<1000x128xf32, #tpu.memory_space<vmem>>, vector<1000x128xf32>,
    %slice3A_29 = vector.extract_strided_slice %add3A_18 {offsets = [0, 384], sizes = [1000, 128], strides = [1, 1]} : vector<1000x1024xf32> to vector<1000x128xf32>
    %swap3A_30 = arith.constant 0 : index
    %swap3A_31 = arith.constant 0 : index
    %swap3A_32 = vector.load %arg9[%swap3A_30, %swap3A_31] : memref<1000x128xf32, #tpu.memory_space<vmem>>, vector<1000x128xf32>
    tpu.vector_store %arg9[%swap3A_30, %swap3A_31], %slice3A_29 {strides = array<i32>} : memref<1000x128xf32, #tpu.memory_space<vmem>>, vector<1000x128xf32>,
    %slice3A_33 = vector.extract_strided_slice %add3A_18 {offsets = [0, 512], sizes = [1000, 128], strides = [1, 1]} : vector<1000x1024xf32> to vector<1000x128xf32>
    %swap3A_34 = arith.constant 0 : index
    %swap3A_35 = arith.constant 0 : index
    %swap3A_36 = vector.load %arg10[%swap3A_34, %swap3A_35] : memref<1000x128xf32, #tpu.memory_space<vmem>>, vector<1000x128xf32>
    tpu.vector_store %arg10[%swap3A_34, %swap3A_35], %slice3A_33 {strides = array<i32>} : memref<1000x128xf32, #tpu.memory_space<vmem>>, vector<1000x128xf32>,
    %slice3A_37 = vector.extract_strided_slice %add3A_18 {offsets = [0, 640], sizes = [1000, 128], strides = [1, 1]} : vector<1000x1024xf32> to vector<1000x128xf32>
    %swap3A_38 = arith.constant 0 : index
    %swap3A_39 = arith.constant 0 : index
    %swap3A_40 = vector.load %arg11[%swap3A_38, %swap3A_39] : memref<1000x128xf32, #tpu.memory_space<vmem>>, vector<1000x128xf32>
    tpu.vector_store %arg11[%swap3A_38, %swap3A_39], %slice3A_37 {strides = array<i32>} : memref<1000x128xf32, #tpu.memory_space<vmem>>, vector<1000x128xf32>,
    %slice3A_41 = vector.extract_strided_slice %add3A_18 {offsets = [0, 768], sizes = [1000, 128], strides = [1, 1]} : vector<1000x1024xf32> to vector<1000x128xf32>
    %swap3A_42 = arith.constant 0 : index
    %swap3A_43 = arith.constant 0 : index
    %swap3A_44 = vector.load %arg12[%swap3A_42, %swap3A_43] : memref<1000x128xf32, #tpu.memory_space<vmem>>, vector<1000x128xf32>
    tpu.vector_store %arg12[%swap3A_42, %swap3A_43], %slice3A_41 {strides = array<i32>} : memref<1000x128xf32, #tpu.memory_space<vmem>>, vector<1000x128xf32>,
    %slice3A_45 = vector.extract_strided_slice %add3A_18 {offsets = [0, 896], sizes = [1000, 128], strides = [1, 1]} : vector<1000x1024xf32> to vector<1000x128xf32>
    %swap3A_46 = arith.constant 0 : index
    %swap3A_47 = arith.constant 0 : index
    %swap3A_48 = vector.load %arg13[%swap3A_46, %swap3A_47] : memref<1000x128xf32, #tpu.memory_space<vmem>>, vector<1000x128xf32>
    tpu.vector_store %arg13[%swap3A_46, %swap3A_47], %slice3A_45 {strides = array<i32>} : memref<1000x128xf32, #tpu.memory_space<vmem>>, vector<1000x128xf32>,
    return
  }
  func.func @transform_0(%arg0: i32) -> (i32, i32) {
    %c0_i32 = arith.constant 0 : i32
    %c0_i32_0 = arith.constant 0 : i32
    return %arg0, %c0_i32 : i32, i32
  }
  func.func @transform_1(%arg0: i32) -> (i32, i32) {
    %c0_i32 = arith.constant 0 : i32
    %c0_i32_0 = arith.constant 0 : i32
    return %arg0, %c0_i32 : i32, i32
  }
  func.func @transform_2(%arg0: i32) -> (i32, i32) {
    %c0_i32 = arith.constant 0 : i32
    %c0_i32_0 = arith.constant 0 : i32
    %c0_i32_1 = arith.constant 0 : i32
    return %c0_i32, %c0_i32_0 : i32, i32
  }
  func.func @transform_3(%arg0: i32) -> (i32, i32) {
    %c0_i32 = arith.constant 0 : i32
    %c0_i32_0 = arith.constant 0 : i32
    %c0_i32_1 = arith.constant 0 : i32
    return %c0_i32, %c0_i32_0 : i32, i32
  }
  func.func @transform_4(%arg0: i32) -> (i32, i32) {
    %c0_i32 = arith.constant 0 : i32
    %c0_i32_0 = arith.constant 0 : i32
    %c0_i32_1 = arith.constant 0 : i32
    return %c0_i32, %c0_i32_0 : i32, i32
  }
  func.func @transform_5(%arg0: i32) -> (i32, i32) {
    %c0_i32 = arith.constant 0 : i32
    %c0_i32_0 = arith.constant 0 : i32
    return %arg0, %c0_i32 : i32, i32
  }
  func.func @transform_6(%arg0: i32) -> (i32, i32) {
    %c0_i32 = arith.constant 0 : i32
    %c0_i32_0 = arith.constant 0 : i32
    return %arg0, %c0_i32 : i32, i32
  }
  func.func @transform_7(%arg0: i32) -> (i32, i32) {
    %c0_i32 = arith.constant 0 : i32
    %c0_i32_0 = arith.constant 0 : i32
    return %arg0, %c0_i32 : i32, i32
  }
  func.func @transform_8(%arg0: i32) -> (i32, i32) {
    %c0_i32 = arith.constant 0 : i32
    %c0_i32_0 = arith.constant 0 : i32
    return %arg0, %c0_i32 : i32, i32
  }
  func.func @transform_9(%arg0: i32) -> (i32, i32) {
    %c0_i32 = arith.constant 0 : i32
    %c0_i32_0 = arith.constant 0 : i32
    return %arg0, %c0_i32 : i32, i32
  }
  func.func @transform_10(%arg0: i32) -> (i32, i32) {
    %c0_i32 = arith.constant 0 : i32
    %c0_i32_0 = arith.constant 0 : i32
    return %arg0, %c0_i32 : i32, i32
  }
  func.func @transform_11(%arg0: i32) -> (i32, i32) {
    %c0_i32 = arith.constant 0 : i32
    %c0_i32_0 = arith.constant 0 : i32
    return %arg0, %c0_i32 : i32, i32
  }
  func.func @transform_12(%arg0: i32) -> (i32, i32) {
    %c0_i32 = arith.constant 0 : i32
    %c0_i32_0 = arith.constant 0 : i32
    return %arg0, %c0_i32 : i32, i32
  }
}

module attributes {stable_mosaic.version = 14 : i64} {
  func.func @_post_body(%arg0: i32, %arg1: memref<1000x128xf32, #tpu.memory_space<vmem>>, %arg2: memref<1000x128xf32, #tpu.memory_space<vmem>>, %arg3: memref<1000x128xf32, #tpu.memory_space<vmem>>, %arg4: memref<1000x128xf32, #tpu.memory_space<vmem>>, %arg5: memref<2x1000x16xf32, #tpu.memory_space<vmem>>, %arg6: memref<1x256xf32, #tpu.memory_space<vmem>>, %arg7: memref<1x256xf32, #tpu.memory_space<vmem>>, %arg8: memref<1000x256xf32, #tpu.memory_space<vmem>>, %arg9: memref<128x256xf32, #tpu.memory_space<vmem>>, %arg10: memref<128x256xf32, #tpu.memory_space<vmem>>, %arg11: memref<128x256xf32, #tpu.memory_space<vmem>>, %arg12: memref<128x256xf32, #tpu.memory_space<vmem>>, %arg13: memref<256x768xf32, #tpu.memory_space<vmem>>, %arg14: memref<256x768xf32, #tpu.memory_space<vmem>>, %arg15: memref<1x768xf32, #tpu.memory_space<vmem>>, %arg16: memref<1x768xf32, #tpu.memory_space<vmem>>, %arg17: memref<1000x256xf32, #tpu.memory_space<vmem>>) attributes {dimension_semantics = [#tpu.dimension_semantics<arbitrary>], iteration_bounds = array<i64: 10>, scalar_prefetch = 0 : i64, scratch_operands = 0 : i64, tpu.core_type = #tpu.core_type<tc>, window_params = [{transform_indices = @transform_0, window_bounds = array<i64: 1000, 128>}, {transform_indices = @transform_1, window_bounds = array<i64: 1000, 128>}, {transform_indices = @transform_2, window_bounds = array<i64: 1000, 128>}, {transform_indices = @transform_3, window_bounds = array<i64: 1000, 128>}, {transform_indices = @transform_4, window_bounds = array<i64: 2, 1000, 16>}, {pipeline_mode = #tpu.pipeline_mode<synchronous>, transform_indices = @transform_5, window_bounds = array<i64: 1, 256>}, {pipeline_mode = #tpu.pipeline_mode<synchronous>, transform_indices = @transform_6, window_bounds = array<i64: 1, 256>}, {transform_indices = @transform_7, window_bounds = array<i64: 1000, 256>}, {pipeline_mode = #tpu.pipeline_mode<synchronous>, transform_indices = @transform_8, window_bounds = array<i64: 128, 256>}, {pipeline_mode = #tpu.pipeline_mode<synchronous>, transform_indices = @transform_9, window_bounds = array<i64: 128, 256>}, {pipeline_mode = #tpu.pipeline_mode<synchronous>, transform_indices = @transform_10, window_bounds = array<i64: 128, 256>}, {pipeline_mode = #tpu.pipeline_mode<synchronous>, transform_indices = @transform_11, window_bounds = array<i64: 128, 256>}, {pipeline_mode = #tpu.pipeline_mode<synchronous>, transform_indices = @transform_12, window_bounds = array<i64: 256, 768>}, {pipeline_mode = #tpu.pipeline_mode<synchronous>, transform_indices = @transform_13, window_bounds = array<i64: 256, 768>}, {pipeline_mode = #tpu.pipeline_mode<synchronous>, transform_indices = @transform_14, window_bounds = array<i64: 1, 768>}, {pipeline_mode = #tpu.pipeline_mode<synchronous>, transform_indices = @transform_15, window_bounds = array<i64: 1, 768>}, {transform_indices = @transform_16, window_bounds = array<i64: 1000, 256>}]} {
    %get3A = arith.constant 0 : index
    %get3A_0 = arith.constant 0 : index
    %get3A_1 = arith.constant 0 : index
    %get3A_2 = vector.load %arg5[%get3A, %get3A_0, %get3A_1] : memref<2x1000x16xf32, #tpu.memory_space<vmem>>, vector<2x1000x16xf32>
    %slice3A = vector.extract_strided_slice %get3A_2 {offsets = [0, 0, 0], sizes = [1, 1000, 16], strides = [1, 1, 1]} : vector<2x1000x16xf32> to vector<1x1000x16xf32>
    %squeeze3A = vector.shape_cast %slice3A : vector<1x1000x16xf32> to vector<1000x16xf32>
    %reduce_sum3A = arith.constant dense<0.000000e+00> : vector<1000xf32>
    %reduce_sum3A_3 = vector.multi_reduction <add>, %squeeze3A, %reduce_sum3A [1] : vector<1000x16xf32> to vector<1000xf32>
    %slice3A_4 = vector.extract_strided_slice %get3A_2 {offsets = [1, 0, 0], sizes = [1, 1000, 16], strides = [1, 1, 1]} : vector<2x1000x16xf32> to vector<1x1000x16xf32>
    %squeeze3A_5 = vector.shape_cast %slice3A_4 : vector<1x1000x16xf32> to vector<1000x16xf32>
    %reduce_sum3A_6 = arith.constant dense<0.000000e+00> : vector<1000xf32>
    %reduce_sum3A_7 = vector.multi_reduction <add>, %squeeze3A_5, %reduce_sum3A_6 [1] : vector<1000x16xf32> to vector<1000xf32>
    %get3A_8 = arith.constant 0 : index
    %get3A_9 = arith.constant 0 : index
    %get3A_10 = vector.load %arg1[%get3A_8, %get3A_9] : memref<1000x128xf32, #tpu.memory_space<vmem>>, vector<1000x128xf32>
    %get3A_11 = arith.constant 0 : index
    %get3A_12 = arith.constant 0 : index
    %get3A_13 = vector.load %arg9[%get3A_11, %get3A_12] : memref<128x256xf32, #tpu.memory_space<vmem>>, vector<128x256xf32>
    %dot_general3A = arith.constant dense<0.000000e+00> : vector<1000x256xf32>
    %dot_general3A_14 = tpu.matmul %get3A_10, %get3A_13, %dot_general3A {dimension_numbers = #tpu.dot_dimension_numbers<[1], [0], [0], [1], [0, 0, 1, 1], [], []>, transpose_lhs_hint = false} : vector<1000x128xf32>, vector<128x256xf32>, vector<1000x256xf32> -> vector<1000x256xf32>
    %get3A_15 = arith.constant 0 : index
    %get3A_16 = arith.constant 0 : index
    %get3A_17 = vector.load %arg2[%get3A_15, %get3A_16] : memref<1000x128xf32, #tpu.memory_space<vmem>>, vector<1000x128xf32>
    %get3A_18 = arith.constant 0 : index
    %get3A_19 = arith.constant 0 : index
    %get3A_20 = vector.load %arg10[%get3A_18, %get3A_19] : memref<128x256xf32, #tpu.memory_space<vmem>>, vector<128x256xf32>
    %dot_general3A_21 = arith.constant dense<0.000000e+00> : vector<1000x256xf32>
    %dot_general3A_22 = tpu.matmul %get3A_17, %get3A_20, %dot_general3A_21 {dimension_numbers = #tpu.dot_dimension_numbers<[1], [0], [0], [1], [0, 0, 1, 1], [], []>, transpose_lhs_hint = false} : vector<1000x128xf32>, vector<128x256xf32>, vector<1000x256xf32> -> vector<1000x256xf32>
    %add3A = arith.addf %dot_general3A_14, %dot_general3A_22 : vector<1000x256xf32>
    %get3A_23 = arith.constant 0 : index
    %get3A_24 = arith.constant 0 : index
    %get3A_25 = vector.load %arg3[%get3A_23, %get3A_24] : memref<1000x128xf32, #tpu.memory_space<vmem>>, vector<1000x128xf32>
    %get3A_26 = arith.constant 0 : index
    %get3A_27 = arith.constant 0 : index
    %get3A_28 = vector.load %arg11[%get3A_26, %get3A_27] : memref<128x256xf32, #tpu.memory_space<vmem>>, vector<128x256xf32>
    %dot_general3A_29 = arith.constant dense<0.000000e+00> : vector<1000x256xf32>
    %dot_general3A_30 = tpu.matmul %get3A_25, %get3A_28, %dot_general3A_29 {dimension_numbers = #tpu.dot_dimension_numbers<[1], [0], [0], [1], [0, 0, 1, 1], [], []>, transpose_lhs_hint = false} : vector<1000x128xf32>, vector<128x256xf32>, vector<1000x256xf32> -> vector<1000x256xf32>
    %add3A_31 = arith.addf %add3A, %dot_general3A_30 : vector<1000x256xf32>
    %get3A_32 = arith.constant 0 : index
    %get3A_33 = arith.constant 0 : index
    %get3A_34 = vector.load %arg4[%get3A_32, %get3A_33] : memref<1000x128xf32, #tpu.memory_space<vmem>>, vector<1000x128xf32>
    %get3A_35 = arith.constant 0 : index
    %get3A_36 = arith.constant 0 : index
    %get3A_37 = vector.load %arg12[%get3A_35, %get3A_36] : memref<128x256xf32, #tpu.memory_space<vmem>>, vector<128x256xf32>
    %dot_general3A_38 = arith.constant dense<0.000000e+00> : vector<1000x256xf32>
    %dot_general3A_39 = tpu.matmul %get3A_34, %get3A_37, %dot_general3A_38 {dimension_numbers = #tpu.dot_dimension_numbers<[1], [0], [0], [1], [0, 0, 1, 1], [], []>, transpose_lhs_hint = false} : vector<1000x128xf32>, vector<128x256xf32>, vector<1000x256xf32> -> vector<1000x256xf32>
    %add3A_40 = arith.addf %add3A_31, %dot_general3A_39 : vector<1000x256xf32>
    %broadcast_in_dim3A = vector.shape_cast %reduce_sum3A_3 : vector<1000xf32> to vector<1000x1xf32>
    %get3A_41 = arith.constant 0 : index
    %get3A_42 = arith.constant 0 : index
    %get3A_43 = vector.load %arg6[%get3A_41, %get3A_42] : memref<1x256xf32, #tpu.memory_space<vmem>>, vector<1x256xf32>
    %mul3A = vector.broadcast %broadcast_in_dim3A : vector<1000x1xf32> to vector<1000x256xf32>
    %mul3A_44 = vector.broadcast %get3A_43 : vector<1x256xf32> to vector<1000x256xf32>
    %mul3A_45 = arith.mulf %mul3A, %mul3A_44 : vector<1000x256xf32>
    %add3A_46 = arith.addf %add3A_40, %mul3A_45 : vector<1000x256xf32>
    %broadcast_in_dim3A_47 = vector.shape_cast %reduce_sum3A_7 : vector<1000xf32> to vector<1000x1xf32>
    %get3A_48 = arith.constant 0 : index
    %get3A_49 = arith.constant 0 : index
    %get3A_50 = vector.load %arg7[%get3A_48, %get3A_49] : memref<1x256xf32, #tpu.memory_space<vmem>>, vector<1x256xf32>
    %mul3A_51 = vector.broadcast %broadcast_in_dim3A_47 : vector<1000x1xf32> to vector<1000x256xf32>
    %mul3A_52 = vector.broadcast %get3A_50 : vector<1x256xf32> to vector<1000x256xf32>
    %mul3A_53 = arith.mulf %mul3A_51, %mul3A_52 : vector<1000x256xf32>
    %add3A_54 = arith.addf %add3A_46, %mul3A_53 : vector<1000x256xf32>
    %get3A_55 = arith.constant 0 : index
    %get3A_56 = arith.constant 0 : index
    %get3A_57 = vector.load %arg13[%get3A_55, %get3A_56] : memref<256x768xf32, #tpu.memory_space<vmem>>, vector<256x768xf32>
    %dot_general3A_58 = arith.constant dense<0.000000e+00> : vector<1000x768xf32>
    %dot_general3A_59 = tpu.matmul %add3A_54, %get3A_57, %dot_general3A_58 {dimension_numbers = #tpu.dot_dimension_numbers<[1], [0], [0], [1], [0, 0, 1, 1], [], []>, transpose_lhs_hint = false} : vector<1000x256xf32>, vector<256x768xf32>, vector<1000x768xf32> -> vector<1000x768xf32>
    %get3A_60 = arith.constant 0 : index
    %get3A_61 = arith.constant 0 : index
    %get3A_62 = vector.load %arg15[%get3A_60, %get3A_61] : memref<1x768xf32, #tpu.memory_space<vmem>>, vector<1x768xf32>
    %add3A_63 = vector.broadcast %get3A_62 : vector<1x768xf32> to vector<1000x768xf32>
    %add3A_64 = arith.addf %dot_general3A_59, %add3A_63 : vector<1000x768xf32>
    %get3A_65 = arith.constant 0 : index
    %get3A_66 = arith.constant 0 : index
    %get3A_67 = vector.load %arg8[%get3A_65, %get3A_66] : memref<1000x256xf32, #tpu.memory_space<vmem>>, vector<1000x256xf32>
    %get3A_68 = arith.constant 0 : index
    %get3A_69 = arith.constant 0 : index
    %get3A_70 = vector.load %arg14[%get3A_68, %get3A_69] : memref<256x768xf32, #tpu.memory_space<vmem>>, vector<256x768xf32>
    %dot_general3A_71 = arith.constant dense<0.000000e+00> : vector<1000x768xf32>
    %dot_general3A_72 = tpu.matmul %get3A_67, %get3A_70, %dot_general3A_71 {dimension_numbers = #tpu.dot_dimension_numbers<[1], [0], [0], [1], [0, 0, 1, 1], [], []>, transpose_lhs_hint = false} : vector<1000x256xf32>, vector<256x768xf32>, vector<1000x768xf32> -> vector<1000x768xf32>
    %get3A_73 = arith.constant 0 : index
    %get3A_74 = arith.constant 0 : index
    %get3A_75 = vector.load %arg16[%get3A_73, %get3A_74] : memref<1x768xf32, #tpu.memory_space<vmem>>, vector<1x768xf32>
    %add3A_76 = vector.broadcast %get3A_75 : vector<1x768xf32> to vector<1000x768xf32>
    %add3A_77 = arith.addf %dot_general3A_72, %add3A_76 : vector<1000x768xf32>
    %slice3A_78 = vector.extract_strided_slice %add3A_64 {offsets = [0, 0], sizes = [1000, 256], strides = [1, 1]} : vector<1000x768xf32> to vector<1000x256xf32>
    %slice3A_79 = vector.extract_strided_slice %add3A_77 {offsets = [0, 0], sizes = [1000, 256], strides = [1, 1]} : vector<1000x768xf32> to vector<1000x256xf32>
    %add3A_80 = arith.addf %slice3A_78, %slice3A_79 : vector<1000x256xf32>
    %logistic3A = arith.negf %add3A_80 : vector<1000x256xf32>
    %logistic3A_81 = math.exp %logistic3A : vector<1000x256xf32>
    %logistic3A_82 = arith.constant 1.000000e+00 : f32
    %logistic3A_83 = vector.broadcast %logistic3A_82 : f32 to vector<1000x256xf32>
    %logistic3A_84 = arith.addf %logistic3A_83, %logistic3A_81 : vector<1000x256xf32>
    %logistic3A_85 = arith.divf %logistic3A_83, %logistic3A_84 : vector<1000x256xf32>
    %slice3A_86 = vector.extract_strided_slice %add3A_64 {offsets = [0, 256], sizes = [1000, 256], strides = [1, 1]} : vector<1000x768xf32> to vector<1000x256xf32>
    %slice3A_87 = vector.extract_strided_slice %add3A_77 {offsets = [0, 256], sizes = [1000, 256], strides = [1, 1]} : vector<1000x768xf32> to vector<1000x256xf32>
    %add3A_88 = arith.addf %slice3A_86, %slice3A_87 : vector<1000x256xf32>
    %logistic3A_89 = arith.negf %add3A_88 : vector<1000x256xf32>
    %logistic3A_90 = math.exp %logistic3A_89 : vector<1000x256xf32>
    %logistic3A_91 = arith.constant 1.000000e+00 : f32
    %logistic3A_92 = vector.broadcast %logistic3A_91 : f32 to vector<1000x256xf32>
    %logistic3A_93 = arith.addf %logistic3A_92, %logistic3A_90 : vector<1000x256xf32>
    %logistic3A_94 = arith.divf %logistic3A_92, %logistic3A_93 : vector<1000x256xf32>
    %slice3A_95 = vector.extract_strided_slice %add3A_64 {offsets = [0, 512], sizes = [1000, 256], strides = [1, 1]} : vector<1000x768xf32> to vector<1000x256xf32>
    %slice3A_96 = vector.extract_strided_slice %add3A_77 {offsets = [0, 512], sizes = [1000, 256], strides = [1, 1]} : vector<1000x768xf32> to vector<1000x256xf32>
    %mul3A_97 = arith.mulf %logistic3A_85, %slice3A_96 : vector<1000x256xf32>
    %add3A_98 = arith.addf %slice3A_95, %mul3A_97 : vector<1000x256xf32>
    %tanh3A = math.tanh %add3A_98 : vector<1000x256xf32>
    %sub3A = arith.constant 1.000000e+00 : f32
    %sub3A_99 = vector.broadcast %sub3A : f32 to vector<1000x256xf32>
    %sub3A_100 = arith.subf %sub3A_99, %logistic3A_94 : vector<1000x256xf32>
    %mul3A_101 = arith.mulf %sub3A_100, %tanh3A : vector<1000x256xf32>
    %mul3A_102 = arith.mulf %logistic3A_94, %get3A_67 : vector<1000x256xf32>
    %add3A_103 = arith.addf %mul3A_101, %mul3A_102 : vector<1000x256xf32>
    %swap3A = arith.constant 0 : index
    %swap3A_104 = arith.constant 0 : index
    %swap3A_105 = vector.load %arg17[%swap3A, %swap3A_104] : memref<1000x256xf32, #tpu.memory_space<vmem>>, vector<1000x256xf32>
    tpu.vector_store %arg17[%swap3A, %swap3A_104], %add3A_103 {strides = array<i32>} : memref<1000x256xf32, #tpu.memory_space<vmem>>, vector<1000x256xf32>,
    return
  }
  func.func @transform_0(%arg0: i32) -> (i32, i32) {
    %c0_i32 = arith.constant 0 : i32
    %c0_i32_0 = arith.constant 0 : i32
    return %arg0, %c0_i32 : i32, i32
  }
  func.func @transform_1(%arg0: i32) -> (i32, i32) {
    %c0_i32 = arith.constant 0 : i32
    %c0_i32_0 = arith.constant 0 : i32
    return %arg0, %c0_i32 : i32, i32
  }
  func.func @transform_2(%arg0: i32) -> (i32, i32) {
    %c0_i32 = arith.constant 0 : i32
    %c0_i32_0 = arith.constant 0 : i32
    return %arg0, %c0_i32 : i32, i32
  }
  func.func @transform_3(%arg0: i32) -> (i32, i32) {
    %c0_i32 = arith.constant 0 : i32
    %c0_i32_0 = arith.constant 0 : i32
    return %arg0, %c0_i32 : i32, i32
  }
  func.func @transform_4(%arg0: i32) -> (i32, i32, i32) {
    %c0_i32 = arith.constant 0 : i32
    %c0_i32_0 = arith.constant 0 : i32
    %c0_i32_1 = arith.constant 0 : i32
    return %c0_i32, %arg0, %c0_i32_0 : i32, i32, i32
  }
  func.func @transform_5(%arg0: i32) -> (i32, i32) {
    %c0_i32 = arith.constant 0 : i32
    %c0_i32_0 = arith.constant 0 : i32
    %c0_i32_1 = arith.constant 0 : i32
    return %c0_i32, %c0_i32_0 : i32, i32
  }
  func.func @transform_6(%arg0: i32) -> (i32, i32) {
    %c0_i32 = arith.constant 0 : i32
    %c0_i32_0 = arith.constant 0 : i32
    %c0_i32_1 = arith.constant 0 : i32
    return %c0_i32, %c0_i32_0 : i32, i32
  }
  func.func @transform_7(%arg0: i32) -> (i32, i32) {
    %c0_i32 = arith.constant 0 : i32
    %c0_i32_0 = arith.constant 0 : i32
    return %arg0, %c0_i32 : i32, i32
  }
  func.func @transform_8(%arg0: i32) -> (i32, i32) {
    %c0_i32 = arith.constant 0 : i32
    %c0_i32_0 = arith.constant 0 : i32
    %c0_i32_1 = arith.constant 0 : i32
    return %c0_i32, %c0_i32_0 : i32, i32
  }
  func.func @transform_9(%arg0: i32) -> (i32, i32) {
    %c0_i32 = arith.constant 0 : i32
    %c0_i32_0 = arith.constant 0 : i32
    %c0_i32_1 = arith.constant 0 : i32
    return %c0_i32, %c0_i32_0 : i32, i32
  }
  func.func @transform_10(%arg0: i32) -> (i32, i32) {
    %c0_i32 = arith.constant 0 : i32
    %c0_i32_0 = arith.constant 0 : i32
    %c0_i32_1 = arith.constant 0 : i32
    return %c0_i32, %c0_i32_0 : i32, i32
  }
  func.func @transform_11(%arg0: i32) -> (i32, i32) {
    %c0_i32 = arith.constant 0 : i32
    %c0_i32_0 = arith.constant 0 : i32
    %c0_i32_1 = arith.constant 0 : i32
    return %c0_i32, %c0_i32_0 : i32, i32
  }
  func.func @transform_12(%arg0: i32) -> (i32, i32) {
    %c0_i32 = arith.constant 0 : i32
    %c0_i32_0 = arith.constant 0 : i32
    %c0_i32_1 = arith.constant 0 : i32
    return %c0_i32, %c0_i32_0 : i32, i32
  }
  func.func @transform_13(%arg0: i32) -> (i32, i32) {
    %c0_i32 = arith.constant 0 : i32
    %c0_i32_0 = arith.constant 0 : i32
    %c0_i32_1 = arith.constant 0 : i32
    return %c0_i32, %c0_i32_0 : i32, i32
  }
  func.func @transform_14(%arg0: i32) -> (i32, i32) {
    %c0_i32 = arith.constant 0 : i32
    %c0_i32_0 = arith.constant 0 : i32
    %c0_i32_1 = arith.constant 0 : i32
    return %c0_i32, %c0_i32_0 : i32, i32
  }
  func.func @transform_15(%arg0: i32) -> (i32, i32) {
    %c0_i32 = arith.constant 0 : i32
    %c0_i32_0 = arith.constant 0 : i32
    %c0_i32_1 = arith.constant 0 : i32
    return %c0_i32, %c0_i32_0 : i32, i32
  }
  func.func @transform_16(%arg0: i32) -> (i32, i32) {
    %c0_i32 = arith.constant 0 : i32
    %c0_i32_0 = arith.constant 0 : i32
    return %arg0, %c0_i32 : i32, i32
  }
}

</mosaic_0001>

<sc_bundles>
// kernel: _impl.5.cloned.1.call-start
scs
__scs_entry_jumppad:
0x0: {  	(pc) =	sbr.rel $0x88, $3  }
0x1: {  	(tag) =	ssettag $0x0;
	lr =	simm.s32 $0x1  }
0x2: {  	[smem:$0x3F91] =	sst lr;
	_ =	strace $0xD0000000  }
0x3: {  	_ = 	snop  }
0x4: {  	_ = 	snop  }
0x5: {  	_ = 	snop  }
0x6: {  	_ = 	snop  }
0x7: {  	_ = 	snop  }
__scs_overlays_trampoline_lowered:
0x8: {  	[smem:$0x3FA0] =	sst s0  }
0x9: {  	[smem:$0x3FA1] =	sst s1  }
0xa: {  	[smem:$0x3FA2] =	sst s2  }
0xb: {  	[smem:$0x3FA3] =	sst s3  }
0xc: {  	[smem:$0x3FA4] =	sst s4  }
0xd: {  	[smem:$0x3FA5] =	sst s5  }
0xe: {  	[smem:$0x3FA6] =	sst s6  }
0xf: {  	[smem:$0x3FA7] =	sst s7  }
0x10: {  	[smem:$0x3FA8] =	sst s8  }
0x11: {  	[smem:$0x3FA9] =	sst s9;
	s0 =	simm.s32 @!p0 $0x0  }
0x12: {  	s1 =	sld [smem:$0x3F8F];
	s0 =	simm.s32 @p0 $0x1  }
0x13: {  	[smem:$0x3FAA] =	sst s0;
	s0 =	simm.s32 @!p1 $0x0  }
0x14: {  	s2 =	sld [smem:$0x3F8E];
	s0 =	simm.s32 @p1 $0x1  }
0x15: {  	[smem:$0x3FAB] =	sst s0;
	s0 =	simm.s32 @!p2 $0x0  }
0x16: {  	s3 =	sld [smem:$0x3FDB];
	s0 =	simm.s32 @p2 $0x1  }
0x17: {  	s4 =	simm.s32 $0x1BF5;
	[smem:$0x3FAD] =	sst s0  }
0x18: {  	s0 =	sld [smem:$0x3F90];
	_ =	swait.ge [sflag:s4], $0x0  }
0x19: {  	s7 =	sld [smem:$0x3F91]  }
0x1a: {  	s8 =	sadd.s32 $0xFFFFE003, lr  }
0x1b: {  	s9 =	sadd.s32 $0xFFFFFEF7, lr;
	s5 =	simm.s32 $0xFFFFFFFF;
	p2 =	slt.u32 s8, $0xFFFFF086  }
0x1c: {  	p1 =	slt.u32 s9, $0xF7A;
	s5 =	simm.s32 @!p2 $0x0  }
0x1d: {  	s5 =	simm.s32 @p1 $0x1;
	p0 =	seq.s32 s7, s2  }
0x1e: {  	s7 =	smul.u32 @!p0 $0xF7A, s2;
	p2 =	seq.s32 @!p0 s5, $0x0  }
0x1f: {  	s9 =	smul.u32 $0xF7A, s1;
	s8 =	simm.s32 @!p0 $0x1BF5;
	p2 =	por !p2, p0  }
0x20: {  	[sflag:s8] =	ssyncset.s32 @!p0 $0xFFFFF086;
	s6 =	sadd.s32 @!p0 s3, s7;
	s7 =	simm.s32 @!p0 $0x108  }
0x21: {  	s3 =	sadd.s32 s3, s9;
	s6 =	sadd.s32 @!p0 $0x88, s6;
	s7 =	simm.s32 @p2 $0x1082  }
0x22: {  	[simem:s7], [sflag:s8] =	dma.local @!p0 [hbm:s6], $0xF7A  }
0x23: {  	s9 =	sor.u32 $0xD0000000, s2;
	s6 =	simm.s32 $0x108;
	_ =	swait.ge @!p0 [sflag:s8], $0x0  }
0x24: {  	s3 =	sadd.s32 $0x88, s3;
	s6 =	simm.s32 @!p1 $0x1082;
	[sflag:s4] =	ssyncset.s32 $0xFFFFF086  }
0x25: {  	[simem:s6], [sflag:s4] =	dma.local [hbm:s3], $0xF7A  }
0x26: {  	[smem:$0x3F91] =	sst s1;
	(tag) =	ssettag s2;
	_ =	strace s9  }
0x27: {  	s1 =	sld [smem:$0x3FA1]  }
0x28: {  	s2 =	sld [smem:$0x3FA2]  }
0x29: {  	s4 =	sld [smem:$0x3FA4]  }
0x2a: {  	p0 =	seq.s32 s5, $0x0;
	s5 =	sld [smem:$0x3FA5]  }
0x2b: {  	s6 =	sld [smem:$0x3FA6]  }
0x2c: {  	s7 =	sld [smem:$0x3FA7]  }
0x2d: {  	s3 =	simm.s32 $0x108;
	s8 =	sld [smem:$0x3FA8]  }
0x2e: {  	s3 =	simm.s32 @!p0 $0x1082;
	s9 =	sld [smem:$0x3FA9]  }
0x2f: {  	lr =	sadd.s32 s0, s3;
	s0 =	sld [smem:$0x3FA0]  }
0x30: {  	s3 =	sld [smem:$0x3FA3]  }
0x31: {  	[smem:$0x3FAC] =	sst s10  }
0x32: {  	s10 =	sld [smem:$0x3FAA];
	_ =	sdelay $0x3  }
0x33: {  	p0 =	seq.s32 s10, $0x1;
	s10 =	sld [smem:$0x3FAC];
	_ =	sdelay $0x3  }
0x34: {  	[smem:$0x3FAC] =	sst s10  }
0x35: {  	s10 =	sld [smem:$0x3FAB];
	_ =	sdelay $0x3  }
0x36: {  	p1 =	seq.s32 s10, $0x1;
	s10 =	sld [smem:$0x3FAC];
	_ =	sdelay $0x3  }
0x37: {  	[smem:$0x3FAC] =	sst s10  }
0x38: {  	s10 =	sld [smem:$0x3FAD]  }
0x39: {  	_ = 	snop;
	(pc) =	sbr.ind lr, $3  }
0x3a: {  	_ = 	snop  }
0x3b: {  	_ = 	snop  }
0x3c: {  	p2 =	seq.s32 s10, $0x1;
	s10 =	sld [smem:$0x3FAC]  }
0x3d: {  	_ =	shalt  }
0x3e: {  	_ =	shalt  }
0x3f: {  	_ =	shalt  }
0x40: {  	_ =	shalt  }
0x41: {  	_ =	shalt  }
0x42: {  	_ =	shalt  }
0x43: {  	_ =	shalt  }
0x44: {  	_ =	shalt  }
0x45: {  	_ =	shalt  }
0x46: {  	_ =	shalt  }
0x47: {  	_ =	shalt  }
0x48: {  	_ =	shalt  }
0x49: {  	_ =	shalt  }
0x4a: {  	_ =	shalt  }
0x4b: {  	_ =	shalt  }
0x4c: {  	_ =	shalt  }
0x4d: {  	_ =	shalt  }
0x4e: {  	_ =	shalt  }
0x4f: {  	_ =	shalt  }
0x50: {  	_ =	shalt  }
0x51: {  	_ =	shalt  }
0x52: {  	_ =	shalt  }
0x53: {  	_ =	shalt  }
0x54: {  	_ =	shalt  }
0x55: {  	_ =	shalt  }
0x56: {  	_ =	shalt  }
0x57: {  	_ =	shalt  }
0x58: {  	_ =	shalt  }
0x59: {  	_ =	shalt  }
0x5a: {  	_ =	shalt  }
0x5b: {  	_ =	shalt  }
0x5c: {  	_ =	shalt  }
0x5d: {  	_ =	shalt  }
0x5e: {  	_ =	shalt  }
0x5f: {  	_ =	shalt  }
0x60: {  	_ =	shalt  }
0x61: {  	_ =	shalt  }
0x62: {  	_ =	shalt  }
0x63: {  	_ =	shalt  }
0x64: {  	_ =	shalt  }
0x65: {  	_ =	shalt  }
0x66: {  	_ =	shalt  }
0x67: {  	_ =	shalt  }
0x68: {  	_ =	shalt  }
0x69: {  	_ =	shalt  }
0x6a: {  	_ =	shalt  }
0x6b: {  	_ =	shalt  }
0x6c: {  	_ =	shalt  }
0x6d: {  	_ =	shalt  }
0x6e: {  	_ =	shalt  }
0x6f: {  	_ =	shalt  }
0x70: {  	_ =	shalt  }
0x71: {  	_ =	shalt  }
0x72: {  	_ =	shalt  }
0x73: {  	_ =	shalt  }
0x74: {  	_ =	shalt  }
0x75: {  	_ =	shalt  }
0x76: {  	_ =	shalt  }
0x77: {  	_ =	shalt  }
0x78: {  	_ =	shalt  }
0x79: {  	_ =	shalt  }
0x7a: {  	_ =	shalt  }
0x7b: {  	_ =	shalt  }
0x7c: {  	_ =	shalt  }
0x7d: {  	_ =	shalt  }
0x7e: {  	_ =	shalt  }
0x7f: {  	_ =	shalt  }
0x80: {  	_ =	shalt  }
0x81: {  	_ =	shalt  }
0x82: {  	_ =	shalt  }
0x83: {  	_ =	shalt  }
0x84: {  	_ =	shalt  }
0x85: {  	_ =	shalt  }
0x86: {  	_ =	shalt  }
0x87: {  	_ =	shalt  }
.Lfunc_end0:
.L_simem_size_0:
called_computation_lowered:
.L_overlay_start_0:
0x88: {  	s2 =	sld [smem:$0x3FD9]  }
0x89: {  	s3 =	sld [smem:$0x3FFE];
	_ =	sdelay $0x1  }
0x8a: {  	s1 =	srdreg.scid  }
0x8b: {  	s0 =	sand.u32 $0x1, s1  }
0x8c: {  	s17 =	sshll.u32 s0, $0xA;
	s2 =	sadd.s32 s3, s2  }
0x8d: {  	s2 =	sadd.s32 s2, s17  }
0x8e: {  	[smem:$0x3FB8] =	sst s2  }
0x8f: {  	_ = 	snop  }
0x90: {  	s2 =	sld [smem:$0x3FD0];
	(tm) =	ssettm $0x1  }
0x91: {  	s18 =	sld [smem:$0x3FFB];
	_ =	sdelay $0x3  }
0x92: {  	_ =	strace s18  }
0x93: {  	s3 =	sld [smem:$0x3FFC];
	_ =	sdelay $0x3  }
0x94: {  	_ =	strace s3  }
0x95: {  	s3 =	sld [smem:$0x3FFD];
	_ =	sdelay $0x3  }
0x96: {  	_ =	strace s3  }
0x97: {  	_ =	strace $0x8FFFFFFF  }
0x98: {  	s19 =	sld [smem:$0x3FDB];
	_ =	sdelay $0x1  }
0x99: {  	s4 =	simm.s32 $_scs_section_size  }
0x9a: {  	s5 =	simm.s32 $_size__tile_overlayer_lowered;
	s6 =	simm.s32 $_tile_overlayer_lowered  }
0x9b: {  	s22 =	simm.s32 $0x1BFF;
	s21 =	sshll.u32 s6, $0x1;
	s3 =	sadd.s32 s4, s19  }
0x9c: {  	s7 =	simm.s32 $0x0;
	s20 =	sshll.u32 s5, $0x1;
	s5 =	sadd.s32 s21, s3  }
0x9d: {  	[timem:s7], [sflag:s22] =	dma.local [hbm:s5], s20  }
0x9e: {  	_ =	swait.ge [sflag:s22], s20  }
0x9f: {  	s4 =	ssub.s32 $0x0, s20;
	[sflag:s22] =	ssyncset.done $0x0  }
0xa0: {  	[sflag:s22] =	ssyncadd.s32 s4;
	_ =	sdelay $0x1  }
0xa1: {  	s23 =	simm.s32 $0x1B8B  }
0xa2: {  	_ =	swait.ge [sflag:s23], $0x1  }
0xa3: {  	[sflag:s23] =	ssyncset.done $0x0  }
0xa4: {  	s25 =	simm.s32 $0x1B8E;
	s24 =	sld [smem:$0x3FFE];
	[sflag:s23] =	ssyncadd.s32 $0xFFFFFFFF  }
0xa5: {  	s26 =	simm.s32 $execute0_lowered;
	[smem:$0x3FD2] =	sst s25  }
0xa6: {  	s5 =	sshll.u32 s26, $0x1;
	_ =	strace $0x80000046;
	[dreg:$0x1] =	wrdreg $0xFFFFFFFF  }
0xa7: {  	s28 =	simm.s32 $_size_execute0_lowered;
	s3 =	sadd.s32 s3, s5;
	[dreg:$0x0] =	wrdreg $0x0  }
0xa8: {  	s5 =	sshll.u32 s28, $0x1;
	[dreg:$0x2] =	wrdreg s3  }
0xa9: {  	[dreg:$0x3] =	wrdreg s5  }
0xaa: {  	[dreg:$0x4] =	wrdreg $0xC0  }
0xab: {  	_ =	task [dreg:s7], $0x5FFFF  }
0xac: {  	[dreg:$0x1] =	wrdreg $0xFFFFFFFF  }
0xad: {  	[dreg:$0x0] =	wrdreg $0x60  }
0xae: {  	[dreg:$0x2] =	wrdreg s2  }
0xaf: {  	[dreg:$0x3] =	wrdreg s24  }
0xb0: {  	[dreg:$0x4] =	wrdreg $0x9F800  }
0xb1: {  	[dreg:$0x5] =	wrdreg $0x9  }
0xb2: {  	_ =	task.clear_ibuf [dreg:s7], $0x6FFFF;
	_ =	strace $0x90000046  }
0xb3: {  	s29 =	simm.s32 $0x9;
	_ =	strace $0x80000048  }
0xb4: {  	_ =	swait.ge [sflag:s29], $0x1  }
0xb5: {  	[sflag:s29] =	ssyncadd.s32 $0xFFFFFFFF  }
0xb6: {  	_ =	strace $0x90000048  }
0xb7: {  	_ =	sfence  }
0xb8: {  	s30 =	sld [smem:$0x0];
	_ =	sdelay $0x2  }
0xb9: {  	s31 =	sshll.u32 s1, $0xD;
	s1 =	sshrl.u32 s1, $0x2  }
0xba: {  	s3 =	sand.u32 $0x4000, s31;
	s1 =	sadd.s32 s1, s30  }
0xbb: {  	s0 =	sor.u32 s3, s0;
	s1 =	sshll.u32 s1, $0x11  }
0xbc: {  	s0 =	sor.u32 s1, s0  }
0xbd: {  	s0 =	sadd.s32 $0x8F2B, s0  }
0xbe: {  	[sflag:s0] =	ssyncadd.remote.s32 $0x1  }
0xbf: {  	_ =	sfence.sel $0xFFFF  }
0xc0: {  	[dreg:$0x0] =	wrdreg $0xFFFFFFFF;
	(pc) =	sbr.abs _section_cstart, $3  }
0xc1: {  	[dreg:$0x1] =	wrdreg $0xFFFFFFFF  }
0xc2: {  	_ =	task.clear_ibuf [dreg:s7], $0x2FFFF;
	_ =	strace $0x9FFFFFFF  }
0xc3: {  	(tm) =	ssettm $0x7FFFFFFF  }
tec
execute0_lowered:
.L_overlay_start_1:
0x0: {  	(tag) =	ssettag $0x1  }
0x1: {  	s1 =	rddreg [dreg:$0x0]  }
0x2: {  	s0 =	rddreg [dreg:$0x1]  }
0x3: {  	s2 =	rddreg [dreg:$0x2];
	s3 =	simm.s32 $0x0;
	s16 =	stileid.u32  }
0x4: {  	s11 =	srdreg.scid;
	[smem:$0x7FF] =	sst s3;
	s5 =	sadd.s32 $0xAA200, s0  }
0x5: {  	s6 =	sadd.s32 $0xD1400, s0;
	s7 =	sadd.s32 $0xF8600, s0;
	s8 =	sadd.s32 $0xDA00, s0  }
0x6: {  	s9 =	sadd.s32 $0x34C00, s0;
	s25 =	smul.u32 $0x271, s16;
	s10 =	sadd.s32 $0x5BE00, s0  }
0x7: {  	s4 =	smul.u32 $0x2700, s16;
	s11 =	sand.u32 $0x1, s11;
	s19 =	sadd.s32 $0x11F800, s0  }
0x8: {  	s12 =	smul.u32 $0x4E000, s16;
	s14 =	sadd.s32 $0x122000, s0;
	s18 =	sadd.s32 $0x17A200, s0  }
0x9: {  	s26 =	smul.u32 $0x2800, s16;
	_ =	strace $0x80000047;
	[dreg:$0x9] =	wrdreg s18  }
0xa: {  	s31 =	smul.u32 $0x500, s16;
	p1 =	sne.s32 s16, $0xF;
	[dreg:$0x4] =	wrdreg s19  }
0xb: {  	s3 =	sadd.s32 s25, s0;
	s12 =	sshrl.u32 s12, $0x2;
	s25 =	sadd.s32 $0x153000, s0  }
0xc: {  	p2 =	seq.s32 s16, $0xF;
	s12 =	sadd.s32 s12, s2;
	[dreg:$0x11] =	wrdreg s25  }
0xd: {  	s13 =	ssub.s32 $0x2, s11;
	s28 =	sadd.s32 $0x8A00, s3;
	[dreg:$0x5] =	wrdreg s12  }
0xe: {  	s4 =	sadd.s32 s4, s0;
	s29 =	sadd.s32 $0xB200, s3;
	[dreg:$0x6] =	wrdreg s28  }
0xf: {  	p0 =	sne.s32 s11, $0x0;
	s17 =	sadd.s32 $0x153200, s4;
	[dreg:$0x7] =	wrdreg s29  }
0x10: {  	s15 =	sshrl.u32 s13, $0x1;
	s20 =	sadd.s32 $0x12C000, s4;
	[dreg:$0x8] =	wrdreg s17  }
0x11: {  	s13 =	ssub.s32 s13, s15;
	s15 =	sadd.s32 s14, s31;
	[dreg:$0xa] =	wrdreg s20  }
0x12: {  	s18 =	simm.s32 $0x6400;
	s21 =	sadd.s32 $0x6200, s3;
	[dreg:$0xb] =	wrdreg s15  }
0x13: {  	s22 =	sadd.s32 $0x17A400, s4;
	s3 =	sadd.s32 $0x3A00, s3;
	[dreg:$0xc] =	wrdreg s21  }
0x14: {  	s24 =	sadd.s32 $0x1A1600, s4;
	s31 =	sadd.s32 $0x138000, s2;
	[dreg:$0xd] =	wrdreg s22  }
0x15: {  	s25 =	simm.s32 $0x2;
	s12 =	sshrl.u32 s26, $0x3;
	[dreg:$0xe] =	wrdreg s3  }
0x16: {  	[dreg:$0x10] =	wrdreg s24;
	s24 =	sadd.s32 $0x83000, s0;
	s26 =	sadd.s32 $0x1A1400, s0  }
0x17: {  	s0 =	sadd.s32 $0x1C8600, s0;
	s28 =	smax.u32 s13, $0x1;
	s29 =	sshll.u32 s16, $0x6  }
0x18: {  	[dreg:$0x15] =	wrdreg s31;
	s3 =	simm.s32 $0x28;
	s15 =	simm.s32 $0x2800  }
.Ltmp0:
0x19: {  	s16 =	simm.s32 $0x5000;
	[dreg:$0x12] =	wrdreg s26;
	(pc) =	sbr.rel .LBB2_1-.Ltmp0, $4  }
0x1a: {  	s17 =	simm.s32 $0x3C00;
	s20 =	simm.s32 $0x1;
	[dreg:$0x13] =	wrdreg s0  }
0x1b: {  	s22 =	simm.s32 $0x7800;
	s12 =	sadd.s32 s14, s12;
	[dreg:$0x14] =	wrdreg s28  }
0x1c: {  	s30 =	sor.u32 $0x1C05, s29;
	s0 =	simm.s32 $0x5;
	s23 =	sadd.s32 $0x5000, s12  }
0x1d: {  	v0 =	vimm.f32 $0.0e+00;
	v1 =	vimm.f32 $1.000000000e+00;
	vm0 =	vcmask $0x3F20;
	s26 =	simm.s32 $0x0;
	[dreg:$0xf] =	wrdreg s23;
	s23 =	simm.s32 $0x3  }
.LBB2_40:
0x1e: {  	s26 =	sadd.s32 $0x1, s26;
	s4 =	rddreg [dreg:$0x14]  }
0x1f: {  	p3 =	sne.s32 s26, s4  }
.Ltmp1:
0x20: {  	_ = 	snop;
	(pc) =	sbr.rel @!p3 .LBB2_41-.Ltmp1, $3  }
0x21: {  	_ =	sdelay $0x1  }
0x22: {  	[bflag:$0x0] =	sbarrier.arrive $0xFFFF  }
0x23: {  	s19 =	rddreg [dreg:$0x4]  }
.LBB2_1:
0x24: {  	s4 =	rddreg [dreg:$0x5]  }
.Ltmp2:
0x25: {  	s13 =	sshrl.u32 s4, $0x3;
	(pc) =	sbr.rel @p0 .LBB2_23-.Ltmp2, $4  }
0x26: {  	[spmem:s13], [sflag:s30] =	dma.local [hbm:s19], $0x2700  }
0x27: {  	_ =	swait.ge [sflag:s0], $0x2700  }
0x28: {  	[sflag:s0] =	ssyncset.done $0x0;
	s4 =	rddreg [dreg:$0x15]  }
0x29: {  	[sflag:s0] =	ssyncadd.s32 $0xFFFFD900;
	s12 =	sshrl.u32 @!p1 s4, $0x3  }
0x2a: {  	[spmem:s12], [sflag:s30] =	dma.local @!p1 [hbm:s19], $0x100  }
0x2b: {  	s4 =	simm.s32 @!p1 $0x5  }
0x2c: {  	_ =	swait.ge @!p1 [sflag:s4], $0x100  }
0x2d: {  	[sflag:s4] =	ssyncset.done @!p1 $0x0  }
0x2e: {  	s11 =	simm.s32 $0x0;
	[sflag:s4] =	ssyncadd.s32 @!p1 $0xFFFFFF00;
	s4 =	simm.s32 $0x40  }
.LBB2_3:
0x2f: {  	p3 =	sne.s32 s4, $0x9C00;
	[tilespmem:s11+$0x7800] =	vst v0;
	s11 =	smov.u32 s4;
	s4 =	sadd.s32 $0x40, s4  }
.Ltmp3:
0x30: {  	(pc) =	sbr.rel @p3 .LBB2_3-.Ltmp3, $2  }
0x31: {  	_ =	sdelay $0x2  }
0x32: {  	s11 =	sshra.s32 s11, $0x2  }
0x33: {  	[tilespmem:s11+$0x7800] =	vst v0  }
0x34: {  	[bflag:$0x0] =	sbarrier.arrive $0xFFFF  }
0x35: {  	s14 =	simm.s32 $0x0;
	s4 =	rddreg [dreg:$0x6]  }
0x36: {  	[tilespmem:s14], [sflag:$0x5] =	stream.linear.gather [hbm4b:s4+s14], $0x1388, $0x38;
	[tilespmem:$0x1D800] =	vst v63  }
0x37: {  	_ =	swait.ge [sflag:s0], $0x1388  }
0x38: {  	[sflag:s0] =	ssyncset.done $0x0  }
0x39: {  	s31 =	simm.s32 $0x1400;
	s29 =	rddreg [dreg:$0x7];
	[sflag:s0] =	ssyncadd.s32 $0xFFFFEC78  }
0x3a: {  	[tilespmem:s31], [sflag:$0x5] =	stream.linear.gather [hbm4b:s29+s14], $0x1388, $0x38;
	[tilespmem:$0x1D800] =	vst v63  }
0x3b: {  	_ =	swait.ge [sflag:s0], $0x1388  }
0x3c: {  	[sflag:s0] =	ssyncset.done $0x0  }
0x3d: {  	[sflag:s0] =	ssyncadd.s32 $0xFFFFEC78  }
0x3e: {  	[tilespmem:s15], [sflag:$0x1] =	stream.indirect.gather [hbm4b:s1+s3], $0x80, s14, s3, $0xb8;
	[tilespmem:$0x1D800] =	vst v63  }
0x3f: {  	_ = 	snop  }
0x40: {  	[tilespmem:s16], [sflag:$0x1] =	stream.indirect.gather [hbm4b:s6+s3], $0x80, s31, s3, $0xb8;
	[tilespmem:$0x1D800] =	vst v63  }
.LBB2_5:
0x41: {  	p3 =	seq.s32 s14, $0x0  }
0x42: {  	s4 =	simm.s32 @!p3 $0x4  }
0x43: {  	s19 =	smul.u32 $0x50, s14;
	_ =	swait.ge @!p3 [sflag:s4], $0x1400  }
0x44: {  	[sflag:s4] =	ssyncset.done @!p3 $0x0  }
0x45: {  	s29 =	sadd.s32 $0x28, s19;
	[sflag:s4] =	ssyncadd.s32 @!p3 $0xFFFFEC00  }
0x46: {  	[tilespmem:s17], [sflag:$0x2] =	stream.indirect.gather [hbm4b:s1+s3], $0x80, s29, s3, $0xb8;
	[tilespmem:$0x1D800] =	vst v63  }
0x47: {  	s21 =	sadd.s32 $0x1428, s19  }
0x48: {  	[tilespmem:s18], [sflag:$0x2] =	stream.indirect.gather [hbm4b:s6+s3], $0x80, s21, s3, $0xb8;
	[tilespmem:$0x1D800] =	vst v63  }
0x49: {  	_ =	swait.ge [sflag:s20], $0x1400  }
0x4a: {  	[sflag:s20] =	ssyncset.done $0x0  }
0x4b: {  	[sflag:s20] =	ssyncadd.s32 $0xFFFFEC00  }
0x4c: {  	_ =	swait.ge [sflag:s20], $0x1400  }
0x4d: {  	[sflag:s20] =	ssyncset.done $0x0  }
0x4e: {  	s31 =	simm.s32 $0x0;
	[sflag:s20] =	ssyncadd.s32 $0xFFFFEC00  }
0x4f: {  	v2 =	vld [tilespmem:s31+$0x5020]  }
0x50: {  	v3 =	vld [tilespmem:s31+$0x5040]  }
0x51: {  	v6 =	vld [tilespmem:s31+$0x5060]  }
0x52: {  	v7 =	vld [tilespmem:s31+$0x5070]  }
0x53: {  	v4 =	vld [tilespmem:s31+$0x5050]  }
0x54: {  	v5 =	vld [tilespmem:s31+$0x2850]  }
0x55: {  	v8 =	vld [tilespmem:s31+$0x2840]  }
0x56: {  	v9 =	vld [tilespmem:s31+$0x2870]  }
0x57: {  	v10 =	vld [tilespmem:s31+$0x2860]  }
0x58: {  	v11 =	vld [tilespmem:s31+$0x2820]  }
0x59: {  	v4 =	vadd.f32 v4, v5  }
0x5a: {  	v5 =	vadd.f32 v3, v8  }
0x5b: {  	v8 =	vadd.f32 v7, v9;
	v9 =	vld [tilespmem:s31+$0x5030];
	v3 =	vsub.f32 $0.0e+00, v4  }
0x5c: {  	v7 =	vadd.f32 v6, v10;
	v6 =	vld [tilespmem:s31+$0x2830];
	v14 =	vsub.f32 $0.0e+00, v5  }
0x5d: {  	v12 =	vld [tilespmem:s31+$0x5010];
	v10 =	vmul.f32 $1.442695020e+00, v3;
	v3 =	vadd.f32 v2, v11;
	v2 =	vsub.f32 $0.0e+00, v8  }
0x5e: {  	v13 =	vld [tilespmem:s31+$0x5000];
	v15 =	vsub.f32 $0.0e+00, v7;
	v14 =	vmul.f32 $1.442695020e+00, v14  }
0x5f: {  	v11 =	vld [tilespmem:s31+$0x2810];
	(erf) = vpow2.f32 v10;
	v10 =	vsub.f32 $0.0e+00, v3;
	v2 =	vmul.f32 $1.442695020e+00, v2  }
0x60: {  	v16 =	vld [tilespmem:s31+$0x2800];
	(erf) = vpow2.f32 v14;
	v14 =	vmul.f32 $1.442695020e+00, v15  }
0x61: {  	v9 =	vadd.f32 v9, v6;
	v10 =	vmul.f32 $1.442695020e+00, v10;
	(erf) = vpow2.f32 v2  }
0x62: {  	(erf) = vpow2.f32 v14  }
0x63: {  	(erf) = vpow2.f32 v10;
	v10 =	vsub.f32 $0.0e+00, v9  }
0x64: {  	v6 =	vadd.f32 v12, v11  }
0x65: {  	v2 =	vadd.f32 v13, v16;
	v10 =	vmul.f32 $1.442695020e+00, v10  }
0x66: {  	v11 =	vsub.f32 $0.0e+00, v6  }
0x67: {  	v12 =	vsub.f32 $0.0e+00, v2  }
0x68: {  	v11 =	vmul.f32 $1.442695020e+00, v11  }
0x69: {  	v12 =	vmul.f32 $1.442695020e+00, v12;
	(erf) = vpow2.f32 v10;
	v10 =	vpop (erf)  }
0x6a: {  	(erf) = vpow2.f32 v11;
	v10 =	vadd.f32 $1.000000000e+00, v10  }
0x6b: {  	(erf) = vpow2.f32 v12  }
0x6c: {  	v11 =	vpop (erf);
	(erf) = vrcp.f32 v10  }
0x6d: {  	v11 =	vadd.f32 $1.000000000e+00, v11  }
0x6e: {  	v12 =	vpop (erf)  }
0x6f: {  	(erf) = vrcp.f32 v11;
	v10 =	vpop (erf)  }
0x70: {  	s28 =	simm.s32 $0x200;
	s4 =	simm.s32 $0x400;
	v11 =	vadd.f32 $1.000000000e+00, v12;
	v10 =	vadd.f32 $1.000000000e+00, v10;
	v12 =	vpop (erf)  }
.LBB2_6:
0x71: {  	p3 =	sne.s32 s4, $0x4E00  }
0x72: {  	s11 =	sshra.s32 s28, $0x2;
	v12 =	vadd.f32 $1.000000000e+00, v12;
	v13 =	vpop (erf);
	(erf) = vrcp.f32 v11;
	s28 =	smov.u32 s4;
	s4 =	sadd.s32 $0x200, s4  }
0x73: {  	v11 =	vld [tilespmem:s11+$0x5020];
	v16 =	vadd.f32 $1.000000000e+00, v13;
	v14 =	vpop (erf);
	(erf) = vrcp.f32 v10  }
0x74: {  	v10 =	vld [tilespmem:s11+$0x5040];
	v14 =	vadd.f32 $1.000000000e+00, v14;
	v15 =	vpop (erf);
	(erf) = vrcp.f32 v12  }
0x75: {  	v12 =	vld [tilespmem:s11+$0x5060];
	v15 =	vadd.f32 $1.000000000e+00, v15;
	(erf) = vrcp.f32 v16;
	v13 =	vpop (erf)  }
0x76: {  	v16 =	vld [tilespmem:s11+$0x5070];
	v17 =	vmul.f32 v13, v4;
	(erf) = vrcp.f32 v14  }
0x77: {  	v13 =	vld [tilespmem:s11+$0x5050];
	(erf) = vrcp.f32 v15  }
0x78: {  	v14 =	vld [tilespmem:s11+$0x5010];
	[tilespmem:s31+$0x2850] =	vst v17;
	v4 =	vpop (erf)  }
0x79: {  	v15 =	vld [tilespmem:s11+$0x2850];
	v5 =	vmul.f32 v4, v5;
	_ =	sdelay $0x1  }
0x7a: {  	[tilespmem:s31+$0x2840] =	vst v5;
	v4 =	vpop (erf)  }
0x7b: {  	v5 =	vld [tilespmem:s11+$0x2840];
	v20 =	vmul.f32 v4, v8;
	v4 =	vpop (erf)  }
0x7c: {  	v17 =	vld [tilespmem:s11+$0x5000];
	v21 =	vmul.f32 v4, v7;
	v18 =	vpop (erf)  }
0x7d: {  	v19 =	vld [tilespmem:s11+$0x5030];
	v4 =	vadd.f32 v13, v15;
	v18 =	vmul.f32 v18, v3;
	[tilespmem:s31+$0x2870] =	vst v20;
	v8 =	vpop (erf)  }
0x7e: {  	v13 =	vld [tilespmem:s11+$0x2870];
	v8 =	vmul.f32 v8, v9;
	[tilespmem:s31+$0x2860] =	vst v21;
	v7 =	vpop (erf)  }
0x7f: {  	v9 =	vsub.f32 $0.0e+00, v4;
	v15 =	vld [tilespmem:s11+$0x2860];
	v6 =	vmul.f32 v7, v6;
	[tilespmem:s31+$0x2820] =	vst v18;
	v3 =	vpop (erf)  }
0x80: {  	v18 =	vld [tilespmem:s11+$0x2820];
	v5 =	vadd.f32 v10, v5;
	v2 =	vmul.f32 v3, v2;
	[tilespmem:s31+$0x2830] =	vst v8  }
0x81: {  	v10 =	vld [tilespmem:s11+$0x2830];
	v3 =	vmul.f32 $1.442695020e+00, v9;
	[tilespmem:s31+$0x2810] =	vst v6  }
0x82: {  	v6 =	vld [tilespmem:s11+$0x2810];
	v7 =	vsub.f32 $0.0e+00, v5;
	[tilespmem:s31+$0x2800] =	vst v2;
	s31 =	smov.u32 s11  }
0x83: {  	v2 =	vld [tilespmem:s31+$0x2800];
	v8 =	vadd.f32 v16, v13;
	(erf) = vpow2.f32 v3  }
0x84: {  	v13 =	vmul.f32 $1.442695020e+00, v7;
	v7 =	vadd.f32 v12, v15  }
0x85: {  	v3 =	vadd.f32 v11, v18;
	v11 =	vsub.f32 $0.0e+00, v8  }
0x86: {  	v9 =	vadd.f32 v19, v10;
	v10 =	vsub.f32 $0.0e+00, v7;
	(erf) = vpow2.f32 v13  }
0x87: {  	v6 =	vadd.f32 v14, v6;
	v12 =	vsub.f32 $0.0e+00, v3;
	v11 =	vmul.f32 $1.442695020e+00, v11  }
0x88: {  	v2 =	vadd.f32 v17, v2;
	v13 =	vsub.f32 $0.0e+00, v9;
	v10 =	vmul.f32 $1.442695020e+00, v10  }
0x89: {  	v14 =	vsub.f32 $0.0e+00, v6;
	v15 =	vmul.f32 $1.442695020e+00, v12;
	(erf) = vpow2.f32 v11  }
0x8a: {  	v11 =	vsub.f32 $0.0e+00, v2;
	v13 =	vmul.f32 $1.442695020e+00, v13;
	(erf) = vpow2.f32 v10  }
0x8b: {  	v10 =	vmul.f32 $1.442695020e+00, v14;
	(erf) = vpow2.f32 v15  }
0x8c: {  	v11 =	vmul.f32 $1.442695020e+00, v11;
	(erf) = vpow2.f32 v13;
	v12 =	vpop (erf)  }
0x8d: {  	v12 =	vadd.f32 $1.000000000e+00, v12;
	(erf) = vpow2.f32 v10  }
0x8e: {  	(erf) = vpow2.f32 v11  }
0x8f: {  	v10 =	vpop (erf);
	(erf) = vrcp.f32 v12  }
.Ltmp4:
0x90: {  	v11 =	vadd.f32 $1.000000000e+00, v10;
	(pc) =	sbr.rel @p3 .LBB2_6-.Ltmp4, $4  }
0x91: {  	_ = 	snop  }
0x92: {  	(erf) = vrcp.f32 v11;
	v10 =	vpop (erf)  }
0x93: {  	v11 =	vadd.f32 $1.000000000e+00, v10;
	v10 =	vpop (erf)  }
0x94: {  	v10 =	vadd.f32 $1.000000000e+00, v10;
	v12 =	vpop (erf)  }
0x95: {  	_ = 	snop  }
0x96: {  	s4 =	sshra.s32 s28, $0x2;
	v13 =	vpop (erf)  }
0x97: {  	(erf) = vrcp.f32 v11;
	v11 =	vld [tilespmem:s4+$0x5020];
	v14 =	vpop (erf)  }
0x98: {  	v15 =	vld [tilespmem:s4+$0x5040];
	(erf) = vrcp.f32 v10;
	v10 =	vpop (erf)  }
0x99: {  	v16 =	vld [tilespmem:s4+$0x5060];
	v17 =	vpop (erf)  }
0x9a: {  	v12 =	vadd.f32 $1.000000000e+00, v12;
	v18 =	vld [tilespmem:s4+$0x5070];
	v4 =	vmul.f32 v17, v4  }
0x9b: {  	v62 =	vld [tilespmem:s4+$0x5010];
	v19 =	vpop (erf)  }
0x9c: {  	(erf) = vrcp.f32 v12;
	v12 =	vld [tilespmem:s4+$0x5050];
	[tilespmem:s31+$0x2850] =	vst v4;
	v4 =	vmul.f32 v19, v5  }
0x9d: {  	v13 =	vadd.f32 $1.000000000e+00, v13;
	_ =	sdelay $0x1  }
0x9e: {  	(erf) = vrcp.f32 v13;
	v13 =	vadd.f32 $1.000000000e+00, v14  }
0x9f: {  	v10 =	vadd.f32 $1.000000000e+00, v10;
	v5 =	vld [tilespmem:s4+$0x2850];
	[tilespmem:s31+$0x2840] =	vst v4;
	v4 =	vpop (erf)  }
0xa0: {  	(erf) = vrcp.f32 v13;
	v4 =	vmul.f32 v4, v8  }
0xa1: {  	(erf) = vrcp.f32 v10  }
0xa2: {  	v13 =	vld [tilespmem:s4+$0x2840]  }
0xa3: {  	v14 =	vld [tilespmem:s4+$0x5030];
	v10 =	vpop (erf)  }
0xa4: {  	v8 =	vld [tilespmem:s4+$0x5000];
	[tilespmem:s31+$0x2870] =	vst v4;
	v4 =	vpop (erf)  }
0xa5: {  	v3 =	vmul.f32 v4, v3  }
0xa6: {  	v7 =	vmul.f32 v10, v7  }
0xa7: {  	v4 =	vpop (erf)  }
0xa8: {  	v10 =	vld [tilespmem:s4+$0x2870];
	[tilespmem:s31+$0x2860] =	vst v7;
	v4 =	vmul.f32 v4, v9  }
0xa9: {  	v7 =	vld [tilespmem:s4+$0x2860];
	[tilespmem:s31+$0x2820] =	vst v3;
	v3 =	vpop (erf)  }
0xaa: {  	v9 =	vld [tilespmem:s4+$0x2820];
	[tilespmem:s31+$0x2830] =	vst v4;
	v4 =	vadd.f32 v12, v5;
	v3 =	vmul.f32 v3, v6;
	v5 =	vpop (erf)  }
0xab: {  	v2 =	vmul.f32 v5, v2  }
0xac: {  	v12 =	vadd.f32 v15, v13;
	v6 =	vld [tilespmem:s4+$0x2830];
	[tilespmem:s31+$0x2810] =	vst v3;
	v3 =	vsub.f32 $0.0e+00, v4  }
0xad: {  	v5 =	vld [tilespmem:s4+$0x2810];
	[tilespmem:s31+$0x2800] =	vst v2  }
0xae: {  	v13 =	vsub.f32 $0.0e+00, v12;
	v2 =	vmul.f32 $1.442695020e+00, v3;
	v3 =	vld [tilespmem:s4+$0x2800]  }
0xaf: {  	v10 =	vadd.f32 v18, v10  }
0xb0: {  	v7 =	vadd.f32 v16, v7;
	v13 =	vmul.f32 $1.442695020e+00, v13  }
0xb1: {  	(erf) = vpow2.f32 v2;
	v2 =	vadd.f32 v11, v9;
	v9 =	vsub.f32 $0.0e+00, v10  }
0xb2: {  	v6 =	vadd.f32 v14, v6;
	v11 =	vsub.f32 $0.0e+00, v7;
	(erf) = vpow2.f32 v13  }
0xb3: {  	v13 =	vsub.f32 $0.0e+00, v2;
	v9 =	vmul.f32 $1.442695020e+00, v9;
	v3 =	vadd.f32 v8, v3  }
0xb4: {  	v5 =	vadd.f32 v62, v5;
	v11 =	vmul.f32 $1.442695020e+00, v11;
	v8 =	vsub.f32 $0.0e+00, v6  }
0xb5: {  	v13 =	vmul.f32 $1.442695020e+00, v13;
	(erf) = vpow2.f32 v9;
	v9 =	vsub.f32 $0.0e+00, v3  }
0xb6: {  	v14 =	vsub.f32 $0.0e+00, v5;
	v8 =	vmul.f32 $1.442695020e+00, v8;
	(erf) = vpow2.f32 v11  }
0xb7: {  	(erf) = vpow2.f32 v13;
	v9 =	vmul.f32 $1.442695020e+00, v9  }
0xb8: {  	v11 =	vmul.f32 $1.442695020e+00, v14;
	(erf) = vpow2.f32 v8;
	_ =	sdelay $0x1  }
0xb9: {  	(erf) = vpow2.f32 v11;
	v8 =	vpop (erf)  }
0xba: {  	(erf) = vpow2.f32 v9;
	v8 =	vadd.f32 $1.000000000e+00, v8;
	v9 =	vpop (erf)  }
0xbb: {  	v9 =	vadd.f32 $1.000000000e+00, v9  }
0xbc: {  	(erf) = vrcp.f32 v8  }
0xbd: {  	v11 =	vpop (erf);
	(erf) = vrcp.f32 v9  }
0xbe: {  	v8 =	vadd.f32 $1.000000000e+00, v11;
	v11 =	vpop (erf)  }
0xbf: {  	v9 =	vadd.f32 $1.000000000e+00, v11;
	v11 =	vpop (erf)  }
0xc0: {  	v11 =	vadd.f32 $1.000000000e+00, v11;
	v13 =	vpop (erf);
	(erf) = vrcp.f32 v8  }
0xc1: {  	v8 =	vadd.f32 $1.000000000e+00, v13;
	(erf) = vrcp.f32 v9  }
0xc2: {  	(erf) = vrcp.f32 v11  }
0xc3: {  	v13 =	vpop (erf)  }
0xc4: {  	v9 =	vadd.f32 $1.000000000e+00, v13;
	v13 =	vpop (erf)  }
0xc5: {  	v11 =	vadd.f32 $1.000000000e+00, v13;
	(erf) = vrcp.f32 v8;
	v8 =	vpop (erf)  }
0xc6: {  	(erf) = vrcp.f32 v9;
	v4 =	vmul.f32 v8, v4;
	v8 =	vpop (erf)  }
0xc7: {  	(erf) = vrcp.f32 v11;
	v8 =	vmul.f32 v8, v12;
	_ =	sdelay $0x1  }
0xc8: {  	v9 =	vpop (erf)  }
0xc9: {  	[tilespmem:s4+$0x2850] =	vst v4;
	v4 =	vmul.f32 v9, v10;
	v9 =	vpop (erf)  }
0xca: {  	[tilespmem:s4+$0x2840] =	vst v8;
	v8 =	vpop (erf)  }
0xcb: {  	v2 =	vmul.f32 v8, v2  }
0xcc: {  	v7 =	vmul.f32 v9, v7  }
0xcd: {  	[tilespmem:s4+$0x2870] =	vst v4;
	v4 =	vpop (erf)  }
0xce: {  	[tilespmem:s4+$0x2860] =	vst v7;
	v4 =	vmul.f32 v4, v6;
	v6 =	vpop (erf)  }
0xcf: {  	[tilespmem:s4+$0x2820] =	vst v2;
	v5 =	vmul.f32 v6, v5;
	v2 =	vpop (erf)  }
0xd0: {  	[tilespmem:s4+$0x2830] =	vst v4;
	v2 =	vmul.f32 v2, v3  }
0xd1: {  	[tilespmem:s4+$0x2810] =	vst v5  }
0xd2: {  	[tilespmem:s4+$0x2800] =	vst v2  }
0xd3: {  	v2 =	vld [tilespmem:s19+$0x1400];
	_ =	sdelay $0x7  }
0xd4: {  	[tilespmem:v2+s22+$0x0] =	vst.idx.add.f32.msk $0xffff, v1  }
0xd5: {  	v2 =	vld [tilespmem:s19+$0x1410];
	_ =	sdelay $0x7  }
0xd6: {  	[tilespmem:v2+s22+$0x0] =	vst.idx.add.f32.msk $0xffff, v1  }
0xd7: {  	v2 =	vld [tilespmem:s19+$0x1418];
	_ =	sdelay $0x7  }
0xd8: {  	s11 =	sadd.s32 $0x1400, s19;
	[tilespmem:v2+s22+$0x0] =	vst.idx.add.f32.msk vm0, v1  }
0xd9: {  	[spmem:s2] =	stream.indirect.scatter.add.f32 [tilespmem:s15], [sflag:$0x3], $0x80, s11, s3, $0xb8;
	[tilespmem:$0x1D800] =	vst v63  }
0xda: {  	_ =	swait.ge [sflag:s23], $0x1400  }
0xdb: {  	[sflag:s23] =	ssyncset.done $0x0  }
0xdc: {  	s11 =	sadd.s32 $0x50, s19;
	[sflag:s23] =	ssyncadd.s32 $0xFFFFEC00  }
0xdd: {  	[tilespmem:s15], [sflag:$0x1] =	stream.indirect.gather [hbm4b:s1+s3], $0x80, s11, s3, $0xb8;
	[tilespmem:$0x1D800] =	vst v63  }
0xde: {  	s11 =	sadd.s32 $0x1450, s19  }
0xdf: {  	[tilespmem:s16], [sflag:$0x1] =	stream.indirect.gather [hbm4b:s6+s3], $0x80, s11, s3, $0xb8;
	[tilespmem:$0x1D800] =	vst v63  }
0xe0: {  	_ =	swait.ge [sflag:s25], $0x1400  }
0xe1: {  	[sflag:s25] =	ssyncset.done $0x0  }
0xe2: {  	[sflag:s25] =	ssyncadd.s32 $0xFFFFEC00  }
0xe3: {  	_ =	swait.ge [sflag:s25], $0x1400  }
0xe4: {  	[sflag:s25] =	ssyncset.done $0x0  }
0xe5: {  	s31 =	simm.s32 $0x0;
	[sflag:s25] =	ssyncadd.s32 $0xFFFFEC00  }
0xe6: {  	v2 =	vld [tilespmem:s31+$0x6420]  }
0xe7: {  	v3 =	vld [tilespmem:s31+$0x6440]  }
0xe8: {  	v6 =	vld [tilespmem:s31+$0x6460]  }
0xe9: {  	v7 =	vld [tilespmem:s31+$0x6470]  }
0xea: {  	v4 =	vld [tilespmem:s31+$0x6450]  }
0xeb: {  	v5 =	vld [tilespmem:s31+$0x3C50]  }
0xec: {  	v8 =	vld [tilespmem:s31+$0x3C40]  }
0xed: {  	v9 =	vld [tilespmem:s31+$0x3C70]  }
0xee: {  	v10 =	vld [tilespmem:s31+$0x3C60]  }
0xef: {  	v11 =	vld [tilespmem:s31+$0x3C20]  }
0xf0: {  	v4 =	vadd.f32 v4, v5  }
0xf1: {  	v5 =	vadd.f32 v3, v8  }
0xf2: {  	v8 =	vadd.f32 v7, v9;
	v9 =	vld [tilespmem:s31+$0x6430];
	v3 =	vsub.f32 $0.0e+00, v4  }
0xf3: {  	v7 =	vadd.f32 v6, v10;
	v6 =	vld [tilespmem:s31+$0x3C30];
	v14 =	vsub.f32 $0.0e+00, v5  }
0xf4: {  	v12 =	vld [tilespmem:s31+$0x6410];
	v10 =	vmul.f32 $1.442695020e+00, v3;
	v3 =	vadd.f32 v2, v11;
	v2 =	vsub.f32 $0.0e+00, v8  }
0xf5: {  	v15 =	vsub.f32 $0.0e+00, v7;
	v11 =	vld [tilespmem:s31+$0x3C10];
	v14 =	vmul.f32 $1.442695020e+00, v14  }
0xf6: {  	v13 =	vld [tilespmem:s31+$0x6400];
	(erf) = vpow2.f32 v10;
	v10 =	vsub.f32 $0.0e+00, v3;
	v2 =	vmul.f32 $1.442695020e+00, v2  }
0xf7: {  	v63 =	vld [tilespmem:s31+$0x3C00];
	(erf) = vpow2.f32 v14;
	v14 =	vmul.f32 $1.442695020e+00, v15  }
0xf8: {  	v9 =	vadd.f32 v9, v6;
	v10 =	vmul.f32 $1.442695020e+00, v10;
	(erf) = vpow2.f32 v2  }
0xf9: {  	(erf) = vpow2.f32 v14  }
0xfa: {  	v6 =	vadd.f32 v12, v11;
	(erf) = vpow2.f32 v10;
	v10 =	vsub.f32 $0.0e+00, v9;
	_ =	sdelay $0x1  }
0xfb: {  	v2 =	vadd.f32 v13, v63;
	v11 =	vsub.f32 $0.0e+00, v6;
	v10 =	vmul.f32 $1.442695020e+00, v10;
	_ =	sdelay $0x1  }
0xfc: {  	v12 =	vsub.f32 $0.0e+00, v2;
	v11 =	vmul.f32 $1.442695020e+00, v11;
	_ =	sdelay $0x1  }
0xfd: {  	v12 =	vmul.f32 $1.442695020e+00, v12;
	(erf) = vpow2.f32 v10;
	v10 =	vpop (erf)  }
0xfe: {  	(erf) = vpow2.f32 v11;
	v10 =	vadd.f32 $1.000000000e+00, v10  }
0xff: {  	v11 =	vpop (erf);
	(erf) = vpow2.f32 v12  }
0x100: {  	(erf) = vrcp.f32 v10  }
0x101: {  	v11 =	vadd.f32 $1.000000000e+00, v11  }
0x102: {  	v12 =	vpop (erf)  }
0x103: {  	(erf) = vrcp.f32 v11;
	v10 =	vpop (erf)  }
0x104: {  	s28 =	simm.s32 $0x200;
	s4 =	simm.s32 $0x400;
	v11 =	vadd.f32 $1.000000000e+00, v12;
	v10 =	vadd.f32 $1.000000000e+00, v10;
	v12 =	vpop (erf)  }
.LBB2_8:
0x105: {  	p3 =	sne.s32 s4, $0x4E00  }
0x106: {  	s11 =	sshra.s32 s28, $0x2;
	v12 =	vadd.f32 $1.000000000e+00, v12;
	v13 =	vpop (erf);
	(erf) = vrcp.f32 v11;
	s28 =	smov.u32 s4;
	s4 =	sadd.s32 $0x200, s4  }
0x107: {  	v11 =	vld [tilespmem:s11+$0x6420];
	v16 =	vadd.f32 $1.000000000e+00, v13;
	v14 =	vpop (erf);
	(erf) = vrcp.f32 v10  }
0x108: {  	v10 =	vld [tilespmem:s11+$0x6440];
	v14 =	vadd.f32 $1.000000000e+00, v14;
	v15 =	vpop (erf);
	(erf) = vrcp.f32 v12  }
0x109: {  	v12 =	vld [tilespmem:s11+$0x6460];
	v15 =	vadd.f32 $1.000000000e+00, v15;
	(erf) = vrcp.f32 v16;
	v13 =	vpop (erf)  }
0x10a: {  	v16 =	vld [tilespmem:s11+$0x6470];
	v17 =	vmul.f32 v13, v4;
	(erf) = vrcp.f32 v14  }
0x10b: {  	v13 =	vld [tilespmem:s11+$0x6450];
	(erf) = vrcp.f32 v15  }
0x10c: {  	v14 =	vld [tilespmem:s11+$0x6410];
	[tilespmem:s31+$0x3C50] =	vst v17;
	v4 =	vpop (erf)  }
0x10d: {  	v15 =	vld [tilespmem:s11+$0x3C50];
	v5 =	vmul.f32 v4, v5;
	_ =	sdelay $0x1  }
0x10e: {  	[tilespmem:s31+$0x3C40] =	vst v5;
	v4 =	vpop (erf)  }
0x10f: {  	v5 =	vld [tilespmem:s11+$0x3C40];
	v20 =	vmul.f32 v4, v8;
	v4 =	vpop (erf)  }
0x110: {  	v17 =	vld [tilespmem:s11+$0x6400];
	v21 =	vmul.f32 v4, v7;
	v18 =	vpop (erf)  }
0x111: {  	v19 =	vld [tilespmem:s11+$0x6430];
	v4 =	vadd.f32 v13, v15;
	v18 =	vmul.f32 v18, v3;
	[tilespmem:s31+$0x3C70] =	vst v20;
	v8 =	vpop (erf)  }
0x112: {  	v13 =	vld [tilespmem:s11+$0x3C70];
	v8 =	vmul.f32 v8, v9;
	[tilespmem:s31+$0x3C60] =	vst v21;
	v7 =	vpop (erf)  }
0x113: {  	v9 =	vsub.f32 $0.0e+00, v4;
	v15 =	vld [tilespmem:s11+$0x3C60];
	v6 =	vmul.f32 v7, v6;
	[tilespmem:s31+$0x3C20] =	vst v18;
	v3 =	vpop (erf)  }
0x114: {  	v18 =	vld [tilespmem:s11+$0x3C20];
	v5 =	vadd.f32 v10, v5;
	v2 =	vmul.f32 v3, v2;
	[tilespmem:s31+$0x3C30] =	vst v8  }
0x115: {  	v10 =	vld [tilespmem:s11+$0x3C30];
	v3 =	vmul.f32 $1.442695020e+00, v9;
	[tilespmem:s31+$0x3C10] =	vst v6  }
0x116: {  	v6 =	vld [tilespmem:s11+$0x3C10];
	v7 =	vsub.f32 $0.0e+00, v5;
	[tilespmem:s31+$0x3C00] =	vst v2;
	s31 =	smov.u32 s11  }
0x117: {  	v2 =	vld [tilespmem:s31+$0x3C00];
	v8 =	vadd.f32 v16, v13;
	(erf) = vpow2.f32 v3  }
0x118: {  	v13 =	vmul.f32 $1.442695020e+00, v7;
	v7 =	vadd.f32 v12, v15  }
0x119: {  	v3 =	vadd.f32 v11, v18;
	v11 =	vsub.f32 $0.0e+00, v8  }
0x11a: {  	v9 =	vadd.f32 v19, v10;
	v10 =	vsub.f32 $0.0e+00, v7;
	(erf) = vpow2.f32 v13  }
0x11b: {  	v6 =	vadd.f32 v14, v6;
	v12 =	vsub.f32 $0.0e+00, v3;
	v11 =	vmul.f32 $1.442695020e+00, v11  }
0x11c: {  	v2 =	vadd.f32 v17, v2;
	v13 =	vsub.f32 $0.0e+00, v9;
	v10 =	vmul.f32 $1.442695020e+00, v10  }
0x11d: {  	v14 =	vsub.f32 $0.0e+00, v6;
	v15 =	vmul.f32 $1.442695020e+00, v12;
	(erf) = vpow2.f32 v11  }
0x11e: {  	v11 =	vsub.f32 $0.0e+00, v2;
	v13 =	vmul.f32 $1.442695020e+00, v13;
	(erf) = vpow2.f32 v10  }
0x11f: {  	v10 =	vmul.f32 $1.442695020e+00, v14;
	(erf) = vpow2.f32 v15  }
0x120: {  	v11 =	vmul.f32 $1.442695020e+00, v11;
	(erf) = vpow2.f32 v13;
	v12 =	vpop (erf)  }
0x121: {  	v12 =	vadd.f32 $1.000000000e+00, v12;
	(erf) = vpow2.f32 v10  }
0x122: {  	(erf) = vpow2.f32 v11  }
0x123: {  	v10 =	vpop (erf);
	(erf) = vrcp.f32 v12  }
.Ltmp5:
0x124: {  	v11 =	vadd.f32 $1.000000000e+00, v10;
	(pc) =	sbr.rel @p3 .LBB2_8-.Ltmp5, $4  }
0x125: {  	_ = 	snop  }
0x126: {  	(erf) = vrcp.f32 v11;
	v10 =	vpop (erf)  }
0x127: {  	v11 =	vadd.f32 $1.000000000e+00, v10;
	v10 =	vpop (erf)  }
0x128: {  	v10 =	vadd.f32 $1.000000000e+00, v10;
	v12 =	vpop (erf)  }
0x129: {  	v13 =	vpop (erf);
	(erf) = vrcp.f32 v11;
	v12 =	vadd.f32 $1.000000000e+00, v12  }
0x12a: {  	v14 =	vpop (erf);
	(erf) = vrcp.f32 v10  }
0x12b: {  	v60 =	vpop (erf);
	(erf) = vrcp.f32 v12;
	_ =	sdelay $0x1  }
0x12c: {  	s4 =	sshra.s32 s28, $0x2;
	v13 =	vadd.f32 $1.000000000e+00, v13  }
0x12d: {  	v59 =	vld [tilespmem:s4+$0x6420];
	v63 =	vadd.f32 $1.000000000e+00, v14  }
0x12e: {  	v15 =	vld [tilespmem:s4+$0x6440];
	(erf) = vrcp.f32 v13  }
0x12f: {  	v16 =	vld [tilespmem:s4+$0x6460];
	v17 =	vpop (erf);
	v10 =	vadd.f32 $1.000000000e+00, v60;
	(erf) = vrcp.f32 v63  }
0x130: {  	v18 =	vld [tilespmem:s4+$0x6470];
	v4 =	vmul.f32 v17, v4;
	v19 =	vpop (erf)  }
0x131: {  	v61 =	vld [tilespmem:s4+$0x6450];
	v20 =	vmul.f32 v19, v5;
	v22 =	vpop (erf);
	(erf) = vrcp.f32 v10  }
0x132: {  	v62 =	vld [tilespmem:s4+$0x6410];
	[tilespmem:s31+$0x3C50] =	vst v4;
	v25 =	vpop (erf)  }
0x133: {  	v21 =	vld [tilespmem:s4+$0x3C50];
	[tilespmem:s31+$0x3C40] =	vst v20;
	v27 =	vpop (erf)  }
0x134: {  	v23 =	vld [tilespmem:s4+$0x3C40];
	v4 =	vmul.f32 v22, v8;
	v3 =	vmul.f32 v27, v3  }
0x135: {  	v24 =	vld [tilespmem:s4+$0x6400];
	v7 =	vmul.f32 v25, v7  }
0x136: {  	v26 =	vld [tilespmem:s4+$0x6430];
	[tilespmem:s31+$0x3C70] =	vst v4  }
0x137: {  	v29 =	vpop (erf);
	v28 =	vld [tilespmem:s4+$0x3C70];
	[tilespmem:s31+$0x3C60] =	vst v7  }
0x138: {  	v4 =	vmul.f32 v29, v9;
	v7 =	vld [tilespmem:s4+$0x3C60];
	[tilespmem:s31+$0x3C20] =	vst v3;
	v3 =	vpop (erf)  }
0x139: {  	v31 =	vadd.f32 v61, v21;
	v3 =	vmul.f32 v3, v6  }
0x13a: {  	v30 =	vld [tilespmem:s4+$0x3C20];
	[tilespmem:s31+$0x3C30] =	vst v4;
	v32 =	vpop (erf)  }
0x13b: {  	v33 =	vld [tilespmem:s4+$0x3C30];
	v2 =	vmul.f32 v32, v2;
	[tilespmem:s31+$0x3C10] =	vst v3;
	v3 =	vsub.f32 $0.0e+00, v31  }
0x13c: {  	v34 =	vadd.f32 v15, v23  }
0x13d: {  	v10 =	vadd.f32 v18, v28;
	v35 =	vld [tilespmem:s4+$0x3C10];
	[tilespmem:s31+$0x3C00] =	vst v2;
	v2 =	vmul.f32 $1.442695020e+00, v3  }
0x13e: {  	v13 =	vsub.f32 $0.0e+00, v34;
	v7 =	vadd.f32 v16, v7  }
0x13f: {  	v36 =	vsub.f32 $0.0e+00, v10;
	v3 =	vld [tilespmem:s4+$0x3C00];
	(erf) = vpow2.f32 v2;
	v2 =	vadd.f32 v59, v30  }
0x140: {  	v13 =	vmul.f32 $1.442695020e+00, v13;
	v37 =	vsub.f32 $0.0e+00, v7  }
0x141: {  	v9 =	vmul.f32 $1.442695020e+00, v36;
	v38 =	vsub.f32 $0.0e+00, v2  }
0x142: {  	v6 =	vadd.f32 v26, v33;
	v11 =	vmul.f32 $1.442695020e+00, v37;
	(erf) = vpow2.f32 v13  }
0x143: {  	v5 =	vadd.f32 v62, v35;
	(erf) = vpow2.f32 v9;
	v13 =	vmul.f32 $1.442695020e+00, v38  }
0x144: {  	v39 =	vsub.f32 $0.0e+00, v6;
	(erf) = vpow2.f32 v11;
	v3 =	vadd.f32 v24, v3  }
0x145: {  	v40 =	vsub.f32 $0.0e+00, v5;
	(erf) = vpow2.f32 v13  }
0x146: {  	v8 =	vmul.f32 $1.442695020e+00, v39;
	v41 =	vsub.f32 $0.0e+00, v3  }
0x147: {  	v42 =	vmul.f32 $1.442695020e+00, v40  }
0x148: {  	(erf) = vpow2.f32 v8;
	v9 =	vmul.f32 $1.442695020e+00, v41  }
0x149: {  	(erf) = vpow2.f32 v42  }
0x14a: {  	v43 =	vpop (erf);
	(erf) = vpow2.f32 v9  }
0x14b: {  	v8 =	vadd.f32 $1.000000000e+00, v43;
	v44 =	vpop (erf)  }
0x14c: {  	v9 =	vadd.f32 $1.000000000e+00, v44;
	v45 =	vpop (erf)  }
0x14d: {  	(erf) = vrcp.f32 v8;
	v46 =	vadd.f32 $1.000000000e+00, v45;
	v47 =	vpop (erf)  }
0x14e: {  	(erf) = vrcp.f32 v9;
	v48 =	vadd.f32 $1.000000000e+00, v47;
	v49 =	vpop (erf)  }
0x14f: {  	(erf) = vrcp.f32 v46;
	v11 =	vadd.f32 $1.000000000e+00, v49  }
0x150: {  	(erf) = vrcp.f32 v48  }
0x151: {  	v50 =	vpop (erf);
	(erf) = vrcp.f32 v11  }
0x152: {  	v51 =	vadd.f32 $1.000000000e+00, v50;
	v52 =	vpop (erf)  }
0x153: {  	v53 =	vadd.f32 $1.000000000e+00, v52;
	v54 =	vpop (erf)  }
0x154: {  	(erf) = vrcp.f32 v51;
	v55 =	vadd.f32 $1.000000000e+00, v54  }
0x155: {  	(erf) = vrcp.f32 v53  }
0x156: {  	v56 =	vpop (erf);
	(erf) = vrcp.f32 v55  }
0x157: {  	v57 =	vpop (erf)  }
0x158: {  	v58 =	vpop (erf)  }
0x159: {  	v4 =	vmul.f32 v56, v31;
	v60 =	vpop (erf)  }
0x15a: {  	v8 =	vmul.f32 v57, v34;
	v61 =	vpop (erf)  }
0x15b: {  	[tilespmem:s4+$0x3C50] =	vst v4;
	v59 =	vmul.f32 v58, v10;
	v2 =	vmul.f32 v61, v2  }
0x15c: {  	[tilespmem:s4+$0x3C40] =	vst v8;
	v7 =	vmul.f32 v60, v7  }
0x15d: {  	[tilespmem:s4+$0x3C70] =	vst v59;
	v62 =	vpop (erf)  }
0x15e: {  	[tilespmem:s4+$0x3C60] =	vst v7;
	v4 =	vmul.f32 v62, v6;
	v63 =	vpop (erf)  }
0x15f: {  	v5 =	vmul.f32 v63, v5;
	[tilespmem:s4+$0x3C20] =	vst v2;
	v2 =	vpop (erf)  }
0x160: {  	[tilespmem:s4+$0x3C30] =	vst v4;
	v2 =	vmul.f32 v2, v3  }
0x161: {  	[tilespmem:s4+$0x3C10] =	vst v5  }
0x162: {  	[tilespmem:s4+$0x3C00] =	vst v2  }
0x163: {  	v2 =	vld [tilespmem:s29+$0x1400];
	_ =	sdelay $0x7  }
0x164: {  	[tilespmem:v2+s22+$0x0] =	vst.idx.add.f32.msk $0xffff, v1  }
0x165: {  	v2 =	vld [tilespmem:s19+$0x1438];
	_ =	sdelay $0x7  }
0x166: {  	[tilespmem:v2+s22+$0x0] =	vst.idx.add.f32.msk $0xffff, v1  }
0x167: {  	v2 =	vld [tilespmem:s19+$0x1440];
	_ =	sdelay $0x2  }
0x168: {  	s14 =	sadd.s32 $0x1, s14  }
0x169: {  	p3 =	sne.s32 s14, $0x3E  }
.Ltmp6:
0x16a: {  	_ = 	snop;
	(pc) =	sbr.rel @p3 .LBB2_5-.Ltmp6, $3  }
0x16b: {  	_ =	sdelay $0x1  }
0x16c: {  	[tilespmem:v2+s22+$0x0] =	vst.idx.add.f32.msk vm0, v1  }
0x16d: {  	[spmem:s2] =	stream.indirect.scatter.add.f32 [tilespmem:s17], [sflag:$0x4], $0x80, s21, s3, $0xb8;
	[tilespmem:$0x1D800] =	vst v63  }
0x16e: {  	_ =	swait.ge [sflag:s20], $0x1400  }
0x16f: {  	[sflag:s20] =	ssyncset.done $0x0  }
0x170: {  	[sflag:s20] =	ssyncadd.s32 $0xFFFFEC00  }
0x171: {  	_ =	swait.ge [sflag:s20], $0x1400  }
0x172: {  	[sflag:s20] =	ssyncset.done $0x0  }
0x173: {  	s14 =	simm.s32 $0x0;
	[sflag:s20] =	ssyncadd.s32 $0xFFFFEC00  }
0x174: {  	v2 =	vld [tilespmem:s14+$0x5020]  }
0x175: {  	v3 =	vld [tilespmem:s14+$0x5040]  }
0x176: {  	v6 =	vld [tilespmem:s14+$0x5060]  }
0x177: {  	v7 =	vld [tilespmem:s14+$0x5070]  }
0x178: {  	v4 =	vld [tilespmem:s14+$0x5050]  }
0x179: {  	v5 =	vld [tilespmem:s14+$0x2850]  }
0x17a: {  	v8 =	vld [tilespmem:s14+$0x2840]  }
0x17b: {  	v9 =	vld [tilespmem:s14+$0x2870]  }
0x17c: {  	v10 =	vld [tilespmem:s14+$0x2860]  }
0x17d: {  	v11 =	vld [tilespmem:s14+$0x2820]  }
0x17e: {  	v4 =	vadd.f32 v4, v5  }
0x17f: {  	v5 =	vadd.f32 v3, v8  }
0x180: {  	v8 =	vadd.f32 v7, v9;
	v9 =	vld [tilespmem:s14+$0x5030];
	v3 =	vsub.f32 $0.0e+00, v4  }
0x181: {  	v7 =	vadd.f32 v6, v10;
	v6 =	vld [tilespmem:s14+$0x2830];
	v14 =	vsub.f32 $0.0e+00, v5  }
0x182: {  	v12 =	vld [tilespmem:s14+$0x5010];
	v10 =	vmul.f32 $1.442695020e+00, v3;
	v3 =	vadd.f32 v2, v11;
	v2 =	vsub.f32 $0.0e+00, v8  }
0x183: {  	v13 =	vld [tilespmem:s14+$0x5000];
	v15 =	vsub.f32 $0.0e+00, v7;
	v14 =	vmul.f32 $1.442695020e+00, v14  }
0x184: {  	v11 =	vld [tilespmem:s14+$0x2810];
	(erf) = vpow2.f32 v10;
	v10 =	vsub.f32 $0.0e+00, v3;
	v2 =	vmul.f32 $1.442695020e+00, v2  }
0x185: {  	v16 =	vld [tilespmem:s14+$0x2800];
	(erf) = vpow2.f32 v14;
	v14 =	vmul.f32 $1.442695020e+00, v15  }
0x186: {  	v9 =	vadd.f32 v9, v6;
	v10 =	vmul.f32 $1.442695020e+00, v10;
	(erf) = vpow2.f32 v2  }
0x187: {  	(erf) = vpow2.f32 v14  }
0x188: {  	(erf) = vpow2.f32 v10;
	v10 =	vsub.f32 $0.0e+00, v9  }
0x189: {  	v6 =	vadd.f32 v12, v11  }
0x18a: {  	v2 =	vadd.f32 v13, v16;
	v10 =	vmul.f32 $1.442695020e+00, v10  }
0x18b: {  	v11 =	vsub.f32 $0.0e+00, v6  }
0x18c: {  	v12 =	vsub.f32 $0.0e+00, v2  }
0x18d: {  	v11 =	vmul.f32 $1.442695020e+00, v11  }
0x18e: {  	v12 =	vmul.f32 $1.442695020e+00, v12;
	(erf) = vpow2.f32 v10;
	v10 =	vpop (erf)  }
0x18f: {  	(erf) = vpow2.f32 v11;
	v10 =	vadd.f32 $1.000000000e+00, v10  }
0x190: {  	(erf) = vpow2.f32 v12  }
0x191: {  	v11 =	vpop (erf);
	(erf) = vrcp.f32 v10  }
0x192: {  	v11 =	vadd.f32 $1.000000000e+00, v11  }
0x193: {  	v12 =	vpop (erf)  }
0x194: {  	(erf) = vrcp.f32 v11;
	v10 =	vpop (erf)  }
0x195: {  	s19 =	simm.s32 $0x200;
	s4 =	simm.s32 $0x400;
	v11 =	vadd.f32 $1.000000000e+00, v12;
	v10 =	vadd.f32 $1.000000000e+00, v10;
	v12 =	vpop (erf)  }
.LBB2_11:
0x196: {  	p3 =	sne.s32 s4, $0x4E00  }
0x197: {  	s11 =	sshra.s32 s19, $0x2;
	v12 =	vadd.f32 $1.000000000e+00, v12;
	v13 =	vpop (erf);
	(erf) = vrcp.f32 v11;
	s19 =	smov.u32 s4;
	s4 =	sadd.s32 $0x200, s4  }
0x198: {  	v11 =	vld [tilespmem:s11+$0x5020];
	v16 =	vadd.f32 $1.000000000e+00, v13;
	v14 =	vpop (erf);
	(erf) = vrcp.f32 v10  }
0x199: {  	v10 =	vld [tilespmem:s11+$0x5040];
	v14 =	vadd.f32 $1.000000000e+00, v14;
	v15 =	vpop (erf);
	(erf) = vrcp.f32 v12  }
0x19a: {  	v12 =	vld [tilespmem:s11+$0x5060];
	v15 =	vadd.f32 $1.000000000e+00, v15;
	(erf) = vrcp.f32 v16;
	v13 =	vpop (erf)  }
0x19b: {  	v16 =	vld [tilespmem:s11+$0x5070];
	v17 =	vmul.f32 v13, v4;
	(erf) = vrcp.f32 v14  }
0x19c: {  	v13 =	vld [tilespmem:s11+$0x5050];
	(erf) = vrcp.f32 v15  }
0x19d: {  	v14 =	vld [tilespmem:s11+$0x5010];
	[tilespmem:s14+$0x2850] =	vst v17;
	v4 =	vpop (erf)  }
0x19e: {  	v15 =	vld [tilespmem:s11+$0x2850];
	v5 =	vmul.f32 v4, v5;
	_ =	sdelay $0x1  }
0x19f: {  	[tilespmem:s14+$0x2840] =	vst v5;
	v4 =	vpop (erf)  }
0x1a0: {  	v5 =	vld [tilespmem:s11+$0x2840];
	v20 =	vmul.f32 v4, v8;
	v4 =	vpop (erf)  }
0x1a1: {  	v17 =	vld [tilespmem:s11+$0x5000];
	v21 =	vmul.f32 v4, v7;
	v18 =	vpop (erf)  }
0x1a2: {  	v19 =	vld [tilespmem:s11+$0x5030];
	v4 =	vadd.f32 v13, v15;
	v18 =	vmul.f32 v18, v3;
	[tilespmem:s14+$0x2870] =	vst v20;
	v8 =	vpop (erf)  }
0x1a3: {  	v13 =	vld [tilespmem:s11+$0x2870];
	v8 =	vmul.f32 v8, v9;
	[tilespmem:s14+$0x2860] =	vst v21;
	v7 =	vpop (erf)  }
0x1a4: {  	v9 =	vsub.f32 $0.0e+00, v4;
	v15 =	vld [tilespmem:s11+$0x2860];
	v6 =	vmul.f32 v7, v6;
	[tilespmem:s14+$0x2820] =	vst v18;
	v3 =	vpop (erf)  }
0x1a5: {  	v18 =	vld [tilespmem:s11+$0x2820];
	v5 =	vadd.f32 v10, v5;
	v2 =	vmul.f32 v3, v2;
	[tilespmem:s14+$0x2830] =	vst v8  }
0x1a6: {  	v10 =	vld [tilespmem:s11+$0x2830];
	v3 =	vmul.f32 $1.442695020e+00, v9;
	[tilespmem:s14+$0x2810] =	vst v6  }
0x1a7: {  	v6 =	vld [tilespmem:s11+$0x2810];
	v7 =	vsub.f32 $0.0e+00, v5;
	[tilespmem:s14+$0x2800] =	vst v2;
	s14 =	smov.u32 s11  }
0x1a8: {  	v2 =	vld [tilespmem:s14+$0x2800];
	v8 =	vadd.f32 v16, v13;
	(erf) = vpow2.f32 v3  }
0x1a9: {  	v13 =	vmul.f32 $1.442695020e+00, v7;
	v7 =	vadd.f32 v12, v15  }
0x1aa: {  	v3 =	vadd.f32 v11, v18;
	v11 =	vsub.f32 $0.0e+00, v8  }
0x1ab: {  	v9 =	vadd.f32 v19, v10;
	v10 =	vsub.f32 $0.0e+00, v7;
	(erf) = vpow2.f32 v13  }
0x1ac: {  	v6 =	vadd.f32 v14, v6;
	v12 =	vsub.f32 $0.0e+00, v3;
	v11 =	vmul.f32 $1.442695020e+00, v11  }
0x1ad: {  	v2 =	vadd.f32 v17, v2;
	v13 =	vsub.f32 $0.0e+00, v9;
	v10 =	vmul.f32 $1.442695020e+00, v10  }
0x1ae: {  	v14 =	vsub.f32 $0.0e+00, v6;
	v15 =	vmul.f32 $1.442695020e+00, v12;
	(erf) = vpow2.f32 v11  }
0x1af: {  	v11 =	vsub.f32 $0.0e+00, v2;
	v13 =	vmul.f32 $1.442695020e+00, v13;
	(erf) = vpow2.f32 v10  }
0x1b0: {  	v10 =	vmul.f32 $1.442695020e+00, v14;
	(erf) = vpow2.f32 v15  }
0x1b1: {  	v11 =	vmul.f32 $1.442695020e+00, v11;
	(erf) = vpow2.f32 v13;
	v12 =	vpop (erf)  }
0x1b2: {  	v12 =	vadd.f32 $1.000000000e+00, v12;
	(erf) = vpow2.f32 v10  }
0x1b3: {  	(erf) = vpow2.f32 v11  }
0x1b4: {  	v10 =	vpop (erf);
	(erf) = vrcp.f32 v12  }
.Ltmp7:
0x1b5: {  	v11 =	vadd.f32 $1.000000000e+00, v10;
	(pc) =	sbr.rel @p3 .LBB2_11-.Ltmp7, $4  }
0x1b6: {  	_ = 	snop  }
0x1b7: {  	(erf) = vrcp.f32 v11;
	v10 =	vpop (erf)  }
0x1b8: {  	v11 =	vadd.f32 $1.000000000e+00, v10;
	v10 =	vpop (erf)  }
0x1b9: {  	v10 =	vadd.f32 $1.000000000e+00, v10;
	v12 =	vpop (erf)  }
0x1ba: {  	v13 =	vpop (erf);
	(erf) = vrcp.f32 v11;
	v12 =	vadd.f32 $1.000000000e+00, v12  }
0x1bb: {  	v14 =	vpop (erf);
	(erf) = vrcp.f32 v10  }
0x1bc: {  	v60 =	vpop (erf);
	(erf) = vrcp.f32 v12;
	_ =	sdelay $0x1  }
0x1bd: {  	s4 =	sshra.s32 s19, $0x2;
	v13 =	vadd.f32 $1.000000000e+00, v13  }
0x1be: {  	v59 =	vld [tilespmem:s4+$0x5020];
	v63 =	vadd.f32 $1.000000000e+00, v14  }
0x1bf: {  	v15 =	vld [tilespmem:s4+$0x5040];
	(erf) = vrcp.f32 v13  }
0x1c0: {  	v16 =	vld [tilespmem:s4+$0x5060];
	v17 =	vpop (erf);
	v10 =	vadd.f32 $1.000000000e+00, v60;
	(erf) = vrcp.f32 v63  }
0x1c1: {  	v18 =	vld [tilespmem:s4+$0x5070];
	v4 =	vmul.f32 v17, v4;
	v19 =	vpop (erf)  }
0x1c2: {  	v61 =	vld [tilespmem:s4+$0x5050];
	v20 =	vmul.f32 v19, v5;
	v22 =	vpop (erf);
	(erf) = vrcp.f32 v10  }
0x1c3: {  	v62 =	vld [tilespmem:s4+$0x5010];
	[tilespmem:s14+$0x2850] =	vst v4;
	v25 =	vpop (erf)  }
0x1c4: {  	v21 =	vld [tilespmem:s4+$0x2850];
	[tilespmem:s14+$0x2840] =	vst v20;
	v27 =	vpop (erf)  }
0x1c5: {  	v23 =	vld [tilespmem:s4+$0x2840];
	v4 =	vmul.f32 v22, v8;
	v3 =	vmul.f32 v27, v3  }
0x1c6: {  	v24 =	vld [tilespmem:s4+$0x5000];
	v7 =	vmul.f32 v25, v7  }
0x1c7: {  	v26 =	vld [tilespmem:s4+$0x5030];
	[tilespmem:s14+$0x2870] =	vst v4  }
0x1c8: {  	v29 =	vpop (erf);
	v28 =	vld [tilespmem:s4+$0x2870];
	[tilespmem:s14+$0x2860] =	vst v7  }
0x1c9: {  	v4 =	vmul.f32 v29, v9;
	v7 =	vld [tilespmem:s4+$0x2860];
	[tilespmem:s14+$0x2820] =	vst v3;
	v3 =	vpop (erf)  }
0x1ca: {  	v31 =	vadd.f32 v61, v21;
	v3 =	vmul.f32 v3, v6  }
0x1cb: {  	v30 =	vld [tilespmem:s4+$0x2820];
	[tilespmem:s14+$0x2830] =	vst v4;
	v32 =	vpop (erf)  }
0x1cc: {  	v33 =	vld [tilespmem:s4+$0x2830];
	v2 =	vmul.f32 v32, v2;
	[tilespmem:s14+$0x2810] =	vst v3;
	v3 =	vsub.f32 $0.0e+00, v31  }
0x1cd: {  	v34 =	vadd.f32 v15, v23  }
0x1ce: {  	v10 =	vadd.f32 v18, v28;
	v35 =	vld [tilespmem:s4+$0x2810];
	[tilespmem:s14+$0x2800] =	vst v2;
	v2 =	vmul.f32 $1.442695020e+00, v3  }
0x1cf: {  	v13 =	vsub.f32 $0.0e+00, v34;
	v7 =	vadd.f32 v16, v7  }
0x1d0: {  	v36 =	vsub.f32 $0.0e+00, v10;
	v3 =	vld [tilespmem:s4+$0x2800];
	(erf) = vpow2.f32 v2;
	v2 =	vadd.f32 v59, v30  }
0x1d1: {  	v13 =	vmul.f32 $1.442695020e+00, v13;
	v37 =	vsub.f32 $0.0e+00, v7  }
0x1d2: {  	v9 =	vmul.f32 $1.442695020e+00, v36;
	v38 =	vsub.f32 $0.0e+00, v2  }
0x1d3: {  	v6 =	vadd.f32 v26, v33;
	v11 =	vmul.f32 $1.442695020e+00, v37;
	(erf) = vpow2.f32 v13  }
0x1d4: {  	v5 =	vadd.f32 v62, v35;
	(erf) = vpow2.f32 v9;
	v13 =	vmul.f32 $1.442695020e+00, v38  }
0x1d5: {  	v39 =	vsub.f32 $0.0e+00, v6;
	(erf) = vpow2.f32 v11;
	v3 =	vadd.f32 v24, v3  }
0x1d6: {  	v40 =	vsub.f32 $0.0e+00, v5;
	(erf) = vpow2.f32 v13  }
0x1d7: {  	v8 =	vmul.f32 $1.442695020e+00, v39;
	v41 =	vsub.f32 $0.0e+00, v3  }
0x1d8: {  	v42 =	vmul.f32 $1.442695020e+00, v40  }
0x1d9: {  	(erf) = vpow2.f32 v8;
	v9 =	vmul.f32 $1.442695020e+00, v41  }
0x1da: {  	(erf) = vpow2.f32 v42  }
0x1db: {  	v43 =	vpop (erf);
	(erf) = vpow2.f32 v9  }
0x1dc: {  	v8 =	vadd.f32 $1.000000000e+00, v43;
	v44 =	vpop (erf)  }
0x1dd: {  	v9 =	vadd.f32 $1.000000000e+00, v44;
	v45 =	vpop (erf)  }
0x1de: {  	(erf) = vrcp.f32 v8;
	v46 =	vadd.f32 $1.000000000e+00, v45;
	v47 =	vpop (erf)  }
0x1df: {  	(erf) = vrcp.f32 v9;
	v48 =	vadd.f32 $1.000000000e+00, v47;
	v49 =	vpop (erf)  }
0x1e0: {  	(erf) = vrcp.f32 v46;
	v11 =	vadd.f32 $1.000000000e+00, v49  }
0x1e1: {  	(erf) = vrcp.f32 v48  }
0x1e2: {  	v50 =	vpop (erf);
	(erf) = vrcp.f32 v11  }
0x1e3: {  	v51 =	vadd.f32 $1.000000000e+00, v50;
	v52 =	vpop (erf)  }
0x1e4: {  	v53 =	vadd.f32 $1.000000000e+00, v52;
	v54 =	vpop (erf)  }
0x1e5: {  	(erf) = vrcp.f32 v51;
	v55 =	vadd.f32 $1.000000000e+00, v54  }
0x1e6: {  	(erf) = vrcp.f32 v53  }
0x1e7: {  	v56 =	vpop (erf);
	(erf) = vrcp.f32 v55  }
0x1e8: {  	v57 =	vpop (erf)  }
0x1e9: {  	v58 =	vpop (erf)  }
0x1ea: {  	v4 =	vmul.f32 v56, v31;
	v60 =	vpop (erf)  }
0x1eb: {  	v8 =	vmul.f32 v57, v34;
	v61 =	vpop (erf)  }
0x1ec: {  	[tilespmem:s4+$0x2850] =	vst v4;
	v59 =	vmul.f32 v58, v10;
	v2 =	vmul.f32 v61, v2  }
0x1ed: {  	[tilespmem:s4+$0x2840] =	vst v8;
	v7 =	vmul.f32 v60, v7  }
0x1ee: {  	[tilespmem:s4+$0x2870] =	vst v59;
	v62 =	vpop (erf)  }
0x1ef: {  	[tilespmem:s4+$0x2860] =	vst v7;
	v4 =	vmul.f32 v62, v6;
	v63 =	vpop (erf)  }
0x1f0: {  	v5 =	vmul.f32 v63, v5;
	[tilespmem:s4+$0x2820] =	vst v2;
	v2 =	vpop (erf)  }
0x1f1: {  	[tilespmem:s4+$0x2830] =	vst v4;
	v2 =	vmul.f32 v2, v3  }
0x1f2: {  	[tilespmem:s4+$0x2810] =	vst v5  }
0x1f3: {  	[tilespmem:s4+$0x2800] =	vst v2  }
0x1f4: {  	v2 =	vld [tilespmem:$0x2760];
	_ =	sdelay $0x7  }
0x1f5: {  	[tilespmem:v2+s22+$0x0] =	vst.idx.add.f32.msk $0xffff, v1  }
0x1f6: {  	v2 =	vld [tilespmem:$0x2770];
	_ =	sdelay $0x7  }
0x1f7: {  	[tilespmem:v2+s22+$0x0] =	vst.idx.add.f32.msk $0xffff, v1  }
0x1f8: {  	v2 =	vld [tilespmem:$0x2778];
	_ =	sdelay $0x7  }
0x1f9: {  	s21 =	simm.s32 $0x2760;
	[tilespmem:v2+s22+$0x0] =	vst.idx.add.f32.msk vm0, v1  }
0x1fa: {  	[spmem:s2] =	stream.indirect.scatter.add.f32 [tilespmem:s15], [sflag:$0x3], $0x80, s21, s3, $0xb8;
	[tilespmem:$0x1D800] =	vst v63  }
0x1fb: {  	_ =	swait.ge [sflag:s23], $0x1400  }
0x1fc: {  	[sflag:s23] =	ssyncset.done $0x0  }
0x1fd: {  	s28 =	simm.s32 $0x4;
	[sflag:s23] =	ssyncadd.s32 $0xFFFFEC00  }
0x1fe: {  	_ =	swait.ge [sflag:s28], $0x1400  }
0x1ff: {  	[sflag:s28] =	ssyncset.done $0x0  }
0x200: {  	[sflag:s28] =	ssyncadd.s32 $0xFFFFEC00  }
0x201: {  	[bflag:$0x0] =	sbarrier.arrive $0xFFFF  }
0x202: {  	s29 =	rddreg [dreg:$0xa]  }
0x203: {  	[hbm:s29], [sflag:s30] =	dma.local [spmem:s13], $0x2700  }
0x204: {  	_ =	swait.ge [sflag:s0], $0x2700  }
0x205: {  	[sflag:s0] =	ssyncset.done $0x0  }
0x206: {  	s4 =	rddreg [dreg:$0x11];
	[sflag:s0] =	ssyncadd.s32 $0xFFFFD900  }
0x207: {  	[hbm:s4], [sflag:s30] =	dma.local @!p1 [spmem:s12], $0x100  }
0x208: {  	s4 =	simm.s32 @!p1 $0x5  }
0x209: {  	_ =	swait.ge @!p1 [sflag:s4], $0x100  }
0x20a: {  	[sflag:s4] =	ssyncset.done @!p1 $0x0  }
0x20b: {  	s31 =	simm.s32 $0x0;
	s11 =	rddreg [dreg:$0xb];
	[sflag:s4] =	ssyncadd.s32 @!p1 $0xFFFFFF00  }
0x20c: {  	[hbm4b:s11+s31] =	stream.linear.scatter [tilespmem:s22], [sflag:$0x5], $0x2710, $0x38;
	[tilespmem:$0x1D800] =	vst v63  }
0x20d: {  	_ =	swait.ge [sflag:s0], $0x2710  }
0x20e: {  	[sflag:s0] =	ssyncset.done $0x0  }
0x20f: {  	[sflag:s0] =	ssyncadd.s32 $0xFFFFD8F0  }
0x210: {  	[bflag:$0x0] =	sbarrier.arrive $0xFFFF  }
0x211: {  	s11 =	rddreg [dreg:$0x4]  }
0x212: {  	[spmem:s13], [sflag:s30] =	dma.local [hbm:s11], $0x2700  }
0x213: {  	_ =	swait.ge [sflag:s0], $0x2700  }
0x214: {  	[sflag:s0] =	ssyncset.done $0x0;
	s4 =	rddreg [dreg:$0x15]  }
0x215: {  	[sflag:s0] =	ssyncadd.s32 $0xFFFFD900;
	s4 =	sshrl.u32 @p2 s4, $0x3  }
0x216: {  	[spmem:s4], [sflag:s30] =	dma.local @p2 [hbm:s11], $0x100  }
0x217: {  	s4 =	simm.s32 @p2 $0x5  }
0x218: {  	_ =	swait.ge @p2 [sflag:s4], $0x100  }
0x219: {  	[sflag:s4] =	ssyncset.done @p2 $0x0  }
0x21a: {  	s11 =	simm.s32 $0x0;
	[sflag:s4] =	ssyncadd.s32 @p2 $0xFFFFFF00;
	s4 =	simm.s32 $0x40  }
.LBB2_13:
0x21b: {  	p3 =	sne.s32 s4, $0x9C00;
	[tilespmem:s11+$0x7800] =	vst v0;
	s11 =	smov.u32 s4;
	s4 =	sadd.s32 $0x40, s4  }
.Ltmp8:
0x21c: {  	(pc) =	sbr.rel @p3 .LBB2_13-.Ltmp8, $2  }
0x21d: {  	_ =	sdelay $0x2  }
0x21e: {  	s11 =	sshra.s32 s11, $0x2  }
0x21f: {  	[tilespmem:s11+$0x7800] =	vst v0  }
0x220: {  	[bflag:$0x0] =	sbarrier.arrive $0xFFFF  }
0x221: {  	s14 =	simm.s32 $0x0;
	s4 =	rddreg [dreg:$0xc]  }
0x222: {  	[tilespmem:s14], [sflag:$0x5] =	stream.linear.gather [hbm4b:s4+s14], $0x1388, $0x38;
	[tilespmem:$0x1D800] =	vst v63  }
0x223: {  	_ =	swait.ge [sflag:s0], $0x1388  }
0x224: {  	[sflag:s0] =	ssyncset.done $0x0  }
0x225: {  	s31 =	simm.s32 $0x1400;
	s29 =	rddreg [dreg:$0xe];
	[sflag:s0] =	ssyncadd.s32 $0xFFFFEC78  }
0x226: {  	[tilespmem:s31], [sflag:$0x5] =	stream.linear.gather [hbm4b:s29+s14], $0x1388, $0x38;
	[tilespmem:$0x1D800] =	vst v63  }
0x227: {  	_ =	swait.ge [sflag:s0], $0x1388  }
0x228: {  	[sflag:s0] =	ssyncset.done $0x0  }
0x229: {  	[sflag:s0] =	ssyncadd.s32 $0xFFFFEC78  }
0x22a: {  	[tilespmem:s15], [sflag:$0x1] =	stream.indirect.gather [hbm4b:s8+s3], $0x80, s14, s3, $0xb8;
	[tilespmem:$0x1D800] =	vst v63  }
0x22b: {  	_ = 	snop  }
0x22c: {  	[tilespmem:s16], [sflag:$0x1] =	stream.indirect.gather [hbm4b:s10+s3], $0x80, s31, s3, $0xb8;
	[tilespmem:$0x1D800] =	vst v63  }
.LBB2_15:
0x22d: {  	p3 =	seq.s32 s14, $0x0  }
0x22e: {  	s4 =	simm.s32 @!p3 $0x4  }
0x22f: {  	s19 =	smul.u32 $0x50, s14;
	_ =	swait.ge @!p3 [sflag:s4], $0x1400  }
0x230: {  	[sflag:s4] =	ssyncset.done @!p3 $0x0  }
0x231: {  	s29 =	sadd.s32 $0x28, s19;
	[sflag:s4] =	ssyncadd.s32 @!p3 $0xFFFFEC00  }
0x232: {  	[tilespmem:s17], [sflag:$0x2] =	stream.indirect.gather [hbm4b:s8+s3], $0x80, s29, s3, $0xb8;
	[tilespmem:$0x1D800] =	vst v63  }
0x233: {  	s21 =	sadd.s32 $0x1428, s19  }
0x234: {  	[tilespmem:s18], [sflag:$0x2] =	stream.indirect.gather [hbm4b:s10+s3], $0x80, s21, s3, $0xb8;
	[tilespmem:$0x1D800] =	vst v63  }
0x235: {  	_ =	swait.ge [sflag:s20], $0x1400  }
0x236: {  	[sflag:s20] =	ssyncset.done $0x0  }
0x237: {  	[sflag:s20] =	ssyncadd.s32 $0xFFFFEC00  }
0x238: {  	_ =	swait.ge [sflag:s20], $0x1400  }
0x239: {  	[sflag:s20] =	ssyncset.done $0x0  }
0x23a: {  	s31 =	simm.s32 $0x0;
	[sflag:s20] =	ssyncadd.s32 $0xFFFFEC00  }
0x23b: {  	v2 =	vld [tilespmem:s31+$0x5020]  }
0x23c: {  	v3 =	vld [tilespmem:s31+$0x5040]  }
0x23d: {  	v6 =	vld [tilespmem:s31+$0x5060]  }
0x23e: {  	v7 =	vld [tilespmem:s31+$0x5070]  }
0x23f: {  	v4 =	vld [tilespmem:s31+$0x5050]  }
0x240: {  	v5 =	vld [tilespmem:s31+$0x2850]  }
0x241: {  	v8 =	vld [tilespmem:s31+$0x2840]  }
0x242: {  	v9 =	vld [tilespmem:s31+$0x2870]  }
0x243: {  	v10 =	vld [tilespmem:s31+$0x2860]  }
0x244: {  	v11 =	vld [tilespmem:s31+$0x2820]  }
0x245: {  	v4 =	vadd.f32 v4, v5  }
0x246: {  	v5 =	vadd.f32 v3, v8  }
0x247: {  	v8 =	vadd.f32 v7, v9;
	v9 =	vld [tilespmem:s31+$0x5030];
	v3 =	vsub.f32 $0.0e+00, v4  }
0x248: {  	v7 =	vadd.f32 v6, v10;
	v6 =	vld [tilespmem:s31+$0x2830];
	v14 =	vsub.f32 $0.0e+00, v5  }
0x249: {  	v12 =	vld [tilespmem:s31+$0x5010];
	v10 =	vmul.f32 $1.442695020e+00, v3;
	v3 =	vadd.f32 v2, v11;
	v2 =	vsub.f32 $0.0e+00, v8  }
0x24a: {  	v13 =	vld [tilespmem:s31+$0x5000];
	v15 =	vsub.f32 $0.0e+00, v7;
	v14 =	vmul.f32 $1.442695020e+00, v14  }
0x24b: {  	v11 =	vld [tilespmem:s31+$0x2810];
	(erf) = vpow2.f32 v10;
	v10 =	vsub.f32 $0.0e+00, v3;
	v2 =	vmul.f32 $1.442695020e+00, v2  }
0x24c: {  	v16 =	vld [tilespmem:s31+$0x2800];
	(erf) = vpow2.f32 v14;
	v14 =	vmul.f32 $1.442695020e+00, v15  }
0x24d: {  	v9 =	vadd.f32 v9, v6;
	v10 =	vmul.f32 $1.442695020e+00, v10;
	(erf) = vpow2.f32 v2  }
0x24e: {  	(erf) = vpow2.f32 v14  }
0x24f: {  	(erf) = vpow2.f32 v10;
	v10 =	vsub.f32 $0.0e+00, v9  }
0x250: {  	v6 =	vadd.f32 v12, v11  }
0x251: {  	v2 =	vadd.f32 v13, v16;
	v10 =	vmul.f32 $1.442695020e+00, v10  }
0x252: {  	v11 =	vsub.f32 $0.0e+00, v6  }
0x253: {  	v12 =	vsub.f32 $0.0e+00, v2  }
0x254: {  	v11 =	vmul.f32 $1.442695020e+00, v11  }
0x255: {  	v12 =	vmul.f32 $1.442695020e+00, v12;
	(erf) = vpow2.f32 v10;
	v10 =	vpop (erf)  }
0x256: {  	(erf) = vpow2.f32 v11;
	v10 =	vadd.f32 $1.000000000e+00, v10  }
0x257: {  	(erf) = vpow2.f32 v12  }
0x258: {  	v11 =	vpop (erf);
	(erf) = vrcp.f32 v10  }
0x259: {  	v11 =	vadd.f32 $1.000000000e+00, v11  }
0x25a: {  	v12 =	vpop (erf)  }
0x25b: {  	(erf) = vrcp.f32 v11;
	v10 =	vpop (erf)  }
0x25c: {  	s28 =	simm.s32 $0x200;
	s4 =	simm.s32 $0x400;
	v11 =	vadd.f32 $1.000000000e+00, v12;
	v10 =	vadd.f32 $1.000000000e+00, v10;
	v12 =	vpop (erf)  }
.LBB2_16:
0x25d: {  	p3 =	sne.s32 s4, $0x4E00  }
0x25e: {  	s11 =	sshra.s32 s28, $0x2;
	v12 =	vadd.f32 $1.000000000e+00, v12;
	v13 =	vpop (erf);
	(erf) = vrcp.f32 v11;
	s28 =	smov.u32 s4;
	s4 =	sadd.s32 $0x200, s4  }
0x25f: {  	v11 =	vld [tilespmem:s11+$0x5020];
	v16 =	vadd.f32 $1.000000000e+00, v13;
	v14 =	vpop (erf);
	(erf) = vrcp.f32 v10  }
0x260: {  	v10 =	vld [tilespmem:s11+$0x5040];
	v14 =	vadd.f32 $1.000000000e+00, v14;
	v15 =	vpop (erf);
	(erf) = vrcp.f32 v12  }
0x261: {  	v12 =	vld [tilespmem:s11+$0x5060];
	v15 =	vadd.f32 $1.000000000e+00, v15;
	(erf) = vrcp.f32 v16;
	v13 =	vpop (erf)  }
0x262: {  	v16 =	vld [tilespmem:s11+$0x5070];
	v17 =	vmul.f32 v13, v4;
	(erf) = vrcp.f32 v14  }
0x263: {  	v13 =	vld [tilespmem:s11+$0x5050];
	(erf) = vrcp.f32 v15  }
0x264: {  	v14 =	vld [tilespmem:s11+$0x5010];
	[tilespmem:s31+$0x2850] =	vst v17;
	v4 =	vpop (erf)  }
0x265: {  	v15 =	vld [tilespmem:s11+$0x2850];
	v5 =	vmul.f32 v4, v5;
	_ =	sdelay $0x1  }
0x266: {  	[tilespmem:s31+$0x2840] =	vst v5;
	v4 =	vpop (erf)  }
0x267: {  	v5 =	vld [tilespmem:s11+$0x2840];
	v20 =	vmul.f32 v4, v8;
	v4 =	vpop (erf)  }
0x268: {  	v17 =	vld [tilespmem:s11+$0x5000];
	v21 =	vmul.f32 v4, v7;
	v18 =	vpop (erf)  }
0x269: {  	v19 =	vld [tilespmem:s11+$0x5030];
	v4 =	vadd.f32 v13, v15;
	v18 =	vmul.f32 v18, v3;
	[tilespmem:s31+$0x2870] =	vst v20;
	v8 =	vpop (erf)  }
0x26a: {  	v13 =	vld [tilespmem:s11+$0x2870];
	v8 =	vmul.f32 v8, v9;
	[tilespmem:s31+$0x2860] =	vst v21;
	v7 =	vpop (erf)  }
0x26b: {  	v9 =	vsub.f32 $0.0e+00, v4;
	v15 =	vld [tilespmem:s11+$0x2860];
	v6 =	vmul.f32 v7, v6;
	[tilespmem:s31+$0x2820] =	vst v18;
	v3 =	vpop (erf)  }
0x26c: {  	v18 =	vld [tilespmem:s11+$0x2820];
	v5 =	vadd.f32 v10, v5;
	v2 =	vmul.f32 v3, v2;
	[tilespmem:s31+$0x2830] =	vst v8  }
0x26d: {  	v10 =	vld [tilespmem:s11+$0x2830];
	v3 =	vmul.f32 $1.442695020e+00, v9;
	[tilespmem:s31+$0x2810] =	vst v6  }
0x26e: {  	v6 =	vld [tilespmem:s11+$0x2810];
	v7 =	vsub.f32 $0.0e+00, v5;
	[tilespmem:s31+$0x2800] =	vst v2;
	s31 =	smov.u32 s11  }
0x26f: {  	v2 =	vld [tilespmem:s31+$0x2800];
	v8 =	vadd.f32 v16, v13;
	(erf) = vpow2.f32 v3  }
0x270: {  	v13 =	vmul.f32 $1.442695020e+00, v7;
	v7 =	vadd.f32 v12, v15  }
0x271: {  	v3 =	vadd.f32 v11, v18;
	v11 =	vsub.f32 $0.0e+00, v8  }
0x272: {  	v9 =	vadd.f32 v19, v10;
	v10 =	vsub.f32 $0.0e+00, v7;
	(erf) = vpow2.f32 v13  }
0x273: {  	v6 =	vadd.f32 v14, v6;
	v12 =	vsub.f32 $0.0e+00, v3;
	v11 =	vmul.f32 $1.442695020e+00, v11  }
0x274: {  	v2 =	vadd.f32 v17, v2;
	v13 =	vsub.f32 $0.0e+00, v9;
	v10 =	vmul.f32 $1.442695020e+00, v10  }
0x275: {  	v14 =	vsub.f32 $0.0e+00, v6;
	v15 =	vmul.f32 $1.442695020e+00, v12;
	(erf) = vpow2.f32 v11  }
0x276: {  	v11 =	vsub.f32 $0.0e+00, v2;
	v13 =	vmul.f32 $1.442695020e+00, v13;
	(erf) = vpow2.f32 v10  }
0x277: {  	v10 =	vmul.f32 $1.442695020e+00, v14;
	(erf) = vpow2.f32 v15  }
0x278: {  	v11 =	vmul.f32 $1.442695020e+00, v11;
	(erf) = vpow2.f32 v13;
	v12 =	vpop (erf)  }
0x279: {  	v12 =	vadd.f32 $1.000000000e+00, v12;
	(erf) = vpow2.f32 v10  }
0x27a: {  	(erf) = vpow2.f32 v11  }
0x27b: {  	v10 =	vpop (erf);
	(erf) = vrcp.f32 v12  }
.Ltmp9:
0x27c: {  	v11 =	vadd.f32 $1.000000000e+00, v10;
	(pc) =	sbr.rel @p3 .LBB2_16-.Ltmp9, $4  }
0x27d: {  	_ = 	snop  }
0x27e: {  	(erf) = vrcp.f32 v11;
	v10 =	vpop (erf)  }
0x27f: {  	v11 =	vadd.f32 $1.000000000e+00, v10;
	v10 =	vpop (erf)  }
0x280: {  	v10 =	vadd.f32 $1.000000000e+00, v10;
	v12 =	vpop (erf)  }
0x281: {  	_ = 	snop  }
0x282: {  	s4 =	sshra.s32 s28, $0x2;
	v13 =	vpop (erf)  }
0x283: {  	(erf) = vrcp.f32 v11;
	v11 =	vld [tilespmem:s4+$0x5020];
	v14 =	vpop (erf)  }
0x284: {  	v15 =	vld [tilespmem:s4+$0x5040];
	(erf) = vrcp.f32 v10;
	v10 =	vpop (erf)  }
0x285: {  	v16 =	vld [tilespmem:s4+$0x5060];
	v17 =	vpop (erf)  }
0x286: {  	v12 =	vadd.f32 $1.000000000e+00, v12;
	v18 =	vld [tilespmem:s4+$0x5070];
	v4 =	vmul.f32 v17, v4  }
0x287: {  	v62 =	vld [tilespmem:s4+$0x5010];
	v19 =	vpop (erf)  }
0x288: {  	(erf) = vrcp.f32 v12;
	v12 =	vld [tilespmem:s4+$0x5050];
	[tilespmem:s31+$0x2850] =	vst v4;
	v4 =	vmul.f32 v19, v5  }
0x289: {  	v13 =	vadd.f32 $1.000000000e+00, v13;
	_ =	sdelay $0x1  }
0x28a: {  	(erf) = vrcp.f32 v13;
	v13 =	vadd.f32 $1.000000000e+00, v14  }
0x28b: {  	v10 =	vadd.f32 $1.000000000e+00, v10;
	v5 =	vld [tilespmem:s4+$0x2850];
	[tilespmem:s31+$0x2840] =	vst v4;
	v4 =	vpop (erf)  }
0x28c: {  	(erf) = vrcp.f32 v13;
	v4 =	vmul.f32 v4, v8  }
0x28d: {  	(erf) = vrcp.f32 v10  }
0x28e: {  	v13 =	vld [tilespmem:s4+$0x2840]  }
0x28f: {  	v14 =	vld [tilespmem:s4+$0x5030];
	v10 =	vpop (erf)  }
0x290: {  	v8 =	vld [tilespmem:s4+$0x5000];
	[tilespmem:s31+$0x2870] =	vst v4;
	v4 =	vpop (erf)  }
0x291: {  	v3 =	vmul.f32 v4, v3  }
0x292: {  	v7 =	vmul.f32 v10, v7  }
0x293: {  	v4 =	vpop (erf)  }
0x294: {  	v10 =	vld [tilespmem:s4+$0x2870];
	[tilespmem:s31+$0x2860] =	vst v7;
	v4 =	vmul.f32 v4, v9  }
0x295: {  	v7 =	vld [tilespmem:s4+$0x2860];
	[tilespmem:s31+$0x2820] =	vst v3;
	v3 =	vpop (erf)  }
0x296: {  	v9 =	vld [tilespmem:s4+$0x2820];
	[tilespmem:s31+$0x2830] =	vst v4;
	v4 =	vadd.f32 v12, v5;
	v3 =	vmul.f32 v3, v6;
	v5 =	vpop (erf)  }
0x297: {  	v2 =	vmul.f32 v5, v2  }
0x298: {  	v12 =	vadd.f32 v15, v13;
	v6 =	vld [tilespmem:s4+$0x2830];
	[tilespmem:s31+$0x2810] =	vst v3;
	v3 =	vsub.f32 $0.0e+00, v4  }
0x299: {  	v5 =	vld [tilespmem:s4+$0x2810];
	[tilespmem:s31+$0x2800] =	vst v2  }
0x29a: {  	v13 =	vsub.f32 $0.0e+00, v12;
	v2 =	vmul.f32 $1.442695020e+00, v3;
	v3 =	vld [tilespmem:s4+$0x2800]  }
0x29b: {  	v10 =	vadd.f32 v18, v10  }
0x29c: {  	v7 =	vadd.f32 v16, v7;
	v13 =	vmul.f32 $1.442695020e+00, v13  }
0x29d: {  	(erf) = vpow2.f32 v2;
	v2 =	vadd.f32 v11, v9;
	v9 =	vsub.f32 $0.0e+00, v10  }
0x29e: {  	v6 =	vadd.f32 v14, v6;
	v11 =	vsub.f32 $0.0e+00, v7;
	(erf) = vpow2.f32 v13  }
0x29f: {  	v13 =	vsub.f32 $0.0e+00, v2;
	v9 =	vmul.f32 $1.442695020e+00, v9;
	v3 =	vadd.f32 v8, v3  }
0x2a0: {  	v5 =	vadd.f32 v62, v5;
	v11 =	vmul.f32 $1.442695020e+00, v11;
	v8 =	vsub.f32 $0.0e+00, v6  }
0x2a1: {  	v13 =	vmul.f32 $1.442695020e+00, v13;
	(erf) = vpow2.f32 v9;
	v9 =	vsub.f32 $0.0e+00, v3  }
0x2a2: {  	v14 =	vsub.f32 $0.0e+00, v5;
	v8 =	vmul.f32 $1.442695020e+00, v8;
	(erf) = vpow2.f32 v11  }
0x2a3: {  	(erf) = vpow2.f32 v13;
	v9 =	vmul.f32 $1.442695020e+00, v9  }
0x2a4: {  	v11 =	vmul.f32 $1.442695020e+00, v14;
	(erf) = vpow2.f32 v8;
	_ =	sdelay $0x1  }
0x2a5: {  	(erf) = vpow2.f32 v11;
	v8 =	vpop (erf)  }
0x2a6: {  	(erf) = vpow2.f32 v9;
	v8 =	vadd.f32 $1.000000000e+00, v8;
	v9 =	vpop (erf)  }
0x2a7: {  	v9 =	vadd.f32 $1.000000000e+00, v9  }
0x2a8: {  	(erf) = vrcp.f32 v8  }
0x2a9: {  	v11 =	vpop (erf);
	(erf) = vrcp.f32 v9  }
0x2aa: {  	v8 =	vadd.f32 $1.000000000e+00, v11;
	v11 =	vpop (erf)  }
0x2ab: {  	v9 =	vadd.f32 $1.000000000e+00, v11;
	v11 =	vpop (erf)  }
0x2ac: {  	v11 =	vadd.f32 $1.000000000e+00, v11;
	v13 =	vpop (erf);
	(erf) = vrcp.f32 v8  }
0x2ad: {  	v8 =	vadd.f32 $1.000000000e+00, v13;
	(erf) = vrcp.f32 v9  }
0x2ae: {  	(erf) = vrcp.f32 v11  }
0x2af: {  	v13 =	vpop (erf)  }
0x2b0: {  	v9 =	vadd.f32 $1.000000000e+00, v13;
	v13 =	vpop (erf)  }
0x2b1: {  	v11 =	vadd.f32 $1.000000000e+00, v13;
	(erf) = vrcp.f32 v8;
	v8 =	vpop (erf)  }
0x2b2: {  	(erf) = vrcp.f32 v9;
	v4 =	vmul.f32 v8, v4;
	v8 =	vpop (erf)  }
0x2b3: {  	(erf) = vrcp.f32 v11;
	v8 =	vmul.f32 v8, v12;
	_ =	sdelay $0x1  }
0x2b4: {  	v9 =	vpop (erf)  }
0x2b5: {  	[tilespmem:s4+$0x2850] =	vst v4;
	v4 =	vmul.f32 v9, v10;
	v9 =	vpop (erf)  }
0x2b6: {  	[tilespmem:s4+$0x2840] =	vst v8;
	v8 =	vpop (erf)  }
0x2b7: {  	v2 =	vmul.f32 v8, v2  }
0x2b8: {  	v7 =	vmul.f32 v9, v7  }
0x2b9: {  	[tilespmem:s4+$0x2870] =	vst v4;
	v4 =	vpop (erf)  }
0x2ba: {  	[tilespmem:s4+$0x2860] =	vst v7;
	v4 =	vmul.f32 v4, v6;
	v6 =	vpop (erf)  }
0x2bb: {  	[tilespmem:s4+$0x2820] =	vst v2;
	v5 =	vmul.f32 v6, v5;
	v2 =	vpop (erf)  }
0x2bc: {  	[tilespmem:s4+$0x2830] =	vst v4;
	v2 =	vmul.f32 v2, v3  }
0x2bd: {  	[tilespmem:s4+$0x2810] =	vst v5  }
0x2be: {  	[tilespmem:s4+$0x2800] =	vst v2  }
0x2bf: {  	v2 =	vld [tilespmem:s19+$0x1400];
	_ =	sdelay $0x7  }
0x2c0: {  	[tilespmem:v2+s22+$0x0] =	vst.idx.add.f32.msk $0xffff, v1  }
0x2c1: {  	v2 =	vld [tilespmem:s19+$0x1410];
	_ =	sdelay $0x7  }
0x2c2: {  	[tilespmem:v2+s22+$0x0] =	vst.idx.add.f32.msk $0xffff, v1  }
0x2c3: {  	v2 =	vld [tilespmem:s19+$0x1418];
	_ =	sdelay $0x7  }
0x2c4: {  	s11 =	sadd.s32 $0x1400, s19;
	[tilespmem:v2+s22+$0x0] =	vst.idx.add.f32.msk vm0, v1  }
0x2c5: {  	[spmem:s2] =	stream.indirect.scatter.add.f32 [tilespmem:s15], [sflag:$0x3], $0x80, s11, s3, $0xb8;
	[tilespmem:$0x1D800] =	vst v63  }
0x2c6: {  	_ =	swait.ge [sflag:s23], $0x1400  }
0x2c7: {  	[sflag:s23] =	ssyncset.done $0x0  }
0x2c8: {  	s11 =	sadd.s32 $0x50, s19;
	[sflag:s23] =	ssyncadd.s32 $0xFFFFEC00  }
0x2c9: {  	[tilespmem:s15], [sflag:$0x1] =	stream.indirect.gather [hbm4b:s8+s3], $0x80, s11, s3, $0xb8;
	[tilespmem:$0x1D800] =	vst v63  }
0x2ca: {  	s11 =	sadd.s32 $0x1450, s19  }
0x2cb: {  	[tilespmem:s16], [sflag:$0x1] =	stream.indirect.gather [hbm4b:s10+s3], $0x80, s11, s3, $0xb8;
	[tilespmem:$0x1D800] =	vst v63  }
0x2cc: {  	_ =	swait.ge [sflag:s25], $0x1400  }
0x2cd: {  	[sflag:s25] =	ssyncset.done $0x0  }
0x2ce: {  	[sflag:s25] =	ssyncadd.s32 $0xFFFFEC00  }
0x2cf: {  	_ =	swait.ge [sflag:s25], $0x1400  }
0x2d0: {  	[sflag:s25] =	ssyncset.done $0x0  }
0x2d1: {  	s31 =	simm.s32 $0x0;
	[sflag:s25] =	ssyncadd.s32 $0xFFFFEC00  }
0x2d2: {  	v2 =	vld [tilespmem:s31+$0x6420]  }
0x2d3: {  	v3 =	vld [tilespmem:s31+$0x6440]  }
0x2d4: {  	v6 =	vld [tilespmem:s31+$0x6460]  }
0x2d5: {  	v7 =	vld [tilespmem:s31+$0x6470]  }
0x2d6: {  	v4 =	vld [tilespmem:s31+$0x6450]  }
0x2d7: {  	v5 =	vld [tilespmem:s31+$0x3C50]  }
0x2d8: {  	v8 =	vld [tilespmem:s31+$0x3C40]  }
0x2d9: {  	v9 =	vld [tilespmem:s31+$0x3C70]  }
0x2da: {  	v10 =	vld [tilespmem:s31+$0x3C60]  }
0x2db: {  	v11 =	vld [tilespmem:s31+$0x3C20]  }
0x2dc: {  	v4 =	vadd.f32 v4, v5  }
0x2dd: {  	v5 =	vadd.f32 v3, v8  }
0x2de: {  	v8 =	vadd.f32 v7, v9;
	v9 =	vld [tilespmem:s31+$0x6430];
	v3 =	vsub.f32 $0.0e+00, v4  }
0x2df: {  	v7 =	vadd.f32 v6, v10;
	v6 =	vld [tilespmem:s31+$0x3C30];
	v14 =	vsub.f32 $0.0e+00, v5  }
0x2e0: {  	v12 =	vld [tilespmem:s31+$0x6410];
	v10 =	vmul.f32 $1.442695020e+00, v3;
	v3 =	vadd.f32 v2, v11;
	v2 =	vsub.f32 $0.0e+00, v8  }
0x2e1: {  	v15 =	vsub.f32 $0.0e+00, v7;
	v11 =	vld [tilespmem:s31+$0x3C10];
	v14 =	vmul.f32 $1.442695020e+00, v14  }
0x2e2: {  	v13 =	vld [tilespmem:s31+$0x6400];
	(erf) = vpow2.f32 v10;
	v10 =	vsub.f32 $0.0e+00, v3;
	v2 =	vmul.f32 $1.442695020e+00, v2  }
0x2e3: {  	v63 =	vld [tilespmem:s31+$0x3C00];
	(erf) = vpow2.f32 v14;
	v14 =	vmul.f32 $1.442695020e+00, v15  }
0x2e4: {  	v9 =	vadd.f32 v9, v6;
	v10 =	vmul.f32 $1.442695020e+00, v10;
	(erf) = vpow2.f32 v2  }
0x2e5: {  	(erf) = vpow2.f32 v14  }
0x2e6: {  	v6 =	vadd.f32 v12, v11;
	(erf) = vpow2.f32 v10;
	v10 =	vsub.f32 $0.0e+00, v9;
	_ =	sdelay $0x1  }
0x2e7: {  	v2 =	vadd.f32 v13, v63;
	v11 =	vsub.f32 $0.0e+00, v6;
	v10 =	vmul.f32 $1.442695020e+00, v10;
	_ =	sdelay $0x1  }
0x2e8: {  	v12 =	vsub.f32 $0.0e+00, v2;
	v11 =	vmul.f32 $1.442695020e+00, v11;
	_ =	sdelay $0x1  }
0x2e9: {  	v12 =	vmul.f32 $1.442695020e+00, v12;
	(erf) = vpow2.f32 v10;
	v10 =	vpop (erf)  }
0x2ea: {  	(erf) = vpow2.f32 v11;
	v10 =	vadd.f32 $1.000000000e+00, v10  }
0x2eb: {  	v11 =	vpop (erf);
	(erf) = vpow2.f32 v12  }
0x2ec: {  	(erf) = vrcp.f32 v10  }
0x2ed: {  	v11 =	vadd.f32 $1.000000000e+00, v11  }
0x2ee: {  	v12 =	vpop (erf)  }
0x2ef: {  	(erf) = vrcp.f32 v11;
	v10 =	vpop (erf)  }
0x2f0: {  	s28 =	simm.s32 $0x200;
	s4 =	simm.s32 $0x400;
	v11 =	vadd.f32 $1.000000000e+00, v12;
	v10 =	vadd.f32 $1.000000000e+00, v10;
	v12 =	vpop (erf)  }
.LBB2_18:
0x2f1: {  	p3 =	sne.s32 s4, $0x4E00  }
0x2f2: {  	s11 =	sshra.s32 s28, $0x2;
	v12 =	vadd.f32 $1.000000000e+00, v12;
	v13 =	vpop (erf);
	(erf) = vrcp.f32 v11;
	s28 =	smov.u32 s4;
	s4 =	sadd.s32 $0x200, s4  }
0x2f3: {  	v11 =	vld [tilespmem:s11+$0x6420];
	v16 =	vadd.f32 $1.000000000e+00, v13;
	v14 =	vpop (erf);
	(erf) = vrcp.f32 v10  }
0x2f4: {  	v10 =	vld [tilespmem:s11+$0x6440];
	v14 =	vadd.f32 $1.000000000e+00, v14;
	v15 =	vpop (erf);
	(erf) = vrcp.f32 v12  }
0x2f5: {  	v12 =	vld [tilespmem:s11+$0x6460];
	v15 =	vadd.f32 $1.000000000e+00, v15;
	(erf) = vrcp.f32 v16;
	v13 =	vpop (erf)  }
0x2f6: {  	v16 =	vld [tilespmem:s11+$0x6470];
	v17 =	vmul.f32 v13, v4;
	(erf) = vrcp.f32 v14  }
0x2f7: {  	v13 =	vld [tilespmem:s11+$0x6450];
	(erf) = vrcp.f32 v15  }
0x2f8: {  	v14 =	vld [tilespmem:s11+$0x6410];
	[tilespmem:s31+$0x3C50] =	vst v17;
	v4 =	vpop (erf)  }
0x2f9: {  	v15 =	vld [tilespmem:s11+$0x3C50];
	v5 =	vmul.f32 v4, v5;
	_ =	sdelay $0x1  }
0x2fa: {  	[tilespmem:s31+$0x3C40] =	vst v5;
	v4 =	vpop (erf)  }
0x2fb: {  	v5 =	vld [tilespmem:s11+$0x3C40];
	v20 =	vmul.f32 v4, v8;
	v4 =	vpop (erf)  }
0x2fc: {  	v17 =	vld [tilespmem:s11+$0x6400];
	v21 =	vmul.f32 v4, v7;
	v18 =	vpop (erf)  }
0x2fd: {  	v19 =	vld [tilespmem:s11+$0x6430];
	v4 =	vadd.f32 v13, v15;
	v18 =	vmul.f32 v18, v3;
	[tilespmem:s31+$0x3C70] =	vst v20;
	v8 =	vpop (erf)  }
0x2fe: {  	v13 =	vld [tilespmem:s11+$0x3C70];
	v8 =	vmul.f32 v8, v9;
	[tilespmem:s31+$0x3C60] =	vst v21;
	v7 =	vpop (erf)  }
0x2ff: {  	v9 =	vsub.f32 $0.0e+00, v4;
	v15 =	vld [tilespmem:s11+$0x3C60];
	v6 =	vmul.f32 v7, v6;
	[tilespmem:s31+$0x3C20] =	vst v18;
	v3 =	vpop (erf)  }
0x300: {  	v18 =	vld [tilespmem:s11+$0x3C20];
	v5 =	vadd.f32 v10, v5;
	v2 =	vmul.f32 v3, v2;
	[tilespmem:s31+$0x3C30] =	vst v8  }
0x301: {  	v10 =	vld [tilespmem:s11+$0x3C30];
	v3 =	vmul.f32 $1.442695020e+00, v9;
	[tilespmem:s31+$0x3C10] =	vst v6  }
0x302: {  	v6 =	vld [tilespmem:s11+$0x3C10];
	v7 =	vsub.f32 $0.0e+00, v5;
	[tilespmem:s31+$0x3C00] =	vst v2;
	s31 =	smov.u32 s11  }
0x303: {  	v2 =	vld [tilespmem:s31+$0x3C00];
	v8 =	vadd.f32 v16, v13;
	(erf) = vpow2.f32 v3  }
0x304: {  	v13 =	vmul.f32 $1.442695020e+00, v7;
	v7 =	vadd.f32 v12, v15  }
0x305: {  	v3 =	vadd.f32 v11, v18;
	v11 =	vsub.f32 $0.0e+00, v8  }
0x306: {  	v9 =	vadd.f32 v19, v10;
	v10 =	vsub.f32 $0.0e+00, v7;
	(erf) = vpow2.f32 v13  }
0x307: {  	v6 =	vadd.f32 v14, v6;
	v12 =	vsub.f32 $0.0e+00, v3;
	v11 =	vmul.f32 $1.442695020e+00, v11  }
0x308: {  	v2 =	vadd.f32 v17, v2;
	v13 =	vsub.f32 $0.0e+00, v9;
	v10 =	vmul.f32 $1.442695020e+00, v10  }
0x309: {  	v14 =	vsub.f32 $0.0e+00, v6;
	v15 =	vmul.f32 $1.442695020e+00, v12;
	(erf) = vpow2.f32 v11  }
0x30a: {  	v11 =	vsub.f32 $0.0e+00, v2;
	v13 =	vmul.f32 $1.442695020e+00, v13;
	(erf) = vpow2.f32 v10  }
0x30b: {  	v10 =	vmul.f32 $1.442695020e+00, v14;
	(erf) = vpow2.f32 v15  }
0x30c: {  	v11 =	vmul.f32 $1.442695020e+00, v11;
	(erf) = vpow2.f32 v13;
	v12 =	vpop (erf)  }
0x30d: {  	v12 =	vadd.f32 $1.000000000e+00, v12;
	(erf) = vpow2.f32 v10  }
0x30e: {  	(erf) = vpow2.f32 v11  }
0x30f: {  	v10 =	vpop (erf);
	(erf) = vrcp.f32 v12  }
.Ltmp10:
0x310: {  	v11 =	vadd.f32 $1.000000000e+00, v10;
	(pc) =	sbr.rel @p3 .LBB2_18-.Ltmp10, $4  }
0x311: {  	_ = 	snop  }
0x312: {  	(erf) = vrcp.f32 v11;
	v10 =	vpop (erf)  }
0x313: {  	v11 =	vadd.f32 $1.000000000e+00, v10;
	v10 =	vpop (erf)  }
0x314: {  	v10 =	vadd.f32 $1.000000000e+00, v10;
	v12 =	vpop (erf)  }
0x315: {  	v13 =	vpop (erf);
	(erf) = vrcp.f32 v11;
	v12 =	vadd.f32 $1.000000000e+00, v12  }
0x316: {  	v14 =	vpop (erf);
	(erf) = vrcp.f32 v10  }
0x317: {  	v60 =	vpop (erf);
	(erf) = vrcp.f32 v12;
	_ =	sdelay $0x1  }
0x318: {  	s4 =	sshra.s32 s28, $0x2;
	v13 =	vadd.f32 $1.000000000e+00, v13  }
0x319: {  	v59 =	vld [tilespmem:s4+$0x6420];
	v63 =	vadd.f32 $1.000000000e+00, v14  }
0x31a: {  	v15 =	vld [tilespmem:s4+$0x6440];
	(erf) = vrcp.f32 v13  }
0x31b: {  	v16 =	vld [tilespmem:s4+$0x6460];
	v17 =	vpop (erf);
	v10 =	vadd.f32 $1.000000000e+00, v60;
	(erf) = vrcp.f32 v63  }
0x31c: {  	v18 =	vld [tilespmem:s4+$0x6470];
	v4 =	vmul.f32 v17, v4;
	v19 =	vpop (erf)  }
0x31d: {  	v61 =	vld [tilespmem:s4+$0x6450];
	v20 =	vmul.f32 v19, v5;
	v22 =	vpop (erf);
	(erf) = vrcp.f32 v10  }
0x31e: {  	v62 =	vld [tilespmem:s4+$0x6410];
	[tilespmem:s31+$0x3C50] =	vst v4;
	v25 =	vpop (erf)  }
0x31f: {  	v21 =	vld [tilespmem:s4+$0x3C50];
	[tilespmem:s31+$0x3C40] =	vst v20;
	v27 =	vpop (erf)  }
0x320: {  	v23 =	vld [tilespmem:s4+$0x3C40];
	v4 =	vmul.f32 v22, v8;
	v3 =	vmul.f32 v27, v3  }
0x321: {  	v24 =	vld [tilespmem:s4+$0x6400];
	v7 =	vmul.f32 v25, v7  }
0x322: {  	v26 =	vld [tilespmem:s4+$0x6430];
	[tilespmem:s31+$0x3C70] =	vst v4  }
0x323: {  	v29 =	vpop (erf);
	v28 =	vld [tilespmem:s4+$0x3C70];
	[tilespmem:s31+$0x3C60] =	vst v7  }
0x324: {  	v4 =	vmul.f32 v29, v9;
	v7 =	vld [tilespmem:s4+$0x3C60];
	[tilespmem:s31+$0x3C20] =	vst v3;
	v3 =	vpop (erf)  }
0x325: {  	v31 =	vadd.f32 v61, v21;
	v3 =	vmul.f32 v3, v6  }
0x326: {  	v30 =	vld [tilespmem:s4+$0x3C20];
	[tilespmem:s31+$0x3C30] =	vst v4;
	v32 =	vpop (erf)  }
0x327: {  	v33 =	vld [tilespmem:s4+$0x3C30];
	v2 =	vmul.f32 v32, v2;
	[tilespmem:s31+$0x3C10] =	vst v3;
	v3 =	vsub.f32 $0.0e+00, v31  }
0x328: {  	v34 =	vadd.f32 v15, v23  }
0x329: {  	v10 =	vadd.f32 v18, v28;
	v35 =	vld [tilespmem:s4+$0x3C10];
	[tilespmem:s31+$0x3C00] =	vst v2;
	v2 =	vmul.f32 $1.442695020e+00, v3  }
0x32a: {  	v13 =	vsub.f32 $0.0e+00, v34;
	v7 =	vadd.f32 v16, v7  }
0x32b: {  	v36 =	vsub.f32 $0.0e+00, v10;
	v3 =	vld [tilespmem:s4+$0x3C00];
	(erf) = vpow2.f32 v2;
	v2 =	vadd.f32 v59, v30  }
0x32c: {  	v13 =	vmul.f32 $1.442695020e+00, v13;
	v37 =	vsub.f32 $0.0e+00, v7  }
0x32d: {  	v9 =	vmul.f32 $1.442695020e+00, v36;
	v38 =	vsub.f32 $0.0e+00, v2  }
0x32e: {  	v6 =	vadd.f32 v26, v33;
	v11 =	vmul.f32 $1.442695020e+00, v37;
	(erf) = vpow2.f32 v13  }
0x32f: {  	v5 =	vadd.f32 v62, v35;
	(erf) = vpow2.f32 v9;
	v13 =	vmul.f32 $1.442695020e+00, v38  }
0x330: {  	v39 =	vsub.f32 $0.0e+00, v6;
	(erf) = vpow2.f32 v11;
	v3 =	vadd.f32 v24, v3  }
0x331: {  	v40 =	vsub.f32 $0.0e+00, v5;
	(erf) = vpow2.f32 v13  }
0x332: {  	v8 =	vmul.f32 $1.442695020e+00, v39;
	v41 =	vsub.f32 $0.0e+00, v3  }
0x333: {  	v42 =	vmul.f32 $1.442695020e+00, v40  }
0x334: {  	(erf) = vpow2.f32 v8;
	v9 =	vmul.f32 $1.442695020e+00, v41  }
0x335: {  	(erf) = vpow2.f32 v42  }
0x336: {  	v43 =	vpop (erf);
	(erf) = vpow2.f32 v9  }
0x337: {  	v8 =	vadd.f32 $1.000000000e+00, v43;
	v44 =	vpop (erf)  }
0x338: {  	v9 =	vadd.f32 $1.000000000e+00, v44;
	v45 =	vpop (erf)  }
0x339: {  	(erf) = vrcp.f32 v8;
	v46 =	vadd.f32 $1.000000000e+00, v45;
	v47 =	vpop (erf)  }
0x33a: {  	(erf) = vrcp.f32 v9;
	v48 =	vadd.f32 $1.000000000e+00, v47;
	v49 =	vpop (erf)  }
0x33b: {  	(erf) = vrcp.f32 v46;
	v11 =	vadd.f32 $1.000000000e+00, v49  }
0x33c: {  	(erf) = vrcp.f32 v48  }
0x33d: {  	v50 =	vpop (erf);
	(erf) = vrcp.f32 v11  }
0x33e: {  	v51 =	vadd.f32 $1.000000000e+00, v50;
	v52 =	vpop (erf)  }
0x33f: {  	v53 =	vadd.f32 $1.000000000e+00, v52;
	v54 =	vpop (erf)  }
0x340: {  	(erf) = vrcp.f32 v51;
	v55 =	vadd.f32 $1.000000000e+00, v54  }
0x341: {  	(erf) = vrcp.f32 v53  }
0x342: {  	v56 =	vpop (erf);
	(erf) = vrcp.f32 v55  }
0x343: {  	v57 =	vpop (erf)  }
0x344: {  	v58 =	vpop (erf)  }
0x345: {  	v4 =	vmul.f32 v56, v31;
	v60 =	vpop (erf)  }
0x346: {  	v8 =	vmul.f32 v57, v34;
	v61 =	vpop (erf)  }
0x347: {  	[tilespmem:s4+$0x3C50] =	vst v4;
	v59 =	vmul.f32 v58, v10;
	v2 =	vmul.f32 v61, v2  }
0x348: {  	[tilespmem:s4+$0x3C40] =	vst v8;
	v7 =	vmul.f32 v60, v7  }
0x349: {  	[tilespmem:s4+$0x3C70] =	vst v59;
	v62 =	vpop (erf)  }
0x34a: {  	[tilespmem:s4+$0x3C60] =	vst v7;
	v4 =	vmul.f32 v62, v6;
	v63 =	vpop (erf)  }
0x34b: {  	v5 =	vmul.f32 v63, v5;
	[tilespmem:s4+$0x3C20] =	vst v2;
	v2 =	vpop (erf)  }
0x34c: {  	[tilespmem:s4+$0x3C30] =	vst v4;
	v2 =	vmul.f32 v2, v3  }
0x34d: {  	[tilespmem:s4+$0x3C10] =	vst v5  }
0x34e: {  	[tilespmem:s4+$0x3C00] =	vst v2  }
0x34f: {  	v2 =	vld [tilespmem:s29+$0x1400];
	_ =	sdelay $0x7  }
0x350: {  	[tilespmem:v2+s22+$0x0] =	vst.idx.add.f32.msk $0xffff, v1  }
0x351: {  	v2 =	vld [tilespmem:s19+$0x1438];
	_ =	sdelay $0x7  }
0x352: {  	[tilespmem:v2+s22+$0x0] =	vst.idx.add.f32.msk $0xffff, v1  }
0x353: {  	v2 =	vld [tilespmem:s19+$0x1440];
	_ =	sdelay $0x2  }
0x354: {  	s14 =	sadd.s32 $0x1, s14  }
0x355: {  	p3 =	sne.s32 s14, $0x3E  }
.Ltmp11:
0x356: {  	_ = 	snop;
	(pc) =	sbr.rel @p3 .LBB2_15-.Ltmp11, $3  }
0x357: {  	_ =	sdelay $0x1  }
0x358: {  	[tilespmem:v2+s22+$0x0] =	vst.idx.add.f32.msk vm0, v1  }
0x359: {  	[spmem:s2] =	stream.indirect.scatter.add.f32 [tilespmem:s17], [sflag:$0x4], $0x80, s21, s3, $0xb8;
	[tilespmem:$0x1D800] =	vst v63  }
0x35a: {  	_ =	swait.ge [sflag:s20], $0x1400  }
0x35b: {  	[sflag:s20] =	ssyncset.done $0x0  }
0x35c: {  	[sflag:s20] =	ssyncadd.s32 $0xFFFFEC00  }
0x35d: {  	_ =	swait.ge [sflag:s20], $0x1400  }
0x35e: {  	[sflag:s20] =	ssyncset.done $0x0  }
0x35f: {  	s14 =	simm.s32 $0x0;
	[sflag:s20] =	ssyncadd.s32 $0xFFFFEC00  }
0x360: {  	v2 =	vld [tilespmem:s14+$0x5020]  }
0x361: {  	v3 =	vld [tilespmem:s14+$0x5040]  }
0x362: {  	v6 =	vld [tilespmem:s14+$0x5060]  }
0x363: {  	v7 =	vld [tilespmem:s14+$0x5070]  }
0x364: {  	v4 =	vld [tilespmem:s14+$0x5050]  }
0x365: {  	v5 =	vld [tilespmem:s14+$0x2850]  }
0x366: {  	v8 =	vld [tilespmem:s14+$0x2840]  }
0x367: {  	v9 =	vld [tilespmem:s14+$0x2870]  }
0x368: {  	v10 =	vld [tilespmem:s14+$0x2860]  }
0x369: {  	v11 =	vld [tilespmem:s14+$0x2820]  }
0x36a: {  	v4 =	vadd.f32 v4, v5  }
0x36b: {  	v5 =	vadd.f32 v3, v8  }
0x36c: {  	v8 =	vadd.f32 v7, v9;
	v9 =	vld [tilespmem:s14+$0x5030];
	v3 =	vsub.f32 $0.0e+00, v4  }
0x36d: {  	v7 =	vadd.f32 v6, v10;
	v6 =	vld [tilespmem:s14+$0x2830];
	v14 =	vsub.f32 $0.0e+00, v5  }
0x36e: {  	v12 =	vld [tilespmem:s14+$0x5010];
	v10 =	vmul.f32 $1.442695020e+00, v3;
	v3 =	vadd.f32 v2, v11;
	v2 =	vsub.f32 $0.0e+00, v8  }
0x36f: {  	v13 =	vld [tilespmem:s14+$0x5000];
	v15 =	vsub.f32 $0.0e+00, v7;
	v14 =	vmul.f32 $1.442695020e+00, v14  }
0x370: {  	v11 =	vld [tilespmem:s14+$0x2810];
	(erf) = vpow2.f32 v10;
	v10 =	vsub.f32 $0.0e+00, v3;
	v2 =	vmul.f32 $1.442695020e+00, v2  }
0x371: {  	v16 =	vld [tilespmem:s14+$0x2800];
	(erf) = vpow2.f32 v14;
	v14 =	vmul.f32 $1.442695020e+00, v15  }
0x372: {  	v9 =	vadd.f32 v9, v6;
	v10 =	vmul.f32 $1.442695020e+00, v10;
	(erf) = vpow2.f32 v2  }
0x373: {  	(erf) = vpow2.f32 v14  }
0x374: {  	(erf) = vpow2.f32 v10;
	v10 =	vsub.f32 $0.0e+00, v9  }
0x375: {  	v6 =	vadd.f32 v12, v11  }
0x376: {  	v2 =	vadd.f32 v13, v16;
	v10 =	vmul.f32 $1.442695020e+00, v10  }
0x377: {  	v11 =	vsub.f32 $0.0e+00, v6  }
0x378: {  	v12 =	vsub.f32 $0.0e+00, v2  }
0x379: {  	v11 =	vmul.f32 $1.442695020e+00, v11  }
0x37a: {  	v12 =	vmul.f32 $1.442695020e+00, v12;
	(erf) = vpow2.f32 v10;
	v10 =	vpop (erf)  }
0x37b: {  	(erf) = vpow2.f32 v11;
	v10 =	vadd.f32 $1.000000000e+00, v10  }
0x37c: {  	(erf) = vpow2.f32 v12  }
0x37d: {  	v11 =	vpop (erf);
	(erf) = vrcp.f32 v10  }
0x37e: {  	v11 =	vadd.f32 $1.000000000e+00, v11  }
0x37f: {  	v12 =	vpop (erf)  }
0x380: {  	(erf) = vrcp.f32 v11;
	v10 =	vpop (erf)  }
0x381: {  	s19 =	simm.s32 $0x200;
	s4 =	simm.s32 $0x400;
	v11 =	vadd.f32 $1.000000000e+00, v12;
	v10 =	vadd.f32 $1.000000000e+00, v10;
	v12 =	vpop (erf)  }
.LBB2_21:
0x382: {  	p3 =	sne.s32 s4, $0x4E00  }
0x383: {  	s11 =	sshra.s32 s19, $0x2;
	v12 =	vadd.f32 $1.000000000e+00, v12;
	v13 =	vpop (erf);
	(erf) = vrcp.f32 v11;
	s19 =	smov.u32 s4;
	s4 =	sadd.s32 $0x200, s4  }
0x384: {  	v11 =	vld [tilespmem:s11+$0x5020];
	v16 =	vadd.f32 $1.000000000e+00, v13;
	v14 =	vpop (erf);
	(erf) = vrcp.f32 v10  }
0x385: {  	v10 =	vld [tilespmem:s11+$0x5040];
	v14 =	vadd.f32 $1.000000000e+00, v14;
	v15 =	vpop (erf);
	(erf) = vrcp.f32 v12  }
0x386: {  	v12 =	vld [tilespmem:s11+$0x5060];
	v15 =	vadd.f32 $1.000000000e+00, v15;
	(erf) = vrcp.f32 v16;
	v13 =	vpop (erf)  }
0x387: {  	v16 =	vld [tilespmem:s11+$0x5070];
	v17 =	vmul.f32 v13, v4;
	(erf) = vrcp.f32 v14  }
0x388: {  	v13 =	vld [tilespmem:s11+$0x5050];
	(erf) = vrcp.f32 v15  }
0x389: {  	v14 =	vld [tilespmem:s11+$0x5010];
	[tilespmem:s14+$0x2850] =	vst v17;
	v4 =	vpop (erf)  }
0x38a: {  	v15 =	vld [tilespmem:s11+$0x2850];
	v5 =	vmul.f32 v4, v5;
	_ =	sdelay $0x1  }
0x38b: {  	[tilespmem:s14+$0x2840] =	vst v5;
	v4 =	vpop (erf)  }
0x38c: {  	v5 =	vld [tilespmem:s11+$0x2840];
	v20 =	vmul.f32 v4, v8;
	v4 =	vpop (erf)  }
0x38d: {  	v17 =	vld [tilespmem:s11+$0x5000];
	v21 =	vmul.f32 v4, v7;
	v18 =	vpop (erf)  }
0x38e: {  	v19 =	vld [tilespmem:s11+$0x5030];
	v4 =	vadd.f32 v13, v15;
	v18 =	vmul.f32 v18, v3;
	[tilespmem:s14+$0x2870] =	vst v20;
	v8 =	vpop (erf)  }
0x38f: {  	v13 =	vld [tilespmem:s11+$0x2870];
	v8 =	vmul.f32 v8, v9;
	[tilespmem:s14+$0x2860] =	vst v21;
	v7 =	vpop (erf)  }
0x390: {  	v9 =	vsub.f32 $0.0e+00, v4;
	v15 =	vld [tilespmem:s11+$0x2860];
	v6 =	vmul.f32 v7, v6;
	[tilespmem:s14+$0x2820] =	vst v18;
	v3 =	vpop (erf)  }
0x391: {  	v18 =	vld [tilespmem:s11+$0x2820];
	v5 =	vadd.f32 v10, v5;
	v2 =	vmul.f32 v3, v2;
	[tilespmem:s14+$0x2830] =	vst v8  }
0x392: {  	v10 =	vld [tilespmem:s11+$0x2830];
	v3 =	vmul.f32 $1.442695020e+00, v9;
	[tilespmem:s14+$0x2810] =	vst v6  }
0x393: {  	v6 =	vld [tilespmem:s11+$0x2810];
	v7 =	vsub.f32 $0.0e+00, v5;
	[tilespmem:s14+$0x2800] =	vst v2;
	s14 =	smov.u32 s11  }
0x394: {  	v2 =	vld [tilespmem:s14+$0x2800];
	v8 =	vadd.f32 v16, v13;
	(erf) = vpow2.f32 v3  }
0x395: {  	v13 =	vmul.f32 $1.442695020e+00, v7;
	v7 =	vadd.f32 v12, v15  }
0x396: {  	v3 =	vadd.f32 v11, v18;
	v11 =	vsub.f32 $0.0e+00, v8  }
0x397: {  	v9 =	vadd.f32 v19, v10;
	v10 =	vsub.f32 $0.0e+00, v7;
	(erf) = vpow2.f32 v13  }
0x398: {  	v6 =	vadd.f32 v14, v6;
	v12 =	vsub.f32 $0.0e+00, v3;
	v11 =	vmul.f32 $1.442695020e+00, v11  }
0x399: {  	v2 =	vadd.f32 v17, v2;
	v13 =	vsub.f32 $0.0e+00, v9;
	v10 =	vmul.f32 $1.442695020e+00, v10  }
0x39a: {  	v14 =	vsub.f32 $0.0e+00, v6;
	v15 =	vmul.f32 $1.442695020e+00, v12;
	(erf) = vpow2.f32 v11  }
0x39b: {  	v11 =	vsub.f32 $0.0e+00, v2;
	v13 =	vmul.f32 $1.442695020e+00, v13;
	(erf) = vpow2.f32 v10  }
0x39c: {  	v10 =	vmul.f32 $1.442695020e+00, v14;
	(erf) = vpow2.f32 v15  }
0x39d: {  	v11 =	vmul.f32 $1.442695020e+00, v11;
	(erf) = vpow2.f32 v13;
	v12 =	vpop (erf)  }
0x39e: {  	v12 =	vadd.f32 $1.000000000e+00, v12;
	(erf) = vpow2.f32 v10  }
0x39f: {  	(erf) = vpow2.f32 v11  }
0x3a0: {  	v10 =	vpop (erf);
	(erf) = vrcp.f32 v12  }
.Ltmp12:
0x3a1: {  	v11 =	vadd.f32 $1.000000000e+00, v10;
	(pc) =	sbr.rel @p3 .LBB2_21-.Ltmp12, $4  }
0x3a2: {  	_ = 	snop  }
0x3a3: {  	(erf) = vrcp.f32 v11;
	v10 =	vpop (erf)  }
0x3a4: {  	v11 =	vadd.f32 $1.000000000e+00, v10;
	v10 =	vpop (erf)  }
0x3a5: {  	v10 =	vadd.f32 $1.000000000e+00, v10;
	v12 =	vpop (erf)  }
0x3a6: {  	v13 =	vpop (erf);
	(erf) = vrcp.f32 v11;
	v12 =	vadd.f32 $1.000000000e+00, v12  }
0x3a7: {  	v14 =	vpop (erf);
	(erf) = vrcp.f32 v10  }
0x3a8: {  	v60 =	vpop (erf);
	(erf) = vrcp.f32 v12;
	_ =	sdelay $0x1  }
0x3a9: {  	s4 =	sshra.s32 s19, $0x2;
	v13 =	vadd.f32 $1.000000000e+00, v13  }
0x3aa: {  	v59 =	vld [tilespmem:s4+$0x5020];
	v63 =	vadd.f32 $1.000000000e+00, v14  }
0x3ab: {  	v15 =	vld [tilespmem:s4+$0x5040];
	(erf) = vrcp.f32 v13  }
0x3ac: {  	v16 =	vld [tilespmem:s4+$0x5060];
	v17 =	vpop (erf);
	v10 =	vadd.f32 $1.000000000e+00, v60;
	(erf) = vrcp.f32 v63  }
0x3ad: {  	v18 =	vld [tilespmem:s4+$0x5070];
	v4 =	vmul.f32 v17, v4;
	v19 =	vpop (erf)  }
0x3ae: {  	v61 =	vld [tilespmem:s4+$0x5050];
	v20 =	vmul.f32 v19, v5;
	v22 =	vpop (erf);
	(erf) = vrcp.f32 v10  }
0x3af: {  	v62 =	vld [tilespmem:s4+$0x5010];
	[tilespmem:s14+$0x2850] =	vst v4;
	v25 =	vpop (erf)  }
0x3b0: {  	v21 =	vld [tilespmem:s4+$0x2850];
	[tilespmem:s14+$0x2840] =	vst v20;
	v27 =	vpop (erf)  }
0x3b1: {  	v23 =	vld [tilespmem:s4+$0x2840];
	v4 =	vmul.f32 v22, v8;
	v3 =	vmul.f32 v27, v3  }
0x3b2: {  	v24 =	vld [tilespmem:s4+$0x5000];
	v7 =	vmul.f32 v25, v7  }
0x3b3: {  	v26 =	vld [tilespmem:s4+$0x5030];
	[tilespmem:s14+$0x2870] =	vst v4  }
0x3b4: {  	v29 =	vpop (erf);
	v28 =	vld [tilespmem:s4+$0x2870];
	[tilespmem:s14+$0x2860] =	vst v7  }
0x3b5: {  	v4 =	vmul.f32 v29, v9;
	v7 =	vld [tilespmem:s4+$0x2860];
	[tilespmem:s14+$0x2820] =	vst v3;
	v3 =	vpop (erf)  }
0x3b6: {  	v31 =	vadd.f32 v61, v21;
	v3 =	vmul.f32 v3, v6  }
0x3b7: {  	v30 =	vld [tilespmem:s4+$0x2820];
	[tilespmem:s14+$0x2830] =	vst v4;
	v32 =	vpop (erf)  }
0x3b8: {  	v33 =	vld [tilespmem:s4+$0x2830];
	v2 =	vmul.f32 v32, v2;
	[tilespmem:s14+$0x2810] =	vst v3;
	v3 =	vsub.f32 $0.0e+00, v31  }
0x3b9: {  	v34 =	vadd.f32 v15, v23  }
0x3ba: {  	v10 =	vadd.f32 v18, v28;
	v35 =	vld [tilespmem:s4+$0x2810];
	[tilespmem:s14+$0x2800] =	vst v2;
	v2 =	vmul.f32 $1.442695020e+00, v3  }
0x3bb: {  	v13 =	vsub.f32 $0.0e+00, v34;
	v7 =	vadd.f32 v16, v7  }
0x3bc: {  	v36 =	vsub.f32 $0.0e+00, v10;
	v3 =	vld [tilespmem:s4+$0x2800];
	(erf) = vpow2.f32 v2;
	v2 =	vadd.f32 v59, v30  }
0x3bd: {  	v13 =	vmul.f32 $1.442695020e+00, v13;
	v37 =	vsub.f32 $0.0e+00, v7  }
0x3be: {  	v9 =	vmul.f32 $1.442695020e+00, v36;
	v38 =	vsub.f32 $0.0e+00, v2  }
0x3bf: {  	v6 =	vadd.f32 v26, v33;
	v11 =	vmul.f32 $1.442695020e+00, v37;
	(erf) = vpow2.f32 v13  }
0x3c0: {  	v5 =	vadd.f32 v62, v35;
	(erf) = vpow2.f32 v9;
	v13 =	vmul.f32 $1.442695020e+00, v38  }
0x3c1: {  	v39 =	vsub.f32 $0.0e+00, v6;
	(erf) = vpow2.f32 v11;
	v3 =	vadd.f32 v24, v3  }
0x3c2: {  	v40 =	vsub.f32 $0.0e+00, v5;
	(erf) = vpow2.f32 v13  }
0x3c3: {  	v8 =	vmul.f32 $1.442695020e+00, v39;
	v41 =	vsub.f32 $0.0e+00, v3  }
0x3c4: {  	v42 =	vmul.f32 $1.442695020e+00, v40  }
0x3c5: {  	(erf) = vpow2.f32 v8;
	v9 =	vmul.f32 $1.442695020e+00, v41  }
0x3c6: {  	(erf) = vpow2.f32 v42  }
0x3c7: {  	v43 =	vpop (erf);
	(erf) = vpow2.f32 v9  }
0x3c8: {  	v8 =	vadd.f32 $1.000000000e+00, v43;
	v44 =	vpop (erf)  }
0x3c9: {  	v9 =	vadd.f32 $1.000000000e+00, v44;
	v45 =	vpop (erf)  }
0x3ca: {  	(erf) = vrcp.f32 v8;
	v46 =	vadd.f32 $1.000000000e+00, v45;
	v47 =	vpop (erf)  }
0x3cb: {  	(erf) = vrcp.f32 v9;
	v48 =	vadd.f32 $1.000000000e+00, v47;
	v49 =	vpop (erf)  }
0x3cc: {  	(erf) = vrcp.f32 v46;
	v11 =	vadd.f32 $1.000000000e+00, v49  }
0x3cd: {  	(erf) = vrcp.f32 v48  }
0x3ce: {  	v50 =	vpop (erf);
	(erf) = vrcp.f32 v11  }
0x3cf: {  	v51 =	vadd.f32 $1.000000000e+00, v50;
	v52 =	vpop (erf)  }
0x3d0: {  	v53 =	vadd.f32 $1.000000000e+00, v52;
	v54 =	vpop (erf)  }
0x3d1: {  	(erf) = vrcp.f32 v51;
	v55 =	vadd.f32 $1.000000000e+00, v54  }
0x3d2: {  	(erf) = vrcp.f32 v53  }
0x3d3: {  	v56 =	vpop (erf);
	(erf) = vrcp.f32 v55  }
0x3d4: {  	v57 =	vpop (erf)  }
0x3d5: {  	v58 =	vpop (erf)  }
0x3d6: {  	v4 =	vmul.f32 v56, v31;
	v60 =	vpop (erf)  }
0x3d7: {  	v8 =	vmul.f32 v57, v34;
	v61 =	vpop (erf)  }
0x3d8: {  	[tilespmem:s4+$0x2850] =	vst v4;
	v59 =	vmul.f32 v58, v10;
	v2 =	vmul.f32 v61, v2  }
0x3d9: {  	[tilespmem:s4+$0x2840] =	vst v8;
	v7 =	vmul.f32 v60, v7  }
0x3da: {  	[tilespmem:s4+$0x2870] =	vst v59;
	v62 =	vpop (erf)  }
0x3db: {  	[tilespmem:s4+$0x2860] =	vst v7;
	v4 =	vmul.f32 v62, v6;
	v63 =	vpop (erf)  }
0x3dc: {  	v5 =	vmul.f32 v63, v5;
	[tilespmem:s4+$0x2820] =	vst v2;
	v2 =	vpop (erf)  }
0x3dd: {  	[tilespmem:s4+$0x2830] =	vst v4;
	v2 =	vmul.f32 v2, v3  }
0x3de: {  	[tilespmem:s4+$0x2810] =	vst v5  }
0x3df: {  	[tilespmem:s4+$0x2800] =	vst v2  }
0x3e0: {  	v2 =	vld [tilespmem:$0x2760];
	_ =	sdelay $0x7  }
0x3e1: {  	[tilespmem:v2+s22+$0x0] =	vst.idx.add.f32.msk $0xffff, v1  }
0x3e2: {  	v2 =	vld [tilespmem:$0x2770];
	_ =	sdelay $0x7  }
0x3e3: {  	[tilespmem:v2+s22+$0x0] =	vst.idx.add.f32.msk $0xffff, v1  }
0x3e4: {  	v2 =	vld [tilespmem:$0x2778];
	_ =	sdelay $0x7  }
0x3e5: {  	s21 =	simm.s32 $0x2760;
	[tilespmem:v2+s22+$0x0] =	vst.idx.add.f32.msk vm0, v1  }
0x3e6: {  	[spmem:s2] =	stream.indirect.scatter.add.f32 [tilespmem:s15], [sflag:$0x3], $0x80, s21, s3, $0xb8;
	[tilespmem:$0x1D800] =	vst v63  }
0x3e7: {  	_ =	swait.ge [sflag:s23], $0x1400  }
0x3e8: {  	[sflag:s23] =	ssyncset.done $0x0  }
0x3e9: {  	s28 =	simm.s32 $0x4;
	[sflag:s23] =	ssyncadd.s32 $0xFFFFEC00  }
0x3ea: {  	_ =	swait.ge [sflag:s28], $0x1400  }
0x3eb: {  	[sflag:s28] =	ssyncset.done $0x0  }
0x3ec: {  	[sflag:s28] =	ssyncadd.s32 $0xFFFFEC00  }
0x3ed: {  	[bflag:$0x0] =	sbarrier.arrive $0xFFFF  }
0x3ee: {  	s29 =	rddreg [dreg:$0xd]  }
0x3ef: {  	[hbm:s29], [sflag:s30] =	dma.local [spmem:s13], $0x2700  }
0x3f0: {  	_ =	swait.ge [sflag:s0], $0x2700  }
0x3f1: {  	[sflag:s0] =	ssyncset.done $0x0  }
0x3f2: {  	s4 =	rddreg [dreg:$0x12];
	[sflag:s0] =	ssyncadd.s32 $0xFFFFD900  }
0x3f3: {  	[hbm:s4], [sflag:s30] =	dma.local @!p1 [spmem:s12], $0x100  }
0x3f4: {  	s4 =	simm.s32 @!p1 $0x5  }
0x3f5: {  	_ =	swait.ge @!p1 [sflag:s4], $0x100  }
0x3f6: {  	s31 =	simm.s32 $0x0;
	[sflag:s4] =	ssyncset.done @!p1 $0x0  }
.Ltmp13:
0x3f7: {  	s11 =	rddreg [dreg:$0xf];
	[sflag:s4] =	ssyncadd.s32 @!p1 $0xFFFFFF00;
	(pc) =	sbr.rel .LBB2_40-.Ltmp13, $4  }
0x3f8: {  	[hbm4b:s11+s31] =	stream.linear.scatter [tilespmem:s22], [sflag:$0x5], $0x2710, $0x38;
	[tilespmem:$0x1D800] =	vst v63  }
0x3f9: {  	_ =	swait.ge [sflag:s0], $0x2710  }
0x3fa: {  	[sflag:s0] =	ssyncset.done $0x0  }
0x3fb: {  	[sflag:s0] =	ssyncadd.s32 $0xFFFFD8F0  }
.LBB2_23:
0x3fc: {  	[spmem:s12], [sflag:s30] =	dma.local @!p1 [hbm:s19], $0x100  }
0x3fd: {  	s4 =	simm.s32 @!p1 $0x5  }
0x3fe: {  	_ =	swait.ge @!p1 [sflag:s4], $0x100  }
0x3ff: {  	[sflag:s4] =	ssyncset.done @!p1 $0x0  }
0x400: {  	[sflag:s4] =	ssyncadd.s32 @!p1 $0xFFFFFF00  }
0x401: {  	[bflag:$0x0] =	sbarrier.arrive $0xFFFF  }
0x402: {  	s14 =	simm.s32 $0x0;
	s29 =	rddreg [dreg:$0x6]  }
0x403: {  	[tilespmem:s14], [sflag:$0x5] =	stream.linear.gather [hbm4b:s29+s14], $0x1388, $0x38;
	[tilespmem:$0x1D800] =	vst v63  }
0x404: {  	_ =	swait.ge [sflag:s0], $0x1388  }
0x405: {  	[sflag:s0] =	ssyncset.done $0x0  }
0x406: {  	s11 =	simm.s32 $0x1400;
	s31 =	rddreg [dreg:$0x7];
	[sflag:s0] =	ssyncadd.s32 $0xFFFFEC78  }
0x407: {  	[tilespmem:s11], [sflag:$0x5] =	stream.linear.gather [hbm4b:s31+s14], $0x1388, $0x38;
	[tilespmem:$0x1D800] =	vst v63  }
0x408: {  	_ =	swait.ge [sflag:s0], $0x1388  }
0x409: {  	[sflag:s0] =	ssyncset.done $0x0  }
0x40a: {  	[sflag:s0] =	ssyncadd.s32 $0xFFFFEC78  }
0x40b: {  	[tilespmem:s15], [sflag:$0x1] =	stream.indirect.gather [hbm4b:s5+s3], $0x80, s14, s3, $0xb8;
	[tilespmem:$0x1D800] =	vst v63  }
0x40c: {  	_ = 	snop  }
0x40d: {  	[tilespmem:s16], [sflag:$0x1] =	stream.indirect.gather [hbm4b:s7+s3], $0x80, s11, s3, $0xb8;
	[tilespmem:$0x1D800] =	vst v63  }
.LBB2_24:
0x40e: {  	p3 =	seq.s32 s14, $0x0  }
0x40f: {  	s4 =	simm.s32 @!p3 $0x4  }
0x410: {  	s21 =	smul.u32 $0x50, s14;
	_ =	swait.ge @!p3 [sflag:s4], $0x1400  }
0x411: {  	[sflag:s4] =	ssyncset.done @!p3 $0x0  }
0x412: {  	s31 =	sadd.s32 $0x28, s21;
	[sflag:s4] =	ssyncadd.s32 @!p3 $0xFFFFEC00  }
0x413: {  	[tilespmem:s17], [sflag:$0x2] =	stream.indirect.gather [hbm4b:s5+s3], $0x80, s31, s3, $0xb8;
	[tilespmem:$0x1D800] =	vst v63  }
0x414: {  	s19 =	sadd.s32 $0x1428, s21  }
0x415: {  	[tilespmem:s18], [sflag:$0x2] =	stream.indirect.gather [hbm4b:s7+s3], $0x80, s19, s3, $0xb8;
	[tilespmem:$0x1D800] =	vst v63  }
0x416: {  	_ =	swait.ge [sflag:s20], $0x1400  }
0x417: {  	[sflag:s20] =	ssyncset.done $0x0  }
0x418: {  	[sflag:s20] =	ssyncadd.s32 $0xFFFFEC00  }
0x419: {  	_ =	swait.ge [sflag:s20], $0x1400  }
0x41a: {  	[sflag:s20] =	ssyncset.done $0x0  }
0x41b: {  	s29 =	simm.s32 $0x0;
	[sflag:s20] =	ssyncadd.s32 $0xFFFFEC00  }
0x41c: {  	v2 =	vld [tilespmem:s29+$0x5020]  }
0x41d: {  	v3 =	vld [tilespmem:s29+$0x5040]  }
0x41e: {  	v6 =	vld [tilespmem:s29+$0x5060]  }
0x41f: {  	v7 =	vld [tilespmem:s29+$0x5070]  }
0x420: {  	v4 =	vld [tilespmem:s29+$0x5050]  }
0x421: {  	v5 =	vld [tilespmem:s29+$0x2850]  }
0x422: {  	v8 =	vld [tilespmem:s29+$0x2840]  }
0x423: {  	v9 =	vld [tilespmem:s29+$0x2870]  }
0x424: {  	v10 =	vld [tilespmem:s29+$0x2860]  }
0x425: {  	v11 =	vld [tilespmem:s29+$0x2820]  }
0x426: {  	v4 =	vadd.f32 v4, v5  }
0x427: {  	v5 =	vadd.f32 v3, v8  }
0x428: {  	v8 =	vadd.f32 v7, v9;
	v9 =	vld [tilespmem:s29+$0x5030];
	v3 =	vsub.f32 $0.0e+00, v4  }
0x429: {  	v7 =	vadd.f32 v6, v10;
	v6 =	vld [tilespmem:s29+$0x2830];
	v14 =	vsub.f32 $0.0e+00, v5  }
0x42a: {  	v12 =	vld [tilespmem:s29+$0x5010];
	v10 =	vmul.f32 $1.442695020e+00, v3;
	v3 =	vadd.f32 v2, v11;
	v2 =	vsub.f32 $0.0e+00, v8  }
0x42b: {  	v13 =	vld [tilespmem:s29+$0x5000];
	v15 =	vsub.f32 $0.0e+00, v7;
	v14 =	vmul.f32 $1.442695020e+00, v14  }
0x42c: {  	v11 =	vld [tilespmem:s29+$0x2810];
	(erf) = vpow2.f32 v10;
	v10 =	vsub.f32 $0.0e+00, v3;
	v2 =	vmul.f32 $1.442695020e+00, v2  }
0x42d: {  	v16 =	vld [tilespmem:s29+$0x2800];
	(erf) = vpow2.f32 v14;
	v14 =	vmul.f32 $1.442695020e+00, v15  }
0x42e: {  	v9 =	vadd.f32 v9, v6;
	v10 =	vmul.f32 $1.442695020e+00, v10;
	(erf) = vpow2.f32 v2  }
0x42f: {  	(erf) = vpow2.f32 v14  }
0x430: {  	(erf) = vpow2.f32 v10;
	v10 =	vsub.f32 $0.0e+00, v9  }
0x431: {  	v6 =	vadd.f32 v12, v11  }
0x432: {  	v2 =	vadd.f32 v13, v16;
	v10 =	vmul.f32 $1.442695020e+00, v10  }
0x433: {  	v11 =	vsub.f32 $0.0e+00, v6  }
0x434: {  	v12 =	vsub.f32 $0.0e+00, v2  }
0x435: {  	v11 =	vmul.f32 $1.442695020e+00, v11  }
0x436: {  	v12 =	vmul.f32 $1.442695020e+00, v12;
	(erf) = vpow2.f32 v10;
	v10 =	vpop (erf)  }
0x437: {  	(erf) = vpow2.f32 v11;
	v10 =	vadd.f32 $1.000000000e+00, v10  }
0x438: {  	(erf) = vpow2.f32 v12  }
0x439: {  	v11 =	vpop (erf);
	(erf) = vrcp.f32 v10  }
0x43a: {  	v11 =	vadd.f32 $1.000000000e+00, v11  }
0x43b: {  	v12 =	vpop (erf)  }
0x43c: {  	(erf) = vrcp.f32 v11;
	v10 =	vpop (erf)  }
0x43d: {  	s28 =	simm.s32 $0x200;
	s4 =	simm.s32 $0x400;
	v11 =	vadd.f32 $1.000000000e+00, v12;
	v10 =	vadd.f32 $1.000000000e+00, v10;
	v12 =	vpop (erf)  }
.LBB2_25:
0x43e: {  	p3 =	sne.s32 s4, $0x4E00  }
0x43f: {  	s31 =	sshra.s32 s28, $0x2;
	v12 =	vadd.f32 $1.000000000e+00, v12;
	v13 =	vpop (erf);
	(erf) = vrcp.f32 v11;
	s28 =	smov.u32 s4;
	s4 =	sadd.s32 $0x200, s4  }
0x440: {  	v11 =	vld [tilespmem:s31+$0x5020];
	v16 =	vadd.f32 $1.000000000e+00, v13;
	v14 =	vpop (erf);
	(erf) = vrcp.f32 v10  }
0x441: {  	v10 =	vld [tilespmem:s31+$0x5040];
	v14 =	vadd.f32 $1.000000000e+00, v14;
	v15 =	vpop (erf);
	(erf) = vrcp.f32 v12  }
0x442: {  	v12 =	vld [tilespmem:s31+$0x5060];
	v15 =	vadd.f32 $1.000000000e+00, v15;
	(erf) = vrcp.f32 v16;
	v13 =	vpop (erf)  }
0x443: {  	v16 =	vld [tilespmem:s31+$0x5070];
	v17 =	vmul.f32 v13, v4;
	(erf) = vrcp.f32 v14  }
0x444: {  	v13 =	vld [tilespmem:s31+$0x5050];
	(erf) = vrcp.f32 v15  }
0x445: {  	v14 =	vld [tilespmem:s31+$0x5010];
	[tilespmem:s29+$0x2850] =	vst v17;
	v4 =	vpop (erf)  }
0x446: {  	v15 =	vld [tilespmem:s31+$0x2850];
	v5 =	vmul.f32 v4, v5;
	_ =	sdelay $0x1  }
0x447: {  	[tilespmem:s29+$0x2840] =	vst v5;
	v4 =	vpop (erf)  }
0x448: {  	v5 =	vld [tilespmem:s31+$0x2840];
	v20 =	vmul.f32 v4, v8;
	v4 =	vpop (erf)  }
0x449: {  	v17 =	vld [tilespmem:s31+$0x5000];
	v21 =	vmul.f32 v4, v7;
	v18 =	vpop (erf)  }
0x44a: {  	v19 =	vld [tilespmem:s31+$0x5030];
	v4 =	vadd.f32 v13, v15;
	v18 =	vmul.f32 v18, v3;
	[tilespmem:s29+$0x2870] =	vst v20;
	v8 =	vpop (erf)  }
0x44b: {  	v13 =	vld [tilespmem:s31+$0x2870];
	v8 =	vmul.f32 v8, v9;
	[tilespmem:s29+$0x2860] =	vst v21;
	v7 =	vpop (erf)  }
0x44c: {  	v9 =	vsub.f32 $0.0e+00, v4;
	v15 =	vld [tilespmem:s31+$0x2860];
	v6 =	vmul.f32 v7, v6;
	[tilespmem:s29+$0x2820] =	vst v18;
	v3 =	vpop (erf)  }
0x44d: {  	v18 =	vld [tilespmem:s31+$0x2820];
	v5 =	vadd.f32 v10, v5;
	v2 =	vmul.f32 v3, v2;
	[tilespmem:s29+$0x2830] =	vst v8  }
0x44e: {  	v10 =	vld [tilespmem:s31+$0x2830];
	v3 =	vmul.f32 $1.442695020e+00, v9;
	[tilespmem:s29+$0x2810] =	vst v6  }
0x44f: {  	v6 =	vld [tilespmem:s31+$0x2810];
	v7 =	vsub.f32 $0.0e+00, v5;
	[tilespmem:s29+$0x2800] =	vst v2;
	s29 =	smov.u32 s31  }
0x450: {  	v2 =	vld [tilespmem:s29+$0x2800];
	v8 =	vadd.f32 v16, v13;
	(erf) = vpow2.f32 v3  }
0x451: {  	v13 =	vmul.f32 $1.442695020e+00, v7;
	v7 =	vadd.f32 v12, v15  }
0x452: {  	v3 =	vadd.f32 v11, v18;
	v11 =	vsub.f32 $0.0e+00, v8  }
0x453: {  	v9 =	vadd.f32 v19, v10;
	v10 =	vsub.f32 $0.0e+00, v7;
	(erf) = vpow2.f32 v13  }
0x454: {  	v6 =	vadd.f32 v14, v6;
	v12 =	vsub.f32 $0.0e+00, v3;
	v11 =	vmul.f32 $1.442695020e+00, v11  }
0x455: {  	v2 =	vadd.f32 v17, v2;
	v13 =	vsub.f32 $0.0e+00, v9;
	v10 =	vmul.f32 $1.442695020e+00, v10  }
0x456: {  	v14 =	vsub.f32 $0.0e+00, v6;
	v15 =	vmul.f32 $1.442695020e+00, v12;
	(erf) = vpow2.f32 v11  }
0x457: {  	v11 =	vsub.f32 $0.0e+00, v2;
	v13 =	vmul.f32 $1.442695020e+00, v13;
	(erf) = vpow2.f32 v10  }
0x458: {  	v10 =	vmul.f32 $1.442695020e+00, v14;
	(erf) = vpow2.f32 v15  }
0x459: {  	v11 =	vmul.f32 $1.442695020e+00, v11;
	(erf) = vpow2.f32 v13;
	v12 =	vpop (erf)  }
0x45a: {  	v12 =	vadd.f32 $1.000000000e+00, v12;
	(erf) = vpow2.f32 v10  }
0x45b: {  	(erf) = vpow2.f32 v11  }
0x45c: {  	v10 =	vpop (erf);
	(erf) = vrcp.f32 v12  }
.Ltmp14:
0x45d: {  	v11 =	vadd.f32 $1.000000000e+00, v10;
	(pc) =	sbr.rel @p3 .LBB2_25-.Ltmp14, $4  }
0x45e: {  	_ = 	snop  }
0x45f: {  	(erf) = vrcp.f32 v11;
	v10 =	vpop (erf)  }
0x460: {  	v11 =	vadd.f32 $1.000000000e+00, v10;
	v10 =	vpop (erf)  }
0x461: {  	v10 =	vadd.f32 $1.000000000e+00, v10;
	v12 =	vpop (erf)  }
0x462: {  	_ = 	snop  }
0x463: {  	s4 =	sshra.s32 s28, $0x2;
	v13 =	vpop (erf)  }
0x464: {  	(erf) = vrcp.f32 v11;
	v11 =	vld [tilespmem:s4+$0x5020];
	v14 =	vpop (erf)  }
0x465: {  	v15 =	vld [tilespmem:s4+$0x5040];
	(erf) = vrcp.f32 v10;
	v10 =	vpop (erf)  }
0x466: {  	v16 =	vld [tilespmem:s4+$0x5060];
	v17 =	vpop (erf)  }
0x467: {  	v12 =	vadd.f32 $1.000000000e+00, v12;
	v18 =	vld [tilespmem:s4+$0x5070];
	v4 =	vmul.f32 v17, v4  }
0x468: {  	v62 =	vld [tilespmem:s4+$0x5010];
	v19 =	vpop (erf)  }
0x469: {  	(erf) = vrcp.f32 v12;
	v12 =	vld [tilespmem:s4+$0x5050];
	[tilespmem:s29+$0x2850] =	vst v4;
	v4 =	vmul.f32 v19, v5  }
0x46a: {  	v13 =	vadd.f32 $1.000000000e+00, v13;
	_ =	sdelay $0x1  }
0x46b: {  	(erf) = vrcp.f32 v13;
	v13 =	vadd.f32 $1.000000000e+00, v14  }
0x46c: {  	v10 =	vadd.f32 $1.000000000e+00, v10;
	v5 =	vld [tilespmem:s4+$0x2850];
	[tilespmem:s29+$0x2840] =	vst v4;
	v4 =	vpop (erf)  }
0x46d: {  	(erf) = vrcp.f32 v13;
	v4 =	vmul.f32 v4, v8  }
0x46e: {  	(erf) = vrcp.f32 v10  }
0x46f: {  	v13 =	vld [tilespmem:s4+$0x2840]  }
0x470: {  	v14 =	vld [tilespmem:s4+$0x5030];
	v10 =	vpop (erf)  }
0x471: {  	v8 =	vld [tilespmem:s4+$0x5000];
	[tilespmem:s29+$0x2870] =	vst v4;
	v4 =	vpop (erf)  }
0x472: {  	v3 =	vmul.f32 v4, v3  }
0x473: {  	v7 =	vmul.f32 v10, v7  }
0x474: {  	v4 =	vpop (erf)  }
0x475: {  	v10 =	vld [tilespmem:s4+$0x2870];
	[tilespmem:s29+$0x2860] =	vst v7;
	v4 =	vmul.f32 v4, v9  }
0x476: {  	v7 =	vld [tilespmem:s4+$0x2860];
	[tilespmem:s29+$0x2820] =	vst v3;
	v3 =	vpop (erf)  }
0x477: {  	v9 =	vld [tilespmem:s4+$0x2820];
	[tilespmem:s29+$0x2830] =	vst v4;
	v4 =	vadd.f32 v12, v5;
	v3 =	vmul.f32 v3, v6;
	v5 =	vpop (erf)  }
0x478: {  	v2 =	vmul.f32 v5, v2  }
0x479: {  	v12 =	vadd.f32 v15, v13;
	v6 =	vld [tilespmem:s4+$0x2830];
	[tilespmem:s29+$0x2810] =	vst v3;
	v3 =	vsub.f32 $0.0e+00, v4  }
0x47a: {  	v5 =	vld [tilespmem:s4+$0x2810];
	[tilespmem:s29+$0x2800] =	vst v2  }
0x47b: {  	v13 =	vsub.f32 $0.0e+00, v12;
	v2 =	vmul.f32 $1.442695020e+00, v3;
	v3 =	vld [tilespmem:s4+$0x2800]  }
0x47c: {  	v10 =	vadd.f32 v18, v10  }
0x47d: {  	v7 =	vadd.f32 v16, v7;
	v13 =	vmul.f32 $1.442695020e+00, v13  }
0x47e: {  	(erf) = vpow2.f32 v2;
	v2 =	vadd.f32 v11, v9;
	v9 =	vsub.f32 $0.0e+00, v10  }
0x47f: {  	v6 =	vadd.f32 v14, v6;
	v11 =	vsub.f32 $0.0e+00, v7;
	(erf) = vpow2.f32 v13  }
0x480: {  	v13 =	vsub.f32 $0.0e+00, v2;
	v9 =	vmul.f32 $1.442695020e+00, v9;
	v3 =	vadd.f32 v8, v3  }
0x481: {  	v5 =	vadd.f32 v62, v5;
	v11 =	vmul.f32 $1.442695020e+00, v11;
	v8 =	vsub.f32 $0.0e+00, v6  }
0x482: {  	v13 =	vmul.f32 $1.442695020e+00, v13;
	(erf) = vpow2.f32 v9;
	v9 =	vsub.f32 $0.0e+00, v3  }
0x483: {  	v14 =	vsub.f32 $0.0e+00, v5;
	v8 =	vmul.f32 $1.442695020e+00, v8;
	(erf) = vpow2.f32 v11  }
0x484: {  	(erf) = vpow2.f32 v13;
	v9 =	vmul.f32 $1.442695020e+00, v9  }
0x485: {  	v11 =	vmul.f32 $1.442695020e+00, v14;
	(erf) = vpow2.f32 v8;
	_ =	sdelay $0x1  }
0x486: {  	(erf) = vpow2.f32 v11;
	v8 =	vpop (erf)  }
0x487: {  	(erf) = vpow2.f32 v9;
	v8 =	vadd.f32 $1.000000000e+00, v8;
	v9 =	vpop (erf)  }
0x488: {  	v9 =	vadd.f32 $1.000000000e+00, v9  }
0x489: {  	(erf) = vrcp.f32 v8  }
0x48a: {  	v11 =	vpop (erf);
	(erf) = vrcp.f32 v9  }
0x48b: {  	v8 =	vadd.f32 $1.000000000e+00, v11;
	v11 =	vpop (erf)  }
0x48c: {  	v9 =	vadd.f32 $1.000000000e+00, v11;
	v11 =	vpop (erf)  }
0x48d: {  	v11 =	vadd.f32 $1.000000000e+00, v11;
	v13 =	vpop (erf);
	(erf) = vrcp.f32 v8  }
0x48e: {  	v8 =	vadd.f32 $1.000000000e+00, v13;
	(erf) = vrcp.f32 v9  }
0x48f: {  	(erf) = vrcp.f32 v11  }
0x490: {  	v13 =	vpop (erf)  }
0x491: {  	v9 =	vadd.f32 $1.000000000e+00, v13;
	v13 =	vpop (erf)  }
0x492: {  	v11 =	vadd.f32 $1.000000000e+00, v13;
	(erf) = vrcp.f32 v8;
	v8 =	vpop (erf)  }
0x493: {  	(erf) = vrcp.f32 v9;
	v4 =	vmul.f32 v8, v4;
	v8 =	vpop (erf)  }
0x494: {  	(erf) = vrcp.f32 v11;
	v8 =	vmul.f32 v8, v12;
	_ =	sdelay $0x1  }
0x495: {  	v9 =	vpop (erf)  }
0x496: {  	[tilespmem:s4+$0x2850] =	vst v4;
	v4 =	vmul.f32 v9, v10;
	v9 =	vpop (erf)  }
0x497: {  	[tilespmem:s4+$0x2840] =	vst v8;
	v8 =	vpop (erf)  }
0x498: {  	v2 =	vmul.f32 v8, v2  }
0x499: {  	v7 =	vmul.f32 v9, v7  }
0x49a: {  	[tilespmem:s4+$0x2870] =	vst v4;
	v4 =	vpop (erf)  }
0x49b: {  	[tilespmem:s4+$0x2860] =	vst v7;
	v4 =	vmul.f32 v4, v6;
	v6 =	vpop (erf)  }
0x49c: {  	s11 =	smul.u32 $0x140, s14;
	[tilespmem:s4+$0x2820] =	vst v2;
	v5 =	vmul.f32 v6, v5;
	v2 =	vpop (erf)  }
0x49d: {  	[tilespmem:s4+$0x2830] =	vst v4;
	v2 =	vmul.f32 v2, v3  }
0x49e: {  	s11 =	sshra.s32 s11, $0x2;
	[tilespmem:s4+$0x2810] =	vst v5  }
0x49f: {  	s11 =	sadd.s32 $0x1400, s11;
	[tilespmem:s4+$0x2800] =	vst v2  }
0x4a0: {  	[spmem:s2] =	stream.indirect.scatter.add.f32 [tilespmem:s15], [sflag:$0x3], $0x80, s11, s3, $0xb8;
	[tilespmem:$0x1D800] =	vst v63  }
0x4a1: {  	_ =	swait.ge [sflag:s23], $0x1400  }
0x4a2: {  	[sflag:s23] =	ssyncset.done $0x0  }
0x4a3: {  	s29 =	sadd.s32 $0x50, s21;
	[sflag:s23] =	ssyncadd.s32 $0xFFFFEC00  }
0x4a4: {  	[tilespmem:s15], [sflag:$0x1] =	stream.indirect.gather [hbm4b:s5+s3], $0x80, s29, s3, $0xb8;
	[tilespmem:$0x1D800] =	vst v63  }
0x4a5: {  	s31 =	sadd.s32 $0x1450, s21  }
0x4a6: {  	[tilespmem:s16], [sflag:$0x1] =	stream.indirect.gather [hbm4b:s7+s3], $0x80, s31, s3, $0xb8;
	[tilespmem:$0x1D800] =	vst v63  }
0x4a7: {  	_ =	swait.ge [sflag:s25], $0x1400  }
0x4a8: {  	[sflag:s25] =	ssyncset.done $0x0  }
0x4a9: {  	[sflag:s25] =	ssyncadd.s32 $0xFFFFEC00  }
0x4aa: {  	_ =	swait.ge [sflag:s25], $0x1400  }
0x4ab: {  	[sflag:s25] =	ssyncset.done $0x0  }
0x4ac: {  	s21 =	simm.s32 $0x0;
	[sflag:s25] =	ssyncadd.s32 $0xFFFFEC00  }
0x4ad: {  	v2 =	vld [tilespmem:s21+$0x6420]  }
0x4ae: {  	v3 =	vld [tilespmem:s21+$0x6440]  }
0x4af: {  	v6 =	vld [tilespmem:s21+$0x6460]  }
0x4b0: {  	v7 =	vld [tilespmem:s21+$0x6470]  }
0x4b1: {  	v4 =	vld [tilespmem:s21+$0x6450]  }
0x4b2: {  	v5 =	vld [tilespmem:s21+$0x3C50]  }
0x4b3: {  	v8 =	vld [tilespmem:s21+$0x3C40]  }
0x4b4: {  	v9 =	vld [tilespmem:s21+$0x3C70]  }
0x4b5: {  	v10 =	vld [tilespmem:s21+$0x3C60]  }
0x4b6: {  	v11 =	vld [tilespmem:s21+$0x3C20]  }
0x4b7: {  	v4 =	vadd.f32 v4, v5  }
0x4b8: {  	v5 =	vadd.f32 v3, v8  }
0x4b9: {  	v8 =	vadd.f32 v7, v9;
	v9 =	vld [tilespmem:s21+$0x6430];
	v3 =	vsub.f32 $0.0e+00, v4  }
0x4ba: {  	v7 =	vadd.f32 v6, v10;
	v6 =	vld [tilespmem:s21+$0x3C30];
	v14 =	vsub.f32 $0.0e+00, v5  }
0x4bb: {  	v12 =	vld [tilespmem:s21+$0x6410];
	v10 =	vmul.f32 $1.442695020e+00, v3;
	v3 =	vadd.f32 v2, v11;
	v2 =	vsub.f32 $0.0e+00, v8  }
0x4bc: {  	v15 =	vsub.f32 $0.0e+00, v7;
	v11 =	vld [tilespmem:s21+$0x3C10];
	v14 =	vmul.f32 $1.442695020e+00, v14  }
0x4bd: {  	v13 =	vld [tilespmem:s21+$0x6400];
	(erf) = vpow2.f32 v10;
	v10 =	vsub.f32 $0.0e+00, v3;
	v2 =	vmul.f32 $1.442695020e+00, v2  }
0x4be: {  	v63 =	vld [tilespmem:s21+$0x3C00];
	(erf) = vpow2.f32 v14;
	v14 =	vmul.f32 $1.442695020e+00, v15  }
0x4bf: {  	v9 =	vadd.f32 v9, v6;
	v10 =	vmul.f32 $1.442695020e+00, v10;
	(erf) = vpow2.f32 v2  }
0x4c0: {  	(erf) = vpow2.f32 v14  }
0x4c1: {  	v6 =	vadd.f32 v12, v11;
	(erf) = vpow2.f32 v10;
	v10 =	vsub.f32 $0.0e+00, v9;
	_ =	sdelay $0x1  }
0x4c2: {  	v2 =	vadd.f32 v13, v63;
	v11 =	vsub.f32 $0.0e+00, v6;
	v10 =	vmul.f32 $1.442695020e+00, v10;
	_ =	sdelay $0x1  }
0x4c3: {  	v12 =	vsub.f32 $0.0e+00, v2;
	v11 =	vmul.f32 $1.442695020e+00, v11;
	_ =	sdelay $0x1  }
0x4c4: {  	v12 =	vmul.f32 $1.442695020e+00, v12;
	(erf) = vpow2.f32 v10;
	v10 =	vpop (erf)  }
0x4c5: {  	(erf) = vpow2.f32 v11;
	v10 =	vadd.f32 $1.000000000e+00, v10  }
0x4c6: {  	v11 =	vpop (erf);
	(erf) = vpow2.f32 v12  }
0x4c7: {  	(erf) = vrcp.f32 v10  }
0x4c8: {  	v11 =	vadd.f32 $1.000000000e+00, v11  }
0x4c9: {  	v12 =	vpop (erf)  }
0x4ca: {  	(erf) = vrcp.f32 v11;
	v10 =	vpop (erf)  }
0x4cb: {  	s28 =	simm.s32 $0x200;
	s4 =	simm.s32 $0x400;
	v11 =	vadd.f32 $1.000000000e+00, v12;
	v10 =	vadd.f32 $1.000000000e+00, v10;
	v12 =	vpop (erf)  }
.LBB2_27:
0x4cc: {  	p3 =	sne.s32 s4, $0x4E00  }
0x4cd: {  	s29 =	sshra.s32 s28, $0x2;
	v12 =	vadd.f32 $1.000000000e+00, v12;
	v13 =	vpop (erf);
	(erf) = vrcp.f32 v11;
	s28 =	smov.u32 s4;
	s4 =	sadd.s32 $0x200, s4  }
0x4ce: {  	v11 =	vld [tilespmem:s29+$0x6420];
	v16 =	vadd.f32 $1.000000000e+00, v13;
	v14 =	vpop (erf);
	(erf) = vrcp.f32 v10  }
0x4cf: {  	v10 =	vld [tilespmem:s29+$0x6440];
	v14 =	vadd.f32 $1.000000000e+00, v14;
	v15 =	vpop (erf);
	(erf) = vrcp.f32 v12  }
0x4d0: {  	v12 =	vld [tilespmem:s29+$0x6460];
	v15 =	vadd.f32 $1.000000000e+00, v15;
	(erf) = vrcp.f32 v16;
	v13 =	vpop (erf)  }
0x4d1: {  	v16 =	vld [tilespmem:s29+$0x6470];
	v17 =	vmul.f32 v13, v4;
	(erf) = vrcp.f32 v14  }
0x4d2: {  	v13 =	vld [tilespmem:s29+$0x6450];
	(erf) = vrcp.f32 v15  }
0x4d3: {  	v14 =	vld [tilespmem:s29+$0x6410];
	[tilespmem:s21+$0x3C50] =	vst v17;
	v4 =	vpop (erf)  }
0x4d4: {  	v15 =	vld [tilespmem:s29+$0x3C50];
	v5 =	vmul.f32 v4, v5;
	_ =	sdelay $0x1  }
0x4d5: {  	[tilespmem:s21+$0x3C40] =	vst v5;
	v4 =	vpop (erf)  }
0x4d6: {  	v5 =	vld [tilespmem:s29+$0x3C40];
	v20 =	vmul.f32 v4, v8;
	v4 =	vpop (erf)  }
0x4d7: {  	v17 =	vld [tilespmem:s29+$0x6400];
	v21 =	vmul.f32 v4, v7;
	v18 =	vpop (erf)  }
0x4d8: {  	v19 =	vld [tilespmem:s29+$0x6430];
	v4 =	vadd.f32 v13, v15;
	v18 =	vmul.f32 v18, v3;
	[tilespmem:s21+$0x3C70] =	vst v20;
	v8 =	vpop (erf)  }
0x4d9: {  	v13 =	vld [tilespmem:s29+$0x3C70];
	v8 =	vmul.f32 v8, v9;
	[tilespmem:s21+$0x3C60] =	vst v21;
	v7 =	vpop (erf)  }
0x4da: {  	v9 =	vsub.f32 $0.0e+00, v4;
	v15 =	vld [tilespmem:s29+$0x3C60];
	v6 =	vmul.f32 v7, v6;
	[tilespmem:s21+$0x3C20] =	vst v18;
	v3 =	vpop (erf)  }
0x4db: {  	v18 =	vld [tilespmem:s29+$0x3C20];
	v5 =	vadd.f32 v10, v5;
	v2 =	vmul.f32 v3, v2;
	[tilespmem:s21+$0x3C30] =	vst v8  }
0x4dc: {  	v10 =	vld [tilespmem:s29+$0x3C30];
	v3 =	vmul.f32 $1.442695020e+00, v9;
	[tilespmem:s21+$0x3C10] =	vst v6  }
0x4dd: {  	v6 =	vld [tilespmem:s29+$0x3C10];
	v7 =	vsub.f32 $0.0e+00, v5;
	[tilespmem:s21+$0x3C00] =	vst v2;
	s21 =	smov.u32 s29  }
0x4de: {  	v2 =	vld [tilespmem:s21+$0x3C00];
	v8 =	vadd.f32 v16, v13;
	(erf) = vpow2.f32 v3  }
0x4df: {  	v13 =	vmul.f32 $1.442695020e+00, v7;
	v7 =	vadd.f32 v12, v15  }
0x4e0: {  	v3 =	vadd.f32 v11, v18;
	v11 =	vsub.f32 $0.0e+00, v8  }
0x4e1: {  	v9 =	vadd.f32 v19, v10;
	v10 =	vsub.f32 $0.0e+00, v7;
	(erf) = vpow2.f32 v13  }
0x4e2: {  	v6 =	vadd.f32 v14, v6;
	v12 =	vsub.f32 $0.0e+00, v3;
	v11 =	vmul.f32 $1.442695020e+00, v11  }
0x4e3: {  	v2 =	vadd.f32 v17, v2;
	v13 =	vsub.f32 $0.0e+00, v9;
	v10 =	vmul.f32 $1.442695020e+00, v10  }
0x4e4: {  	v14 =	vsub.f32 $0.0e+00, v6;
	v15 =	vmul.f32 $1.442695020e+00, v12;
	(erf) = vpow2.f32 v11  }
0x4e5: {  	v11 =	vsub.f32 $0.0e+00, v2;
	v13 =	vmul.f32 $1.442695020e+00, v13;
	(erf) = vpow2.f32 v10  }
0x4e6: {  	v10 =	vmul.f32 $1.442695020e+00, v14;
	(erf) = vpow2.f32 v15  }
0x4e7: {  	v11 =	vmul.f32 $1.442695020e+00, v11;
	(erf) = vpow2.f32 v13;
	v12 =	vpop (erf)  }
0x4e8: {  	v12 =	vadd.f32 $1.000000000e+00, v12;
	(erf) = vpow2.f32 v10  }
0x4e9: {  	(erf) = vpow2.f32 v11  }
0x4ea: {  	v10 =	vpop (erf);
	(erf) = vrcp.f32 v12  }
.Ltmp15:
0x4eb: {  	v11 =	vadd.f32 $1.000000000e+00, v10;
	(pc) =	sbr.rel @p3 .LBB2_27-.Ltmp15, $4  }
0x4ec: {  	_ = 	snop  }
0x4ed: {  	(erf) = vrcp.f32 v11;
	v10 =	vpop (erf)  }
0x4ee: {  	v11 =	vadd.f32 $1.000000000e+00, v10;
	v10 =	vpop (erf)  }
0x4ef: {  	v10 =	vadd.f32 $1.000000000e+00, v10;
	v12 =	vpop (erf)  }
0x4f0: {  	v13 =	vpop (erf);
	(erf) = vrcp.f32 v11;
	v12 =	vadd.f32 $1.000000000e+00, v12  }
0x4f1: {  	v14 =	vpop (erf);
	(erf) = vrcp.f32 v10  }
0x4f2: {  	v60 =	vpop (erf);
	(erf) = vrcp.f32 v12;
	_ =	sdelay $0x1  }
0x4f3: {  	s4 =	sshra.s32 s28, $0x2;
	v13 =	vadd.f32 $1.000000000e+00, v13  }
0x4f4: {  	v59 =	vld [tilespmem:s4+$0x6420];
	v63 =	vadd.f32 $1.000000000e+00, v14  }
0x4f5: {  	v15 =	vld [tilespmem:s4+$0x6440];
	(erf) = vrcp.f32 v13  }
0x4f6: {  	v16 =	vld [tilespmem:s4+$0x6460];
	v17 =	vpop (erf);
	v10 =	vadd.f32 $1.000000000e+00, v60;
	(erf) = vrcp.f32 v63  }
0x4f7: {  	v18 =	vld [tilespmem:s4+$0x6470];
	v4 =	vmul.f32 v17, v4;
	v19 =	vpop (erf)  }
0x4f8: {  	v61 =	vld [tilespmem:s4+$0x6450];
	v20 =	vmul.f32 v19, v5;
	v22 =	vpop (erf);
	(erf) = vrcp.f32 v10  }
0x4f9: {  	v62 =	vld [tilespmem:s4+$0x6410];
	[tilespmem:s21+$0x3C50] =	vst v4;
	v25 =	vpop (erf)  }
0x4fa: {  	v21 =	vld [tilespmem:s4+$0x3C50];
	[tilespmem:s21+$0x3C40] =	vst v20;
	v27 =	vpop (erf)  }
0x4fb: {  	v23 =	vld [tilespmem:s4+$0x3C40];
	v4 =	vmul.f32 v22, v8;
	v3 =	vmul.f32 v27, v3  }
0x4fc: {  	v24 =	vld [tilespmem:s4+$0x6400];
	v7 =	vmul.f32 v25, v7  }
0x4fd: {  	v26 =	vld [tilespmem:s4+$0x6430];
	[tilespmem:s21+$0x3C70] =	vst v4  }
0x4fe: {  	v29 =	vpop (erf);
	v28 =	vld [tilespmem:s4+$0x3C70];
	[tilespmem:s21+$0x3C60] =	vst v7  }
0x4ff: {  	v4 =	vmul.f32 v29, v9;
	v7 =	vld [tilespmem:s4+$0x3C60];
	[tilespmem:s21+$0x3C20] =	vst v3;
	v3 =	vpop (erf)  }
0x500: {  	v31 =	vadd.f32 v61, v21;
	v3 =	vmul.f32 v3, v6  }
0x501: {  	v30 =	vld [tilespmem:s4+$0x3C20];
	[tilespmem:s21+$0x3C30] =	vst v4;
	v32 =	vpop (erf)  }
0x502: {  	v33 =	vld [tilespmem:s4+$0x3C30];
	v2 =	vmul.f32 v32, v2;
	[tilespmem:s21+$0x3C10] =	vst v3;
	v3 =	vsub.f32 $0.0e+00, v31  }
0x503: {  	v34 =	vadd.f32 v15, v23  }
0x504: {  	v10 =	vadd.f32 v18, v28;
	v35 =	vld [tilespmem:s4+$0x3C10];
	[tilespmem:s21+$0x3C00] =	vst v2;
	v2 =	vmul.f32 $1.442695020e+00, v3  }
0x505: {  	v13 =	vsub.f32 $0.0e+00, v34;
	v7 =	vadd.f32 v16, v7  }
0x506: {  	v36 =	vsub.f32 $0.0e+00, v10;
	v3 =	vld [tilespmem:s4+$0x3C00];
	(erf) = vpow2.f32 v2;
	v2 =	vadd.f32 v59, v30  }
0x507: {  	v13 =	vmul.f32 $1.442695020e+00, v13;
	v37 =	vsub.f32 $0.0e+00, v7  }
0x508: {  	v9 =	vmul.f32 $1.442695020e+00, v36;
	v38 =	vsub.f32 $0.0e+00, v2  }
0x509: {  	v6 =	vadd.f32 v26, v33;
	v11 =	vmul.f32 $1.442695020e+00, v37;
	(erf) = vpow2.f32 v13  }
0x50a: {  	v5 =	vadd.f32 v62, v35;
	(erf) = vpow2.f32 v9;
	v13 =	vmul.f32 $1.442695020e+00, v38  }
0x50b: {  	v39 =	vsub.f32 $0.0e+00, v6;
	(erf) = vpow2.f32 v11;
	v3 =	vadd.f32 v24, v3  }
0x50c: {  	v40 =	vsub.f32 $0.0e+00, v5;
	(erf) = vpow2.f32 v13  }
0x50d: {  	v8 =	vmul.f32 $1.442695020e+00, v39;
	v41 =	vsub.f32 $0.0e+00, v3  }
0x50e: {  	v42 =	vmul.f32 $1.442695020e+00, v40  }
0x50f: {  	(erf) = vpow2.f32 v8;
	v9 =	vmul.f32 $1.442695020e+00, v41  }
0x510: {  	(erf) = vpow2.f32 v42  }
0x511: {  	v43 =	vpop (erf);
	(erf) = vpow2.f32 v9  }
0x512: {  	v8 =	vadd.f32 $1.000000000e+00, v43;
	v44 =	vpop (erf)  }
0x513: {  	v9 =	vadd.f32 $1.000000000e+00, v44;
	v45 =	vpop (erf)  }
0x514: {  	(erf) = vrcp.f32 v8;
	v46 =	vadd.f32 $1.000000000e+00, v45;
	v47 =	vpop (erf)  }
0x515: {  	(erf) = vrcp.f32 v9;
	v48 =	vadd.f32 $1.000000000e+00, v47;
	v49 =	vpop (erf)  }
0x516: {  	(erf) = vrcp.f32 v46;
	v11 =	vadd.f32 $1.000000000e+00, v49  }
0x517: {  	(erf) = vrcp.f32 v48  }
0x518: {  	v50 =	vpop (erf);
	(erf) = vrcp.f32 v11  }
0x519: {  	v51 =	vadd.f32 $1.000000000e+00, v50;
	v52 =	vpop (erf)  }
0x51a: {  	v53 =	vadd.f32 $1.000000000e+00, v52;
	v54 =	vpop (erf)  }
0x51b: {  	(erf) = vrcp.f32 v51;
	v55 =	vadd.f32 $1.000000000e+00, v54  }
0x51c: {  	(erf) = vrcp.f32 v53  }
0x51d: {  	v56 =	vpop (erf);
	(erf) = vrcp.f32 v55  }
0x51e: {  	v57 =	vpop (erf)  }
0x51f: {  	v58 =	vpop (erf)  }
0x520: {  	v4 =	vmul.f32 v56, v31;
	v60 =	vpop (erf)  }
0x521: {  	v8 =	vmul.f32 v57, v34;
	v61 =	vpop (erf)  }
0x522: {  	[tilespmem:s4+$0x3C50] =	vst v4;
	v59 =	vmul.f32 v58, v10;
	v2 =	vmul.f32 v61, v2  }
0x523: {  	[tilespmem:s4+$0x3C40] =	vst v8;
	v7 =	vmul.f32 v60, v7  }
0x524: {  	s14 =	sadd.s32 $0x1, s14;
	[tilespmem:s4+$0x3C70] =	vst v59;
	v62 =	vpop (erf)  }
0x525: {  	p3 =	sne.s32 s14, $0x3E;
	[tilespmem:s4+$0x3C60] =	vst v7;
	v4 =	vmul.f32 v62, v6;
	v63 =	vpop (erf)  }
.Ltmp16:
0x526: {  	v5 =	vmul.f32 v63, v5;
	[tilespmem:s4+$0x3C20] =	vst v2;
	v2 =	vpop (erf);
	(pc) =	sbr.rel @p3 .LBB2_24-.Ltmp16, $4  }
0x527: {  	[tilespmem:s4+$0x3C30] =	vst v4;
	v2 =	vmul.f32 v2, v3  }
0x528: {  	[tilespmem:s4+$0x3C10] =	vst v5  }
0x529: {  	[tilespmem:s4+$0x3C00] =	vst v2  }
0x52a: {  	[spmem:s2] =	stream.indirect.scatter.add.f32 [tilespmem:s17], [sflag:$0x4], $0x80, s19, s3, $0xb8;
	[tilespmem:$0x1D800] =	vst v63  }
0x52b: {  	_ =	swait.ge [sflag:s20], $0x1400  }
0x52c: {  	[sflag:s20] =	ssyncset.done $0x0  }
0x52d: {  	[sflag:s20] =	ssyncadd.s32 $0xFFFFEC00  }
0x52e: {  	_ =	swait.ge [sflag:s20], $0x1400  }
0x52f: {  	[sflag:s20] =	ssyncset.done $0x0  }
0x530: {  	s14 =	simm.s32 $0x0;
	[sflag:s20] =	ssyncadd.s32 $0xFFFFEC00  }
0x531: {  	v2 =	vld [tilespmem:s14+$0x5020]  }
0x532: {  	v3 =	vld [tilespmem:s14+$0x5040]  }
0x533: {  	v6 =	vld [tilespmem:s14+$0x5060]  }
0x534: {  	v7 =	vld [tilespmem:s14+$0x5070]  }
0x535: {  	v4 =	vld [tilespmem:s14+$0x5050]  }
0x536: {  	v5 =	vld [tilespmem:s14+$0x2850]  }
0x537: {  	v8 =	vld [tilespmem:s14+$0x2840]  }
0x538: {  	v9 =	vld [tilespmem:s14+$0x2870]  }
0x539: {  	v10 =	vld [tilespmem:s14+$0x2860]  }
0x53a: {  	v11 =	vld [tilespmem:s14+$0x2820]  }
0x53b: {  	v4 =	vadd.f32 v4, v5  }
0x53c: {  	v5 =	vadd.f32 v3, v8  }
0x53d: {  	v8 =	vadd.f32 v7, v9;
	v9 =	vld [tilespmem:s14+$0x5030];
	v3 =	vsub.f32 $0.0e+00, v4  }
0x53e: {  	v7 =	vadd.f32 v6, v10;
	v6 =	vld [tilespmem:s14+$0x2830];
	v14 =	vsub.f32 $0.0e+00, v5  }
0x53f: {  	v12 =	vld [tilespmem:s14+$0x5010];
	v10 =	vmul.f32 $1.442695020e+00, v3;
	v3 =	vadd.f32 v2, v11;
	v2 =	vsub.f32 $0.0e+00, v8  }
0x540: {  	v13 =	vld [tilespmem:s14+$0x5000];
	v15 =	vsub.f32 $0.0e+00, v7;
	v14 =	vmul.f32 $1.442695020e+00, v14  }
0x541: {  	v11 =	vld [tilespmem:s14+$0x2810];
	(erf) = vpow2.f32 v10;
	v10 =	vsub.f32 $0.0e+00, v3;
	v2 =	vmul.f32 $1.442695020e+00, v2  }
0x542: {  	v16 =	vld [tilespmem:s14+$0x2800];
	(erf) = vpow2.f32 v14;
	v14 =	vmul.f32 $1.442695020e+00, v15  }
0x543: {  	v9 =	vadd.f32 v9, v6;
	v10 =	vmul.f32 $1.442695020e+00, v10;
	(erf) = vpow2.f32 v2  }
0x544: {  	(erf) = vpow2.f32 v14  }
0x545: {  	(erf) = vpow2.f32 v10;
	v10 =	vsub.f32 $0.0e+00, v9  }
0x546: {  	v6 =	vadd.f32 v12, v11  }
0x547: {  	v2 =	vadd.f32 v13, v16;
	v10 =	vmul.f32 $1.442695020e+00, v10  }
0x548: {  	v11 =	vsub.f32 $0.0e+00, v6  }
0x549: {  	v12 =	vsub.f32 $0.0e+00, v2  }
0x54a: {  	v11 =	vmul.f32 $1.442695020e+00, v11  }
0x54b: {  	v12 =	vmul.f32 $1.442695020e+00, v12;
	(erf) = vpow2.f32 v10;
	v10 =	vpop (erf)  }
0x54c: {  	(erf) = vpow2.f32 v11;
	v10 =	vadd.f32 $1.000000000e+00, v10  }
0x54d: {  	(erf) = vpow2.f32 v12  }
0x54e: {  	v11 =	vpop (erf);
	(erf) = vrcp.f32 v10  }
0x54f: {  	v11 =	vadd.f32 $1.000000000e+00, v11  }
0x550: {  	v12 =	vpop (erf)  }
0x551: {  	(erf) = vrcp.f32 v11;
	v10 =	vpop (erf)  }
0x552: {  	s19 =	simm.s32 $0x200;
	s4 =	simm.s32 $0x400;
	v11 =	vadd.f32 $1.000000000e+00, v12;
	v10 =	vadd.f32 $1.000000000e+00, v10;
	v12 =	vpop (erf)  }
.LBB2_30:
0x553: {  	p3 =	sne.s32 s4, $0x4E00  }
0x554: {  	s21 =	sshra.s32 s19, $0x2;
	v12 =	vadd.f32 $1.000000000e+00, v12;
	v13 =	vpop (erf);
	(erf) = vrcp.f32 v11;
	s19 =	smov.u32 s4;
	s4 =	sadd.s32 $0x200, s4  }
0x555: {  	v11 =	vld [tilespmem:s21+$0x5020];
	v16 =	vadd.f32 $1.000000000e+00, v13;
	v14 =	vpop (erf);
	(erf) = vrcp.f32 v10  }
0x556: {  	v10 =	vld [tilespmem:s21+$0x5040];
	v14 =	vadd.f32 $1.000000000e+00, v14;
	v15 =	vpop (erf);
	(erf) = vrcp.f32 v12  }
0x557: {  	v12 =	vld [tilespmem:s21+$0x5060];
	v15 =	vadd.f32 $1.000000000e+00, v15;
	(erf) = vrcp.f32 v16;
	v13 =	vpop (erf)  }
0x558: {  	v16 =	vld [tilespmem:s21+$0x5070];
	v17 =	vmul.f32 v13, v4;
	(erf) = vrcp.f32 v14  }
0x559: {  	v13 =	vld [tilespmem:s21+$0x5050];
	(erf) = vrcp.f32 v15  }
0x55a: {  	v14 =	vld [tilespmem:s21+$0x5010];
	[tilespmem:s14+$0x2850] =	vst v17;
	v4 =	vpop (erf)  }
0x55b: {  	v15 =	vld [tilespmem:s21+$0x2850];
	v5 =	vmul.f32 v4, v5;
	_ =	sdelay $0x1  }
0x55c: {  	[tilespmem:s14+$0x2840] =	vst v5;
	v4 =	vpop (erf)  }
0x55d: {  	v5 =	vld [tilespmem:s21+$0x2840];
	v20 =	vmul.f32 v4, v8;
	v4 =	vpop (erf)  }
0x55e: {  	v17 =	vld [tilespmem:s21+$0x5000];
	v21 =	vmul.f32 v4, v7;
	v18 =	vpop (erf)  }
0x55f: {  	v19 =	vld [tilespmem:s21+$0x5030];
	v4 =	vadd.f32 v13, v15;
	v18 =	vmul.f32 v18, v3;
	[tilespmem:s14+$0x2870] =	vst v20;
	v8 =	vpop (erf)  }
0x560: {  	v13 =	vld [tilespmem:s21+$0x2870];
	v8 =	vmul.f32 v8, v9;
	[tilespmem:s14+$0x2860] =	vst v21;
	v7 =	vpop (erf)  }
0x561: {  	v9 =	vsub.f32 $0.0e+00, v4;
	v15 =	vld [tilespmem:s21+$0x2860];
	v6 =	vmul.f32 v7, v6;
	[tilespmem:s14+$0x2820] =	vst v18;
	v3 =	vpop (erf)  }
0x562: {  	v18 =	vld [tilespmem:s21+$0x2820];
	v5 =	vadd.f32 v10, v5;
	v2 =	vmul.f32 v3, v2;
	[tilespmem:s14+$0x2830] =	vst v8  }
0x563: {  	v10 =	vld [tilespmem:s21+$0x2830];
	v3 =	vmul.f32 $1.442695020e+00, v9;
	[tilespmem:s14+$0x2810] =	vst v6  }
0x564: {  	v6 =	vld [tilespmem:s21+$0x2810];
	v7 =	vsub.f32 $0.0e+00, v5;
	[tilespmem:s14+$0x2800] =	vst v2;
	s14 =	smov.u32 s21  }
0x565: {  	v2 =	vld [tilespmem:s14+$0x2800];
	v8 =	vadd.f32 v16, v13;
	(erf) = vpow2.f32 v3  }
0x566: {  	v13 =	vmul.f32 $1.442695020e+00, v7;
	v7 =	vadd.f32 v12, v15  }
0x567: {  	v3 =	vadd.f32 v11, v18;
	v11 =	vsub.f32 $0.0e+00, v8  }
0x568: {  	v9 =	vadd.f32 v19, v10;
	v10 =	vsub.f32 $0.0e+00, v7;
	(erf) = vpow2.f32 v13  }
0x569: {  	v6 =	vadd.f32 v14, v6;
	v12 =	vsub.f32 $0.0e+00, v3;
	v11 =	vmul.f32 $1.442695020e+00, v11  }
0x56a: {  	v2 =	vadd.f32 v17, v2;
	v13 =	vsub.f32 $0.0e+00, v9;
	v10 =	vmul.f32 $1.442695020e+00, v10  }
0x56b: {  	v14 =	vsub.f32 $0.0e+00, v6;
	v15 =	vmul.f32 $1.442695020e+00, v12;
	(erf) = vpow2.f32 v11  }
0x56c: {  	v11 =	vsub.f32 $0.0e+00, v2;
	v13 =	vmul.f32 $1.442695020e+00, v13;
	(erf) = vpow2.f32 v10  }
0x56d: {  	v10 =	vmul.f32 $1.442695020e+00, v14;
	(erf) = vpow2.f32 v15  }
0x56e: {  	v11 =	vmul.f32 $1.442695020e+00, v11;
	(erf) = vpow2.f32 v13;
	v12 =	vpop (erf)  }
0x56f: {  	v12 =	vadd.f32 $1.000000000e+00, v12;
	(erf) = vpow2.f32 v10  }
0x570: {  	(erf) = vpow2.f32 v11  }
0x571: {  	v10 =	vpop (erf);
	(erf) = vrcp.f32 v12  }
.Ltmp17:
0x572: {  	v11 =	vadd.f32 $1.000000000e+00, v10;
	(pc) =	sbr.rel @p3 .LBB2_30-.Ltmp17, $4  }
0x573: {  	_ = 	snop  }
0x574: {  	(erf) = vrcp.f32 v11;
	v10 =	vpop (erf)  }
0x575: {  	v11 =	vadd.f32 $1.000000000e+00, v10;
	v10 =	vpop (erf)  }
0x576: {  	v10 =	vadd.f32 $1.000000000e+00, v10;
	v12 =	vpop (erf)  }
0x577: {  	v13 =	vpop (erf);
	(erf) = vrcp.f32 v11;
	v12 =	vadd.f32 $1.000000000e+00, v12  }
0x578: {  	v14 =	vpop (erf);
	(erf) = vrcp.f32 v10  }
0x579: {  	v60 =	vpop (erf);
	(erf) = vrcp.f32 v12;
	_ =	sdelay $0x1  }
0x57a: {  	s4 =	sshra.s32 s19, $0x2;
	v13 =	vadd.f32 $1.000000000e+00, v13  }
0x57b: {  	v59 =	vld [tilespmem:s4+$0x5020];
	v63 =	vadd.f32 $1.000000000e+00, v14  }
0x57c: {  	v15 =	vld [tilespmem:s4+$0x5040];
	(erf) = vrcp.f32 v13  }
0x57d: {  	v16 =	vld [tilespmem:s4+$0x5060];
	v17 =	vpop (erf);
	v10 =	vadd.f32 $1.000000000e+00, v60;
	(erf) = vrcp.f32 v63  }
0x57e: {  	v18 =	vld [tilespmem:s4+$0x5070];
	v4 =	vmul.f32 v17, v4;
	v19 =	vpop (erf)  }
0x57f: {  	v61 =	vld [tilespmem:s4+$0x5050];
	v20 =	vmul.f32 v19, v5;
	v22 =	vpop (erf);
	(erf) = vrcp.f32 v10  }
0x580: {  	v62 =	vld [tilespmem:s4+$0x5010];
	[tilespmem:s14+$0x2850] =	vst v4;
	v25 =	vpop (erf)  }
0x581: {  	v21 =	vld [tilespmem:s4+$0x2850];
	[tilespmem:s14+$0x2840] =	vst v20;
	v27 =	vpop (erf)  }
0x582: {  	v23 =	vld [tilespmem:s4+$0x2840];
	v4 =	vmul.f32 v22, v8;
	v3 =	vmul.f32 v27, v3  }
0x583: {  	v24 =	vld [tilespmem:s4+$0x5000];
	v7 =	vmul.f32 v25, v7  }
0x584: {  	v26 =	vld [tilespmem:s4+$0x5030];
	[tilespmem:s14+$0x2870] =	vst v4  }
0x585: {  	v29 =	vpop (erf);
	v28 =	vld [tilespmem:s4+$0x2870];
	[tilespmem:s14+$0x2860] =	vst v7  }
0x586: {  	v4 =	vmul.f32 v29, v9;
	v7 =	vld [tilespmem:s4+$0x2860];
	[tilespmem:s14+$0x2820] =	vst v3;
	v3 =	vpop (erf)  }
0x587: {  	v31 =	vadd.f32 v61, v21;
	v3 =	vmul.f32 v3, v6  }
0x588: {  	v30 =	vld [tilespmem:s4+$0x2820];
	[tilespmem:s14+$0x2830] =	vst v4;
	v32 =	vpop (erf)  }
0x589: {  	v33 =	vld [tilespmem:s4+$0x2830];
	v2 =	vmul.f32 v32, v2;
	[tilespmem:s14+$0x2810] =	vst v3;
	v3 =	vsub.f32 $0.0e+00, v31  }
0x58a: {  	v34 =	vadd.f32 v15, v23  }
0x58b: {  	v10 =	vadd.f32 v18, v28;
	v35 =	vld [tilespmem:s4+$0x2810];
	[tilespmem:s14+$0x2800] =	vst v2;
	v2 =	vmul.f32 $1.442695020e+00, v3  }
0x58c: {  	v13 =	vsub.f32 $0.0e+00, v34;
	v7 =	vadd.f32 v16, v7  }
0x58d: {  	v36 =	vsub.f32 $0.0e+00, v10;
	v3 =	vld [tilespmem:s4+$0x2800];
	(erf) = vpow2.f32 v2;
	v2 =	vadd.f32 v59, v30  }
0x58e: {  	v13 =	vmul.f32 $1.442695020e+00, v13;
	v37 =	vsub.f32 $0.0e+00, v7  }
0x58f: {  	v9 =	vmul.f32 $1.442695020e+00, v36;
	v38 =	vsub.f32 $0.0e+00, v2  }
0x590: {  	v6 =	vadd.f32 v26, v33;
	v11 =	vmul.f32 $1.442695020e+00, v37;
	(erf) = vpow2.f32 v13  }
0x591: {  	v5 =	vadd.f32 v62, v35;
	(erf) = vpow2.f32 v9;
	v13 =	vmul.f32 $1.442695020e+00, v38  }
0x592: {  	v39 =	vsub.f32 $0.0e+00, v6;
	(erf) = vpow2.f32 v11;
	v3 =	vadd.f32 v24, v3  }
0x593: {  	v40 =	vsub.f32 $0.0e+00, v5;
	(erf) = vpow2.f32 v13  }
0x594: {  	v8 =	vmul.f32 $1.442695020e+00, v39;
	v41 =	vsub.f32 $0.0e+00, v3  }
0x595: {  	v42 =	vmul.f32 $1.442695020e+00, v40  }
0x596: {  	(erf) = vpow2.f32 v8;
	v9 =	vmul.f32 $1.442695020e+00, v41  }
0x597: {  	(erf) = vpow2.f32 v42  }
0x598: {  	v43 =	vpop (erf);
	(erf) = vpow2.f32 v9  }
0x599: {  	v8 =	vadd.f32 $1.000000000e+00, v43;
	v44 =	vpop (erf)  }
0x59a: {  	v9 =	vadd.f32 $1.000000000e+00, v44;
	v45 =	vpop (erf)  }
0x59b: {  	(erf) = vrcp.f32 v8;
	v46 =	vadd.f32 $1.000000000e+00, v45;
	v47 =	vpop (erf)  }
0x59c: {  	(erf) = vrcp.f32 v9;
	v48 =	vadd.f32 $1.000000000e+00, v47;
	v49 =	vpop (erf)  }
0x59d: {  	(erf) = vrcp.f32 v46;
	v11 =	vadd.f32 $1.000000000e+00, v49  }
0x59e: {  	(erf) = vrcp.f32 v48  }
0x59f: {  	v50 =	vpop (erf);
	(erf) = vrcp.f32 v11  }
0x5a0: {  	v51 =	vadd.f32 $1.000000000e+00, v50;
	v52 =	vpop (erf)  }
0x5a1: {  	v53 =	vadd.f32 $1.000000000e+00, v52;
	v54 =	vpop (erf)  }
0x5a2: {  	(erf) = vrcp.f32 v51;
	v55 =	vadd.f32 $1.000000000e+00, v54  }
0x5a3: {  	(erf) = vrcp.f32 v53  }
0x5a4: {  	v56 =	vpop (erf);
	(erf) = vrcp.f32 v55  }
0x5a5: {  	v57 =	vpop (erf)  }
0x5a6: {  	v58 =	vpop (erf)  }
0x5a7: {  	v4 =	vmul.f32 v56, v31;
	v60 =	vpop (erf)  }
0x5a8: {  	v8 =	vmul.f32 v57, v34;
	v61 =	vpop (erf)  }
0x5a9: {  	[tilespmem:s4+$0x2850] =	vst v4;
	v59 =	vmul.f32 v58, v10;
	v2 =	vmul.f32 v61, v2  }
0x5aa: {  	[tilespmem:s4+$0x2840] =	vst v8;
	v7 =	vmul.f32 v60, v7  }
0x5ab: {  	[tilespmem:s4+$0x2870] =	vst v59;
	v62 =	vpop (erf)  }
0x5ac: {  	[tilespmem:s4+$0x2860] =	vst v7;
	v4 =	vmul.f32 v62, v6;
	v63 =	vpop (erf)  }
0x5ad: {  	v5 =	vmul.f32 v63, v5;
	[tilespmem:s4+$0x2820] =	vst v2;
	v2 =	vpop (erf)  }
0x5ae: {  	[tilespmem:s4+$0x2830] =	vst v4;
	v2 =	vmul.f32 v2, v3  }
0x5af: {  	[tilespmem:s4+$0x2810] =	vst v5  }
0x5b0: {  	s14 =	simm.s32 $0x2760;
	[tilespmem:s4+$0x2800] =	vst v2  }
0x5b1: {  	[spmem:s2] =	stream.indirect.scatter.add.f32 [tilespmem:s15], [sflag:$0x3], $0x80, s14, s3, $0xb8;
	[tilespmem:$0x1D800] =	vst v63  }
0x5b2: {  	_ =	swait.ge [sflag:s23], $0x1400  }
0x5b3: {  	[sflag:s23] =	ssyncset.done $0x0  }
0x5b4: {  	s19 =	simm.s32 $0x4;
	[sflag:s23] =	ssyncadd.s32 $0xFFFFEC00  }
0x5b5: {  	_ =	swait.ge [sflag:s19], $0x1400  }
0x5b6: {  	[sflag:s19] =	ssyncset.done $0x0  }
0x5b7: {  	[sflag:s19] =	ssyncadd.s32 $0xFFFFEC00  }
0x5b8: {  	[bflag:$0x0] =	sbarrier.arrive $0xFFFF  }
0x5b9: {  	s21 =	rddreg [dreg:$0x8]  }
0x5ba: {  	[hbm:s21], [sflag:s30] =	dma.local [spmem:s13], $0x2700  }
0x5bb: {  	_ =	swait.ge [sflag:s0], $0x2700  }
0x5bc: {  	[sflag:s0] =	ssyncset.done $0x0  }
0x5bd: {  	s4 =	rddreg [dreg:$0x9];
	[sflag:s0] =	ssyncadd.s32 $0xFFFFD900  }
0x5be: {  	[hbm:s4], [sflag:s30] =	dma.local @!p1 [spmem:s12], $0x100  }
0x5bf: {  	s4 =	simm.s32 @!p1 $0x5  }
0x5c0: {  	_ =	swait.ge @!p1 [sflag:s4], $0x100  }
0x5c1: {  	[sflag:s4] =	ssyncset.done @!p1 $0x0  }
0x5c2: {  	[sflag:s4] =	ssyncadd.s32 @!p1 $0xFFFFFF00  }
0x5c3: {  	[bflag:$0x0] =	sbarrier.arrive $0xFFFF  }
0x5c4: {  	s11 =	rddreg [dreg:$0x4]  }
0x5c5: {  	[spmem:s13], [sflag:s30] =	dma.local [hbm:s11], $0x2700  }
0x5c6: {  	_ =	swait.ge [sflag:s0], $0x2700  }
0x5c7: {  	[sflag:s0] =	ssyncset.done $0x0  }
0x5c8: {  	[sflag:s0] =	ssyncadd.s32 $0xFFFFD900  }
0x5c9: {  	[spmem:s12], [sflag:s30] =	dma.local @!p1 [hbm:s11], $0x100  }
0x5ca: {  	_ =	swait.ge @!p1 [sflag:s4], $0x100  }
0x5cb: {  	[sflag:s4] =	ssyncset.done @!p1 $0x0  }
0x5cc: {  	[sflag:s4] =	ssyncadd.s32 @!p1 $0xFFFFFF00  }
0x5cd: {  	[bflag:$0x0] =	sbarrier.arrive $0xFFFF  }
0x5ce: {  	s14 =	simm.s32 $0x0;
	s28 =	rddreg [dreg:$0xc]  }
0x5cf: {  	[tilespmem:s14], [sflag:$0x5] =	stream.linear.gather [hbm4b:s28+s14], $0x1388, $0x38;
	[tilespmem:$0x1D800] =	vst v63  }
0x5d0: {  	_ =	swait.ge [sflag:s0], $0x1388  }
0x5d1: {  	[sflag:s0] =	ssyncset.done $0x0  }
0x5d2: {  	s31 =	simm.s32 $0x1400;
	s29 =	rddreg [dreg:$0xe];
	[sflag:s0] =	ssyncadd.s32 $0xFFFFEC78  }
0x5d3: {  	[tilespmem:s31], [sflag:$0x5] =	stream.linear.gather [hbm4b:s29+s14], $0x1388, $0x38;
	[tilespmem:$0x1D800] =	vst v63  }
0x5d4: {  	_ =	swait.ge [sflag:s0], $0x1388  }
0x5d5: {  	[sflag:s0] =	ssyncset.done $0x0  }
0x5d6: {  	[sflag:s0] =	ssyncadd.s32 $0xFFFFEC78  }
0x5d7: {  	[tilespmem:s15], [sflag:$0x1] =	stream.indirect.gather [hbm4b:s9+s3], $0x80, s14, s3, $0xb8;
	[tilespmem:$0x1D800] =	vst v63  }
0x5d8: {  	_ = 	snop  }
0x5d9: {  	[tilespmem:s16], [sflag:$0x1] =	stream.indirect.gather [hbm4b:s24+s3], $0x80, s31, s3, $0xb8;
	[tilespmem:$0x1D800] =	vst v63  }
.LBB2_32:
0x5da: {  	p3 =	seq.s32 s14, $0x0  }
0x5db: {  	s4 =	simm.s32 @!p3 $0x4  }
0x5dc: {  	s21 =	smul.u32 $0x50, s14;
	_ =	swait.ge @!p3 [sflag:s4], $0x1400  }
0x5dd: {  	[sflag:s4] =	ssyncset.done @!p3 $0x0  }
0x5de: {  	s31 =	sadd.s32 $0x28, s21;
	[sflag:s4] =	ssyncadd.s32 @!p3 $0xFFFFEC00  }
0x5df: {  	[tilespmem:s17], [sflag:$0x2] =	stream.indirect.gather [hbm4b:s9+s3], $0x80, s31, s3, $0xb8;
	[tilespmem:$0x1D800] =	vst v63  }
0x5e0: {  	s19 =	sadd.s32 $0x1428, s21  }
0x5e1: {  	[tilespmem:s18], [sflag:$0x2] =	stream.indirect.gather [hbm4b:s24+s3], $0x80, s19, s3, $0xb8;
	[tilespmem:$0x1D800] =	vst v63  }
0x5e2: {  	_ =	swait.ge [sflag:s20], $0x1400  }
0x5e3: {  	[sflag:s20] =	ssyncset.done $0x0  }
0x5e4: {  	[sflag:s20] =	ssyncadd.s32 $0xFFFFEC00  }
0x5e5: {  	_ =	swait.ge [sflag:s20], $0x1400  }
0x5e6: {  	[sflag:s20] =	ssyncset.done $0x0  }
0x5e7: {  	s29 =	simm.s32 $0x0;
	[sflag:s20] =	ssyncadd.s32 $0xFFFFEC00  }
0x5e8: {  	v2 =	vld [tilespmem:s29+$0x5020]  }
0x5e9: {  	v3 =	vld [tilespmem:s29+$0x5040]  }
0x5ea: {  	v6 =	vld [tilespmem:s29+$0x5060]  }
0x5eb: {  	v7 =	vld [tilespmem:s29+$0x5070]  }
0x5ec: {  	v4 =	vld [tilespmem:s29+$0x5050]  }
0x5ed: {  	v5 =	vld [tilespmem:s29+$0x2850]  }
0x5ee: {  	v8 =	vld [tilespmem:s29+$0x2840]  }
0x5ef: {  	v9 =	vld [tilespmem:s29+$0x2870]  }
0x5f0: {  	v10 =	vld [tilespmem:s29+$0x2860]  }
0x5f1: {  	v11 =	vld [tilespmem:s29+$0x2820]  }
0x5f2: {  	v4 =	vadd.f32 v4, v5  }
0x5f3: {  	v5 =	vadd.f32 v3, v8  }
0x5f4: {  	v8 =	vadd.f32 v7, v9;
	v9 =	vld [tilespmem:s29+$0x5030];
	v3 =	vsub.f32 $0.0e+00, v4  }
0x5f5: {  	v7 =	vadd.f32 v6, v10;
	v6 =	vld [tilespmem:s29+$0x2830];
	v14 =	vsub.f32 $0.0e+00, v5  }
0x5f6: {  	v12 =	vld [tilespmem:s29+$0x5010];
	v10 =	vmul.f32 $1.442695020e+00, v3;
	v3 =	vadd.f32 v2, v11;
	v2 =	vsub.f32 $0.0e+00, v8  }
0x5f7: {  	v13 =	vld [tilespmem:s29+$0x5000];
	v15 =	vsub.f32 $0.0e+00, v7;
	v14 =	vmul.f32 $1.442695020e+00, v14  }
0x5f8: {  	v11 =	vld [tilespmem:s29+$0x2810];
	(erf) = vpow2.f32 v10;
	v10 =	vsub.f32 $0.0e+00, v3;
	v2 =	vmul.f32 $1.442695020e+00, v2  }
0x5f9: {  	v16 =	vld [tilespmem:s29+$0x2800];
	(erf) = vpow2.f32 v14;
	v14 =	vmul.f32 $1.442695020e+00, v15  }
0x5fa: {  	v9 =	vadd.f32 v9, v6;
	v10 =	vmul.f32 $1.442695020e+00, v10;
	(erf) = vpow2.f32 v2  }
0x5fb: {  	(erf) = vpow2.f32 v14  }
0x5fc: {  	(erf) = vpow2.f32 v10;
	v10 =	vsub.f32 $0.0e+00, v9  }
0x5fd: {  	v6 =	vadd.f32 v12, v11  }
0x5fe: {  	v2 =	vadd.f32 v13, v16;
	v10 =	vmul.f32 $1.442695020e+00, v10  }
0x5ff: {  	v11 =	vsub.f32 $0.0e+00, v6  }
0x600: {  	v12 =	vsub.f32 $0.0e+00, v2  }
0x601: {  	v11 =	vmul.f32 $1.442695020e+00, v11  }
0x602: {  	v12 =	vmul.f32 $1.442695020e+00, v12;
	(erf) = vpow2.f32 v10;
	v10 =	vpop (erf)  }
0x603: {  	(erf) = vpow2.f32 v11;
	v10 =	vadd.f32 $1.000000000e+00, v10  }
0x604: {  	(erf) = vpow2.f32 v12  }
0x605: {  	v11 =	vpop (erf);
	(erf) = vrcp.f32 v10  }
0x606: {  	v11 =	vadd.f32 $1.000000000e+00, v11  }
0x607: {  	v12 =	vpop (erf)  }
0x608: {  	(erf) = vrcp.f32 v11;
	v10 =	vpop (erf)  }
0x609: {  	s28 =	simm.s32 $0x200;
	s4 =	simm.s32 $0x400;
	v11 =	vadd.f32 $1.000000000e+00, v12;
	v10 =	vadd.f32 $1.000000000e+00, v10;
	v12 =	vpop (erf)  }
.LBB2_33:
0x60a: {  	p3 =	sne.s32 s4, $0x4E00  }
0x60b: {  	s31 =	sshra.s32 s28, $0x2;
	v12 =	vadd.f32 $1.000000000e+00, v12;
	v13 =	vpop (erf);
	(erf) = vrcp.f32 v11;
	s28 =	smov.u32 s4;
	s4 =	sadd.s32 $0x200, s4  }
0x60c: {  	v11 =	vld [tilespmem:s31+$0x5020];
	v16 =	vadd.f32 $1.000000000e+00, v13;
	v14 =	vpop (erf);
	(erf) = vrcp.f32 v10  }
0x60d: {  	v10 =	vld [tilespmem:s31+$0x5040];
	v14 =	vadd.f32 $1.000000000e+00, v14;
	v15 =	vpop (erf);
	(erf) = vrcp.f32 v12  }
0x60e: {  	v12 =	vld [tilespmem:s31+$0x5060];
	v15 =	vadd.f32 $1.000000000e+00, v15;
	(erf) = vrcp.f32 v16;
	v13 =	vpop (erf)  }
0x60f: {  	v16 =	vld [tilespmem:s31+$0x5070];
	v17 =	vmul.f32 v13, v4;
	(erf) = vrcp.f32 v14  }
0x610: {  	v13 =	vld [tilespmem:s31+$0x5050];
	(erf) = vrcp.f32 v15  }
0x611: {  	v14 =	vld [tilespmem:s31+$0x5010];
	[tilespmem:s29+$0x2850] =	vst v17;
	v4 =	vpop (erf)  }
0x612: {  	v15 =	vld [tilespmem:s31+$0x2850];
	v5 =	vmul.f32 v4, v5;
	_ =	sdelay $0x1  }
0x613: {  	[tilespmem:s29+$0x2840] =	vst v5;
	v4 =	vpop (erf)  }
0x614: {  	v5 =	vld [tilespmem:s31+$0x2840];
	v20 =	vmul.f32 v4, v8;
	v4 =	vpop (erf)  }
0x615: {  	v17 =	vld [tilespmem:s31+$0x5000];
	v21 =	vmul.f32 v4, v7;
	v18 =	vpop (erf)  }
0x616: {  	v19 =	vld [tilespmem:s31+$0x5030];
	v4 =	vadd.f32 v13, v15;
	v18 =	vmul.f32 v18, v3;
	[tilespmem:s29+$0x2870] =	vst v20;
	v8 =	vpop (erf)  }
0x617: {  	v13 =	vld [tilespmem:s31+$0x2870];
	v8 =	vmul.f32 v8, v9;
	[tilespmem:s29+$0x2860] =	vst v21;
	v7 =	vpop (erf)  }
0x618: {  	v9 =	vsub.f32 $0.0e+00, v4;
	v15 =	vld [tilespmem:s31+$0x2860];
	v6 =	vmul.f32 v7, v6;
	[tilespmem:s29+$0x2820] =	vst v18;
	v3 =	vpop (erf)  }
0x619: {  	v18 =	vld [tilespmem:s31+$0x2820];
	v5 =	vadd.f32 v10, v5;
	v2 =	vmul.f32 v3, v2;
	[tilespmem:s29+$0x2830] =	vst v8  }
0x61a: {  	v10 =	vld [tilespmem:s31+$0x2830];
	v3 =	vmul.f32 $1.442695020e+00, v9;
	[tilespmem:s29+$0x2810] =	vst v6  }
0x61b: {  	v6 =	vld [tilespmem:s31+$0x2810];
	v7 =	vsub.f32 $0.0e+00, v5;
	[tilespmem:s29+$0x2800] =	vst v2;
	s29 =	smov.u32 s31  }
0x61c: {  	v2 =	vld [tilespmem:s29+$0x2800];
	v8 =	vadd.f32 v16, v13;
	(erf) = vpow2.f32 v3  }
0x61d: {  	v13 =	vmul.f32 $1.442695020e+00, v7;
	v7 =	vadd.f32 v12, v15  }
0x61e: {  	v3 =	vadd.f32 v11, v18;
	v11 =	vsub.f32 $0.0e+00, v8  }
0x61f: {  	v9 =	vadd.f32 v19, v10;
	v10 =	vsub.f32 $0.0e+00, v7;
	(erf) = vpow2.f32 v13  }
0x620: {  	v6 =	vadd.f32 v14, v6;
	v12 =	vsub.f32 $0.0e+00, v3;
	v11 =	vmul.f32 $1.442695020e+00, v11  }
0x621: {  	v2 =	vadd.f32 v17, v2;
	v13 =	vsub.f32 $0.0e+00, v9;
	v10 =	vmul.f32 $1.442695020e+00, v10  }
0x622: {  	v14 =	vsub.f32 $0.0e+00, v6;
	v15 =	vmul.f32 $1.442695020e+00, v12;
	(erf) = vpow2.f32 v11  }
0x623: {  	v11 =	vsub.f32 $0.0e+00, v2;
	v13 =	vmul.f32 $1.442695020e+00, v13;
	(erf) = vpow2.f32 v10  }
0x624: {  	v10 =	vmul.f32 $1.442695020e+00, v14;
	(erf) = vpow2.f32 v15  }
0x625: {  	v11 =	vmul.f32 $1.442695020e+00, v11;
	(erf) = vpow2.f32 v13;
	v12 =	vpop (erf)  }
0x626: {  	v12 =	vadd.f32 $1.000000000e+00, v12;
	(erf) = vpow2.f32 v10  }
0x627: {  	(erf) = vpow2.f32 v11  }
0x628: {  	v10 =	vpop (erf);
	(erf) = vrcp.f32 v12  }
.Ltmp18:
0x629: {  	v11 =	vadd.f32 $1.000000000e+00, v10;
	(pc) =	sbr.rel @p3 .LBB2_33-.Ltmp18, $4  }
0x62a: {  	_ = 	snop  }
0x62b: {  	(erf) = vrcp.f32 v11;
	v10 =	vpop (erf)  }
0x62c: {  	v11 =	vadd.f32 $1.000000000e+00, v10;
	v10 =	vpop (erf)  }
0x62d: {  	v10 =	vadd.f32 $1.000000000e+00, v10;
	v12 =	vpop (erf)  }
0x62e: {  	_ = 	snop  }
0x62f: {  	s4 =	sshra.s32 s28, $0x2;
	v13 =	vpop (erf)  }
0x630: {  	(erf) = vrcp.f32 v11;
	v11 =	vld [tilespmem:s4+$0x5020];
	v14 =	vpop (erf)  }
0x631: {  	v15 =	vld [tilespmem:s4+$0x5040];
	(erf) = vrcp.f32 v10;
	v10 =	vpop (erf)  }
0x632: {  	v16 =	vld [tilespmem:s4+$0x5060];
	v17 =	vpop (erf)  }
0x633: {  	v12 =	vadd.f32 $1.000000000e+00, v12;
	v18 =	vld [tilespmem:s4+$0x5070];
	v4 =	vmul.f32 v17, v4  }
0x634: {  	v62 =	vld [tilespmem:s4+$0x5010];
	v19 =	vpop (erf)  }
0x635: {  	(erf) = vrcp.f32 v12;
	v12 =	vld [tilespmem:s4+$0x5050];
	[tilespmem:s29+$0x2850] =	vst v4;
	v4 =	vmul.f32 v19, v5  }
0x636: {  	v13 =	vadd.f32 $1.000000000e+00, v13;
	_ =	sdelay $0x1  }
0x637: {  	(erf) = vrcp.f32 v13;
	v13 =	vadd.f32 $1.000000000e+00, v14  }
0x638: {  	v10 =	vadd.f32 $1.000000000e+00, v10;
	v5 =	vld [tilespmem:s4+$0x2850];
	[tilespmem:s29+$0x2840] =	vst v4;
	v4 =	vpop (erf)  }
0x639: {  	(erf) = vrcp.f32 v13;
	v4 =	vmul.f32 v4, v8  }
0x63a: {  	(erf) = vrcp.f32 v10  }
0x63b: {  	v13 =	vld [tilespmem:s4+$0x2840]  }
0x63c: {  	v14 =	vld [tilespmem:s4+$0x5030];
	v10 =	vpop (erf)  }
0x63d: {  	v8 =	vld [tilespmem:s4+$0x5000];
	[tilespmem:s29+$0x2870] =	vst v4;
	v4 =	vpop (erf)  }
0x63e: {  	v3 =	vmul.f32 v4, v3  }
0x63f: {  	v7 =	vmul.f32 v10, v7  }
0x640: {  	v4 =	vpop (erf)  }
0x641: {  	v10 =	vld [tilespmem:s4+$0x2870];
	[tilespmem:s29+$0x2860] =	vst v7;
	v4 =	vmul.f32 v4, v9  }
0x642: {  	v7 =	vld [tilespmem:s4+$0x2860];
	[tilespmem:s29+$0x2820] =	vst v3;
	v3 =	vpop (erf)  }
0x643: {  	v9 =	vld [tilespmem:s4+$0x2820];
	[tilespmem:s29+$0x2830] =	vst v4;
	v4 =	vadd.f32 v12, v5;
	v3 =	vmul.f32 v3, v6;
	v5 =	vpop (erf)  }
0x644: {  	v2 =	vmul.f32 v5, v2  }
0x645: {  	v12 =	vadd.f32 v15, v13;
	v6 =	vld [tilespmem:s4+$0x2830];
	[tilespmem:s29+$0x2810] =	vst v3;
	v3 =	vsub.f32 $0.0e+00, v4  }
0x646: {  	v5 =	vld [tilespmem:s4+$0x2810];
	[tilespmem:s29+$0x2800] =	vst v2  }
0x647: {  	v13 =	vsub.f32 $0.0e+00, v12;
	v2 =	vmul.f32 $1.442695020e+00, v3;
	v3 =	vld [tilespmem:s4+$0x2800]  }
0x648: {  	v10 =	vadd.f32 v18, v10  }
0x649: {  	v7 =	vadd.f32 v16, v7;
	v13 =	vmul.f32 $1.442695020e+00, v13  }
0x64a: {  	(erf) = vpow2.f32 v2;
	v2 =	vadd.f32 v11, v9;
	v9 =	vsub.f32 $0.0e+00, v10  }
0x64b: {  	v6 =	vadd.f32 v14, v6;
	v11 =	vsub.f32 $0.0e+00, v7;
	(erf) = vpow2.f32 v13  }
0x64c: {  	v13 =	vsub.f32 $0.0e+00, v2;
	v9 =	vmul.f32 $1.442695020e+00, v9;
	v3 =	vadd.f32 v8, v3  }
0x64d: {  	v5 =	vadd.f32 v62, v5;
	v11 =	vmul.f32 $1.442695020e+00, v11;
	v8 =	vsub.f32 $0.0e+00, v6  }
0x64e: {  	v13 =	vmul.f32 $1.442695020e+00, v13;
	(erf) = vpow2.f32 v9;
	v9 =	vsub.f32 $0.0e+00, v3  }
0x64f: {  	v14 =	vsub.f32 $0.0e+00, v5;
	v8 =	vmul.f32 $1.442695020e+00, v8;
	(erf) = vpow2.f32 v11  }
0x650: {  	(erf) = vpow2.f32 v13;
	v9 =	vmul.f32 $1.442695020e+00, v9  }
0x651: {  	v11 =	vmul.f32 $1.442695020e+00, v14;
	(erf) = vpow2.f32 v8;
	_ =	sdelay $0x1  }
0x652: {  	(erf) = vpow2.f32 v11;
	v8 =	vpop (erf)  }
0x653: {  	(erf) = vpow2.f32 v9;
	v8 =	vadd.f32 $1.000000000e+00, v8;
	v9 =	vpop (erf)  }
0x654: {  	v9 =	vadd.f32 $1.000000000e+00, v9  }
0x655: {  	(erf) = vrcp.f32 v8  }
0x656: {  	v11 =	vpop (erf);
	(erf) = vrcp.f32 v9  }
0x657: {  	v8 =	vadd.f32 $1.000000000e+00, v11;
	v11 =	vpop (erf)  }
0x658: {  	v9 =	vadd.f32 $1.000000000e+00, v11;
	v11 =	vpop (erf)  }
0x659: {  	v11 =	vadd.f32 $1.000000000e+00, v11;
	v13 =	vpop (erf);
	(erf) = vrcp.f32 v8  }
0x65a: {  	v8 =	vadd.f32 $1.000000000e+00, v13;
	(erf) = vrcp.f32 v9  }
0x65b: {  	(erf) = vrcp.f32 v11  }
0x65c: {  	v13 =	vpop (erf)  }
0x65d: {  	v9 =	vadd.f32 $1.000000000e+00, v13;
	v13 =	vpop (erf)  }
0x65e: {  	v11 =	vadd.f32 $1.000000000e+00, v13;
	(erf) = vrcp.f32 v8;
	v8 =	vpop (erf)  }
0x65f: {  	(erf) = vrcp.f32 v9;
	v4 =	vmul.f32 v8, v4;
	v8 =	vpop (erf)  }
0x660: {  	(erf) = vrcp.f32 v11;
	v8 =	vmul.f32 v8, v12;
	_ =	sdelay $0x1  }
0x661: {  	v9 =	vpop (erf)  }
0x662: {  	[tilespmem:s4+$0x2850] =	vst v4;
	v4 =	vmul.f32 v9, v10;
	v9 =	vpop (erf)  }
0x663: {  	[tilespmem:s4+$0x2840] =	vst v8;
	v8 =	vpop (erf)  }
0x664: {  	v2 =	vmul.f32 v8, v2  }
0x665: {  	v7 =	vmul.f32 v9, v7  }
0x666: {  	[tilespmem:s4+$0x2870] =	vst v4;
	v4 =	vpop (erf)  }
0x667: {  	[tilespmem:s4+$0x2860] =	vst v7;
	v4 =	vmul.f32 v4, v6;
	v6 =	vpop (erf)  }
0x668: {  	s11 =	smul.u32 $0x140, s14;
	[tilespmem:s4+$0x2820] =	vst v2;
	v5 =	vmul.f32 v6, v5;
	v2 =	vpop (erf)  }
0x669: {  	[tilespmem:s4+$0x2830] =	vst v4;
	v2 =	vmul.f32 v2, v3  }
0x66a: {  	s11 =	sshra.s32 s11, $0x2;
	[tilespmem:s4+$0x2810] =	vst v5  }
0x66b: {  	s11 =	sadd.s32 $0x1400, s11;
	[tilespmem:s4+$0x2800] =	vst v2  }
0x66c: {  	[spmem:s2] =	stream.indirect.scatter.add.f32 [tilespmem:s15], [sflag:$0x3], $0x80, s11, s3, $0xb8;
	[tilespmem:$0x1D800] =	vst v63  }
0x66d: {  	_ =	swait.ge [sflag:s23], $0x1400  }
0x66e: {  	[sflag:s23] =	ssyncset.done $0x0  }
0x66f: {  	s29 =	sadd.s32 $0x50, s21;
	[sflag:s23] =	ssyncadd.s32 $0xFFFFEC00  }
0x670: {  	[tilespmem:s15], [sflag:$0x1] =	stream.indirect.gather [hbm4b:s9+s3], $0x80, s29, s3, $0xb8;
	[tilespmem:$0x1D800] =	vst v63  }
0x671: {  	s31 =	sadd.s32 $0x1450, s21  }
0x672: {  	[tilespmem:s16], [sflag:$0x1] =	stream.indirect.gather [hbm4b:s24+s3], $0x80, s31, s3, $0xb8;
	[tilespmem:$0x1D800] =	vst v63  }
0x673: {  	_ =	swait.ge [sflag:s25], $0x1400  }
0x674: {  	[sflag:s25] =	ssyncset.done $0x0  }
0x675: {  	[sflag:s25] =	ssyncadd.s32 $0xFFFFEC00  }
0x676: {  	_ =	swait.ge [sflag:s25], $0x1400  }
0x677: {  	[sflag:s25] =	ssyncset.done $0x0  }
0x678: {  	s21 =	simm.s32 $0x0;
	[sflag:s25] =	ssyncadd.s32 $0xFFFFEC00  }
0x679: {  	v2 =	vld [tilespmem:s21+$0x6420]  }
0x67a: {  	v3 =	vld [tilespmem:s21+$0x6440]  }
0x67b: {  	v6 =	vld [tilespmem:s21+$0x6460]  }
0x67c: {  	v7 =	vld [tilespmem:s21+$0x6470]  }
0x67d: {  	v4 =	vld [tilespmem:s21+$0x6450]  }
0x67e: {  	v5 =	vld [tilespmem:s21+$0x3C50]  }
0x67f: {  	v8 =	vld [tilespmem:s21+$0x3C40]  }
0x680: {  	v9 =	vld [tilespmem:s21+$0x3C70]  }
0x681: {  	v10 =	vld [tilespmem:s21+$0x3C60]  }
0x682: {  	v11 =	vld [tilespmem:s21+$0x3C20]  }
0x683: {  	v4 =	vadd.f32 v4, v5  }
0x684: {  	v5 =	vadd.f32 v3, v8  }
0x685: {  	v8 =	vadd.f32 v7, v9;
	v9 =	vld [tilespmem:s21+$0x6430];
	v3 =	vsub.f32 $0.0e+00, v4  }
0x686: {  	v7 =	vadd.f32 v6, v10;
	v6 =	vld [tilespmem:s21+$0x3C30];
	v14 =	vsub.f32 $0.0e+00, v5  }
0x687: {  	v12 =	vld [tilespmem:s21+$0x6410];
	v10 =	vmul.f32 $1.442695020e+00, v3;
	v3 =	vadd.f32 v2, v11;
	v2 =	vsub.f32 $0.0e+00, v8  }
0x688: {  	v15 =	vsub.f32 $0.0e+00, v7;
	v11 =	vld [tilespmem:s21+$0x3C10];
	v14 =	vmul.f32 $1.442695020e+00, v14  }
0x689: {  	v13 =	vld [tilespmem:s21+$0x6400];
	(erf) = vpow2.f32 v10;
	v10 =	vsub.f32 $0.0e+00, v3;
	v2 =	vmul.f32 $1.442695020e+00, v2  }
0x68a: {  	v63 =	vld [tilespmem:s21+$0x3C00];
	(erf) = vpow2.f32 v14;
	v14 =	vmul.f32 $1.442695020e+00, v15  }
0x68b: {  	v9 =	vadd.f32 v9, v6;
	v10 =	vmul.f32 $1.442695020e+00, v10;
	(erf) = vpow2.f32 v2  }
0x68c: {  	(erf) = vpow2.f32 v14  }
0x68d: {  	v6 =	vadd.f32 v12, v11;
	(erf) = vpow2.f32 v10;
	v10 =	vsub.f32 $0.0e+00, v9;
	_ =	sdelay $0x1  }
0x68e: {  	v2 =	vadd.f32 v13, v63;
	v11 =	vsub.f32 $0.0e+00, v6;
	v10 =	vmul.f32 $1.442695020e+00, v10;
	_ =	sdelay $0x1  }
0x68f: {  	v12 =	vsub.f32 $0.0e+00, v2;
	v11 =	vmul.f32 $1.442695020e+00, v11;
	_ =	sdelay $0x1  }
0x690: {  	v12 =	vmul.f32 $1.442695020e+00, v12;
	(erf) = vpow2.f32 v10;
	v10 =	vpop (erf)  }
0x691: {  	(erf) = vpow2.f32 v11;
	v10 =	vadd.f32 $1.000000000e+00, v10  }
0x692: {  	v11 =	vpop (erf);
	(erf) = vpow2.f32 v12  }
0x693: {  	(erf) = vrcp.f32 v10  }
0x694: {  	v11 =	vadd.f32 $1.000000000e+00, v11  }
0x695: {  	v12 =	vpop (erf)  }
0x696: {  	(erf) = vrcp.f32 v11;
	v10 =	vpop (erf)  }
0x697: {  	s28 =	simm.s32 $0x200;
	s4 =	simm.s32 $0x400;
	v11 =	vadd.f32 $1.000000000e+00, v12;
	v10 =	vadd.f32 $1.000000000e+00, v10;
	v12 =	vpop (erf)  }
.LBB2_35:
0x698: {  	p3 =	sne.s32 s4, $0x4E00  }
0x699: {  	s29 =	sshra.s32 s28, $0x2;
	v12 =	vadd.f32 $1.000000000e+00, v12;
	v13 =	vpop (erf);
	(erf) = vrcp.f32 v11;
	s28 =	smov.u32 s4;
	s4 =	sadd.s32 $0x200, s4  }
0x69a: {  	v11 =	vld [tilespmem:s29+$0x6420];
	v16 =	vadd.f32 $1.000000000e+00, v13;
	v14 =	vpop (erf);
	(erf) = vrcp.f32 v10  }
0x69b: {  	v10 =	vld [tilespmem:s29+$0x6440];
	v14 =	vadd.f32 $1.000000000e+00, v14;
	v15 =	vpop (erf);
	(erf) = vrcp.f32 v12  }
0x69c: {  	v12 =	vld [tilespmem:s29+$0x6460];
	v15 =	vadd.f32 $1.000000000e+00, v15;
	(erf) = vrcp.f32 v16;
	v13 =	vpop (erf)  }
0x69d: {  	v16 =	vld [tilespmem:s29+$0x6470];
	v17 =	vmul.f32 v13, v4;
	(erf) = vrcp.f32 v14  }
0x69e: {  	v13 =	vld [tilespmem:s29+$0x6450];
	(erf) = vrcp.f32 v15  }
0x69f: {  	v14 =	vld [tilespmem:s29+$0x6410];
	[tilespmem:s21+$0x3C50] =	vst v17;
	v4 =	vpop (erf)  }
0x6a0: {  	v15 =	vld [tilespmem:s29+$0x3C50];
	v5 =	vmul.f32 v4, v5;
	_ =	sdelay $0x1  }
0x6a1: {  	[tilespmem:s21+$0x3C40] =	vst v5;
	v4 =	vpop (erf)  }
0x6a2: {  	v5 =	vld [tilespmem:s29+$0x3C40];
	v20 =	vmul.f32 v4, v8;
	v4 =	vpop (erf)  }
0x6a3: {  	v17 =	vld [tilespmem:s29+$0x6400];
	v21 =	vmul.f32 v4, v7;
	v18 =	vpop (erf)  }
0x6a4: {  	v19 =	vld [tilespmem:s29+$0x6430];
	v4 =	vadd.f32 v13, v15;
	v18 =	vmul.f32 v18, v3;
	[tilespmem:s21+$0x3C70] =	vst v20;
	v8 =	vpop (erf)  }
0x6a5: {  	v13 =	vld [tilespmem:s29+$0x3C70];
	v8 =	vmul.f32 v8, v9;
	[tilespmem:s21+$0x3C60] =	vst v21;
	v7 =	vpop (erf)  }
0x6a6: {  	v9 =	vsub.f32 $0.0e+00, v4;
	v15 =	vld [tilespmem:s29+$0x3C60];
	v6 =	vmul.f32 v7, v6;
	[tilespmem:s21+$0x3C20] =	vst v18;
	v3 =	vpop (erf)  }
0x6a7: {  	v18 =	vld [tilespmem:s29+$0x3C20];
	v5 =	vadd.f32 v10, v5;
	v2 =	vmul.f32 v3, v2;
	[tilespmem:s21+$0x3C30] =	vst v8  }
0x6a8: {  	v10 =	vld [tilespmem:s29+$0x3C30];
	v3 =	vmul.f32 $1.442695020e+00, v9;
	[tilespmem:s21+$0x3C10] =	vst v6  }
0x6a9: {  	v6 =	vld [tilespmem:s29+$0x3C10];
	v7 =	vsub.f32 $0.0e+00, v5;
	[tilespmem:s21+$0x3C00] =	vst v2;
	s21 =	smov.u32 s29  }
0x6aa: {  	v2 =	vld [tilespmem:s21+$0x3C00];
	v8 =	vadd.f32 v16, v13;
	(erf) = vpow2.f32 v3  }
0x6ab: {  	v13 =	vmul.f32 $1.442695020e+00, v7;
	v7 =	vadd.f32 v12, v15  }
0x6ac: {  	v3 =	vadd.f32 v11, v18;
	v11 =	vsub.f32 $0.0e+00, v8  }
0x6ad: {  	v9 =	vadd.f32 v19, v10;
	v10 =	vsub.f32 $0.0e+00, v7;
	(erf) = vpow2.f32 v13  }
0x6ae: {  	v6 =	vadd.f32 v14, v6;
	v12 =	vsub.f32 $0.0e+00, v3;
	v11 =	vmul.f32 $1.442695020e+00, v11  }
0x6af: {  	v2 =	vadd.f32 v17, v2;
	v13 =	vsub.f32 $0.0e+00, v9;
	v10 =	vmul.f32 $1.442695020e+00, v10  }
0x6b0: {  	v14 =	vsub.f32 $0.0e+00, v6;
	v15 =	vmul.f32 $1.442695020e+00, v12;
	(erf) = vpow2.f32 v11  }
0x6b1: {  	v11 =	vsub.f32 $0.0e+00, v2;
	v13 =	vmul.f32 $1.442695020e+00, v13;
	(erf) = vpow2.f32 v10  }
0x6b2: {  	v10 =	vmul.f32 $1.442695020e+00, v14;
	(erf) = vpow2.f32 v15  }
0x6b3: {  	v11 =	vmul.f32 $1.442695020e+00, v11;
	(erf) = vpow2.f32 v13;
	v12 =	vpop (erf)  }
0x6b4: {  	v12 =	vadd.f32 $1.000000000e+00, v12;
	(erf) = vpow2.f32 v10  }
0x6b5: {  	(erf) = vpow2.f32 v11  }
0x6b6: {  	v10 =	vpop (erf);
	(erf) = vrcp.f32 v12  }
.Ltmp19:
0x6b7: {  	v11 =	vadd.f32 $1.000000000e+00, v10;
	(pc) =	sbr.rel @p3 .LBB2_35-.Ltmp19, $4  }
0x6b8: {  	_ = 	snop  }
0x6b9: {  	(erf) = vrcp.f32 v11;
	v10 =	vpop (erf)  }
0x6ba: {  	v11 =	vadd.f32 $1.000000000e+00, v10;
	v10 =	vpop (erf)  }
0x6bb: {  	v10 =	vadd.f32 $1.000000000e+00, v10;
	v12 =	vpop (erf)  }
0x6bc: {  	v13 =	vpop (erf);
	(erf) = vrcp.f32 v11;
	v12 =	vadd.f32 $1.000000000e+00, v12  }
0x6bd: {  	v14 =	vpop (erf);
	(erf) = vrcp.f32 v10  }
0x6be: {  	v60 =	vpop (erf);
	(erf) = vrcp.f32 v12;
	_ =	sdelay $0x1  }
0x6bf: {  	s4 =	sshra.s32 s28, $0x2;
	v13 =	vadd.f32 $1.000000000e+00, v13  }
0x6c0: {  	v59 =	vld [tilespmem:s4+$0x6420];
	v63 =	vadd.f32 $1.000000000e+00, v14  }
0x6c1: {  	v15 =	vld [tilespmem:s4+$0x6440];
	(erf) = vrcp.f32 v13  }
0x6c2: {  	v16 =	vld [tilespmem:s4+$0x6460];
	v17 =	vpop (erf);
	v10 =	vadd.f32 $1.000000000e+00, v60;
	(erf) = vrcp.f32 v63  }
0x6c3: {  	v18 =	vld [tilespmem:s4+$0x6470];
	v4 =	vmul.f32 v17, v4;
	v19 =	vpop (erf)  }
0x6c4: {  	v61 =	vld [tilespmem:s4+$0x6450];
	v20 =	vmul.f32 v19, v5;
	v22 =	vpop (erf);
	(erf) = vrcp.f32 v10  }
0x6c5: {  	v62 =	vld [tilespmem:s4+$0x6410];
	[tilespmem:s21+$0x3C50] =	vst v4;
	v25 =	vpop (erf)  }
0x6c6: {  	v21 =	vld [tilespmem:s4+$0x3C50];
	[tilespmem:s21+$0x3C40] =	vst v20;
	v27 =	vpop (erf)  }
0x6c7: {  	v23 =	vld [tilespmem:s4+$0x3C40];
	v4 =	vmul.f32 v22, v8;
	v3 =	vmul.f32 v27, v3  }
0x6c8: {  	v24 =	vld [tilespmem:s4+$0x6400];
	v7 =	vmul.f32 v25, v7  }
0x6c9: {  	v26 =	vld [tilespmem:s4+$0x6430];
	[tilespmem:s21+$0x3C70] =	vst v4  }
0x6ca: {  	v29 =	vpop (erf);
	v28 =	vld [tilespmem:s4+$0x3C70];
	[tilespmem:s21+$0x3C60] =	vst v7  }
0x6cb: {  	v4 =	vmul.f32 v29, v9;
	v7 =	vld [tilespmem:s4+$0x3C60];
	[tilespmem:s21+$0x3C20] =	vst v3;
	v3 =	vpop (erf)  }
0x6cc: {  	v31 =	vadd.f32 v61, v21;
	v3 =	vmul.f32 v3, v6  }
0x6cd: {  	v30 =	vld [tilespmem:s4+$0x3C20];
	[tilespmem:s21+$0x3C30] =	vst v4;
	v32 =	vpop (erf)  }
0x6ce: {  	v33 =	vld [tilespmem:s4+$0x3C30];
	v2 =	vmul.f32 v32, v2;
	[tilespmem:s21+$0x3C10] =	vst v3;
	v3 =	vsub.f32 $0.0e+00, v31  }
0x6cf: {  	v34 =	vadd.f32 v15, v23  }
0x6d0: {  	v10 =	vadd.f32 v18, v28;
	v35 =	vld [tilespmem:s4+$0x3C10];
	[tilespmem:s21+$0x3C00] =	vst v2;
	v2 =	vmul.f32 $1.442695020e+00, v3  }
0x6d1: {  	v13 =	vsub.f32 $0.0e+00, v34;
	v7 =	vadd.f32 v16, v7  }
0x6d2: {  	v36 =	vsub.f32 $0.0e+00, v10;
	v3 =	vld [tilespmem:s4+$0x3C00];
	(erf) = vpow2.f32 v2;
	v2 =	vadd.f32 v59, v30  }
0x6d3: {  	v13 =	vmul.f32 $1.442695020e+00, v13;
	v37 =	vsub.f32 $0.0e+00, v7  }
0x6d4: {  	v9 =	vmul.f32 $1.442695020e+00, v36;
	v38 =	vsub.f32 $0.0e+00, v2  }
0x6d5: {  	v6 =	vadd.f32 v26, v33;
	v11 =	vmul.f32 $1.442695020e+00, v37;
	(erf) = vpow2.f32 v13  }
0x6d6: {  	v5 =	vadd.f32 v62, v35;
	(erf) = vpow2.f32 v9;
	v13 =	vmul.f32 $1.442695020e+00, v38  }
0x6d7: {  	v39 =	vsub.f32 $0.0e+00, v6;
	(erf) = vpow2.f32 v11;
	v3 =	vadd.f32 v24, v3  }
0x6d8: {  	v40 =	vsub.f32 $0.0e+00, v5;
	(erf) = vpow2.f32 v13  }
0x6d9: {  	v8 =	vmul.f32 $1.442695020e+00, v39;
	v41 =	vsub.f32 $0.0e+00, v3  }
0x6da: {  	v42 =	vmul.f32 $1.442695020e+00, v40  }
0x6db: {  	(erf) = vpow2.f32 v8;
	v9 =	vmul.f32 $1.442695020e+00, v41  }
0x6dc: {  	(erf) = vpow2.f32 v42  }
0x6dd: {  	v43 =	vpop (erf);
	(erf) = vpow2.f32 v9  }
0x6de: {  	v8 =	vadd.f32 $1.000000000e+00, v43;
	v44 =	vpop (erf)  }
0x6df: {  	v9 =	vadd.f32 $1.000000000e+00, v44;
	v45 =	vpop (erf)  }
0x6e0: {  	(erf) = vrcp.f32 v8;
	v46 =	vadd.f32 $1.000000000e+00, v45;
	v47 =	vpop (erf)  }
0x6e1: {  	(erf) = vrcp.f32 v9;
	v48 =	vadd.f32 $1.000000000e+00, v47;
	v49 =	vpop (erf)  }
0x6e2: {  	(erf) = vrcp.f32 v46;
	v11 =	vadd.f32 $1.000000000e+00, v49  }
0x6e3: {  	(erf) = vrcp.f32 v48  }
0x6e4: {  	v50 =	vpop (erf);
	(erf) = vrcp.f32 v11  }
0x6e5: {  	v51 =	vadd.f32 $1.000000000e+00, v50;
	v52 =	vpop (erf)  }
0x6e6: {  	v53 =	vadd.f32 $1.000000000e+00, v52;
	v54 =	vpop (erf)  }
0x6e7: {  	(erf) = vrcp.f32 v51;
	v55 =	vadd.f32 $1.000000000e+00, v54  }
0x6e8: {  	(erf) = vrcp.f32 v53  }
0x6e9: {  	v56 =	vpop (erf);
	(erf) = vrcp.f32 v55  }
0x6ea: {  	v57 =	vpop (erf)  }
0x6eb: {  	v58 =	vpop (erf)  }
0x6ec: {  	v4 =	vmul.f32 v56, v31;
	v60 =	vpop (erf)  }
0x6ed: {  	v8 =	vmul.f32 v57, v34;
	v61 =	vpop (erf)  }
0x6ee: {  	[tilespmem:s4+$0x3C50] =	vst v4;
	v59 =	vmul.f32 v58, v10;
	v2 =	vmul.f32 v61, v2  }
0x6ef: {  	[tilespmem:s4+$0x3C40] =	vst v8;
	v7 =	vmul.f32 v60, v7  }
0x6f0: {  	s14 =	sadd.s32 $0x1, s14;
	[tilespmem:s4+$0x3C70] =	vst v59;
	v62 =	vpop (erf)  }
0x6f1: {  	p3 =	sne.s32 s14, $0x3E;
	[tilespmem:s4+$0x3C60] =	vst v7;
	v4 =	vmul.f32 v62, v6;
	v63 =	vpop (erf)  }
.Ltmp20:
0x6f2: {  	v5 =	vmul.f32 v63, v5;
	[tilespmem:s4+$0x3C20] =	vst v2;
	v2 =	vpop (erf);
	(pc) =	sbr.rel @p3 .LBB2_32-.Ltmp20, $4  }
0x6f3: {  	[tilespmem:s4+$0x3C30] =	vst v4;
	v2 =	vmul.f32 v2, v3  }
0x6f4: {  	[tilespmem:s4+$0x3C10] =	vst v5  }
0x6f5: {  	[tilespmem:s4+$0x3C00] =	vst v2  }
0x6f6: {  	[spmem:s2] =	stream.indirect.scatter.add.f32 [tilespmem:s17], [sflag:$0x4], $0x80, s19, s3, $0xb8;
	[tilespmem:$0x1D800] =	vst v63  }
0x6f7: {  	_ =	swait.ge [sflag:s20], $0x1400  }
0x6f8: {  	[sflag:s20] =	ssyncset.done $0x0  }
0x6f9: {  	[sflag:s20] =	ssyncadd.s32 $0xFFFFEC00  }
0x6fa: {  	_ =	swait.ge [sflag:s20], $0x1400  }
0x6fb: {  	[sflag:s20] =	ssyncset.done $0x0  }
0x6fc: {  	s14 =	simm.s32 $0x0;
	[sflag:s20] =	ssyncadd.s32 $0xFFFFEC00  }
0x6fd: {  	v2 =	vld [tilespmem:s14+$0x5020]  }
0x6fe: {  	v3 =	vld [tilespmem:s14+$0x5040]  }
0x6ff: {  	v6 =	vld [tilespmem:s14+$0x5060]  }
0x700: {  	v7 =	vld [tilespmem:s14+$0x5070]  }
0x701: {  	v4 =	vld [tilespmem:s14+$0x5050]  }
0x702: {  	v5 =	vld [tilespmem:s14+$0x2850]  }
0x703: {  	v8 =	vld [tilespmem:s14+$0x2840]  }
0x704: {  	v9 =	vld [tilespmem:s14+$0x2870]  }
0x705: {  	v10 =	vld [tilespmem:s14+$0x2860]  }
0x706: {  	v11 =	vld [tilespmem:s14+$0x2820]  }
0x707: {  	v4 =	vadd.f32 v4, v5  }
0x708: {  	v5 =	vadd.f32 v3, v8  }
0x709: {  	v8 =	vadd.f32 v7, v9;
	v9 =	vld [tilespmem:s14+$0x5030];
	v3 =	vsub.f32 $0.0e+00, v4  }
0x70a: {  	v7 =	vadd.f32 v6, v10;
	v6 =	vld [tilespmem:s14+$0x2830];
	v14 =	vsub.f32 $0.0e+00, v5  }
0x70b: {  	v12 =	vld [tilespmem:s14+$0x5010];
	v10 =	vmul.f32 $1.442695020e+00, v3;
	v3 =	vadd.f32 v2, v11;
	v2 =	vsub.f32 $0.0e+00, v8  }
0x70c: {  	v13 =	vld [tilespmem:s14+$0x5000];
	v15 =	vsub.f32 $0.0e+00, v7;
	v14 =	vmul.f32 $1.442695020e+00, v14  }
0x70d: {  	v11 =	vld [tilespmem:s14+$0x2810];
	(erf) = vpow2.f32 v10;
	v10 =	vsub.f32 $0.0e+00, v3;
	v2 =	vmul.f32 $1.442695020e+00, v2  }
0x70e: {  	v16 =	vld [tilespmem:s14+$0x2800];
	(erf) = vpow2.f32 v14;
	v14 =	vmul.f32 $1.442695020e+00, v15  }
0x70f: {  	v9 =	vadd.f32 v9, v6;
	v10 =	vmul.f32 $1.442695020e+00, v10;
	(erf) = vpow2.f32 v2  }
0x710: {  	(erf) = vpow2.f32 v14  }
0x711: {  	(erf) = vpow2.f32 v10;
	v10 =	vsub.f32 $0.0e+00, v9  }
0x712: {  	v6 =	vadd.f32 v12, v11  }
0x713: {  	v2 =	vadd.f32 v13, v16;
	v10 =	vmul.f32 $1.442695020e+00, v10  }
0x714: {  	v11 =	vsub.f32 $0.0e+00, v6  }
0x715: {  	v12 =	vsub.f32 $0.0e+00, v2  }
0x716: {  	v11 =	vmul.f32 $1.442695020e+00, v11  }
0x717: {  	v12 =	vmul.f32 $1.442695020e+00, v12;
	(erf) = vpow2.f32 v10;
	v10 =	vpop (erf)  }
0x718: {  	(erf) = vpow2.f32 v11;
	v10 =	vadd.f32 $1.000000000e+00, v10  }
0x719: {  	(erf) = vpow2.f32 v12  }
0x71a: {  	v11 =	vpop (erf);
	(erf) = vrcp.f32 v10  }
0x71b: {  	v11 =	vadd.f32 $1.000000000e+00, v11  }
0x71c: {  	v12 =	vpop (erf)  }
0x71d: {  	(erf) = vrcp.f32 v11;
	v10 =	vpop (erf)  }
0x71e: {  	s19 =	simm.s32 $0x200;
	s4 =	simm.s32 $0x400;
	v11 =	vadd.f32 $1.000000000e+00, v12;
	v10 =	vadd.f32 $1.000000000e+00, v10;
	v12 =	vpop (erf)  }
.LBB2_38:
0x71f: {  	p3 =	sne.s32 s4, $0x4E00  }
0x720: {  	s21 =	sshra.s32 s19, $0x2;
	v12 =	vadd.f32 $1.000000000e+00, v12;
	v13 =	vpop (erf);
	(erf) = vrcp.f32 v11;
	s19 =	smov.u32 s4;
	s4 =	sadd.s32 $0x200, s4  }
0x721: {  	v11 =	vld [tilespmem:s21+$0x5020];
	v16 =	vadd.f32 $1.000000000e+00, v13;
	v14 =	vpop (erf);
	(erf) = vrcp.f32 v10  }
0x722: {  	v10 =	vld [tilespmem:s21+$0x5040];
	v14 =	vadd.f32 $1.000000000e+00, v14;
	v15 =	vpop (erf);
	(erf) = vrcp.f32 v12  }
0x723: {  	v12 =	vld [tilespmem:s21+$0x5060];
	v15 =	vadd.f32 $1.000000000e+00, v15;
	(erf) = vrcp.f32 v16;
	v13 =	vpop (erf)  }
0x724: {  	v16 =	vld [tilespmem:s21+$0x5070];
	v17 =	vmul.f32 v13, v4;
	(erf) = vrcp.f32 v14  }
0x725: {  	v13 =	vld [tilespmem:s21+$0x5050];
	(erf) = vrcp.f32 v15  }
0x726: {  	v14 =	vld [tilespmem:s21+$0x5010];
	[tilespmem:s14+$0x2850] =	vst v17;
	v4 =	vpop (erf)  }
0x727: {  	v15 =	vld [tilespmem:s21+$0x2850];
	v5 =	vmul.f32 v4, v5;
	_ =	sdelay $0x1  }
0x728: {  	[tilespmem:s14+$0x2840] =	vst v5;
	v4 =	vpop (erf)  }
0x729: {  	v5 =	vld [tilespmem:s21+$0x2840];
	v20 =	vmul.f32 v4, v8;
	v4 =	vpop (erf)  }
0x72a: {  	v17 =	vld [tilespmem:s21+$0x5000];
	v21 =	vmul.f32 v4, v7;
	v18 =	vpop (erf)  }
0x72b: {  	v19 =	vld [tilespmem:s21+$0x5030];
	v4 =	vadd.f32 v13, v15;
	v18 =	vmul.f32 v18, v3;
	[tilespmem:s14+$0x2870] =	vst v20;
	v8 =	vpop (erf)  }
0x72c: {  	v13 =	vld [tilespmem:s21+$0x2870];
	v8 =	vmul.f32 v8, v9;
	[tilespmem:s14+$0x2860] =	vst v21;
	v7 =	vpop (erf)  }
0x72d: {  	v9 =	vsub.f32 $0.0e+00, v4;
	v15 =	vld [tilespmem:s21+$0x2860];
	v6 =	vmul.f32 v7, v6;
	[tilespmem:s14+$0x2820] =	vst v18;
	v3 =	vpop (erf)  }
0x72e: {  	v18 =	vld [tilespmem:s21+$0x2820];
	v5 =	vadd.f32 v10, v5;
	v2 =	vmul.f32 v3, v2;
	[tilespmem:s14+$0x2830] =	vst v8  }
0x72f: {  	v10 =	vld [tilespmem:s21+$0x2830];
	v3 =	vmul.f32 $1.442695020e+00, v9;
	[tilespmem:s14+$0x2810] =	vst v6  }
0x730: {  	v6 =	vld [tilespmem:s21+$0x2810];
	v7 =	vsub.f32 $0.0e+00, v5;
	[tilespmem:s14+$0x2800] =	vst v2;
	s14 =	smov.u32 s21  }
0x731: {  	v2 =	vld [tilespmem:s14+$0x2800];
	v8 =	vadd.f32 v16, v13;
	(erf) = vpow2.f32 v3  }
0x732: {  	v13 =	vmul.f32 $1.442695020e+00, v7;
	v7 =	vadd.f32 v12, v15  }
0x733: {  	v3 =	vadd.f32 v11, v18;
	v11 =	vsub.f32 $0.0e+00, v8  }
0x734: {  	v9 =	vadd.f32 v19, v10;
	v10 =	vsub.f32 $0.0e+00, v7;
	(erf) = vpow2.f32 v13  }
0x735: {  	v6 =	vadd.f32 v14, v6;
	v12 =	vsub.f32 $0.0e+00, v3;
	v11 =	vmul.f32 $1.442695020e+00, v11  }
0x736: {  	v2 =	vadd.f32 v17, v2;
	v13 =	vsub.f32 $0.0e+00, v9;
	v10 =	vmul.f32 $1.442695020e+00, v10  }
0x737: {  	v14 =	vsub.f32 $0.0e+00, v6;
	v15 =	vmul.f32 $1.442695020e+00, v12;
	(erf) = vpow2.f32 v11  }
0x738: {  	v11 =	vsub.f32 $0.0e+00, v2;
	v13 =	vmul.f32 $1.442695020e+00, v13;
	(erf) = vpow2.f32 v10  }
0x739: {  	v10 =	vmul.f32 $1.442695020e+00, v14;
	(erf) = vpow2.f32 v15  }
0x73a: {  	v11 =	vmul.f32 $1.442695020e+00, v11;
	(erf) = vpow2.f32 v13;
	v12 =	vpop (erf)  }
0x73b: {  	v12 =	vadd.f32 $1.000000000e+00, v12;
	(erf) = vpow2.f32 v10  }
0x73c: {  	(erf) = vpow2.f32 v11  }
0x73d: {  	v10 =	vpop (erf);
	(erf) = vrcp.f32 v12  }
.Ltmp21:
0x73e: {  	v11 =	vadd.f32 $1.000000000e+00, v10;
	(pc) =	sbr.rel @p3 .LBB2_38-.Ltmp21, $4  }
0x73f: {  	_ = 	snop  }
0x740: {  	(erf) = vrcp.f32 v11;
	v10 =	vpop (erf)  }
0x741: {  	v11 =	vadd.f32 $1.000000000e+00, v10;
	v10 =	vpop (erf)  }
0x742: {  	v10 =	vadd.f32 $1.000000000e+00, v10;
	v12 =	vpop (erf)  }
0x743: {  	v13 =	vpop (erf);
	(erf) = vrcp.f32 v11;
	v12 =	vadd.f32 $1.000000000e+00, v12  }
0x744: {  	v14 =	vpop (erf);
	(erf) = vrcp.f32 v10  }
0x745: {  	v60 =	vpop (erf);
	(erf) = vrcp.f32 v12;
	_ =	sdelay $0x1  }
0x746: {  	s4 =	sshra.s32 s19, $0x2;
	v13 =	vadd.f32 $1.000000000e+00, v13  }
0x747: {  	v59 =	vld [tilespmem:s4+$0x5020];
	v63 =	vadd.f32 $1.000000000e+00, v14  }
0x748: {  	v15 =	vld [tilespmem:s4+$0x5040];
	(erf) = vrcp.f32 v13  }
0x749: {  	v16 =	vld [tilespmem:s4+$0x5060];
	v17 =	vpop (erf);
	v10 =	vadd.f32 $1.000000000e+00, v60;
	(erf) = vrcp.f32 v63  }
0x74a: {  	v18 =	vld [tilespmem:s4+$0x5070];
	v4 =	vmul.f32 v17, v4;
	v19 =	vpop (erf)  }
0x74b: {  	v61 =	vld [tilespmem:s4+$0x5050];
	v20 =	vmul.f32 v19, v5;
	v22 =	vpop (erf);
	(erf) = vrcp.f32 v10  }
0x74c: {  	v62 =	vld [tilespmem:s4+$0x5010];
	[tilespmem:s14+$0x2850] =	vst v4;
	v25 =	vpop (erf)  }
0x74d: {  	v21 =	vld [tilespmem:s4+$0x2850];
	[tilespmem:s14+$0x2840] =	vst v20;
	v27 =	vpop (erf)  }
0x74e: {  	v23 =	vld [tilespmem:s4+$0x2840];
	v4 =	vmul.f32 v22, v8;
	v3 =	vmul.f32 v27, v3  }
0x74f: {  	v24 =	vld [tilespmem:s4+$0x5000];
	v7 =	vmul.f32 v25, v7  }
0x750: {  	v26 =	vld [tilespmem:s4+$0x5030];
	[tilespmem:s14+$0x2870] =	vst v4  }
0x751: {  	v29 =	vpop (erf);
	v28 =	vld [tilespmem:s4+$0x2870];
	[tilespmem:s14+$0x2860] =	vst v7  }
0x752: {  	v4 =	vmul.f32 v29, v9;
	v7 =	vld [tilespmem:s4+$0x2860];
	[tilespmem:s14+$0x2820] =	vst v3;
	v3 =	vpop (erf)  }
0x753: {  	v31 =	vadd.f32 v61, v21;
	v3 =	vmul.f32 v3, v6  }
0x754: {  	v30 =	vld [tilespmem:s4+$0x2820];
	[tilespmem:s14+$0x2830] =	vst v4;
	v32 =	vpop (erf)  }
0x755: {  	v33 =	vld [tilespmem:s4+$0x2830];
	v2 =	vmul.f32 v32, v2;
	[tilespmem:s14+$0x2810] =	vst v3;
	v3 =	vsub.f32 $0.0e+00, v31  }
0x756: {  	v34 =	vadd.f32 v15, v23  }
0x757: {  	v10 =	vadd.f32 v18, v28;
	v35 =	vld [tilespmem:s4+$0x2810];
	[tilespmem:s14+$0x2800] =	vst v2;
	v2 =	vmul.f32 $1.442695020e+00, v3  }
0x758: {  	v13 =	vsub.f32 $0.0e+00, v34;
	v7 =	vadd.f32 v16, v7  }
0x759: {  	v36 =	vsub.f32 $0.0e+00, v10;
	v3 =	vld [tilespmem:s4+$0x2800];
	(erf) = vpow2.f32 v2;
	v2 =	vadd.f32 v59, v30  }
0x75a: {  	v13 =	vmul.f32 $1.442695020e+00, v13;
	v37 =	vsub.f32 $0.0e+00, v7  }
0x75b: {  	v9 =	vmul.f32 $1.442695020e+00, v36;
	v38 =	vsub.f32 $0.0e+00, v2  }
0x75c: {  	v6 =	vadd.f32 v26, v33;
	v11 =	vmul.f32 $1.442695020e+00, v37;
	(erf) = vpow2.f32 v13  }
0x75d: {  	v5 =	vadd.f32 v62, v35;
	(erf) = vpow2.f32 v9;
	v13 =	vmul.f32 $1.442695020e+00, v38  }
0x75e: {  	v39 =	vsub.f32 $0.0e+00, v6;
	(erf) = vpow2.f32 v11;
	v3 =	vadd.f32 v24, v3  }
0x75f: {  	v40 =	vsub.f32 $0.0e+00, v5;
	(erf) = vpow2.f32 v13  }
0x760: {  	v8 =	vmul.f32 $1.442695020e+00, v39;
	v41 =	vsub.f32 $0.0e+00, v3  }
0x761: {  	v42 =	vmul.f32 $1.442695020e+00, v40  }
0x762: {  	(erf) = vpow2.f32 v8;
	v9 =	vmul.f32 $1.442695020e+00, v41  }
0x763: {  	(erf) = vpow2.f32 v42  }
0x764: {  	v43 =	vpop (erf);
	(erf) = vpow2.f32 v9  }
0x765: {  	v8 =	vadd.f32 $1.000000000e+00, v43;
	v44 =	vpop (erf)  }
0x766: {  	v9 =	vadd.f32 $1.000000000e+00, v44;
	v45 =	vpop (erf)  }
0x767: {  	(erf) = vrcp.f32 v8;
	v46 =	vadd.f32 $1.000000000e+00, v45;
	v47 =	vpop (erf)  }
0x768: {  	(erf) = vrcp.f32 v9;
	v48 =	vadd.f32 $1.000000000e+00, v47;
	v49 =	vpop (erf)  }
0x769: {  	(erf) = vrcp.f32 v46;
	v11 =	vadd.f32 $1.000000000e+00, v49  }
0x76a: {  	(erf) = vrcp.f32 v48  }
0x76b: {  	v50 =	vpop (erf);
	(erf) = vrcp.f32 v11  }
0x76c: {  	v51 =	vadd.f32 $1.000000000e+00, v50;
	v52 =	vpop (erf)  }
0x76d: {  	v53 =	vadd.f32 $1.000000000e+00, v52;
	v54 =	vpop (erf)  }
0x76e: {  	(erf) = vrcp.f32 v51;
	v55 =	vadd.f32 $1.000000000e+00, v54  }
0x76f: {  	(erf) = vrcp.f32 v53  }
0x770: {  	v56 =	vpop (erf);
	(erf) = vrcp.f32 v55  }
0x771: {  	v57 =	vpop (erf)  }
0x772: {  	v58 =	vpop (erf)  }
0x773: {  	v4 =	vmul.f32 v56, v31;
	v60 =	vpop (erf)  }
0x774: {  	v8 =	vmul.f32 v57, v34;
	v61 =	vpop (erf)  }
0x775: {  	[tilespmem:s4+$0x2850] =	vst v4;
	v59 =	vmul.f32 v58, v10;
	v2 =	vmul.f32 v61, v2  }
0x776: {  	[tilespmem:s4+$0x2840] =	vst v8;
	v7 =	vmul.f32 v60, v7  }
0x777: {  	[tilespmem:s4+$0x2870] =	vst v59;
	v62 =	vpop (erf)  }
0x778: {  	[tilespmem:s4+$0x2860] =	vst v7;
	v4 =	vmul.f32 v62, v6;
	v63 =	vpop (erf)  }
0x779: {  	v5 =	vmul.f32 v63, v5;
	[tilespmem:s4+$0x2820] =	vst v2;
	v2 =	vpop (erf)  }
0x77a: {  	[tilespmem:s4+$0x2830] =	vst v4;
	v2 =	vmul.f32 v2, v3  }
0x77b: {  	[tilespmem:s4+$0x2810] =	vst v5  }
0x77c: {  	s28 =	simm.s32 $0x2760;
	[tilespmem:s4+$0x2800] =	vst v2  }
0x77d: {  	[spmem:s2] =	stream.indirect.scatter.add.f32 [tilespmem:s15], [sflag:$0x3], $0x80, s28, s3, $0xb8;
	[tilespmem:$0x1D800] =	vst v63  }
0x77e: {  	_ =	swait.ge [sflag:s23], $0x1400  }
0x77f: {  	[sflag:s23] =	ssyncset.done $0x0  }
0x780: {  	s29 =	simm.s32 $0x4;
	[sflag:s23] =	ssyncadd.s32 $0xFFFFEC00  }
0x781: {  	_ =	swait.ge [sflag:s29], $0x1400  }
0x782: {  	[sflag:s29] =	ssyncset.done $0x0  }
0x783: {  	[sflag:s29] =	ssyncadd.s32 $0xFFFFEC00  }
0x784: {  	[bflag:$0x0] =	sbarrier.arrive $0xFFFF  }
0x785: {  	s31 =	rddreg [dreg:$0x10]  }
0x786: {  	[hbm:s31], [sflag:s30] =	dma.local [spmem:s13], $0x2700  }
0x787: {  	_ =	swait.ge [sflag:s0], $0x2700  }
0x788: {  	[sflag:s0] =	ssyncset.done $0x0  }
0x789: {  	s4 =	rddreg [dreg:$0x13];
	[sflag:s0] =	ssyncadd.s32 $0xFFFFD900  }
0x78a: {  	[hbm:s4], [sflag:s30] =	dma.local @!p1 [spmem:s12], $0x100  }
.Ltmp22:
0x78b: {  	_ = 	snop;
	(pc) =	sbr.rel .LBB2_40-.Ltmp22, $4  }
0x78c: {  	s4 =	simm.s32 @!p1 $0x5  }
0x78d: {  	_ =	swait.ge @!p1 [sflag:s4], $0x100  }
0x78e: {  	[sflag:s4] =	ssyncset.done @!p1 $0x0  }
0x78f: {  	[sflag:s4] =	ssyncadd.s32 @!p1 $0xFFFFFF00  }
.LBB2_41:
0x790: {  	_ =	sfence.sel $0x180000  }
0x791: {  	[bflag:$0x0] =	sbarrier.arrive $0xFFFF  }
0x792: {  	_ =	strace $0x90000047  }
0x793: {  	s0 =	stileid.u32;
	[bflag:$0x2] =	sbarrier.arrive $0xFFFF  }
0x794: {  	p0 =	sne.s32 s0, $0x0;
	s0 =	rddreg [dreg:$0x3]  }
0x795: {  	s0 =	sadd.s32 @!p0 $0x100000, s0  }
0x796: {  	[sflag:s0] =	ssyncadd.tile.s32 @!p0 $0x1;
	_ =	shalt  }
.Lfunc_end2:
_tile_overlayer_lowered:
.L_overlay_start_2:
0x797: {  	(tag) =	ssettag $0x2  }
0x798: {  	s0 =	rddreg [dreg:$0x0];
	s2 =	stileid.u32  }
0x799: {  	s1 =	rddreg [dreg:$0x1];
	p0 =	sne.s32 s2, $0x0  }
0x79a: {  	s3 =	rddreg [dreg:$0x2];
	[bflag:$0x3] =	sbarrier.arrive $0xFFFF;
	s2 =	simm.s32 @!p0 $0x1C05  }
0x79b: {  	[timem:s3], [sflag:s2] =	dma.local @!p0 [hbm:s0], s1  }
0x79c: {  	s0 =	simm.s32 @!p0 $0x5  }
0x79d: {  	_ =	swait.ge @!p0 [sflag:s0], s1  }
0x79e: {  	s1 =	ssub.s32 @!p0 $0x0, s1;
	[sflag:s0] =	ssyncset.done @!p0 $0x0  }
0x79f: {  	[sflag:s0] =	ssyncadd.s32 @!p0 s1  }
0x7a0: {  	[bflag:$0x3] =	sbarrier.arrive $0xFFFF  }
0x7a1: {  	_ =	shalt  }

</sc_bundles>
